<compile_context>
chip_gen: v7x
topology: tpu7x:2x2x1
jax: 0.10.2.dev20260603
libtpu: 0.0.44.dev20260713+nightly
codegen_flags: <defaults>
</compile_context>

<pallas_src>
import functools
import numpy as np
import jax
import jax.numpy as jnp
from jax import lax
from jax.experimental import pallas as pl
from jax.experimental.pallas import tpu as pltpu
from jax.experimental.pallas import tpu_sc as plsc

_B = 4096
_D = 32
_NC = 2
_NS = 16
_NW = _NC * _NS
_ROWS = _B // _NW
_CHP = 128
_CHN = 32
_TP = 1024
_TN = 64
_BIG = 2 ** 30
_MARGIN = 1.0


def _threefry_bits(seed: int, size: int) -> np.ndarray:
    k0 = np.uint32((seed >> 32) & 0xFFFFFFFF)
    k1 = np.uint32(seed & 0xFFFFFFFF)
    ks2 = np.uint32(k0 ^ k1 ^ np.uint32(0x1BD11BDA))
    counts = np.arange(size, dtype=np.uint64)
    x0 = (counts >> np.uint64(32)).astype(np.uint32)
    x1 = counts.astype(np.uint32)

    def rotl(v, d):
        return (v << np.uint32(d)) | (v >> np.uint32(32 - d))

    rots = ((13, 15, 26, 6), (17, 29, 16, 24))
    x0 += k0
    x1 += k1
    inject = ((k1, np.uint32(ks2 + np.uint32(1))),
              (ks2, np.uint32(k0 + np.uint32(2))),
              (k0, np.uint32(k1 + np.uint32(3))),
              (k1, np.uint32(ks2 + np.uint32(4))),
              (ks2, np.uint32(k0 + np.uint32(5))))
    for g in range(5):
        for d in rots[g % 2]:
            x0 = x0 + x1
            x1 = rotl(x1, d)
            x1 = x1 ^ x0
        a, b = inject[g]
        x0 = x0 + a
        x1 = x1 + b
    return x0 ^ x1


def _perm_chunks(seed: int, ch: int, depth: int) -> np.ndarray:
    bits = _threefry_bits(seed, _B * _B)
    m = (bits >> np.uint32(9)).astype(np.int32).reshape(_B, _B)
    order = np.argsort(-m, axis=1, kind="stable").astype(np.int32)[:, :depth]
    packed = order[:, 0::2] | (order[:, 1::2] << 16)
    return np.ascontiguousarray(
        packed.reshape(_B, depth // ch, ch // 2)
        .transpose(1, 0, 2)).reshape(-1)


_PERMP = _perm_chunks(42, _CHP, _TP)
_PERMN = _perm_chunks(43, _CHN, _TN)

_ROTS = ((13, 15, 26, 6), (17, 29, 16, 24))

_mesh = plsc.VectorSubcoreMesh(core_axis_name="c", subcore_axis_name="s")


@functools.partial(
    pl.kernel,
    out_type=jax.ShapeDtypeStruct((_NW * 16,), jnp.float32),
    mesh=_mesh,
    compiler_params=pltpu.CompilerParams(needs_layout_passes=False),
    scratch_types=[
        pltpu.VMEM((_B,), jnp.int32),
        pltpu.VMEM((_ROWS * _CHP // 2,), jnp.int32),
        pltpu.VMEM((_ROWS * _CHN // 2,), jnp.int32),
        pltpu.VMEM((_ROWS,), jnp.int32),
        pltpu.VMEM((_ROWS,), jnp.int32),
        pltpu.VMEM((_ROWS // 4, 128), jnp.float32),
        pltpu.VMEM((_ROWS, 128), jnp.float32),
        pltpu.VMEM((_ROWS, 128), jnp.float32),
        pltpu.VMEM((_ROWS,), jnp.int32),
        pltpu.VMEM((_ROWS,), jnp.int32),
        pltpu.VMEM((16,), jnp.float32),
        pltpu.SemaphoreType.DMA,
    ],
)
def _sc_triplet(permp, permn, embq, lab, out, labs, pch, nchk, posb,
                negb, eown, epos, eneg, gidx, ulist, outst, sem):
    wid = lax.axis_index("s") * _NC + lax.axis_index("c")
    r0 = wid * _ROWS

    pltpu.sync_copy(lab, labs)
    pltpu.sync_copy(embq.at[pl.ds(wid * (_ROWS // 4), _ROWS // 4)], eown)

    big16 = jnp.full((16,), _BIG, jnp.int32)
    for c in range(_ROWS // 16):
        posb[pl.ds(c * 16, 16)] = big16
        negb[pl.ds(c * 16, 16)] = big16

    iota16 = lax.iota(jnp.int32, 16)
    lane0 = iota16 == 0

    def scan(perm_hbm, chunk_ref, ch, depth, pick_ref, want_same, k1val,
             fast0=False):
        hw = ch // 2

        if fast0:
            pltpu.sync_copy(
                perm_hbm.at[pl.ds(r0 * hw, _ROWS * hw)], chunk_ref)
            off0 = jnp.int32(0)
            for c in range(_ROWS // 16):
                rows_v = iota16 + c * 16
                myl = labs[pl.ds(r0 + c * 16, 16)]
                w = plsc.load_gather(chunk_ref, [rows_v * hw])
                col0 = w & 0xFFFF
                l0 = plsc.load_gather(labs, [col0])
                if want_same:
                    miss = (l0 != myl) | (col0 == rows_v + r0)
                else:
                    miss = l0 == myl
                pick_ref[pl.ds(c * 16, 16)] = jnp.where(miss, _BIG, col0)
                plsc.store_compressed(
                    ulist.at[pl.ds(off0, 16)], rows_v, mask=miss)
                off0 = off0 + jnp.sum(miss.astype(jnp.int32))
            nu0 = off0
        else:
            for c in range(_ROWS // 16):
                ulist[pl.ds(c * 16, 16)] = iota16 + c * 16
            nu0 = jnp.int32(_ROWS)

        def chunk_body(d, nu):
            def do(nu_in):
                pltpu.sync_copy(
                    perm_hbm.at[pl.ds((d * _B + r0) * hw, _ROWS * hw)],
                    chunk_ref)

                def row_body(j, carry):
                    r = plsc.load_gather(
                        ulist, [jnp.full((16,), j, jnp.int32)])[0]
                    rg = r0 + r
                    myl = plsc.load_gather(
                        labs, [jnp.full((16,), rg, jnp.int32)])
                    acc = jnp.full((16,), _BIG, jnp.int32)
                    for k in range(ch // 32):
                        w = chunk_ref[pl.ds(r * hw + k * 16, 16)]
                        clo = w & 0xFFFF
                        chi = lax.shift_right_logical(w, 16)
                        llo = plsc.load_gather(labs, [clo])
                        lhi = plsc.load_gather(labs, [chi])
                        if want_same:
                            hlo = (llo == myl) & (clo != rg)
                            hhi = (lhi == myl) & (chi != rg)
                        else:
                            hlo = llo != myl
                            hhi = lhi != myl
                        plo = iota16 * 2 + k * 32
                        acc = jnp.minimum(
                            acc, jnp.where(hlo, plo, _BIG))
                        acc = jnp.minimum(
                            acc, jnp.where(hhi, plo + 1, _BIG))
                    mpos = jnp.min(acc)
                    safe = jnp.minimum(mpos, ch - 1)
                    wsel = plsc.load_gather(
                        chunk_ref,
                        [jnp.full((16,), r * hw + (safe >> 1),
                                  jnp.int32)])[0]
                    col = jnp.where(
                        (safe & 1) == 1,
                        lax.shift_right_logical(wsel, 16), wsel & 0xFFFF)
                    packed = jnp.where(
                        mpos < _BIG, ((d * ch + mpos) << 12) | col, _BIG)
                    plsc.store_scatter(
                        pick_ref, [jnp.full((16,), r, jnp.int32)],
                        jnp.full((16,), packed, jnp.int32), mask=lane0)
                    return carry

                lax.fori_loop(0, nu_in, row_body, jnp.int32(0))

                off = jnp.int32(0)
                for c in range(_ROWS // 16):
                    pk = pick_ref[pl.ds(c * 16, 16)]
                    un = pk >= _BIG
                    plsc.store_compressed(
                        ulist.at[pl.ds(off, 16)], iota16 + c * 16, mask=un)
                    off = off + jnp.sum(un.astype(jnp.int32))
                return off

            return lax.cond(nu > 0, do, lambda u: u, nu)

        nu_fb = lax.fori_loop(0, depth // ch, chunk_body, nu0)

        k0c = jnp.int32(0)
        k1c = jnp.int32(k1val)
        ks2c = jnp.int32(k1val ^ 0x1BD11BDA)
        inj = ((k1c, ks2c + 1), (ks2c, k0c + 2), (k0c, k1c + 3),
               (k1c, ks2c + 4), (ks2c, k0c + 5))

        def fb_row(j, carry):
            r = plsc.load_gather(
                ulist, [jnp.full((16,), j, jnp.int32)])[0]
            rg = r0 + r
            myl = plsc.load_gather(labs, [jnp.full((16,), rg, jnp.int32)])
            base = rg * _B

            def col_body(k, st):
                bv, bc = st
                cols = iota16 + k * 16
                cl = plsc.load_gather(labs, [cols])
                if want_same:
                    ok = (cl == myl) & (cols != rg)
                else:
                    ok = cl != myl
                x0 = k0c + jnp.zeros((16,), jnp.int32)
                x1 = k1c + base + cols
                for g in range(5):
                    for dd in _ROTS[g % 2]:
                        x0 = x0 + x1
                        x1 = (x1 << dd) | lax.shift_right_logical(
                            x1, 32 - dd)
                        x1 = x1 ^ x0
                    a, b = inj[g]
                    x0 = x0 + a
                    x1 = x1 + b
                m = lax.shift_right_logical(x0 ^ x1, 9)
                v = jnp.where(ok, m, -1)
                better = (v > bv) | ((v == bv) & (cols < bc))
                return (jnp.where(better, v, bv),
                        jnp.where(better, cols, bc))

            bv, bc = lax.fori_loop(
                0, _B // 16, col_body,
                (jnp.full((16,), -1, jnp.int32),
                 jnp.full((16,), _B, jnp.int32)))
            mv = jnp.max(bv)
            mc = jnp.min(jnp.where(bv == mv, bc, _B))
            pick = jnp.where(mv >= 0, mc, _BIG)
            plsc.store_scatter(
                pick_ref, [jnp.full((16,), r, jnp.int32)],
                jnp.full((16,), pick, jnp.int32), mask=lane0)
            return carry

        lax.fori_loop(0, nu_fb, fb_row, jnp.int32(0))

    scan(permp, pch, _CHP, _TP, posb, True, 42)
    scan(permn, nchk, _CHN, _TN, negb, False, 43, fast0=True)

    for c in range(_ROWS // 16):
        sl = pl.ds(c * 16, 16)
        gidx[sl] = (posb[sl] & 0xFFF) >> 2
    pltpu.async_copy(embq.at[gidx], epos, sem).wait()
    for c in range(_ROWS // 16):
        sl = pl.ds(c * 16, 16)
        gidx[sl] = (negb[sl] & 0xFFF) >> 2
    pltpu.async_copy(embq.at[gidx], eneg, sem).wait()

    def dist_body(r, st):
        s0, c0 = st
        a0 = eown[r >> 2, pl.ds((r & 3) * 32, 16)]
        a1 = eown[r >> 2, pl.ds((r & 3) * 32 + 16, 16)]
        pk = plsc.load_gather(
            posb, [jnp.full((16,), r, jnp.int32)])[0]
        nk = plsc.load_gather(
            negb, [jnp.full((16,), r, jnp.int32)])[0]
        po = (pk & 3) * 32
        no = (nk & 3) * 32
        p0 = epos[r, pl.ds(po, 16)]
        p1 = epos[r, pl.ds(po + 16, 16)]
        n0 = eneg[r, pl.ds(no, 16)]
        n1 = eneg[r, pl.ds(no + 16, 16)]
        dp = (a0 - p0) * (a0 - p0) + (a1 - p1) * (a1 - p1)
        dn = (a0 - n0) * (a0 - n0) + (a1 - n1) * (a1 - n1)
        dpv = jnp.where(pk < _BIG, jnp.sum(dp), 0.0)
        dnv = jnp.where(nk < _BIG, jnp.sum(dn), 0.0)
        l = jnp.maximum(dpv - dnv + _MARGIN, 0.0)
        return (s0 + l, c0 + jnp.where(l > 1e-16, 1.0, 0.0))

    s, cnt = lax.fori_loop(
        0, _ROWS, dist_body, (jnp.float32(0.0), jnp.float32(0.0)))
    outv = jnp.where(iota16 == 0, s, jnp.where(iota16 == 1, cnt, 0.0))
    outst[...] = outv
    pltpu.sync_copy(outst, out.at[pl.ds(wid * 16, 16)])


def kernel(embeddings, labels):
    parts = _sc_triplet(_PERMP, _PERMN, embeddings.reshape(_B // 4, 128),
                        labels)
    parts = parts.reshape(_NW, 16)
    s = jnp.sum(parts[:, 0])
    c = jnp.sum(parts[:, 1])
    return jnp.where(c == 0.0, jnp.float32(0.0), s * jnp.float32(1.0 / _B))

# --- scband reference (transcript-rebuilt; emitter-appended) ---
"""Pipeline reference for scband-triplet-loss-88570815578691 (READ-ONLY COPY).

The authoritative reference and input builder live on the scoring server;
editing this copy changes nothing except your own understanding.
"""

import jax, jax.numpy as jnp
import numpy as np

MARGIN = 1.0


def setup_inputs(seed: int = 0) -> dict:
    key = jax.random.key(seed)
    k1, k2 = jax.random.split(key)
    embeddings = jax.random.normal(k1, (4096, 32), dtype=jnp.float32)
    labels = jax.random.randint(k2, (4096,), 0, 100, dtype=jnp.int32)
    return {"embeddings": embeddings, "labels": labels}


def _pairwise_distances(embeddings):
    dot_product = jnp.matmul(embeddings, embeddings.T)
    square_norm = jnp.diag(dot_product)
    distances = square_norm[None, :] + square_norm[:, None] - 2.0 * dot_product
    return jax.nn.relu(distances)


def reference(embeddings, labels):
    B = embeddings.shape[0]
    dist_matrix = _pairwise_distances(embeddings)

    same = labels[:, None] == labels[None, :]
    eye = jnp.eye(B, dtype=bool)
    mask_pos = same & (~eye)
    mask_neg = ~same

    # Random triplet selection: emulate torch.randint choice by masked random argmax
    kp = jax.random.key(42)
    kn = jax.random.key(43)
    rp = jax.random.uniform(kp, (B, B))
    rn = jax.random.uniform(kn, (B, B))
    pos_idx = jnp.argmax(jnp.where(mask_pos, rp, -1.0), axis=1)
    neg_idx = jnp.argmax(jnp.where(mask_neg, rn, -1.0), axis=1)

    ar = jnp.arange(B)
    has_pos = mask_pos.any(axis=1)
    has_neg = mask_neg.any(axis=1)
    positive_dist = jnp.where(has_pos, dist_matrix[ar, pos_idx], 0.0)
    negative_dist = jnp.where(has_neg, dist_matrix[ar, neg_idx], 0.0)

    triplet_loss = jax.nn.relu(positive_dist - negative_dist + MARGIN)
    valid_triplets = jnp.sum(triplet_loss > 1e-16)
    return jnp.where(valid_triplets == 0, jnp.array(0.0, dtype=embeddings.dtype), jnp.mean(triplet_loss))

if __name__ == "__main__":
    import jax
    _d = setup_inputs()
    print(jax.jit(kernel)(*tuple(_d.values())))

</pallas_src>

<mosaic_0001>
#map = affine_map<(d0, d1) -> (0)>
#map1 = affine_map<(d0, d1) -> (0, 0)>
module attributes {stable_mosaic.version = 14 : i64} {
  func.func @_sc_triplet(%arg0: i32, %arg1: i32, %arg2: memref<2097152xi32, #tpu.memory_space<hbm>>, %arg3: memref<131072xi32, #tpu.memory_space<hbm>>, %arg4: memref<1024x128xf32, #tpu.memory_space<hbm>>, %arg5: memref<4096xi32, #tpu.memory_space<hbm>>, %arg6: memref<512xf32, #tpu.memory_space<hbm>>, %arg7: memref<4096xi32, #tpu.memory_space<vmem>>, %arg8: memref<8192xi32, #tpu.memory_space<vmem>>, %arg9: memref<2048xi32, #tpu.memory_space<vmem>>, %arg10: memref<128xi32, #tpu.memory_space<vmem>>, %arg11: memref<128xi32, #tpu.memory_space<vmem>>, %arg12: memref<32x128xf32, #tpu.memory_space<vmem>>, %arg13: memref<128x128xf32, #tpu.memory_space<vmem>>, %arg14: memref<128x128xf32, #tpu.memory_space<vmem>>, %arg15: memref<128xi32, #tpu.memory_space<vmem>>, %arg16: memref<128xi32, #tpu.memory_space<vmem>>, %arg17: memref<16xf32, #tpu.memory_space<vmem>>, %arg18: memref<!tpu.dma_semaphore, #tpu.memory_space<semaphore_mem>>) attributes {dimension_semantics = [#tpu.dimension_semantics<core_parallel>, #tpu.dimension_semantics<subcore_parallel>], iteration_bounds = array<i64: 2, 16>, scalar_prefetch = 0 : i64, scratch_operands = 12 : i64, tpu.core_type = #tpu.core_type<sc_vector_subcore>, window_params = [{transform_indices = #map}, {transform_indices = #map}, {transform_indices = #map1}, {transform_indices = #map}, {transform_indices = #map}]} {
    %mul3A = arith.constant 2 : i32
    %mul3A_0 = arith.muli %arg1, %mul3A : i32
    %add3A = arith.addi %mul3A_0, %arg0 : i32
    %mul3A_1 = arith.constant 128 : i32
    %mul3A_2 = arith.muli %add3A, %mul3A_1 : i32
    "tpu.region"() ({
      %run_scoped3A = tpu.sem_alloc : memref<!tpu.dma_semaphore, #tpu.memory_space<semaphore_mem>>
      tpu.enqueue_dma source(%arg5 : memref<4096xi32, #tpu.memory_space<hbm>>) target(%arg7 : memref<4096xi32, #tpu.memory_space<vmem>>) target_semaphore(%run_scoped3A : memref<!tpu.dma_semaphore, #tpu.memory_space<semaphore_mem>>)
      tpu.wait_dma2 semaphore(%run_scoped3A : memref<!tpu.dma_semaphore, #tpu.memory_space<semaphore_mem>>) src(%arg5 : memref<4096xi32, #tpu.memory_space<hbm>>) dst(%arg7 : memref<4096xi32, #tpu.memory_space<vmem>>)
      tpu.yield
    }) : () -> ()
    %mul3A_3 = arith.constant 32 : i32
    %mul3A_4 = arith.muli %add3A, %mul3A_3 : i32
    "tpu.region"() ({
      %run_scoped3A = tpu.sem_alloc : memref<!tpu.dma_semaphore, #tpu.memory_space<semaphore_mem>>
      %dma_start3A_568 = arith.constant 0 : i32
      %dma_start3A_569 = tpu.memref_slice %arg4[%mul3A_4, %dma_start3A_568] : memref<1024x128xf32, #tpu.memory_space<hbm>> -> memref<32x128xf32, #tpu.memory_space<hbm>>
      %dma_start3A_570 = arith.constant 0 : i32
      %dma_start3A_571 = tpu.memref_slice %arg4[%mul3A_4, %dma_start3A_570] : memref<1024x128xf32, #tpu.memory_space<hbm>> -> memref<32x128xf32, #tpu.memory_space<hbm>>
      tpu.enqueue_dma source(%dma_start3A_571 : memref<32x128xf32, #tpu.memory_space<hbm>>) target(%arg12 : memref<32x128xf32, #tpu.memory_space<vmem>>) target_semaphore(%run_scoped3A : memref<!tpu.dma_semaphore, #tpu.memory_space<semaphore_mem>>)
      %dma_wait3A_572 = arith.constant 0 : i32
      %dma_wait3A_573 = tpu.memref_slice %arg4[%mul3A_4, %dma_wait3A_572] : memref<1024x128xf32, #tpu.memory_space<hbm>> -> memref<32x128xf32, #tpu.memory_space<hbm>>
      %dma_wait3A_574 = arith.constant 0 : i32
      %dma_wait3A_575 = tpu.memref_slice %arg4[%mul3A_4, %dma_wait3A_574] : memref<1024x128xf32, #tpu.memory_space<hbm>> -> memref<32x128xf32, #tpu.memory_space<hbm>>
      tpu.wait_dma2 semaphore(%run_scoped3A : memref<!tpu.dma_semaphore, #tpu.memory_space<semaphore_mem>>) src(%dma_wait3A_575 : memref<32x128xf32, #tpu.memory_space<hbm>>) dst(%arg12 : memref<32x128xf32, #tpu.memory_space<vmem>>)
      tpu.yield
    }) : () -> ()
    %broadcast_in_dim3A = arith.constant 1073741824 : i32
    %broadcast_in_dim3A_5 = vector.broadcast %broadcast_in_dim3A : i32 to vector<16xi32>
    %swap3A = arith.constant 0 : index
    %swap3A_6 = tpu.vector_load %arg10[%swap3A] {strides = array<i32>} : memref<128xi32, #tpu.memory_space<vmem>>, vector<16xi32>,
    tpu.vector_store %arg10[%swap3A], %broadcast_in_dim3A_5 {strides = array<i32>} : memref<128xi32, #tpu.memory_space<vmem>>, vector<16xi32>,
    %swap3A_7 = arith.constant 0 : index
    %swap3A_8 = tpu.vector_load %arg11[%swap3A_7] {strides = array<i32>} : memref<128xi32, #tpu.memory_space<vmem>>, vector<16xi32>,
    tpu.vector_store %arg11[%swap3A_7], %broadcast_in_dim3A_5 {strides = array<i32>} : memref<128xi32, #tpu.memory_space<vmem>>, vector<16xi32>,
    %swap3A_9 = arith.constant 16 : index
    %swap3A_10 = tpu.vector_load %arg10[%swap3A_9] {strides = array<i32>} : memref<128xi32, #tpu.memory_space<vmem>>, vector<16xi32>,
    tpu.vector_store %arg10[%swap3A_9], %broadcast_in_dim3A_5 {strides = array<i32>} : memref<128xi32, #tpu.memory_space<vmem>>, vector<16xi32>,
    %swap3A_11 = arith.constant 16 : index
    %swap3A_12 = tpu.vector_load %arg11[%swap3A_11] {strides = array<i32>} : memref<128xi32, #tpu.memory_space<vmem>>, vector<16xi32>,
    tpu.vector_store %arg11[%swap3A_11], %broadcast_in_dim3A_5 {strides = array<i32>} : memref<128xi32, #tpu.memory_space<vmem>>, vector<16xi32>,
    %swap3A_13 = arith.constant 32 : index
    %swap3A_14 = tpu.vector_load %arg10[%swap3A_13] {strides = array<i32>} : memref<128xi32, #tpu.memory_space<vmem>>, vector<16xi32>,
    tpu.vector_store %arg10[%swap3A_13], %broadcast_in_dim3A_5 {strides = array<i32>} : memref<128xi32, #tpu.memory_space<vmem>>, vector<16xi32>,
    %swap3A_15 = arith.constant 32 : index
    %swap3A_16 = tpu.vector_load %arg11[%swap3A_15] {strides = array<i32>} : memref<128xi32, #tpu.memory_space<vmem>>, vector<16xi32>,
    tpu.vector_store %arg11[%swap3A_15], %broadcast_in_dim3A_5 {strides = array<i32>} : memref<128xi32, #tpu.memory_space<vmem>>, vector<16xi32>,
    %swap3A_17 = arith.constant 48 : index
    %swap3A_18 = tpu.vector_load %arg10[%swap3A_17] {strides = array<i32>} : memref<128xi32, #tpu.memory_space<vmem>>, vector<16xi32>,
    tpu.vector_store %arg10[%swap3A_17], %broadcast_in_dim3A_5 {strides = array<i32>} : memref<128xi32, #tpu.memory_space<vmem>>, vector<16xi32>,
    %swap3A_19 = arith.constant 48 : index
    %swap3A_20 = tpu.vector_load %arg11[%swap3A_19] {strides = array<i32>} : memref<128xi32, #tpu.memory_space<vmem>>, vector<16xi32>,
    tpu.vector_store %arg11[%swap3A_19], %broadcast_in_dim3A_5 {strides = array<i32>} : memref<128xi32, #tpu.memory_space<vmem>>, vector<16xi32>,
    %swap3A_21 = arith.constant 64 : index
    %swap3A_22 = tpu.vector_load %arg10[%swap3A_21] {strides = array<i32>} : memref<128xi32, #tpu.memory_space<vmem>>, vector<16xi32>,
    tpu.vector_store %arg10[%swap3A_21], %broadcast_in_dim3A_5 {strides = array<i32>} : memref<128xi32, #tpu.memory_space<vmem>>, vector<16xi32>,
    %swap3A_23 = arith.constant 64 : index
    %swap3A_24 = tpu.vector_load %arg11[%swap3A_23] {strides = array<i32>} : memref<128xi32, #tpu.memory_space<vmem>>, vector<16xi32>,
    tpu.vector_store %arg11[%swap3A_23], %broadcast_in_dim3A_5 {strides = array<i32>} : memref<128xi32, #tpu.memory_space<vmem>>, vector<16xi32>,
    %swap3A_25 = arith.constant 80 : index
    %swap3A_26 = tpu.vector_load %arg10[%swap3A_25] {strides = array<i32>} : memref<128xi32, #tpu.memory_space<vmem>>, vector<16xi32>,
    tpu.vector_store %arg10[%swap3A_25], %broadcast_in_dim3A_5 {strides = array<i32>} : memref<128xi32, #tpu.memory_space<vmem>>, vector<16xi32>,
    %swap3A_27 = arith.constant 80 : index
    %swap3A_28 = tpu.vector_load %arg11[%swap3A_27] {strides = array<i32>} : memref<128xi32, #tpu.memory_space<vmem>>, vector<16xi32>,
    tpu.vector_store %arg11[%swap3A_27], %broadcast_in_dim3A_5 {strides = array<i32>} : memref<128xi32, #tpu.memory_space<vmem>>, vector<16xi32>,
    %swap3A_29 = arith.constant 96 : index
    %swap3A_30 = tpu.vector_load %arg10[%swap3A_29] {strides = array<i32>} : memref<128xi32, #tpu.memory_space<vmem>>, vector<16xi32>,
    tpu.vector_store %arg10[%swap3A_29], %broadcast_in_dim3A_5 {strides = array<i32>} : memref<128xi32, #tpu.memory_space<vmem>>, vector<16xi32>,
    %swap3A_31 = arith.constant 96 : index
    %swap3A_32 = tpu.vector_load %arg11[%swap3A_31] {strides = array<i32>} : memref<128xi32, #tpu.memory_space<vmem>>, vector<16xi32>,
    tpu.vector_store %arg11[%swap3A_31], %broadcast_in_dim3A_5 {strides = array<i32>} : memref<128xi32, #tpu.memory_space<vmem>>, vector<16xi32>,
    %swap3A_33 = arith.constant 112 : index
    %swap3A_34 = tpu.vector_load %arg10[%swap3A_33] {strides = array<i32>} : memref<128xi32, #tpu.memory_space<vmem>>, vector<16xi32>,
    tpu.vector_store %arg10[%swap3A_33], %broadcast_in_dim3A_5 {strides = array<i32>} : memref<128xi32, #tpu.memory_space<vmem>>, vector<16xi32>,
    %swap3A_35 = arith.constant 112 : index
    %swap3A_36 = tpu.vector_load %arg11[%swap3A_35] {strides = array<i32>} : memref<128xi32, #tpu.memory_space<vmem>>, vector<16xi32>,
    tpu.vector_store %arg11[%swap3A_35], %broadcast_in_dim3A_5 {strides = array<i32>} : memref<128xi32, #tpu.memory_space<vmem>>, vector<16xi32>,
    %iota3A = tpu.iota {dimensions = array<i32: 0>} : vector<16xi32>
    %eq3A = arith.constant 0 : i32
    %eq3A_37 = vector.broadcast %eq3A : i32 to vector<16xi32>
    %eq3A_38 = arith.cmpi eq, %iota3A, %eq3A_37 : vector<16xi32>
    %add3A_39 = arith.constant 0 : i32
    %add3A_40 = vector.broadcast %add3A_39 : i32 to vector<16xi32>
    %add3A_41 = arith.addi %iota3A, %add3A_40 : vector<16xi32>
    %swap3A_42 = arith.constant 0 : index
    %swap3A_43 = tpu.vector_load %arg16[%swap3A_42] {strides = array<i32>} : memref<128xi32, #tpu.memory_space<vmem>>, vector<16xi32>,
    tpu.vector_store %arg16[%swap3A_42], %add3A_41 {strides = array<i32>} : memref<128xi32, #tpu.memory_space<vmem>>, vector<16xi32>,
    %add3A_44 = arith.constant 16 : i32
    %add3A_45 = vector.broadcast %add3A_44 : i32 to vector<16xi32>
    %add3A_46 = arith.addi %iota3A, %add3A_45 : vector<16xi32>
    %swap3A_47 = arith.constant 16 : index
    %swap3A_48 = tpu.vector_load %arg16[%swap3A_47] {strides = array<i32>} : memref<128xi32, #tpu.memory_space<vmem>>, vector<16xi32>,
    tpu.vector_store %arg16[%swap3A_47], %add3A_46 {strides = array<i32>} : memref<128xi32, #tpu.memory_space<vmem>>, vector<16xi32>,
    %add3A_49 = arith.constant 32 : i32
    %add3A_50 = vector.broadcast %add3A_49 : i32 to vector<16xi32>
    %add3A_51 = arith.addi %iota3A, %add3A_50 : vector<16xi32>
    %swap3A_52 = arith.constant 32 : index
    %swap3A_53 = tpu.vector_load %arg16[%swap3A_52] {strides = array<i32>} : memref<128xi32, #tpu.memory_space<vmem>>, vector<16xi32>,
    tpu.vector_store %arg16[%swap3A_52], %add3A_51 {strides = array<i32>} : memref<128xi32, #tpu.memory_space<vmem>>, vector<16xi32>,
    %add3A_54 = arith.constant 48 : i32
    %add3A_55 = vector.broadcast %add3A_54 : i32 to vector<16xi32>
    %add3A_56 = arith.addi %iota3A, %add3A_55 : vector<16xi32>
    %swap3A_57 = arith.constant 48 : index
    %swap3A_58 = tpu.vector_load %arg16[%swap3A_57] {strides = array<i32>} : memref<128xi32, #tpu.memory_space<vmem>>, vector<16xi32>,
    tpu.vector_store %arg16[%swap3A_57], %add3A_56 {strides = array<i32>} : memref<128xi32, #tpu.memory_space<vmem>>, vector<16xi32>,
    %add3A_59 = arith.constant 64 : i32
    %add3A_60 = vector.broadcast %add3A_59 : i32 to vector<16xi32>
    %add3A_61 = arith.addi %iota3A, %add3A_60 : vector<16xi32>
    %swap3A_62 = arith.constant 64 : index
    %swap3A_63 = tpu.vector_load %arg16[%swap3A_62] {strides = array<i32>} : memref<128xi32, #tpu.memory_space<vmem>>, vector<16xi32>,
    tpu.vector_store %arg16[%swap3A_62], %add3A_61 {strides = array<i32>} : memref<128xi32, #tpu.memory_space<vmem>>, vector<16xi32>,
    %add3A_64 = arith.constant 80 : i32
    %add3A_65 = vector.broadcast %add3A_64 : i32 to vector<16xi32>
    %add3A_66 = arith.addi %iota3A, %add3A_65 : vector<16xi32>
    %swap3A_67 = arith.constant 80 : index
    %swap3A_68 = tpu.vector_load %arg16[%swap3A_67] {strides = array<i32>} : memref<128xi32, #tpu.memory_space<vmem>>, vector<16xi32>,
    tpu.vector_store %arg16[%swap3A_67], %add3A_66 {strides = array<i32>} : memref<128xi32, #tpu.memory_space<vmem>>, vector<16xi32>,
    %add3A_69 = arith.constant 96 : i32
    %add3A_70 = vector.broadcast %add3A_69 : i32 to vector<16xi32>
    %add3A_71 = arith.addi %iota3A, %add3A_70 : vector<16xi32>
    %swap3A_72 = arith.constant 96 : index
    %swap3A_73 = tpu.vector_load %arg16[%swap3A_72] {strides = array<i32>} : memref<128xi32, #tpu.memory_space<vmem>>, vector<16xi32>,
    tpu.vector_store %arg16[%swap3A_72], %add3A_71 {strides = array<i32>} : memref<128xi32, #tpu.memory_space<vmem>>, vector<16xi32>,
    %add3A_74 = arith.constant 112 : i32
    %add3A_75 = vector.broadcast %add3A_74 : i32 to vector<16xi32>
    %add3A_76 = arith.addi %iota3A, %add3A_75 : vector<16xi32>
    %swap3A_77 = arith.constant 112 : index
    %swap3A_78 = tpu.vector_load %arg16[%swap3A_77] {strides = array<i32>} : memref<128xi32, #tpu.memory_space<vmem>>, vector<16xi32>,
    tpu.vector_store %arg16[%swap3A_77], %add3A_76 {strides = array<i32>} : memref<128xi32, #tpu.memory_space<vmem>>, vector<16xi32>,
    %scan3A = arith.constant 128 : i32
    %scan3A_79 = arith.constant 0 : i32
    %scan3A_80 = arith.constant 8 : i32
    %scan3A_81 = arith.addi %scan3A_79, %scan3A_80 : i32
    %scan3A_82 = arith.constant 1 : i32
    %scan3A_83 = scf.for %scan3A_568 = %scan3A_79 to %scan3A_81 step %scan3A_82 iter_args(%scan3A_569 = %scan3A) -> (i32)  : i32 {
      %gt3A = arith.constant 0 : i32
      %gt3A_570 = arith.cmpi sgt, %scan3A_569, %gt3A : i32
      %convert_element_type3A_571 = arith.extui %gt3A_570 : i1 to i32
      %cond3A = arith.constant 0 : i32
      %cond3A_572 = arith.cmpi ne, %convert_element_type3A_571, %cond3A : i32
      %cond3A_573 = scf.if %cond3A_572 -> (i32) {
        %mul3A_574 = arith.constant 4096 : i32
        %mul3A_575 = arith.muli %scan3A_568, %mul3A_574 : i32
        %add3A_576 = arith.addi %mul3A_575, %mul3A_2 : i32
        %mul3A_577 = arith.constant 64 : i32
        %mul3A_578 = arith.muli %add3A_576, %mul3A_577 : i32
        "tpu.region"() ({
          %run_scoped3A = tpu.sem_alloc : memref<!tpu.dma_semaphore, #tpu.memory_space<semaphore_mem>>
          %dma_start3A_718 = tpu.memref_slice %arg2[%mul3A_578] : memref<2097152xi32, #tpu.memory_space<hbm>> -> memref<8192xi32, #tpu.memory_space<hbm>>
          %dma_start3A_719 = tpu.memref_slice %arg2[%mul3A_578] : memref<2097152xi32, #tpu.memory_space<hbm>> -> memref<8192xi32, #tpu.memory_space<hbm>>
          tpu.enqueue_dma source(%dma_start3A_719 : memref<8192xi32, #tpu.memory_space<hbm>>) target(%arg8 : memref<8192xi32, #tpu.memory_space<vmem>>) target_semaphore(%run_scoped3A : memref<!tpu.dma_semaphore, #tpu.memory_space<semaphore_mem>>)
          %dma_wait3A_720 = tpu.memref_slice %arg2[%mul3A_578] : memref<2097152xi32, #tpu.memory_space<hbm>> -> memref<8192xi32, #tpu.memory_space<hbm>>
          %dma_wait3A_721 = tpu.memref_slice %arg2[%mul3A_578] : memref<2097152xi32, #tpu.memory_space<hbm>> -> memref<8192xi32, #tpu.memory_space<hbm>>
          tpu.wait_dma2 semaphore(%run_scoped3A : memref<!tpu.dma_semaphore, #tpu.memory_space<semaphore_mem>>) src(%dma_wait3A_721 : memref<8192xi32, #tpu.memory_space<hbm>>) dst(%arg8 : memref<8192xi32, #tpu.memory_space<vmem>>)
          tpu.yield
        }) : () -> ()
        %while3A_579 = arith.constant 0 : i32
        %while3A_580 = arith.constant 0 : i32
        %while3A_581 = arith.subi %scan3A_569, %while3A_580 : i32
        %while3A_582 = arith.addi %while3A_580, %while3A_581 : i32
        %while3A_583 = arith.constant 1 : i32
        %while3A_584 = arith.divsi %while3A_581, %while3A_583 : i32
        %while3A_585 = arith.muli %while3A_584, %while3A_583 : i32
        %while3A_586 = arith.addi %while3A_580, %while3A_585 : i32
        %while3A_587 = arith.constant 1 : i32
        scf.for %while3A_718 = %while3A_580 to %while3A_586 step %while3A_587  : i32 {
          %broadcast_in_dim3A_719 = vector.broadcast %while3A_718 : i32 to vector<16xi32>
          %gather3A_720 = tpu.vector_load_idx %arg16[%broadcast_in_dim3A_719] : memref<128xi32, #tpu.memory_space<vmem>>[vector<16xi32>], vector<16xi32>,
          %slice3A = vector.extract_strided_slice %gather3A_720 {offsets = [0], sizes = [1], strides = [1]} : vector<16xi32> to vector<1xi32>
          %squeeze3A = vector.extract %slice3A[0] : i32 from vector<1xi32>
          %add3A_721 = arith.addi %mul3A_2, %squeeze3A : i32
          %broadcast_in_dim3A_722 = vector.broadcast %add3A_721 : i32 to vector<16xi32>
          %gather3A_723 = tpu.vector_load_idx %arg7[%broadcast_in_dim3A_722] : memref<4096xi32, #tpu.memory_space<vmem>>[vector<16xi32>], vector<16xi32>,
          %broadcast_in_dim3A_724 = arith.constant 1073741824 : i32
          %broadcast_in_dim3A_725 = vector.broadcast %broadcast_in_dim3A_724 : i32 to vector<16xi32>
          %mul3A_726 = arith.constant 64 : i32
          %mul3A_727 = arith.muli %squeeze3A, %mul3A_726 : i32
          %add3A_728 = arith.constant 0 : i32
          %add3A_729 = arith.addi %mul3A_727, %add3A_728 : i32
          %get3A_730 = arith.index_cast %add3A_729 : i32 to index
          %get3A_731 = tpu.vector_load %arg8[%get3A_730] {strides = array<i32>} : memref<8192xi32, #tpu.memory_space<vmem>>, vector<16xi32>,
          %and3A_732 = arith.constant 65535 : i32
          %and3A_733 = vector.broadcast %and3A_732 : i32 to vector<16xi32>
          %and3A_734 = arith.andi %get3A_731, %and3A_733 : vector<16xi32>
          %shift_right_logical3A = arith.constant 16 : i32
          %shift_right_logical3A_735 = vector.broadcast %shift_right_logical3A : i32 to vector<16xi32>
          %shift_right_logical3A_736 = arith.shrui %get3A_731, %shift_right_logical3A_735 : vector<16xi32>
          %gather3A_737 = tpu.vector_load_idx %arg7[%and3A_734] : memref<4096xi32, #tpu.memory_space<vmem>>[vector<16xi32>], vector<16xi32>,
          %gather3A_738 = tpu.vector_load_idx %arg7[%shift_right_logical3A_736] : memref<4096xi32, #tpu.memory_space<vmem>>[vector<16xi32>], vector<16xi32>,
          %eq3A_739 = arith.cmpi eq, %gather3A_737, %gather3A_723 : vector<16xi32>
          %ne3A = vector.broadcast %add3A_721 : i32 to vector<16xi32>
          %ne3A_740 = arith.cmpi ne, %and3A_734, %ne3A : vector<16xi32>
          %and3A_741 = arith.andi %eq3A_739, %ne3A_740 : vector<16xi1>
          %eq3A_742 = arith.cmpi eq, %gather3A_738, %gather3A_723 : vector<16xi32>
          %ne3A_743 = vector.broadcast %add3A_721 : i32 to vector<16xi32>
          %ne3A_744 = arith.cmpi ne, %shift_right_logical3A_736, %ne3A_743 : vector<16xi32>
          %and3A_745 = arith.andi %eq3A_742, %ne3A_744 : vector<16xi1>
          %mul3A_746 = arith.constant 2 : i32
          %mul3A_747 = vector.broadcast %mul3A_746 : i32 to vector<16xi32>
          %mul3A_748 = arith.muli %iota3A, %mul3A_747 : vector<16xi32>
          %add3A_749 = arith.constant 0 : i32
          %add3A_750 = vector.broadcast %add3A_749 : i32 to vector<16xi32>
          %add3A_751 = arith.addi %mul3A_748, %add3A_750 : vector<16xi32>
          %jit3A_752 = arith.constant 1073741824 : i32
          %broadcast_in_dim3A_753 = vector.broadcast %jit3A_752 : i32 to vector<16xi32>
          %select_n3A_754 = arith.select %and3A_741, %add3A_751, %broadcast_in_dim3A_753 : vector<16xi1>, vector<16xi32>
          %min3A = arith.minsi %broadcast_in_dim3A_725, %select_n3A_754 : vector<16xi32>
          %add3A_755 = arith.constant 1 : i32
          %add3A_756 = vector.broadcast %add3A_755 : i32 to vector<16xi32>
          %add3A_757 = arith.addi %add3A_751, %add3A_756 : vector<16xi32>
          %jit3A_758 = arith.constant 1073741824 : i32
          %broadcast_in_dim3A_759 = vector.broadcast %jit3A_758 : i32 to vector<16xi32>
          %select_n3A_760 = arith.select %and3A_745, %add3A_757, %broadcast_in_dim3A_759 : vector<16xi1>, vector<16xi32>
          %min3A_761 = arith.minsi %min3A, %select_n3A_760 : vector<16xi32>
          %mul3A_762 = arith.constant 64 : i32
          %mul3A_763 = arith.muli %squeeze3A, %mul3A_762 : i32
          %add3A_764 = arith.constant 16 : i32
          %add3A_765 = arith.addi %mul3A_763, %add3A_764 : i32
          %get3A_766 = arith.index_cast %add3A_765 : i32 to index
          %get3A_767 = tpu.vector_load %arg8[%get3A_766] {strides = array<i32>} : memref<8192xi32, #tpu.memory_space<vmem>>, vector<16xi32>,
          %and3A_768 = arith.constant 65535 : i32
          %and3A_769 = vector.broadcast %and3A_768 : i32 to vector<16xi32>
          %and3A_770 = arith.andi %get3A_767, %and3A_769 : vector<16xi32>
          %shift_right_logical3A_771 = arith.constant 16 : i32
          %shift_right_logical3A_772 = vector.broadcast %shift_right_logical3A_771 : i32 to vector<16xi32>
          %shift_right_logical3A_773 = arith.shrui %get3A_767, %shift_right_logical3A_772 : vector<16xi32>
          %gather3A_774 = tpu.vector_load_idx %arg7[%and3A_770] : memref<4096xi32, #tpu.memory_space<vmem>>[vector<16xi32>], vector<16xi32>,
          %gather3A_775 = tpu.vector_load_idx %arg7[%shift_right_logical3A_773] : memref<4096xi32, #tpu.memory_space<vmem>>[vector<16xi32>], vector<16xi32>,
          %eq3A_776 = arith.cmpi eq, %gather3A_774, %gather3A_723 : vector<16xi32>
          %ne3A_777 = vector.broadcast %add3A_721 : i32 to vector<16xi32>
          %ne3A_778 = arith.cmpi ne, %and3A_770, %ne3A_777 : vector<16xi32>
          %and3A_779 = arith.andi %eq3A_776, %ne3A_778 : vector<16xi1>
          %eq3A_780 = arith.cmpi eq, %gather3A_775, %gather3A_723 : vector<16xi32>
          %ne3A_781 = vector.broadcast %add3A_721 : i32 to vector<16xi32>
          %ne3A_782 = arith.cmpi ne, %shift_right_logical3A_773, %ne3A_781 : vector<16xi32>
          %and3A_783 = arith.andi %eq3A_780, %ne3A_782 : vector<16xi1>
          %mul3A_784 = arith.constant 2 : i32
          %mul3A_785 = vector.broadcast %mul3A_784 : i32 to vector<16xi32>
          %mul3A_786 = arith.muli %iota3A, %mul3A_785 : vector<16xi32>
          %add3A_787 = arith.constant 32 : i32
          %add3A_788 = vector.broadcast %add3A_787 : i32 to vector<16xi32>
          %add3A_789 = arith.addi %mul3A_786, %add3A_788 : vector<16xi32>
          %jit3A_790 = arith.constant 1073741824 : i32
          %broadcast_in_dim3A_791 = vector.broadcast %jit3A_790 : i32 to vector<16xi32>
          %select_n3A_792 = arith.select %and3A_779, %add3A_789, %broadcast_in_dim3A_791 : vector<16xi1>, vector<16xi32>
          %min3A_793 = arith.minsi %min3A_761, %select_n3A_792 : vector<16xi32>
          %add3A_794 = arith.constant 1 : i32
          %add3A_795 = vector.broadcast %add3A_794 : i32 to vector<16xi32>
          %add3A_796 = arith.addi %add3A_789, %add3A_795 : vector<16xi32>
          %jit3A_797 = arith.constant 1073741824 : i32
          %broadcast_in_dim3A_798 = vector.broadcast %jit3A_797 : i32 to vector<16xi32>
          %select_n3A_799 = arith.select %and3A_783, %add3A_796, %broadcast_in_dim3A_798 : vector<16xi1>, vector<16xi32>
          %min3A_800 = arith.minsi %min3A_793, %select_n3A_799 : vector<16xi32>
          %mul3A_801 = arith.constant 64 : i32
          %mul3A_802 = arith.muli %squeeze3A, %mul3A_801 : i32
          %add3A_803 = arith.constant 32 : i32
          %add3A_804 = arith.addi %mul3A_802, %add3A_803 : i32
          %get3A_805 = arith.index_cast %add3A_804 : i32 to index
          %get3A_806 = tpu.vector_load %arg8[%get3A_805] {strides = array<i32>} : memref<8192xi32, #tpu.memory_space<vmem>>, vector<16xi32>,
          %and3A_807 = arith.constant 65535 : i32
          %and3A_808 = vector.broadcast %and3A_807 : i32 to vector<16xi32>
          %and3A_809 = arith.andi %get3A_806, %and3A_808 : vector<16xi32>
          %shift_right_logical3A_810 = arith.constant 16 : i32
          %shift_right_logical3A_811 = vector.broadcast %shift_right_logical3A_810 : i32 to vector<16xi32>
          %shift_right_logical3A_812 = arith.shrui %get3A_806, %shift_right_logical3A_811 : vector<16xi32>
          %gather3A_813 = tpu.vector_load_idx %arg7[%and3A_809] : memref<4096xi32, #tpu.memory_space<vmem>>[vector<16xi32>], vector<16xi32>,
          %gather3A_814 = tpu.vector_load_idx %arg7[%shift_right_logical3A_812] : memref<4096xi32, #tpu.memory_space<vmem>>[vector<16xi32>], vector<16xi32>,
          %eq3A_815 = arith.cmpi eq, %gather3A_813, %gather3A_723 : vector<16xi32>
          %ne3A_816 = vector.broadcast %add3A_721 : i32 to vector<16xi32>
          %ne3A_817 = arith.cmpi ne, %and3A_809, %ne3A_816 : vector<16xi32>
          %and3A_818 = arith.andi %eq3A_815, %ne3A_817 : vector<16xi1>
          %eq3A_819 = arith.cmpi eq, %gather3A_814, %gather3A_723 : vector<16xi32>
          %ne3A_820 = vector.broadcast %add3A_721 : i32 to vector<16xi32>
          %ne3A_821 = arith.cmpi ne, %shift_right_logical3A_812, %ne3A_820 : vector<16xi32>
          %and3A_822 = arith.andi %eq3A_819, %ne3A_821 : vector<16xi1>
          %mul3A_823 = arith.constant 2 : i32
          %mul3A_824 = vector.broadcast %mul3A_823 : i32 to vector<16xi32>
          %mul3A_825 = arith.muli %iota3A, %mul3A_824 : vector<16xi32>
          %add3A_826 = arith.constant 64 : i32
          %add3A_827 = vector.broadcast %add3A_826 : i32 to vector<16xi32>
          %add3A_828 = arith.addi %mul3A_825, %add3A_827 : vector<16xi32>
          %jit3A_829 = arith.constant 1073741824 : i32
          %broadcast_in_dim3A_830 = vector.broadcast %jit3A_829 : i32 to vector<16xi32>
          %select_n3A_831 = arith.select %and3A_818, %add3A_828, %broadcast_in_dim3A_830 : vector<16xi1>, vector<16xi32>
          %min3A_832 = arith.minsi %min3A_800, %select_n3A_831 : vector<16xi32>
          %add3A_833 = arith.constant 1 : i32
          %add3A_834 = vector.broadcast %add3A_833 : i32 to vector<16xi32>
          %add3A_835 = arith.addi %add3A_828, %add3A_834 : vector<16xi32>
          %jit3A_836 = arith.constant 1073741824 : i32
          %broadcast_in_dim3A_837 = vector.broadcast %jit3A_836 : i32 to vector<16xi32>
          %select_n3A_838 = arith.select %and3A_822, %add3A_835, %broadcast_in_dim3A_837 : vector<16xi1>, vector<16xi32>
          %min3A_839 = arith.minsi %min3A_832, %select_n3A_838 : vector<16xi32>
          %mul3A_840 = arith.constant 64 : i32
          %mul3A_841 = arith.muli %squeeze3A, %mul3A_840 : i32
          %add3A_842 = arith.constant 48 : i32
          %add3A_843 = arith.addi %mul3A_841, %add3A_842 : i32
          %get3A_844 = arith.index_cast %add3A_843 : i32 to index
          %get3A_845 = tpu.vector_load %arg8[%get3A_844] {strides = array<i32>} : memref<8192xi32, #tpu.memory_space<vmem>>, vector<16xi32>,
          %and3A_846 = arith.constant 65535 : i32
          %and3A_847 = vector.broadcast %and3A_846 : i32 to vector<16xi32>
          %and3A_848 = arith.andi %get3A_845, %and3A_847 : vector<16xi32>
          %shift_right_logical3A_849 = arith.constant 16 : i32
          %shift_right_logical3A_850 = vector.broadcast %shift_right_logical3A_849 : i32 to vector<16xi32>
          %shift_right_logical3A_851 = arith.shrui %get3A_845, %shift_right_logical3A_850 : vector<16xi32>
          %gather3A_852 = tpu.vector_load_idx %arg7[%and3A_848] : memref<4096xi32, #tpu.memory_space<vmem>>[vector<16xi32>], vector<16xi32>,
          %gather3A_853 = tpu.vector_load_idx %arg7[%shift_right_logical3A_851] : memref<4096xi32, #tpu.memory_space<vmem>>[vector<16xi32>], vector<16xi32>,
          %eq3A_854 = arith.cmpi eq, %gather3A_852, %gather3A_723 : vector<16xi32>
          %ne3A_855 = vector.broadcast %add3A_721 : i32 to vector<16xi32>
          %ne3A_856 = arith.cmpi ne, %and3A_848, %ne3A_855 : vector<16xi32>
          %and3A_857 = arith.andi %eq3A_854, %ne3A_856 : vector<16xi1>
          %eq3A_858 = arith.cmpi eq, %gather3A_853, %gather3A_723 : vector<16xi32>
          %ne3A_859 = vector.broadcast %add3A_721 : i32 to vector<16xi32>
          %ne3A_860 = arith.cmpi ne, %shift_right_logical3A_851, %ne3A_859 : vector<16xi32>
          %and3A_861 = arith.andi %eq3A_858, %ne3A_860 : vector<16xi1>
          %mul3A_862 = arith.constant 2 : i32
          %mul3A_863 = vector.broadcast %mul3A_862 : i32 to vector<16xi32>
          %mul3A_864 = arith.muli %iota3A, %mul3A_863 : vector<16xi32>
          %add3A_865 = arith.constant 96 : i32
          %add3A_866 = vector.broadcast %add3A_865 : i32 to vector<16xi32>
          %add3A_867 = arith.addi %mul3A_864, %add3A_866 : vector<16xi32>
          %jit3A_868 = arith.constant 1073741824 : i32
          %broadcast_in_dim3A_869 = vector.broadcast %jit3A_868 : i32 to vector<16xi32>
          %select_n3A_870 = arith.select %and3A_857, %add3A_867, %broadcast_in_dim3A_869 : vector<16xi1>, vector<16xi32>
          %min3A_871 = arith.minsi %min3A_839, %select_n3A_870 : vector<16xi32>
          %add3A_872 = arith.constant 1 : i32
          %add3A_873 = vector.broadcast %add3A_872 : i32 to vector<16xi32>
          %add3A_874 = arith.addi %add3A_867, %add3A_873 : vector<16xi32>
          %jit3A_875 = arith.constant 1073741824 : i32
          %broadcast_in_dim3A_876 = vector.broadcast %jit3A_875 : i32 to vector<16xi32>
          %select_n3A_877 = arith.select %and3A_861, %add3A_874, %broadcast_in_dim3A_876 : vector<16xi1>, vector<16xi32>
          %min3A_878 = arith.minsi %min3A_871, %select_n3A_877 : vector<16xi32>
          %reduce_min3A = arith.constant true
          %reduce_min3A_879 = vector.broadcast %reduce_min3A : i1 to vector<16xi1>
          %reduce_min3A_880 = arith.constant -2147483648 : i32
          %reduce_min3A_881 = vector.broadcast %reduce_min3A_880 : i32 to vector<16xi32>
          %reduce_min3A_882 = arith.xori %min3A_878, %reduce_min3A_881 : vector<16xi32>
          %reduce_min3A_883 = tpu.scan <min>, %reduce_min3A_882 masked %reduce_min3A_879 : vector<16xi32>, vector<16xi1> -> vector<16xi32>
          %reduce_min3A_884 = arith.xori %reduce_min3A_883, %reduce_min3A_881 : vector<16xi32>
          %reduce_min3A_885 = vector.extract %reduce_min3A_884[15] : i32 from vector<16xi32>
          %min3A_886 = arith.constant 127 : i32
          %min3A_887 = arith.minsi %reduce_min3A_885, %min3A_886 : i32
          %mul3A_888 = arith.constant 64 : i32
          %mul3A_889 = arith.muli %squeeze3A, %mul3A_888 : i32
          %shift_right_arithmetic3A_890 = arith.constant 1 : i32
          %shift_right_arithmetic3A_891 = arith.shrsi %min3A_887, %shift_right_arithmetic3A_890 : i32
          %add3A_892 = arith.addi %mul3A_889, %shift_right_arithmetic3A_891 : i32
          %broadcast_in_dim3A_893 = vector.broadcast %add3A_892 : i32 to vector<16xi32>
          %gather3A_894 = tpu.vector_load_idx %arg8[%broadcast_in_dim3A_893] : memref<8192xi32, #tpu.memory_space<vmem>>[vector<16xi32>], vector<16xi32>,
          %slice3A_895 = vector.extract_strided_slice %gather3A_894 {offsets = [0], sizes = [1], strides = [1]} : vector<16xi32> to vector<1xi32>
          %squeeze3A_896 = vector.extract %slice3A_895[0] : i32 from vector<1xi32>
          %and3A_897 = arith.constant 1 : i32
          %and3A_898 = arith.andi %min3A_887, %and3A_897 : i32
          %eq3A_899 = arith.constant 1 : i32
          %eq3A_900 = arith.cmpi eq, %and3A_898, %eq3A_899 : i32
          %shift_right_logical3A_901 = arith.constant 16 : i32
          %shift_right_logical3A_902 = arith.shrui %squeeze3A_896, %shift_right_logical3A_901 : i32
          %and3A_903 = arith.constant 65535 : i32
          %and3A_904 = arith.andi %squeeze3A_896, %and3A_903 : i32
          %select_n3A_905 = arith.select %eq3A_900, %shift_right_logical3A_902, %and3A_904 : i32
          %lt3A = arith.constant 1073741824 : i32
          %lt3A_906 = arith.cmpi slt, %reduce_min3A_885, %lt3A : i32
          %mul3A_907 = arith.constant 128 : i32
          %mul3A_908 = arith.muli %scan3A_568, %mul3A_907 : i32
          %add3A_909 = arith.addi %mul3A_908, %reduce_min3A_885 : i32
          %shift_left3A = arith.constant 12 : i32
          %shift_left3A_910 = arith.shli %add3A_909, %shift_left3A : i32
          %or3A = arith.ori %shift_left3A_910, %select_n3A_905 : i32
          %jit3A_911 = arith.constant 1073741824 : i32
          %select_n3A_912 = arith.select %lt3A_906, %or3A, %jit3A_911 : i32
          %broadcast_in_dim3A_913 = vector.broadcast %squeeze3A : i32 to vector<16xi32>
          %broadcast_in_dim3A_914 = vector.broadcast %select_n3A_912 : i32 to vector<16xi32>
          tpu.vector_store_idx %arg10[%broadcast_in_dim3A_913], %broadcast_in_dim3A_914 masked %eq3A_38 : memref<128xi32, #tpu.memory_space<vmem>>[vector<16xi32>], vector<16xi32>, vector<16xi1>
        }
        %while3A_588 = arith.constant 1 : i32
        scf.for %while3A_718 = %while3A_586 to %while3A_582 step %while3A_588  : i32 {
          %broadcast_in_dim3A_719 = vector.broadcast %while3A_718 : i32 to vector<16xi32>
          %gather3A_720 = tpu.vector_load_idx %arg16[%broadcast_in_dim3A_719] : memref<128xi32, #tpu.memory_space<vmem>>[vector<16xi32>], vector<16xi32>,
          %slice3A = vector.extract_strided_slice %gather3A_720 {offsets = [0], sizes = [1], strides = [1]} : vector<16xi32> to vector<1xi32>
          %squeeze3A = vector.extract %slice3A[0] : i32 from vector<1xi32>
          %add3A_721 = arith.addi %mul3A_2, %squeeze3A : i32
          %broadcast_in_dim3A_722 = vector.broadcast %add3A_721 : i32 to vector<16xi32>
          %gather3A_723 = tpu.vector_load_idx %arg7[%broadcast_in_dim3A_722] : memref<4096xi32, #tpu.memory_space<vmem>>[vector<16xi32>], vector<16xi32>,
          %broadcast_in_dim3A_724 = arith.constant 1073741824 : i32
          %broadcast_in_dim3A_725 = vector.broadcast %broadcast_in_dim3A_724 : i32 to vector<16xi32>
          %mul3A_726 = arith.constant 64 : i32
          %mul3A_727 = arith.muli %squeeze3A, %mul3A_726 : i32
          %add3A_728 = arith.constant 0 : i32
          %add3A_729 = arith.addi %mul3A_727, %add3A_728 : i32
          %get3A_730 = arith.index_cast %add3A_729 : i32 to index
          %get3A_731 = tpu.vector_load %arg8[%get3A_730] {strides = array<i32>} : memref<8192xi32, #tpu.memory_space<vmem>>, vector<16xi32>,
          %and3A_732 = arith.constant 65535 : i32
          %and3A_733 = vector.broadcast %and3A_732 : i32 to vector<16xi32>
          %and3A_734 = arith.andi %get3A_731, %and3A_733 : vector<16xi32>
          %shift_right_logical3A = arith.constant 16 : i32
          %shift_right_logical3A_735 = vector.broadcast %shift_right_logical3A : i32 to vector<16xi32>
          %shift_right_logical3A_736 = arith.shrui %get3A_731, %shift_right_logical3A_735 : vector<16xi32>
          %gather3A_737 = tpu.vector_load_idx %arg7[%and3A_734] : memref<4096xi32, #tpu.memory_space<vmem>>[vector<16xi32>], vector<16xi32>,
          %gather3A_738 = tpu.vector_load_idx %arg7[%shift_right_logical3A_736] : memref<4096xi32, #tpu.memory_space<vmem>>[vector<16xi32>], vector<16xi32>,
          %eq3A_739 = arith.cmpi eq, %gather3A_737, %gather3A_723 : vector<16xi32>
          %ne3A = vector.broadcast %add3A_721 : i32 to vector<16xi32>
          %ne3A_740 = arith.cmpi ne, %and3A_734, %ne3A : vector<16xi32>
          %and3A_741 = arith.andi %eq3A_739, %ne3A_740 : vector<16xi1>
          %eq3A_742 = arith.cmpi eq, %gather3A_738, %gather3A_723 : vector<16xi32>
          %ne3A_743 = vector.broadcast %add3A_721 : i32 to vector<16xi32>
          %ne3A_744 = arith.cmpi ne, %shift_right_logical3A_736, %ne3A_743 : vector<16xi32>
          %and3A_745 = arith.andi %eq3A_742, %ne3A_744 : vector<16xi1>
          %mul3A_746 = arith.constant 2 : i32
          %mul3A_747 = vector.broadcast %mul3A_746 : i32 to vector<16xi32>
          %mul3A_748 = arith.muli %iota3A, %mul3A_747 : vector<16xi32>
          %add3A_749 = arith.constant 0 : i32
          %add3A_750 = vector.broadcast %add3A_749 : i32 to vector<16xi32>
          %add3A_751 = arith.addi %mul3A_748, %add3A_750 : vector<16xi32>
          %jit3A_752 = arith.constant 1073741824 : i32
          %broadcast_in_dim3A_753 = vector.broadcast %jit3A_752 : i32 to vector<16xi32>
          %select_n3A_754 = arith.select %and3A_741, %add3A_751, %broadcast_in_dim3A_753 : vector<16xi1>, vector<16xi32>
          %min3A = arith.minsi %broadcast_in_dim3A_725, %select_n3A_754 : vector<16xi32>
          %add3A_755 = arith.constant 1 : i32
          %add3A_756 = vector.broadcast %add3A_755 : i32 to vector<16xi32>
          %add3A_757 = arith.addi %add3A_751, %add3A_756 : vector<16xi32>
          %jit3A_758 = arith.constant 1073741824 : i32
          %broadcast_in_dim3A_759 = vector.broadcast %jit3A_758 : i32 to vector<16xi32>
          %select_n3A_760 = arith.select %and3A_745, %add3A_757, %broadcast_in_dim3A_759 : vector<16xi1>, vector<16xi32>
          %min3A_761 = arith.minsi %min3A, %select_n3A_760 : vector<16xi32>
          %mul3A_762 = arith.constant 64 : i32
          %mul3A_763 = arith.muli %squeeze3A, %mul3A_762 : i32
          %add3A_764 = arith.constant 16 : i32
          %add3A_765 = arith.addi %mul3A_763, %add3A_764 : i32
          %get3A_766 = arith.index_cast %add3A_765 : i32 to index
          %get3A_767 = tpu.vector_load %arg8[%get3A_766] {strides = array<i32>} : memref<8192xi32, #tpu.memory_space<vmem>>, vector<16xi32>,
          %and3A_768 = arith.constant 65535 : i32
          %and3A_769 = vector.broadcast %and3A_768 : i32 to vector<16xi32>
          %and3A_770 = arith.andi %get3A_767, %and3A_769 : vector<16xi32>
          %shift_right_logical3A_771 = arith.constant 16 : i32
          %shift_right_logical3A_772 = vector.broadcast %shift_right_logical3A_771 : i32 to vector<16xi32>
          %shift_right_logical3A_773 = arith.shrui %get3A_767, %shift_right_logical3A_772 : vector<16xi32>
          %gather3A_774 = tpu.vector_load_idx %arg7[%and3A_770] : memref<4096xi32, #tpu.memory_space<vmem>>[vector<16xi32>], vector<16xi32>,
          %gather3A_775 = tpu.vector_load_idx %arg7[%shift_right_logical3A_773] : memref<4096xi32, #tpu.memory_space<vmem>>[vector<16xi32>], vector<16xi32>,
          %eq3A_776 = arith.cmpi eq, %gather3A_774, %gather3A_723 : vector<16xi32>
          %ne3A_777 = vector.broadcast %add3A_721 : i32 to vector<16xi32>
          %ne3A_778 = arith.cmpi ne, %and3A_770, %ne3A_777 : vector<16xi32>
          %and3A_779 = arith.andi %eq3A_776, %ne3A_778 : vector<16xi1>
          %eq3A_780 = arith.cmpi eq, %gather3A_775, %gather3A_723 : vector<16xi32>
          %ne3A_781 = vector.broadcast %add3A_721 : i32 to vector<16xi32>
          %ne3A_782 = arith.cmpi ne, %shift_right_logical3A_773, %ne3A_781 : vector<16xi32>
          %and3A_783 = arith.andi %eq3A_780, %ne3A_782 : vector<16xi1>
          %mul3A_784 = arith.constant 2 : i32
          %mul3A_785 = vector.broadcast %mul3A_784 : i32 to vector<16xi32>
          %mul3A_786 = arith.muli %iota3A, %mul3A_785 : vector<16xi32>
          %add3A_787 = arith.constant 32 : i32
          %add3A_788 = vector.broadcast %add3A_787 : i32 to vector<16xi32>
          %add3A_789 = arith.addi %mul3A_786, %add3A_788 : vector<16xi32>
          %jit3A_790 = arith.constant 1073741824 : i32
          %broadcast_in_dim3A_791 = vector.broadcast %jit3A_790 : i32 to vector<16xi32>
          %select_n3A_792 = arith.select %and3A_779, %add3A_789, %broadcast_in_dim3A_791 : vector<16xi1>, vector<16xi32>
          %min3A_793 = arith.minsi %min3A_761, %select_n3A_792 : vector<16xi32>
          %add3A_794 = arith.constant 1 : i32
          %add3A_795 = vector.broadcast %add3A_794 : i32 to vector<16xi32>
          %add3A_796 = arith.addi %add3A_789, %add3A_795 : vector<16xi32>
          %jit3A_797 = arith.constant 1073741824 : i32
          %broadcast_in_dim3A_798 = vector.broadcast %jit3A_797 : i32 to vector<16xi32>
          %select_n3A_799 = arith.select %and3A_783, %add3A_796, %broadcast_in_dim3A_798 : vector<16xi1>, vector<16xi32>
          %min3A_800 = arith.minsi %min3A_793, %select_n3A_799 : vector<16xi32>
          %mul3A_801 = arith.constant 64 : i32
          %mul3A_802 = arith.muli %squeeze3A, %mul3A_801 : i32
          %add3A_803 = arith.constant 32 : i32
          %add3A_804 = arith.addi %mul3A_802, %add3A_803 : i32
          %get3A_805 = arith.index_cast %add3A_804 : i32 to index
          %get3A_806 = tpu.vector_load %arg8[%get3A_805] {strides = array<i32>} : memref<8192xi32, #tpu.memory_space<vmem>>, vector<16xi32>,
          %and3A_807 = arith.constant 65535 : i32
          %and3A_808 = vector.broadcast %and3A_807 : i32 to vector<16xi32>
          %and3A_809 = arith.andi %get3A_806, %and3A_808 : vector<16xi32>
          %shift_right_logical3A_810 = arith.constant 16 : i32
          %shift_right_logical3A_811 = vector.broadcast %shift_right_logical3A_810 : i32 to vector<16xi32>
          %shift_right_logical3A_812 = arith.shrui %get3A_806, %shift_right_logical3A_811 : vector<16xi32>
          %gather3A_813 = tpu.vector_load_idx %arg7[%and3A_809] : memref<4096xi32, #tpu.memory_space<vmem>>[vector<16xi32>], vector<16xi32>,
          %gather3A_814 = tpu.vector_load_idx %arg7[%shift_right_logical3A_812] : memref<4096xi32, #tpu.memory_space<vmem>>[vector<16xi32>], vector<16xi32>,
          %eq3A_815 = arith.cmpi eq, %gather3A_813, %gather3A_723 : vector<16xi32>
          %ne3A_816 = vector.broadcast %add3A_721 : i32 to vector<16xi32>
          %ne3A_817 = arith.cmpi ne, %and3A_809, %ne3A_816 : vector<16xi32>
          %and3A_818 = arith.andi %eq3A_815, %ne3A_817 : vector<16xi1>
          %eq3A_819 = arith.cmpi eq, %gather3A_814, %gather3A_723 : vector<16xi32>
          %ne3A_820 = vector.broadcast %add3A_721 : i32 to vector<16xi32>
          %ne3A_821 = arith.cmpi ne, %shift_right_logical3A_812, %ne3A_820 : vector<16xi32>
          %and3A_822 = arith.andi %eq3A_819, %ne3A_821 : vector<16xi1>
          %mul3A_823 = arith.constant 2 : i32
          %mul3A_824 = vector.broadcast %mul3A_823 : i32 to vector<16xi32>
          %mul3A_825 = arith.muli %iota3A, %mul3A_824 : vector<16xi32>
          %add3A_826 = arith.constant 64 : i32
          %add3A_827 = vector.broadcast %add3A_826 : i32 to vector<16xi32>
          %add3A_828 = arith.addi %mul3A_825, %add3A_827 : vector<16xi32>
          %jit3A_829 = arith.constant 1073741824 : i32
          %broadcast_in_dim3A_830 = vector.broadcast %jit3A_829 : i32 to vector<16xi32>
          %select_n3A_831 = arith.select %and3A_818, %add3A_828, %broadcast_in_dim3A_830 : vector<16xi1>, vector<16xi32>
          %min3A_832 = arith.minsi %min3A_800, %select_n3A_831 : vector<16xi32>
          %add3A_833 = arith.constant 1 : i32
          %add3A_834 = vector.broadcast %add3A_833 : i32 to vector<16xi32>
          %add3A_835 = arith.addi %add3A_828, %add3A_834 : vector<16xi32>
          %jit3A_836 = arith.constant 1073741824 : i32
          %broadcast_in_dim3A_837 = vector.broadcast %jit3A_836 : i32 to vector<16xi32>
          %select_n3A_838 = arith.select %and3A_822, %add3A_835, %broadcast_in_dim3A_837 : vector<16xi1>, vector<16xi32>
          %min3A_839 = arith.minsi %min3A_832, %select_n3A_838 : vector<16xi32>
          %mul3A_840 = arith.constant 64 : i32
          %mul3A_841 = arith.muli %squeeze3A, %mul3A_840 : i32
          %add3A_842 = arith.constant 48 : i32
          %add3A_843 = arith.addi %mul3A_841, %add3A_842 : i32
          %get3A_844 = arith.index_cast %add3A_843 : i32 to index
          %get3A_845 = tpu.vector_load %arg8[%get3A_844] {strides = array<i32>} : memref<8192xi32, #tpu.memory_space<vmem>>, vector<16xi32>,
          %and3A_846 = arith.constant 65535 : i32
          %and3A_847 = vector.broadcast %and3A_846 : i32 to vector<16xi32>
          %and3A_848 = arith.andi %get3A_845, %and3A_847 : vector<16xi32>
          %shift_right_logical3A_849 = arith.constant 16 : i32
          %shift_right_logical3A_850 = vector.broadcast %shift_right_logical3A_849 : i32 to vector<16xi32>
          %shift_right_logical3A_851 = arith.shrui %get3A_845, %shift_right_logical3A_850 : vector<16xi32>
          %gather3A_852 = tpu.vector_load_idx %arg7[%and3A_848] : memref<4096xi32, #tpu.memory_space<vmem>>[vector<16xi32>], vector<16xi32>,
          %gather3A_853 = tpu.vector_load_idx %arg7[%shift_right_logical3A_851] : memref<4096xi32, #tpu.memory_space<vmem>>[vector<16xi32>], vector<16xi32>,
          %eq3A_854 = arith.cmpi eq, %gather3A_852, %gather3A_723 : vector<16xi32>
          %ne3A_855 = vector.broadcast %add3A_721 : i32 to vector<16xi32>
          %ne3A_856 = arith.cmpi ne, %and3A_848, %ne3A_855 : vector<16xi32>
          %and3A_857 = arith.andi %eq3A_854, %ne3A_856 : vector<16xi1>
          %eq3A_858 = arith.cmpi eq, %gather3A_853, %gather3A_723 : vector<16xi32>
          %ne3A_859 = vector.broadcast %add3A_721 : i32 to vector<16xi32>
          %ne3A_860 = arith.cmpi ne, %shift_right_logical3A_851, %ne3A_859 : vector<16xi32>
          %and3A_861 = arith.andi %eq3A_858, %ne3A_860 : vector<16xi1>
          %mul3A_862 = arith.constant 2 : i32
          %mul3A_863 = vector.broadcast %mul3A_862 : i32 to vector<16xi32>
          %mul3A_864 = arith.muli %iota3A, %mul3A_863 : vector<16xi32>
          %add3A_865 = arith.constant 96 : i32
          %add3A_866 = vector.broadcast %add3A_865 : i32 to vector<16xi32>
          %add3A_867 = arith.addi %mul3A_864, %add3A_866 : vector<16xi32>
          %jit3A_868 = arith.constant 1073741824 : i32
          %broadcast_in_dim3A_869 = vector.broadcast %jit3A_868 : i32 to vector<16xi32>
          %select_n3A_870 = arith.select %and3A_857, %add3A_867, %broadcast_in_dim3A_869 : vector<16xi1>, vector<16xi32>
          %min3A_871 = arith.minsi %min3A_839, %select_n3A_870 : vector<16xi32>
          %add3A_872 = arith.constant 1 : i32
          %add3A_873 = vector.broadcast %add3A_872 : i32 to vector<16xi32>
          %add3A_874 = arith.addi %add3A_867, %add3A_873 : vector<16xi32>
          %jit3A_875 = arith.constant 1073741824 : i32
          %broadcast_in_dim3A_876 = vector.broadcast %jit3A_875 : i32 to vector<16xi32>
          %select_n3A_877 = arith.select %and3A_861, %add3A_874, %broadcast_in_dim3A_876 : vector<16xi1>, vector<16xi32>
          %min3A_878 = arith.minsi %min3A_871, %select_n3A_877 : vector<16xi32>
          %reduce_min3A = arith.constant true
          %reduce_min3A_879 = vector.broadcast %reduce_min3A : i1 to vector<16xi1>
          %reduce_min3A_880 = arith.constant -2147483648 : i32
          %reduce_min3A_881 = vector.broadcast %reduce_min3A_880 : i32 to vector<16xi32>
          %reduce_min3A_882 = arith.xori %min3A_878, %reduce_min3A_881 : vector<16xi32>
          %reduce_min3A_883 = tpu.scan <min>, %reduce_min3A_882 masked %reduce_min3A_879 : vector<16xi32>, vector<16xi1> -> vector<16xi32>
          %reduce_min3A_884 = arith.xori %reduce_min3A_883, %reduce_min3A_881 : vector<16xi32>
          %reduce_min3A_885 = vector.extract %reduce_min3A_884[15] : i32 from vector<16xi32>
          %min3A_886 = arith.constant 127 : i32
          %min3A_887 = arith.minsi %reduce_min3A_885, %min3A_886 : i32
          %mul3A_888 = arith.constant 64 : i32
          %mul3A_889 = arith.muli %squeeze3A, %mul3A_888 : i32
          %shift_right_arithmetic3A_890 = arith.constant 1 : i32
          %shift_right_arithmetic3A_891 = arith.shrsi %min3A_887, %shift_right_arithmetic3A_890 : i32
          %add3A_892 = arith.addi %mul3A_889, %shift_right_arithmetic3A_891 : i32
          %broadcast_in_dim3A_893 = vector.broadcast %add3A_892 : i32 to vector<16xi32>
          %gather3A_894 = tpu.vector_load_idx %arg8[%broadcast_in_dim3A_893] : memref<8192xi32, #tpu.memory_space<vmem>>[vector<16xi32>], vector<16xi32>,
          %slice3A_895 = vector.extract_strided_slice %gather3A_894 {offsets = [0], sizes = [1], strides = [1]} : vector<16xi32> to vector<1xi32>
          %squeeze3A_896 = vector.extract %slice3A_895[0] : i32 from vector<1xi32>
          %and3A_897 = arith.constant 1 : i32
          %and3A_898 = arith.andi %min3A_887, %and3A_897 : i32
          %eq3A_899 = arith.constant 1 : i32
          %eq3A_900 = arith.cmpi eq, %and3A_898, %eq3A_899 : i32
          %shift_right_logical3A_901 = arith.constant 16 : i32
          %shift_right_logical3A_902 = arith.shrui %squeeze3A_896, %shift_right_logical3A_901 : i32
          %and3A_903 = arith.constant 65535 : i32
          %and3A_904 = arith.andi %squeeze3A_896, %and3A_903 : i32
          %select_n3A_905 = arith.select %eq3A_900, %shift_right_logical3A_902, %and3A_904 : i32
          %lt3A = arith.constant 1073741824 : i32
          %lt3A_906 = arith.cmpi slt, %reduce_min3A_885, %lt3A : i32
          %mul3A_907 = arith.constant 128 : i32
          %mul3A_908 = arith.muli %scan3A_568, %mul3A_907 : i32
          %add3A_909 = arith.addi %mul3A_908, %reduce_min3A_885 : i32
          %shift_left3A = arith.constant 12 : i32
          %shift_left3A_910 = arith.shli %add3A_909, %shift_left3A : i32
          %or3A = arith.ori %shift_left3A_910, %select_n3A_905 : i32
          %jit3A_911 = arith.constant 1073741824 : i32
          %select_n3A_912 = arith.select %lt3A_906, %or3A, %jit3A_911 : i32
          %broadcast_in_dim3A_913 = vector.broadcast %squeeze3A : i32 to vector<16xi32>
          %broadcast_in_dim3A_914 = vector.broadcast %select_n3A_912 : i32 to vector<16xi32>
          tpu.vector_store_idx %arg10[%broadcast_in_dim3A_913], %broadcast_in_dim3A_914 masked %eq3A_38 : memref<128xi32, #tpu.memory_space<vmem>>[vector<16xi32>], vector<16xi32>, vector<16xi1>
        }
        %get3A_589 = arith.constant 0 : index
        %get3A_590 = tpu.vector_load %arg10[%get3A_589] {strides = array<i32>} : memref<128xi32, #tpu.memory_space<vmem>>, vector<16xi32>,
        %ge3A = arith.constant 1073741824 : i32
        %ge3A_591 = vector.broadcast %ge3A : i32 to vector<16xi32>
        %ge3A_592 = arith.cmpi sge, %get3A_590, %ge3A_591 : vector<16xi32>
        %add3A_593 = arith.constant 0 : i32
        %add3A_594 = vector.broadcast %add3A_593 : i32 to vector<16xi32>
        %add3A_595 = arith.addi %iota3A, %add3A_594 : vector<16xi32>
        %swap3A_596 = arith.constant 0 : i32
        %swap3A_597 = arith.index_cast %swap3A_596 : i32 to index
        %swap3A_598 = tpu.vector_load %arg16[%swap3A_597] masked %ge3A_592 {strides = array<i32>} : memref<128xi32, #tpu.memory_space<vmem>>, vector<16xi32>, vector<16xi1>
        tpu.vector_store %arg16[%swap3A_597], %add3A_595 masked %ge3A_592 {strides = array<i32>} : memref<128xi32, #tpu.memory_space<vmem>>, vector<16xi32>, vector<16xi1>
        %convert_element_type3A_599 = arith.extui %ge3A_592 : vector<16xi1> to vector<16xi32>
        %reduce_sum3A_600 = arith.constant true
        %reduce_sum3A_601 = vector.broadcast %reduce_sum3A_600 : i1 to vector<16xi1>
        %reduce_sum3A_602 = tpu.scan <sum>, %convert_element_type3A_599 masked %reduce_sum3A_601 : vector<16xi32>, vector<16xi1> -> vector<16xi32>
        %reduce_sum3A_603 = vector.extract %reduce_sum3A_602[15] : i32 from vector<16xi32>
        %add3A_604 = arith.constant 0 : i32
        %add3A_605 = arith.addi %add3A_604, %reduce_sum3A_603 : i32
        %get3A_606 = arith.constant 16 : index
        %get3A_607 = tpu.vector_load %arg10[%get3A_606] {strides = array<i32>} : memref<128xi32, #tpu.memory_space<vmem>>, vector<16xi32>,
        %ge3A_608 = arith.constant 1073741824 : i32
        %ge3A_609 = vector.broadcast %ge3A_608 : i32 to vector<16xi32>
        %ge3A_610 = arith.cmpi sge, %get3A_607, %ge3A_609 : vector<16xi32>
        %add3A_611 = arith.constant 16 : i32
        %add3A_612 = vector.broadcast %add3A_611 : i32 to vector<16xi32>
        %add3A_613 = arith.addi %iota3A, %add3A_612 : vector<16xi32>
        %swap3A_614 = arith.index_cast %add3A_605 : i32 to index
        %swap3A_615 = tpu.vector_load %arg16[%swap3A_614] masked %ge3A_610 {strides = array<i32>} : memref<128xi32, #tpu.memory_space<vmem>>, vector<16xi32>, vector<16xi1>
        tpu.vector_store %arg16[%swap3A_614], %add3A_613 masked %ge3A_610 {strides = array<i32>} : memref<128xi32, #tpu.memory_space<vmem>>, vector<16xi32>, vector<16xi1>
        %convert_element_type3A_616 = arith.extui %ge3A_610 : vector<16xi1> to vector<16xi32>
        %reduce_sum3A_617 = arith.constant true
        %reduce_sum3A_618 = vector.broadcast %reduce_sum3A_617 : i1 to vector<16xi1>
        %reduce_sum3A_619 = tpu.scan <sum>, %convert_element_type3A_616 masked %reduce_sum3A_618 : vector<16xi32>, vector<16xi1> -> vector<16xi32>
        %reduce_sum3A_620 = vector.extract %reduce_sum3A_619[15] : i32 from vector<16xi32>
        %add3A_621 = arith.addi %add3A_605, %reduce_sum3A_620 : i32
        %get3A_622 = arith.constant 32 : index
        %get3A_623 = tpu.vector_load %arg10[%get3A_622] {strides = array<i32>} : memref<128xi32, #tpu.memory_space<vmem>>, vector<16xi32>,
        %ge3A_624 = arith.constant 1073741824 : i32
        %ge3A_625 = vector.broadcast %ge3A_624 : i32 to vector<16xi32>
        %ge3A_626 = arith.cmpi sge, %get3A_623, %ge3A_625 : vector<16xi32>
        %add3A_627 = arith.constant 32 : i32
        %add3A_628 = vector.broadcast %add3A_627 : i32 to vector<16xi32>
        %add3A_629 = arith.addi %iota3A, %add3A_628 : vector<16xi32>
        %swap3A_630 = arith.index_cast %add3A_621 : i32 to index
        %swap3A_631 = tpu.vector_load %arg16[%swap3A_630] masked %ge3A_626 {strides = array<i32>} : memref<128xi32, #tpu.memory_space<vmem>>, vector<16xi32>, vector<16xi1>
        tpu.vector_store %arg16[%swap3A_630], %add3A_629 masked %ge3A_626 {strides = array<i32>} : memref<128xi32, #tpu.memory_space<vmem>>, vector<16xi32>, vector<16xi1>
        %convert_element_type3A_632 = arith.extui %ge3A_626 : vector<16xi1> to vector<16xi32>
        %reduce_sum3A_633 = arith.constant true
        %reduce_sum3A_634 = vector.broadcast %reduce_sum3A_633 : i1 to vector<16xi1>
        %reduce_sum3A_635 = tpu.scan <sum>, %convert_element_type3A_632 masked %reduce_sum3A_634 : vector<16xi32>, vector<16xi1> -> vector<16xi32>
        %reduce_sum3A_636 = vector.extract %reduce_sum3A_635[15] : i32 from vector<16xi32>
        %add3A_637 = arith.addi %add3A_621, %reduce_sum3A_636 : i32
        %get3A_638 = arith.constant 48 : index
        %get3A_639 = tpu.vector_load %arg10[%get3A_638] {strides = array<i32>} : memref<128xi32, #tpu.memory_space<vmem>>, vector<16xi32>,
        %ge3A_640 = arith.constant 1073741824 : i32
        %ge3A_641 = vector.broadcast %ge3A_640 : i32 to vector<16xi32>
        %ge3A_642 = arith.cmpi sge, %get3A_639, %ge3A_641 : vector<16xi32>
        %add3A_643 = arith.constant 48 : i32
        %add3A_644 = vector.broadcast %add3A_643 : i32 to vector<16xi32>
        %add3A_645 = arith.addi %iota3A, %add3A_644 : vector<16xi32>
        %swap3A_646 = arith.index_cast %add3A_637 : i32 to index
        %swap3A_647 = tpu.vector_load %arg16[%swap3A_646] masked %ge3A_642 {strides = array<i32>} : memref<128xi32, #tpu.memory_space<vmem>>, vector<16xi32>, vector<16xi1>
        tpu.vector_store %arg16[%swap3A_646], %add3A_645 masked %ge3A_642 {strides = array<i32>} : memref<128xi32, #tpu.memory_space<vmem>>, vector<16xi32>, vector<16xi1>
        %convert_element_type3A_648 = arith.extui %ge3A_642 : vector<16xi1> to vector<16xi32>
        %reduce_sum3A_649 = arith.constant true
        %reduce_sum3A_650 = vector.broadcast %reduce_sum3A_649 : i1 to vector<16xi1>
        %reduce_sum3A_651 = tpu.scan <sum>, %convert_element_type3A_648 masked %reduce_sum3A_650 : vector<16xi32>, vector<16xi1> -> vector<16xi32>
        %reduce_sum3A_652 = vector.extract %reduce_sum3A_651[15] : i32 from vector<16xi32>
        %add3A_653 = arith.addi %add3A_637, %reduce_sum3A_652 : i32
        %get3A_654 = arith.constant 64 : index
        %get3A_655 = tpu.vector_load %arg10[%get3A_654] {strides = array<i32>} : memref<128xi32, #tpu.memory_space<vmem>>, vector<16xi32>,
        %ge3A_656 = arith.constant 1073741824 : i32
        %ge3A_657 = vector.broadcast %ge3A_656 : i32 to vector<16xi32>
        %ge3A_658 = arith.cmpi sge, %get3A_655, %ge3A_657 : vector<16xi32>
        %add3A_659 = arith.constant 64 : i32
        %add3A_660 = vector.broadcast %add3A_659 : i32 to vector<16xi32>
        %add3A_661 = arith.addi %iota3A, %add3A_660 : vector<16xi32>
        %swap3A_662 = arith.index_cast %add3A_653 : i32 to index
        %swap3A_663 = tpu.vector_load %arg16[%swap3A_662] masked %ge3A_658 {strides = array<i32>} : memref<128xi32, #tpu.memory_space<vmem>>, vector<16xi32>, vector<16xi1>
        tpu.vector_store %arg16[%swap3A_662], %add3A_661 masked %ge3A_658 {strides = array<i32>} : memref<128xi32, #tpu.memory_space<vmem>>, vector<16xi32>, vector<16xi1>
        %convert_element_type3A_664 = arith.extui %ge3A_658 : vector<16xi1> to vector<16xi32>
        %reduce_sum3A_665 = arith.constant true
        %reduce_sum3A_666 = vector.broadcast %reduce_sum3A_665 : i1 to vector<16xi1>
        %reduce_sum3A_667 = tpu.scan <sum>, %convert_element_type3A_664 masked %reduce_sum3A_666 : vector<16xi32>, vector<16xi1> -> vector<16xi32>
        %reduce_sum3A_668 = vector.extract %reduce_sum3A_667[15] : i32 from vector<16xi32>
        %add3A_669 = arith.addi %add3A_653, %reduce_sum3A_668 : i32
        %get3A_670 = arith.constant 80 : index
        %get3A_671 = tpu.vector_load %arg10[%get3A_670] {strides = array<i32>} : memref<128xi32, #tpu.memory_space<vmem>>, vector<16xi32>,
        %ge3A_672 = arith.constant 1073741824 : i32
        %ge3A_673 = vector.broadcast %ge3A_672 : i32 to vector<16xi32>
        %ge3A_674 = arith.cmpi sge, %get3A_671, %ge3A_673 : vector<16xi32>
        %add3A_675 = arith.constant 80 : i32
        %add3A_676 = vector.broadcast %add3A_675 : i32 to vector<16xi32>
        %add3A_677 = arith.addi %iota3A, %add3A_676 : vector<16xi32>
        %swap3A_678 = arith.index_cast %add3A_669 : i32 to index
        %swap3A_679 = tpu.vector_load %arg16[%swap3A_678] masked %ge3A_674 {strides = array<i32>} : memref<128xi32, #tpu.memory_space<vmem>>, vector<16xi32>, vector<16xi1>
        tpu.vector_store %arg16[%swap3A_678], %add3A_677 masked %ge3A_674 {strides = array<i32>} : memref<128xi32, #tpu.memory_space<vmem>>, vector<16xi32>, vector<16xi1>
        %convert_element_type3A_680 = arith.extui %ge3A_674 : vector<16xi1> to vector<16xi32>
        %reduce_sum3A_681 = arith.constant true
        %reduce_sum3A_682 = vector.broadcast %reduce_sum3A_681 : i1 to vector<16xi1>
        %reduce_sum3A_683 = tpu.scan <sum>, %convert_element_type3A_680 masked %reduce_sum3A_682 : vector<16xi32>, vector<16xi1> -> vector<16xi32>
        %reduce_sum3A_684 = vector.extract %reduce_sum3A_683[15] : i32 from vector<16xi32>
        %add3A_685 = arith.addi %add3A_669, %reduce_sum3A_684 : i32
        %get3A_686 = arith.constant 96 : index
        %get3A_687 = tpu.vector_load %arg10[%get3A_686] {strides = array<i32>} : memref<128xi32, #tpu.memory_space<vmem>>, vector<16xi32>,
        %ge3A_688 = arith.constant 1073741824 : i32
        %ge3A_689 = vector.broadcast %ge3A_688 : i32 to vector<16xi32>
        %ge3A_690 = arith.cmpi sge, %get3A_687, %ge3A_689 : vector<16xi32>
        %add3A_691 = arith.constant 96 : i32
        %add3A_692 = vector.broadcast %add3A_691 : i32 to vector<16xi32>
        %add3A_693 = arith.addi %iota3A, %add3A_692 : vector<16xi32>
        %swap3A_694 = arith.index_cast %add3A_685 : i32 to index
        %swap3A_695 = tpu.vector_load %arg16[%swap3A_694] masked %ge3A_690 {strides = array<i32>} : memref<128xi32, #tpu.memory_space<vmem>>, vector<16xi32>, vector<16xi1>
        tpu.vector_store %arg16[%swap3A_694], %add3A_693 masked %ge3A_690 {strides = array<i32>} : memref<128xi32, #tpu.memory_space<vmem>>, vector<16xi32>, vector<16xi1>
        %convert_element_type3A_696 = arith.extui %ge3A_690 : vector<16xi1> to vector<16xi32>
        %reduce_sum3A_697 = arith.constant true
        %reduce_sum3A_698 = vector.broadcast %reduce_sum3A_697 : i1 to vector<16xi1>
        %reduce_sum3A_699 = tpu.scan <sum>, %convert_element_type3A_696 masked %reduce_sum3A_698 : vector<16xi32>, vector<16xi1> -> vector<16xi32>
        %reduce_sum3A_700 = vector.extract %reduce_sum3A_699[15] : i32 from vector<16xi32>
        %add3A_701 = arith.addi %add3A_685, %reduce_sum3A_700 : i32
        %get3A_702 = arith.constant 112 : index
        %get3A_703 = tpu.vector_load %arg10[%get3A_702] {strides = array<i32>} : memref<128xi32, #tpu.memory_space<vmem>>, vector<16xi32>,
        %ge3A_704 = arith.constant 1073741824 : i32
        %ge3A_705 = vector.broadcast %ge3A_704 : i32 to vector<16xi32>
        %ge3A_706 = arith.cmpi sge, %get3A_703, %ge3A_705 : vector<16xi32>
        %add3A_707 = arith.constant 112 : i32
        %add3A_708 = vector.broadcast %add3A_707 : i32 to vector<16xi32>
        %add3A_709 = arith.addi %iota3A, %add3A_708 : vector<16xi32>
        %swap3A_710 = arith.index_cast %add3A_701 : i32 to index
        %swap3A_711 = tpu.vector_load %arg16[%swap3A_710] masked %ge3A_706 {strides = array<i32>} : memref<128xi32, #tpu.memory_space<vmem>>, vector<16xi32>, vector<16xi1>
        tpu.vector_store %arg16[%swap3A_710], %add3A_709 masked %ge3A_706 {strides = array<i32>} : memref<128xi32, #tpu.memory_space<vmem>>, vector<16xi32>, vector<16xi1>
        %convert_element_type3A_712 = arith.extui %ge3A_706 : vector<16xi1> to vector<16xi32>
        %reduce_sum3A_713 = arith.constant true
        %reduce_sum3A_714 = vector.broadcast %reduce_sum3A_713 : i1 to vector<16xi1>
        %reduce_sum3A_715 = tpu.scan <sum>, %convert_element_type3A_712 masked %reduce_sum3A_714 : vector<16xi32>, vector<16xi1> -> vector<16xi32>
        %reduce_sum3A_716 = vector.extract %reduce_sum3A_715[15] : i32 from vector<16xi32>
        %add3A_717 = arith.addi %add3A_701, %reduce_sum3A_716 : i32
        scf.yield %add3A_717 : i32
      } else {
        scf.yield %scan3A_569 : i32
      }
      scf.yield %cond3A_573 : i32
    }
    %scan3A_84 = arith.constant 8 : i32
    %add3A_85 = arith.constant 466689008 : i32
    %add3A_86 = arith.constant 1 : i32
    %add3A_87 = arith.addi %add3A_85, %add3A_86 : i32
    %add3A_88 = arith.constant 0 : i32
    %add3A_89 = arith.constant 2 : i32
    %add3A_90 = arith.addi %add3A_88, %add3A_89 : i32
    %add3A_91 = arith.constant 42 : i32
    %add3A_92 = arith.constant 3 : i32
    %add3A_93 = arith.addi %add3A_91, %add3A_92 : i32
    %add3A_94 = arith.constant 466689008 : i32
    %add3A_95 = arith.constant 4 : i32
    %add3A_96 = arith.addi %add3A_94, %add3A_95 : i32
    %add3A_97 = arith.constant 0 : i32
    %add3A_98 = arith.constant 5 : i32
    %add3A_99 = arith.addi %add3A_97, %add3A_98 : i32
    %while3A = arith.constant 0 : i32
    %while3A_100 = arith.constant 0 : i32
    %while3A_101 = arith.constant 42 : i32
    %while3A_102 = arith.constant 466689008 : i32
    %while3A_103 = arith.constant 0 : i32
    %while3A_104 = arith.subi %scan3A_83, %while3A_103 : i32
    %while3A_105 = arith.addi %while3A_103, %while3A_104 : i32
    %while3A_106 = arith.constant 1 : i32
    %while3A_107 = arith.divsi %while3A_104, %while3A_106 : i32
    %while3A_108 = arith.muli %while3A_107, %while3A_106 : i32
    %while3A_109 = arith.addi %while3A_103, %while3A_108 : i32
    %while3A_110 = arith.constant 1 : i32
    scf.for %while3A_568 = %while3A_103 to %while3A_109 step %while3A_110  : i32 {
      %broadcast_in_dim3A_569 = vector.broadcast %while3A_568 : i32 to vector<16xi32>
      %gather3A_570 = tpu.vector_load_idx %arg16[%broadcast_in_dim3A_569] : memref<128xi32, #tpu.memory_space<vmem>>[vector<16xi32>], vector<16xi32>,
      %slice3A = vector.extract_strided_slice %gather3A_570 {offsets = [0], sizes = [1], strides = [1]} : vector<16xi32> to vector<1xi32>
      %squeeze3A = vector.extract %slice3A[0] : i32 from vector<1xi32>
      %add3A_571 = arith.addi %mul3A_2, %squeeze3A : i32
      %broadcast_in_dim3A_572 = vector.broadcast %add3A_571 : i32 to vector<16xi32>
      %gather3A_573 = tpu.vector_load_idx %arg7[%broadcast_in_dim3A_572] : memref<4096xi32, #tpu.memory_space<vmem>>[vector<16xi32>], vector<16xi32>,
      %mul3A_574 = arith.constant 4096 : i32
      %mul3A_575 = arith.muli %add3A_571, %mul3A_574 : i32
      %broadcast_in_dim3A_576 = arith.constant -1 : i32
      %broadcast_in_dim3A_577 = vector.broadcast %broadcast_in_dim3A_576 : i32 to vector<16xi32>
      %broadcast_in_dim3A_578 = arith.constant 4096 : i32
      %broadcast_in_dim3A_579 = vector.broadcast %broadcast_in_dim3A_578 : i32 to vector<16xi32>
      %scan3A_580 = arith.constant 0 : i32
      %scan3A_581 = arith.constant 256 : i32
      %scan3A_582 = arith.addi %scan3A_580, %scan3A_581 : i32
      %scan3A_583 = arith.constant 1 : i32
      %scan3A_584:2 = scf.for %scan3A_610 = %scan3A_580 to %scan3A_582 step %scan3A_583 iter_args(%scan3A_611 = %broadcast_in_dim3A_577, %scan3A_612 = %broadcast_in_dim3A_579) -> (vector<16xi32>, vector<16xi32>)  : i32 {
        %mul3A_613 = arith.constant 16 : i32
        %mul3A_614 = arith.muli %scan3A_610, %mul3A_613 : i32
        %add3A_615 = vector.broadcast %mul3A_614 : i32 to vector<16xi32>
        %add3A_616 = arith.addi %iota3A, %add3A_615 : vector<16xi32>
        %gather3A_617 = tpu.vector_load_idx %arg7[%add3A_616] : memref<4096xi32, #tpu.memory_space<vmem>>[vector<16xi32>], vector<16xi32>,
        %eq3A_618 = arith.cmpi eq, %gather3A_617, %gather3A_573 : vector<16xi32>
        %ne3A = vector.broadcast %add3A_571 : i32 to vector<16xi32>
        %ne3A_619 = arith.cmpi ne, %add3A_616, %ne3A : vector<16xi32>
        %and3A_620 = arith.andi %eq3A_618, %ne3A_619 : vector<16xi1>
        %broadcast_in_dim3A_621 = arith.constant 0 : i32
        %broadcast_in_dim3A_622 = vector.broadcast %broadcast_in_dim3A_621 : i32 to vector<16xi32>
        %add3A_623 = vector.broadcast %while3A_100 : i32 to vector<16xi32>
        %add3A_624 = arith.addi %add3A_623, %broadcast_in_dim3A_622 : vector<16xi32>
        %add3A_625 = arith.addi %while3A_101, %mul3A_575 : i32
        %add3A_626 = vector.broadcast %add3A_625 : i32 to vector<16xi32>
        %add3A_627 = arith.addi %add3A_626, %add3A_616 : vector<16xi32>
        %add3A_628 = arith.addi %add3A_624, %add3A_627 : vector<16xi32>
        %shift_left3A = arith.constant 13 : i32
        %shift_left3A_629 = vector.broadcast %shift_left3A : i32 to vector<16xi32>
        %shift_left3A_630 = arith.shli %add3A_627, %shift_left3A_629 : vector<16xi32>
        %shift_right_logical3A = arith.constant 19 : i32
        %shift_right_logical3A_631 = vector.broadcast %shift_right_logical3A : i32 to vector<16xi32>
        %shift_right_logical3A_632 = arith.shrui %add3A_627, %shift_right_logical3A_631 : vector<16xi32>
        %or3A = arith.ori %shift_left3A_630, %shift_right_logical3A_632 : vector<16xi32>
        %xor3A = arith.xori %or3A, %add3A_628 : vector<16xi32>
        %add3A_633 = arith.addi %add3A_628, %xor3A : vector<16xi32>
        %shift_left3A_634 = arith.constant 15 : i32
        %shift_left3A_635 = vector.broadcast %shift_left3A_634 : i32 to vector<16xi32>
        %shift_left3A_636 = arith.shli %xor3A, %shift_left3A_635 : vector<16xi32>
        %shift_right_logical3A_637 = arith.constant 17 : i32
        %shift_right_logical3A_638 = vector.broadcast %shift_right_logical3A_637 : i32 to vector<16xi32>
        %shift_right_logical3A_639 = arith.shrui %xor3A, %shift_right_logical3A_638 : vector<16xi32>
        %or3A_640 = arith.ori %shift_left3A_636, %shift_right_logical3A_639 : vector<16xi32>
        %xor3A_641 = arith.xori %or3A_640, %add3A_633 : vector<16xi32>
        %add3A_642 = arith.addi %add3A_633, %xor3A_641 : vector<16xi32>
        %shift_left3A_643 = arith.constant 26 : i32
        %shift_left3A_644 = vector.broadcast %shift_left3A_643 : i32 to vector<16xi32>
        %shift_left3A_645 = arith.shli %xor3A_641, %shift_left3A_644 : vector<16xi32>
        %shift_right_logical3A_646 = arith.constant 6 : i32
        %shift_right_logical3A_647 = vector.broadcast %shift_right_logical3A_646 : i32 to vector<16xi32>
        %shift_right_logical3A_648 = arith.shrui %xor3A_641, %shift_right_logical3A_647 : vector<16xi32>
        %or3A_649 = arith.ori %shift_left3A_645, %shift_right_logical3A_648 : vector<16xi32>
        %xor3A_650 = arith.xori %or3A_649, %add3A_642 : vector<16xi32>
        %add3A_651 = arith.addi %add3A_642, %xor3A_650 : vector<16xi32>
        %shift_left3A_652 = arith.constant 6 : i32
        %shift_left3A_653 = vector.broadcast %shift_left3A_652 : i32 to vector<16xi32>
        %shift_left3A_654 = arith.shli %xor3A_650, %shift_left3A_653 : vector<16xi32>
        %shift_right_logical3A_655 = arith.constant 26 : i32
        %shift_right_logical3A_656 = vector.broadcast %shift_right_logical3A_655 : i32 to vector<16xi32>
        %shift_right_logical3A_657 = arith.shrui %xor3A_650, %shift_right_logical3A_656 : vector<16xi32>
        %or3A_658 = arith.ori %shift_left3A_654, %shift_right_logical3A_657 : vector<16xi32>
        %xor3A_659 = arith.xori %or3A_658, %add3A_651 : vector<16xi32>
        %add3A_660 = vector.broadcast %while3A_101 : i32 to vector<16xi32>
        %add3A_661 = arith.addi %add3A_651, %add3A_660 : vector<16xi32>
        %add3A_662 = vector.broadcast %add3A_87 : i32 to vector<16xi32>
        %add3A_663 = arith.addi %xor3A_659, %add3A_662 : vector<16xi32>
        %add3A_664 = arith.addi %add3A_661, %add3A_663 : vector<16xi32>
        %shift_left3A_665 = arith.constant 17 : i32
        %shift_left3A_666 = vector.broadcast %shift_left3A_665 : i32 to vector<16xi32>
        %shift_left3A_667 = arith.shli %add3A_663, %shift_left3A_666 : vector<16xi32>
        %shift_right_logical3A_668 = arith.constant 15 : i32
        %shift_right_logical3A_669 = vector.broadcast %shift_right_logical3A_668 : i32 to vector<16xi32>
        %shift_right_logical3A_670 = arith.shrui %add3A_663, %shift_right_logical3A_669 : vector<16xi32>
        %or3A_671 = arith.ori %shift_left3A_667, %shift_right_logical3A_670 : vector<16xi32>
        %xor3A_672 = arith.xori %or3A_671, %add3A_664 : vector<16xi32>
        %add3A_673 = arith.addi %add3A_664, %xor3A_672 : vector<16xi32>
        %shift_left3A_674 = arith.constant 29 : i32
        %shift_left3A_675 = vector.broadcast %shift_left3A_674 : i32 to vector<16xi32>
        %shift_left3A_676 = arith.shli %xor3A_672, %shift_left3A_675 : vector<16xi32>
        %shift_right_logical3A_677 = arith.constant 3 : i32
        %shift_right_logical3A_678 = vector.broadcast %shift_right_logical3A_677 : i32 to vector<16xi32>
        %shift_right_logical3A_679 = arith.shrui %xor3A_672, %shift_right_logical3A_678 : vector<16xi32>
        %or3A_680 = arith.ori %shift_left3A_676, %shift_right_logical3A_679 : vector<16xi32>
        %xor3A_681 = arith.xori %or3A_680, %add3A_673 : vector<16xi32>
        %add3A_682 = arith.addi %add3A_673, %xor3A_681 : vector<16xi32>
        %shift_left3A_683 = arith.constant 16 : i32
        %shift_left3A_684 = vector.broadcast %shift_left3A_683 : i32 to vector<16xi32>
        %shift_left3A_685 = arith.shli %xor3A_681, %shift_left3A_684 : vector<16xi32>
        %shift_right_logical3A_686 = arith.constant 16 : i32
        %shift_right_logical3A_687 = vector.broadcast %shift_right_logical3A_686 : i32 to vector<16xi32>
        %shift_right_logical3A_688 = arith.shrui %xor3A_681, %shift_right_logical3A_687 : vector<16xi32>
        %or3A_689 = arith.ori %shift_left3A_685, %shift_right_logical3A_688 : vector<16xi32>
        %xor3A_690 = arith.xori %or3A_689, %add3A_682 : vector<16xi32>
        %add3A_691 = arith.addi %add3A_682, %xor3A_690 : vector<16xi32>
        %shift_left3A_692 = arith.constant 24 : i32
        %shift_left3A_693 = vector.broadcast %shift_left3A_692 : i32 to vector<16xi32>
        %shift_left3A_694 = arith.shli %xor3A_690, %shift_left3A_693 : vector<16xi32>
        %shift_right_logical3A_695 = arith.constant 8 : i32
        %shift_right_logical3A_696 = vector.broadcast %shift_right_logical3A_695 : i32 to vector<16xi32>
        %shift_right_logical3A_697 = arith.shrui %xor3A_690, %shift_right_logical3A_696 : vector<16xi32>
        %or3A_698 = arith.ori %shift_left3A_694, %shift_right_logical3A_697 : vector<16xi32>
        %xor3A_699 = arith.xori %or3A_698, %add3A_691 : vector<16xi32>
        %add3A_700 = vector.broadcast %while3A_102 : i32 to vector<16xi32>
        %add3A_701 = arith.addi %add3A_691, %add3A_700 : vector<16xi32>
        %add3A_702 = vector.broadcast %add3A_90 : i32 to vector<16xi32>
        %add3A_703 = arith.addi %xor3A_699, %add3A_702 : vector<16xi32>
        %add3A_704 = arith.addi %add3A_701, %add3A_703 : vector<16xi32>
        %shift_left3A_705 = arith.constant 13 : i32
        %shift_left3A_706 = vector.broadcast %shift_left3A_705 : i32 to vector<16xi32>
        %shift_left3A_707 = arith.shli %add3A_703, %shift_left3A_706 : vector<16xi32>
        %shift_right_logical3A_708 = arith.constant 19 : i32
        %shift_right_logical3A_709 = vector.broadcast %shift_right_logical3A_708 : i32 to vector<16xi32>
        %shift_right_logical3A_710 = arith.shrui %add3A_703, %shift_right_logical3A_709 : vector<16xi32>
        %or3A_711 = arith.ori %shift_left3A_707, %shift_right_logical3A_710 : vector<16xi32>
        %xor3A_712 = arith.xori %or3A_711, %add3A_704 : vector<16xi32>
        %add3A_713 = arith.addi %add3A_704, %xor3A_712 : vector<16xi32>
        %shift_left3A_714 = arith.constant 15 : i32
        %shift_left3A_715 = vector.broadcast %shift_left3A_714 : i32 to vector<16xi32>
        %shift_left3A_716 = arith.shli %xor3A_712, %shift_left3A_715 : vector<16xi32>
        %shift_right_logical3A_717 = arith.constant 17 : i32
        %shift_right_logical3A_718 = vector.broadcast %shift_right_logical3A_717 : i32 to vector<16xi32>
        %shift_right_logical3A_719 = arith.shrui %xor3A_712, %shift_right_logical3A_718 : vector<16xi32>
        %or3A_720 = arith.ori %shift_left3A_716, %shift_right_logical3A_719 : vector<16xi32>
        %xor3A_721 = arith.xori %or3A_720, %add3A_713 : vector<16xi32>
        %add3A_722 = arith.addi %add3A_713, %xor3A_721 : vector<16xi32>
        %shift_left3A_723 = arith.constant 26 : i32
        %shift_left3A_724 = vector.broadcast %shift_left3A_723 : i32 to vector<16xi32>
        %shift_left3A_725 = arith.shli %xor3A_721, %shift_left3A_724 : vector<16xi32>
        %shift_right_logical3A_726 = arith.constant 6 : i32
        %shift_right_logical3A_727 = vector.broadcast %shift_right_logical3A_726 : i32 to vector<16xi32>
        %shift_right_logical3A_728 = arith.shrui %xor3A_721, %shift_right_logical3A_727 : vector<16xi32>
        %or3A_729 = arith.ori %shift_left3A_725, %shift_right_logical3A_728 : vector<16xi32>
        %xor3A_730 = arith.xori %or3A_729, %add3A_722 : vector<16xi32>
        %add3A_731 = arith.addi %add3A_722, %xor3A_730 : vector<16xi32>
        %shift_left3A_732 = arith.constant 6 : i32
        %shift_left3A_733 = vector.broadcast %shift_left3A_732 : i32 to vector<16xi32>
        %shift_left3A_734 = arith.shli %xor3A_730, %shift_left3A_733 : vector<16xi32>
        %shift_right_logical3A_735 = arith.constant 26 : i32
        %shift_right_logical3A_736 = vector.broadcast %shift_right_logical3A_735 : i32 to vector<16xi32>
        %shift_right_logical3A_737 = arith.shrui %xor3A_730, %shift_right_logical3A_736 : vector<16xi32>
        %or3A_738 = arith.ori %shift_left3A_734, %shift_right_logical3A_737 : vector<16xi32>
        %xor3A_739 = arith.xori %or3A_738, %add3A_731 : vector<16xi32>
        %add3A_740 = vector.broadcast %while3A_100 : i32 to vector<16xi32>
        %add3A_741 = arith.addi %add3A_731, %add3A_740 : vector<16xi32>
        %add3A_742 = vector.broadcast %add3A_93 : i32 to vector<16xi32>
        %add3A_743 = arith.addi %xor3A_739, %add3A_742 : vector<16xi32>
        %add3A_744 = arith.addi %add3A_741, %add3A_743 : vector<16xi32>
        %shift_left3A_745 = arith.constant 17 : i32
        %shift_left3A_746 = vector.broadcast %shift_left3A_745 : i32 to vector<16xi32>
        %shift_left3A_747 = arith.shli %add3A_743, %shift_left3A_746 : vector<16xi32>
        %shift_right_logical3A_748 = arith.constant 15 : i32
        %shift_right_logical3A_749 = vector.broadcast %shift_right_logical3A_748 : i32 to vector<16xi32>
        %shift_right_logical3A_750 = arith.shrui %add3A_743, %shift_right_logical3A_749 : vector<16xi32>
        %or3A_751 = arith.ori %shift_left3A_747, %shift_right_logical3A_750 : vector<16xi32>
        %xor3A_752 = arith.xori %or3A_751, %add3A_744 : vector<16xi32>
        %add3A_753 = arith.addi %add3A_744, %xor3A_752 : vector<16xi32>
        %shift_left3A_754 = arith.constant 29 : i32
        %shift_left3A_755 = vector.broadcast %shift_left3A_754 : i32 to vector<16xi32>
        %shift_left3A_756 = arith.shli %xor3A_752, %shift_left3A_755 : vector<16xi32>
        %shift_right_logical3A_757 = arith.constant 3 : i32
        %shift_right_logical3A_758 = vector.broadcast %shift_right_logical3A_757 : i32 to vector<16xi32>
        %shift_right_logical3A_759 = arith.shrui %xor3A_752, %shift_right_logical3A_758 : vector<16xi32>
        %or3A_760 = arith.ori %shift_left3A_756, %shift_right_logical3A_759 : vector<16xi32>
        %xor3A_761 = arith.xori %or3A_760, %add3A_753 : vector<16xi32>
        %add3A_762 = arith.addi %add3A_753, %xor3A_761 : vector<16xi32>
        %shift_left3A_763 = arith.constant 16 : i32
        %shift_left3A_764 = vector.broadcast %shift_left3A_763 : i32 to vector<16xi32>
        %shift_left3A_765 = arith.shli %xor3A_761, %shift_left3A_764 : vector<16xi32>
        %shift_right_logical3A_766 = arith.constant 16 : i32
        %shift_right_logical3A_767 = vector.broadcast %shift_right_logical3A_766 : i32 to vector<16xi32>
        %shift_right_logical3A_768 = arith.shrui %xor3A_761, %shift_right_logical3A_767 : vector<16xi32>
        %or3A_769 = arith.ori %shift_left3A_765, %shift_right_logical3A_768 : vector<16xi32>
        %xor3A_770 = arith.xori %or3A_769, %add3A_762 : vector<16xi32>
        %add3A_771 = arith.addi %add3A_762, %xor3A_770 : vector<16xi32>
        %shift_left3A_772 = arith.constant 24 : i32
        %shift_left3A_773 = vector.broadcast %shift_left3A_772 : i32 to vector<16xi32>
        %shift_left3A_774 = arith.shli %xor3A_770, %shift_left3A_773 : vector<16xi32>
        %shift_right_logical3A_775 = arith.constant 8 : i32
        %shift_right_logical3A_776 = vector.broadcast %shift_right_logical3A_775 : i32 to vector<16xi32>
        %shift_right_logical3A_777 = arith.shrui %xor3A_770, %shift_right_logical3A_776 : vector<16xi32>
        %or3A_778 = arith.ori %shift_left3A_774, %shift_right_logical3A_777 : vector<16xi32>
        %xor3A_779 = arith.xori %or3A_778, %add3A_771 : vector<16xi32>
        %add3A_780 = vector.broadcast %while3A_101 : i32 to vector<16xi32>
        %add3A_781 = arith.addi %add3A_771, %add3A_780 : vector<16xi32>
        %add3A_782 = vector.broadcast %add3A_96 : i32 to vector<16xi32>
        %add3A_783 = arith.addi %xor3A_779, %add3A_782 : vector<16xi32>
        %add3A_784 = arith.addi %add3A_781, %add3A_783 : vector<16xi32>
        %shift_left3A_785 = arith.constant 13 : i32
        %shift_left3A_786 = vector.broadcast %shift_left3A_785 : i32 to vector<16xi32>
        %shift_left3A_787 = arith.shli %add3A_783, %shift_left3A_786 : vector<16xi32>
        %shift_right_logical3A_788 = arith.constant 19 : i32
        %shift_right_logical3A_789 = vector.broadcast %shift_right_logical3A_788 : i32 to vector<16xi32>
        %shift_right_logical3A_790 = arith.shrui %add3A_783, %shift_right_logical3A_789 : vector<16xi32>
        %or3A_791 = arith.ori %shift_left3A_787, %shift_right_logical3A_790 : vector<16xi32>
        %xor3A_792 = arith.xori %or3A_791, %add3A_784 : vector<16xi32>
        %add3A_793 = arith.addi %add3A_784, %xor3A_792 : vector<16xi32>
        %shift_left3A_794 = arith.constant 15 : i32
        %shift_left3A_795 = vector.broadcast %shift_left3A_794 : i32 to vector<16xi32>
        %shift_left3A_796 = arith.shli %xor3A_792, %shift_left3A_795 : vector<16xi32>
        %shift_right_logical3A_797 = arith.constant 17 : i32
        %shift_right_logical3A_798 = vector.broadcast %shift_right_logical3A_797 : i32 to vector<16xi32>
        %shift_right_logical3A_799 = arith.shrui %xor3A_792, %shift_right_logical3A_798 : vector<16xi32>
        %or3A_800 = arith.ori %shift_left3A_796, %shift_right_logical3A_799 : vector<16xi32>
        %xor3A_801 = arith.xori %or3A_800, %add3A_793 : vector<16xi32>
        %add3A_802 = arith.addi %add3A_793, %xor3A_801 : vector<16xi32>
        %shift_left3A_803 = arith.constant 26 : i32
        %shift_left3A_804 = vector.broadcast %shift_left3A_803 : i32 to vector<16xi32>
        %shift_left3A_805 = arith.shli %xor3A_801, %shift_left3A_804 : vector<16xi32>
        %shift_right_logical3A_806 = arith.constant 6 : i32
        %shift_right_logical3A_807 = vector.broadcast %shift_right_logical3A_806 : i32 to vector<16xi32>
        %shift_right_logical3A_808 = arith.shrui %xor3A_801, %shift_right_logical3A_807 : vector<16xi32>
        %or3A_809 = arith.ori %shift_left3A_805, %shift_right_logical3A_808 : vector<16xi32>
        %xor3A_810 = arith.xori %or3A_809, %add3A_802 : vector<16xi32>
        %add3A_811 = arith.addi %add3A_802, %xor3A_810 : vector<16xi32>
        %shift_left3A_812 = arith.constant 6 : i32
        %shift_left3A_813 = vector.broadcast %shift_left3A_812 : i32 to vector<16xi32>
        %shift_left3A_814 = arith.shli %xor3A_810, %shift_left3A_813 : vector<16xi32>
        %shift_right_logical3A_815 = arith.constant 26 : i32
        %shift_right_logical3A_816 = vector.broadcast %shift_right_logical3A_815 : i32 to vector<16xi32>
        %shift_right_logical3A_817 = arith.shrui %xor3A_810, %shift_right_logical3A_816 : vector<16xi32>
        %or3A_818 = arith.ori %shift_left3A_814, %shift_right_logical3A_817 : vector<16xi32>
        %xor3A_819 = arith.xori %or3A_818, %add3A_811 : vector<16xi32>
        %add3A_820 = vector.broadcast %while3A_102 : i32 to vector<16xi32>
        %add3A_821 = arith.addi %add3A_811, %add3A_820 : vector<16xi32>
        %add3A_822 = vector.broadcast %add3A_99 : i32 to vector<16xi32>
        %add3A_823 = arith.addi %xor3A_819, %add3A_822 : vector<16xi32>
        %xor3A_824 = arith.xori %add3A_821, %add3A_823 : vector<16xi32>
        %shift_right_logical3A_825 = arith.constant 9 : i32
        %shift_right_logical3A_826 = vector.broadcast %shift_right_logical3A_825 : i32 to vector<16xi32>
        %shift_right_logical3A_827 = arith.shrui %xor3A_824, %shift_right_logical3A_826 : vector<16xi32>
        %jit3A_828 = arith.constant -1 : i32
        %broadcast_in_dim3A_829 = vector.broadcast %jit3A_828 : i32 to vector<16xi32>
        %select_n3A_830 = arith.select %and3A_620, %shift_right_logical3A_827, %broadcast_in_dim3A_829 : vector<16xi1>, vector<16xi32>
        %gt3A = arith.cmpi sgt, %select_n3A_830, %scan3A_611 : vector<16xi32>
        %eq3A_831 = arith.cmpi eq, %select_n3A_830, %scan3A_611 : vector<16xi32>
        %lt3A = arith.cmpi slt, %add3A_616, %scan3A_612 : vector<16xi32>
        %and3A_832 = arith.andi %eq3A_831, %lt3A : vector<16xi1>
        %or3A_833 = arith.ori %gt3A, %and3A_832 : vector<16xi1>
        %select_n3A_834 = arith.select %or3A_833, %select_n3A_830, %scan3A_611 : vector<16xi1>, vector<16xi32>
        %select_n3A_835 = arith.select %or3A_833, %add3A_616, %scan3A_612 : vector<16xi1>, vector<16xi32>
        scf.yield %select_n3A_834, %select_n3A_835 : vector<16xi32>, vector<16xi32>
      }
      %scan3A_585 = arith.constant 256 : i32
      %reduce_max3A = arith.constant true
      %reduce_max3A_586 = vector.broadcast %reduce_max3A : i1 to vector<16xi1>
      %reduce_max3A_587 = arith.constant -2147483648 : i32
      %reduce_max3A_588 = vector.broadcast %reduce_max3A_587 : i32 to vector<16xi32>
      %reduce_max3A_589 = arith.xori %scan3A_584#0, %reduce_max3A_588 : vector<16xi32>
      %reduce_max3A_590 = tpu.scan <max>, %reduce_max3A_589 masked %reduce_max3A_586 : vector<16xi32>, vector<16xi1> -> vector<16xi32>
      %reduce_max3A_591 = arith.xori %reduce_max3A_590, %reduce_max3A_588 : vector<16xi32>
      %reduce_max3A_592 = vector.extract %reduce_max3A_591[15] : i32 from vector<16xi32>
      %eq3A_593 = vector.broadcast %reduce_max3A_592 : i32 to vector<16xi32>
      %eq3A_594 = arith.cmpi eq, %scan3A_584#0, %eq3A_593 : vector<16xi32>
      %jit3A_595 = arith.constant 4096 : i32
      %broadcast_in_dim3A_596 = vector.broadcast %jit3A_595 : i32 to vector<16xi32>
      %select_n3A_597 = arith.select %eq3A_594, %scan3A_584#1, %broadcast_in_dim3A_596 : vector<16xi1>, vector<16xi32>
      %reduce_min3A = arith.constant true
      %reduce_min3A_598 = vector.broadcast %reduce_min3A : i1 to vector<16xi1>
      %reduce_min3A_599 = arith.constant -2147483648 : i32
      %reduce_min3A_600 = vector.broadcast %reduce_min3A_599 : i32 to vector<16xi32>
      %reduce_min3A_601 = arith.xori %select_n3A_597, %reduce_min3A_600 : vector<16xi32>
      %reduce_min3A_602 = tpu.scan <min>, %reduce_min3A_601 masked %reduce_min3A_598 : vector<16xi32>, vector<16xi1> -> vector<16xi32>
      %reduce_min3A_603 = arith.xori %reduce_min3A_602, %reduce_min3A_600 : vector<16xi32>
      %reduce_min3A_604 = vector.extract %reduce_min3A_603[15] : i32 from vector<16xi32>
      %ge3A = arith.constant 0 : i32
      %ge3A_605 = arith.cmpi sge, %reduce_max3A_592, %ge3A : i32
      %jit3A_606 = arith.constant 1073741824 : i32
      %select_n3A_607 = arith.select %ge3A_605, %reduce_min3A_604, %jit3A_606 : i32
      %broadcast_in_dim3A_608 = vector.broadcast %squeeze3A : i32 to vector<16xi32>
      %broadcast_in_dim3A_609 = vector.broadcast %select_n3A_607 : i32 to vector<16xi32>
      tpu.vector_store_idx %arg10[%broadcast_in_dim3A_608], %broadcast_in_dim3A_609 masked %eq3A_38 : memref<128xi32, #tpu.memory_space<vmem>>[vector<16xi32>], vector<16xi32>, vector<16xi1>
    }
    %while3A_111 = arith.constant 1 : i32
    scf.for %while3A_568 = %while3A_109 to %while3A_105 step %while3A_111  : i32 {
      %broadcast_in_dim3A_569 = vector.broadcast %while3A_568 : i32 to vector<16xi32>
      %gather3A_570 = tpu.vector_load_idx %arg16[%broadcast_in_dim3A_569] : memref<128xi32, #tpu.memory_space<vmem>>[vector<16xi32>], vector<16xi32>,
      %slice3A = vector.extract_strided_slice %gather3A_570 {offsets = [0], sizes = [1], strides = [1]} : vector<16xi32> to vector<1xi32>
      %squeeze3A = vector.extract %slice3A[0] : i32 from vector<1xi32>
      %add3A_571 = arith.addi %mul3A_2, %squeeze3A : i32
      %broadcast_in_dim3A_572 = vector.broadcast %add3A_571 : i32 to vector<16xi32>
      %gather3A_573 = tpu.vector_load_idx %arg7[%broadcast_in_dim3A_572] : memref<4096xi32, #tpu.memory_space<vmem>>[vector<16xi32>], vector<16xi32>,
      %mul3A_574 = arith.constant 4096 : i32
      %mul3A_575 = arith.muli %add3A_571, %mul3A_574 : i32
      %broadcast_in_dim3A_576 = arith.constant -1 : i32
      %broadcast_in_dim3A_577 = vector.broadcast %broadcast_in_dim3A_576 : i32 to vector<16xi32>
      %broadcast_in_dim3A_578 = arith.constant 4096 : i32
      %broadcast_in_dim3A_579 = vector.broadcast %broadcast_in_dim3A_578 : i32 to vector<16xi32>
      %scan3A_580 = arith.constant 0 : i32
      %scan3A_581 = arith.constant 256 : i32
      %scan3A_582 = arith.addi %scan3A_580, %scan3A_581 : i32
      %scan3A_583 = arith.constant 1 : i32
      %scan3A_584:2 = scf.for %scan3A_610 = %scan3A_580 to %scan3A_582 step %scan3A_583 iter_args(%scan3A_611 = %broadcast_in_dim3A_577, %scan3A_612 = %broadcast_in_dim3A_579) -> (vector<16xi32>, vector<16xi32>)  : i32 {
        %mul3A_613 = arith.constant 16 : i32
        %mul3A_614 = arith.muli %scan3A_610, %mul3A_613 : i32
        %add3A_615 = vector.broadcast %mul3A_614 : i32 to vector<16xi32>
        %add3A_616 = arith.addi %iota3A, %add3A_615 : vector<16xi32>
        %gather3A_617 = tpu.vector_load_idx %arg7[%add3A_616] : memref<4096xi32, #tpu.memory_space<vmem>>[vector<16xi32>], vector<16xi32>,
        %eq3A_618 = arith.cmpi eq, %gather3A_617, %gather3A_573 : vector<16xi32>
        %ne3A = vector.broadcast %add3A_571 : i32 to vector<16xi32>
        %ne3A_619 = arith.cmpi ne, %add3A_616, %ne3A : vector<16xi32>
        %and3A_620 = arith.andi %eq3A_618, %ne3A_619 : vector<16xi1>
        %broadcast_in_dim3A_621 = arith.constant 0 : i32
        %broadcast_in_dim3A_622 = vector.broadcast %broadcast_in_dim3A_621 : i32 to vector<16xi32>
        %add3A_623 = vector.broadcast %while3A_100 : i32 to vector<16xi32>
        %add3A_624 = arith.addi %add3A_623, %broadcast_in_dim3A_622 : vector<16xi32>
        %add3A_625 = arith.addi %while3A_101, %mul3A_575 : i32
        %add3A_626 = vector.broadcast %add3A_625 : i32 to vector<16xi32>
        %add3A_627 = arith.addi %add3A_626, %add3A_616 : vector<16xi32>
        %add3A_628 = arith.addi %add3A_624, %add3A_627 : vector<16xi32>
        %shift_left3A = arith.constant 13 : i32
        %shift_left3A_629 = vector.broadcast %shift_left3A : i32 to vector<16xi32>
        %shift_left3A_630 = arith.shli %add3A_627, %shift_left3A_629 : vector<16xi32>
        %shift_right_logical3A = arith.constant 19 : i32
        %shift_right_logical3A_631 = vector.broadcast %shift_right_logical3A : i32 to vector<16xi32>
        %shift_right_logical3A_632 = arith.shrui %add3A_627, %shift_right_logical3A_631 : vector<16xi32>
        %or3A = arith.ori %shift_left3A_630, %shift_right_logical3A_632 : vector<16xi32>
        %xor3A = arith.xori %or3A, %add3A_628 : vector<16xi32>
        %add3A_633 = arith.addi %add3A_628, %xor3A : vector<16xi32>
        %shift_left3A_634 = arith.constant 15 : i32
        %shift_left3A_635 = vector.broadcast %shift_left3A_634 : i32 to vector<16xi32>
        %shift_left3A_636 = arith.shli %xor3A, %shift_left3A_635 : vector<16xi32>
        %shift_right_logical3A_637 = arith.constant 17 : i32
        %shift_right_logical3A_638 = vector.broadcast %shift_right_logical3A_637 : i32 to vector<16xi32>
        %shift_right_logical3A_639 = arith.shrui %xor3A, %shift_right_logical3A_638 : vector<16xi32>
        %or3A_640 = arith.ori %shift_left3A_636, %shift_right_logical3A_639 : vector<16xi32>
        %xor3A_641 = arith.xori %or3A_640, %add3A_633 : vector<16xi32>
        %add3A_642 = arith.addi %add3A_633, %xor3A_641 : vector<16xi32>
        %shift_left3A_643 = arith.constant 26 : i32
        %shift_left3A_644 = vector.broadcast %shift_left3A_643 : i32 to vector<16xi32>
        %shift_left3A_645 = arith.shli %xor3A_641, %shift_left3A_644 : vector<16xi32>
        %shift_right_logical3A_646 = arith.constant 6 : i32
        %shift_right_logical3A_647 = vector.broadcast %shift_right_logical3A_646 : i32 to vector<16xi32>
        %shift_right_logical3A_648 = arith.shrui %xor3A_641, %shift_right_logical3A_647 : vector<16xi32>
        %or3A_649 = arith.ori %shift_left3A_645, %shift_right_logical3A_648 : vector<16xi32>
        %xor3A_650 = arith.xori %or3A_649, %add3A_642 : vector<16xi32>
        %add3A_651 = arith.addi %add3A_642, %xor3A_650 : vector<16xi32>
        %shift_left3A_652 = arith.constant 6 : i32
        %shift_left3A_653 = vector.broadcast %shift_left3A_652 : i32 to vector<16xi32>
        %shift_left3A_654 = arith.shli %xor3A_650, %shift_left3A_653 : vector<16xi32>
        %shift_right_logical3A_655 = arith.constant 26 : i32
        %shift_right_logical3A_656 = vector.broadcast %shift_right_logical3A_655 : i32 to vector<16xi32>
        %shift_right_logical3A_657 = arith.shrui %xor3A_650, %shift_right_logical3A_656 : vector<16xi32>
        %or3A_658 = arith.ori %shift_left3A_654, %shift_right_logical3A_657 : vector<16xi32>
        %xor3A_659 = arith.xori %or3A_658, %add3A_651 : vector<16xi32>
        %add3A_660 = vector.broadcast %while3A_101 : i32 to vector<16xi32>
        %add3A_661 = arith.addi %add3A_651, %add3A_660 : vector<16xi32>
        %add3A_662 = vector.broadcast %add3A_87 : i32 to vector<16xi32>
        %add3A_663 = arith.addi %xor3A_659, %add3A_662 : vector<16xi32>
        %add3A_664 = arith.addi %add3A_661, %add3A_663 : vector<16xi32>
        %shift_left3A_665 = arith.constant 17 : i32
        %shift_left3A_666 = vector.broadcast %shift_left3A_665 : i32 to vector<16xi32>
        %shift_left3A_667 = arith.shli %add3A_663, %shift_left3A_666 : vector<16xi32>
        %shift_right_logical3A_668 = arith.constant 15 : i32
        %shift_right_logical3A_669 = vector.broadcast %shift_right_logical3A_668 : i32 to vector<16xi32>
        %shift_right_logical3A_670 = arith.shrui %add3A_663, %shift_right_logical3A_669 : vector<16xi32>
        %or3A_671 = arith.ori %shift_left3A_667, %shift_right_logical3A_670 : vector<16xi32>
        %xor3A_672 = arith.xori %or3A_671, %add3A_664 : vector<16xi32>
        %add3A_673 = arith.addi %add3A_664, %xor3A_672 : vector<16xi32>
        %shift_left3A_674 = arith.constant 29 : i32
        %shift_left3A_675 = vector.broadcast %shift_left3A_674 : i32 to vector<16xi32>
        %shift_left3A_676 = arith.shli %xor3A_672, %shift_left3A_675 : vector<16xi32>
        %shift_right_logical3A_677 = arith.constant 3 : i32
        %shift_right_logical3A_678 = vector.broadcast %shift_right_logical3A_677 : i32 to vector<16xi32>
        %shift_right_logical3A_679 = arith.shrui %xor3A_672, %shift_right_logical3A_678 : vector<16xi32>
        %or3A_680 = arith.ori %shift_left3A_676, %shift_right_logical3A_679 : vector<16xi32>
        %xor3A_681 = arith.xori %or3A_680, %add3A_673 : vector<16xi32>
        %add3A_682 = arith.addi %add3A_673, %xor3A_681 : vector<16xi32>
        %shift_left3A_683 = arith.constant 16 : i32
        %shift_left3A_684 = vector.broadcast %shift_left3A_683 : i32 to vector<16xi32>
        %shift_left3A_685 = arith.shli %xor3A_681, %shift_left3A_684 : vector<16xi32>
        %shift_right_logical3A_686 = arith.constant 16 : i32
        %shift_right_logical3A_687 = vector.broadcast %shift_right_logical3A_686 : i32 to vector<16xi32>
        %shift_right_logical3A_688 = arith.shrui %xor3A_681, %shift_right_logical3A_687 : vector<16xi32>
        %or3A_689 = arith.ori %shift_left3A_685, %shift_right_logical3A_688 : vector<16xi32>
        %xor3A_690 = arith.xori %or3A_689, %add3A_682 : vector<16xi32>
        %add3A_691 = arith.addi %add3A_682, %xor3A_690 : vector<16xi32>
        %shift_left3A_692 = arith.constant 24 : i32
        %shift_left3A_693 = vector.broadcast %shift_left3A_692 : i32 to vector<16xi32>
        %shift_left3A_694 = arith.shli %xor3A_690, %shift_left3A_693 : vector<16xi32>
        %shift_right_logical3A_695 = arith.constant 8 : i32
        %shift_right_logical3A_696 = vector.broadcast %shift_right_logical3A_695 : i32 to vector<16xi32>
        %shift_right_logical3A_697 = arith.shrui %xor3A_690, %shift_right_logical3A_696 : vector<16xi32>
        %or3A_698 = arith.ori %shift_left3A_694, %shift_right_logical3A_697 : vector<16xi32>
        %xor3A_699 = arith.xori %or3A_698, %add3A_691 : vector<16xi32>
        %add3A_700 = vector.broadcast %while3A_102 : i32 to vector<16xi32>
        %add3A_701 = arith.addi %add3A_691, %add3A_700 : vector<16xi32>
        %add3A_702 = vector.broadcast %add3A_90 : i32 to vector<16xi32>
        %add3A_703 = arith.addi %xor3A_699, %add3A_702 : vector<16xi32>
        %add3A_704 = arith.addi %add3A_701, %add3A_703 : vector<16xi32>
        %shift_left3A_705 = arith.constant 13 : i32
        %shift_left3A_706 = vector.broadcast %shift_left3A_705 : i32 to vector<16xi32>
        %shift_left3A_707 = arith.shli %add3A_703, %shift_left3A_706 : vector<16xi32>
        %shift_right_logical3A_708 = arith.constant 19 : i32
        %shift_right_logical3A_709 = vector.broadcast %shift_right_logical3A_708 : i32 to vector<16xi32>
        %shift_right_logical3A_710 = arith.shrui %add3A_703, %shift_right_logical3A_709 : vector<16xi32>
        %or3A_711 = arith.ori %shift_left3A_707, %shift_right_logical3A_710 : vector<16xi32>
        %xor3A_712 = arith.xori %or3A_711, %add3A_704 : vector<16xi32>
        %add3A_713 = arith.addi %add3A_704, %xor3A_712 : vector<16xi32>
        %shift_left3A_714 = arith.constant 15 : i32
        %shift_left3A_715 = vector.broadcast %shift_left3A_714 : i32 to vector<16xi32>
        %shift_left3A_716 = arith.shli %xor3A_712, %shift_left3A_715 : vector<16xi32>
        %shift_right_logical3A_717 = arith.constant 17 : i32
        %shift_right_logical3A_718 = vector.broadcast %shift_right_logical3A_717 : i32 to vector<16xi32>
        %shift_right_logical3A_719 = arith.shrui %xor3A_712, %shift_right_logical3A_718 : vector<16xi32>
        %or3A_720 = arith.ori %shift_left3A_716, %shift_right_logical3A_719 : vector<16xi32>
        %xor3A_721 = arith.xori %or3A_720, %add3A_713 : vector<16xi32>
        %add3A_722 = arith.addi %add3A_713, %xor3A_721 : vector<16xi32>
        %shift_left3A_723 = arith.constant 26 : i32
        %shift_left3A_724 = vector.broadcast %shift_left3A_723 : i32 to vector<16xi32>
        %shift_left3A_725 = arith.shli %xor3A_721, %shift_left3A_724 : vector<16xi32>
        %shift_right_logical3A_726 = arith.constant 6 : i32
        %shift_right_logical3A_727 = vector.broadcast %shift_right_logical3A_726 : i32 to vector<16xi32>
        %shift_right_logical3A_728 = arith.shrui %xor3A_721, %shift_right_logical3A_727 : vector<16xi32>
        %or3A_729 = arith.ori %shift_left3A_725, %shift_right_logical3A_728 : vector<16xi32>
        %xor3A_730 = arith.xori %or3A_729, %add3A_722 : vector<16xi32>
        %add3A_731 = arith.addi %add3A_722, %xor3A_730 : vector<16xi32>
        %shift_left3A_732 = arith.constant 6 : i32
        %shift_left3A_733 = vector.broadcast %shift_left3A_732 : i32 to vector<16xi32>
        %shift_left3A_734 = arith.shli %xor3A_730, %shift_left3A_733 : vector<16xi32>
        %shift_right_logical3A_735 = arith.constant 26 : i32
        %shift_right_logical3A_736 = vector.broadcast %shift_right_logical3A_735 : i32 to vector<16xi32>
        %shift_right_logical3A_737 = arith.shrui %xor3A_730, %shift_right_logical3A_736 : vector<16xi32>
        %or3A_738 = arith.ori %shift_left3A_734, %shift_right_logical3A_737 : vector<16xi32>
        %xor3A_739 = arith.xori %or3A_738, %add3A_731 : vector<16xi32>
        %add3A_740 = vector.broadcast %while3A_100 : i32 to vector<16xi32>
        %add3A_741 = arith.addi %add3A_731, %add3A_740 : vector<16xi32>
        %add3A_742 = vector.broadcast %add3A_93 : i32 to vector<16xi32>
        %add3A_743 = arith.addi %xor3A_739, %add3A_742 : vector<16xi32>
        %add3A_744 = arith.addi %add3A_741, %add3A_743 : vector<16xi32>
        %shift_left3A_745 = arith.constant 17 : i32
        %shift_left3A_746 = vector.broadcast %shift_left3A_745 : i32 to vector<16xi32>
        %shift_left3A_747 = arith.shli %add3A_743, %shift_left3A_746 : vector<16xi32>
        %shift_right_logical3A_748 = arith.constant 15 : i32
        %shift_right_logical3A_749 = vector.broadcast %shift_right_logical3A_748 : i32 to vector<16xi32>
        %shift_right_logical3A_750 = arith.shrui %add3A_743, %shift_right_logical3A_749 : vector<16xi32>
        %or3A_751 = arith.ori %shift_left3A_747, %shift_right_logical3A_750 : vector<16xi32>
        %xor3A_752 = arith.xori %or3A_751, %add3A_744 : vector<16xi32>
        %add3A_753 = arith.addi %add3A_744, %xor3A_752 : vector<16xi32>
        %shift_left3A_754 = arith.constant 29 : i32
        %shift_left3A_755 = vector.broadcast %shift_left3A_754 : i32 to vector<16xi32>
        %shift_left3A_756 = arith.shli %xor3A_752, %shift_left3A_755 : vector<16xi32>
        %shift_right_logical3A_757 = arith.constant 3 : i32
        %shift_right_logical3A_758 = vector.broadcast %shift_right_logical3A_757 : i32 to vector<16xi32>
        %shift_right_logical3A_759 = arith.shrui %xor3A_752, %shift_right_logical3A_758 : vector<16xi32>
        %or3A_760 = arith.ori %shift_left3A_756, %shift_right_logical3A_759 : vector<16xi32>
        %xor3A_761 = arith.xori %or3A_760, %add3A_753 : vector<16xi32>
        %add3A_762 = arith.addi %add3A_753, %xor3A_761 : vector<16xi32>
        %shift_left3A_763 = arith.constant 16 : i32
        %shift_left3A_764 = vector.broadcast %shift_left3A_763 : i32 to vector<16xi32>
        %shift_left3A_765 = arith.shli %xor3A_761, %shift_left3A_764 : vector<16xi32>
        %shift_right_logical3A_766 = arith.constant 16 : i32
        %shift_right_logical3A_767 = vector.broadcast %shift_right_logical3A_766 : i32 to vector<16xi32>
        %shift_right_logical3A_768 = arith.shrui %xor3A_761, %shift_right_logical3A_767 : vector<16xi32>
        %or3A_769 = arith.ori %shift_left3A_765, %shift_right_logical3A_768 : vector<16xi32>
        %xor3A_770 = arith.xori %or3A_769, %add3A_762 : vector<16xi32>
        %add3A_771 = arith.addi %add3A_762, %xor3A_770 : vector<16xi32>
        %shift_left3A_772 = arith.constant 24 : i32
        %shift_left3A_773 = vector.broadcast %shift_left3A_772 : i32 to vector<16xi32>
        %shift_left3A_774 = arith.shli %xor3A_770, %shift_left3A_773 : vector<16xi32>
        %shift_right_logical3A_775 = arith.constant 8 : i32
        %shift_right_logical3A_776 = vector.broadcast %shift_right_logical3A_775 : i32 to vector<16xi32>
        %shift_right_logical3A_777 = arith.shrui %xor3A_770, %shift_right_logical3A_776 : vector<16xi32>
        %or3A_778 = arith.ori %shift_left3A_774, %shift_right_logical3A_777 : vector<16xi32>
        %xor3A_779 = arith.xori %or3A_778, %add3A_771 : vector<16xi32>
        %add3A_780 = vector.broadcast %while3A_101 : i32 to vector<16xi32>
        %add3A_781 = arith.addi %add3A_771, %add3A_780 : vector<16xi32>
        %add3A_782 = vector.broadcast %add3A_96 : i32 to vector<16xi32>
        %add3A_783 = arith.addi %xor3A_779, %add3A_782 : vector<16xi32>
        %add3A_784 = arith.addi %add3A_781, %add3A_783 : vector<16xi32>
        %shift_left3A_785 = arith.constant 13 : i32
        %shift_left3A_786 = vector.broadcast %shift_left3A_785 : i32 to vector<16xi32>
        %shift_left3A_787 = arith.shli %add3A_783, %shift_left3A_786 : vector<16xi32>
        %shift_right_logical3A_788 = arith.constant 19 : i32
        %shift_right_logical3A_789 = vector.broadcast %shift_right_logical3A_788 : i32 to vector<16xi32>
        %shift_right_logical3A_790 = arith.shrui %add3A_783, %shift_right_logical3A_789 : vector<16xi32>
        %or3A_791 = arith.ori %shift_left3A_787, %shift_right_logical3A_790 : vector<16xi32>
        %xor3A_792 = arith.xori %or3A_791, %add3A_784 : vector<16xi32>
        %add3A_793 = arith.addi %add3A_784, %xor3A_792 : vector<16xi32>
        %shift_left3A_794 = arith.constant 15 : i32
        %shift_left3A_795 = vector.broadcast %shift_left3A_794 : i32 to vector<16xi32>
        %shift_left3A_796 = arith.shli %xor3A_792, %shift_left3A_795 : vector<16xi32>
        %shift_right_logical3A_797 = arith.constant 17 : i32
        %shift_right_logical3A_798 = vector.broadcast %shift_right_logical3A_797 : i32 to vector<16xi32>
        %shift_right_logical3A_799 = arith.shrui %xor3A_792, %shift_right_logical3A_798 : vector<16xi32>
        %or3A_800 = arith.ori %shift_left3A_796, %shift_right_logical3A_799 : vector<16xi32>
        %xor3A_801 = arith.xori %or3A_800, %add3A_793 : vector<16xi32>
        %add3A_802 = arith.addi %add3A_793, %xor3A_801 : vector<16xi32>
        %shift_left3A_803 = arith.constant 26 : i32
        %shift_left3A_804 = vector.broadcast %shift_left3A_803 : i32 to vector<16xi32>
        %shift_left3A_805 = arith.shli %xor3A_801, %shift_left3A_804 : vector<16xi32>
        %shift_right_logical3A_806 = arith.constant 6 : i32
        %shift_right_logical3A_807 = vector.broadcast %shift_right_logical3A_806 : i32 to vector<16xi32>
        %shift_right_logical3A_808 = arith.shrui %xor3A_801, %shift_right_logical3A_807 : vector<16xi32>
        %or3A_809 = arith.ori %shift_left3A_805, %shift_right_logical3A_808 : vector<16xi32>
        %xor3A_810 = arith.xori %or3A_809, %add3A_802 : vector<16xi32>
        %add3A_811 = arith.addi %add3A_802, %xor3A_810 : vector<16xi32>
        %shift_left3A_812 = arith.constant 6 : i32
        %shift_left3A_813 = vector.broadcast %shift_left3A_812 : i32 to vector<16xi32>
        %shift_left3A_814 = arith.shli %xor3A_810, %shift_left3A_813 : vector<16xi32>
        %shift_right_logical3A_815 = arith.constant 26 : i32
        %shift_right_logical3A_816 = vector.broadcast %shift_right_logical3A_815 : i32 to vector<16xi32>
        %shift_right_logical3A_817 = arith.shrui %xor3A_810, %shift_right_logical3A_816 : vector<16xi32>
        %or3A_818 = arith.ori %shift_left3A_814, %shift_right_logical3A_817 : vector<16xi32>
        %xor3A_819 = arith.xori %or3A_818, %add3A_811 : vector<16xi32>
        %add3A_820 = vector.broadcast %while3A_102 : i32 to vector<16xi32>
        %add3A_821 = arith.addi %add3A_811, %add3A_820 : vector<16xi32>
        %add3A_822 = vector.broadcast %add3A_99 : i32 to vector<16xi32>
        %add3A_823 = arith.addi %xor3A_819, %add3A_822 : vector<16xi32>
        %xor3A_824 = arith.xori %add3A_821, %add3A_823 : vector<16xi32>
        %shift_right_logical3A_825 = arith.constant 9 : i32
        %shift_right_logical3A_826 = vector.broadcast %shift_right_logical3A_825 : i32 to vector<16xi32>
        %shift_right_logical3A_827 = arith.shrui %xor3A_824, %shift_right_logical3A_826 : vector<16xi32>
        %jit3A_828 = arith.constant -1 : i32
        %broadcast_in_dim3A_829 = vector.broadcast %jit3A_828 : i32 to vector<16xi32>
        %select_n3A_830 = arith.select %and3A_620, %shift_right_logical3A_827, %broadcast_in_dim3A_829 : vector<16xi1>, vector<16xi32>
        %gt3A = arith.cmpi sgt, %select_n3A_830, %scan3A_611 : vector<16xi32>
        %eq3A_831 = arith.cmpi eq, %select_n3A_830, %scan3A_611 : vector<16xi32>
        %lt3A = arith.cmpi slt, %add3A_616, %scan3A_612 : vector<16xi32>
        %and3A_832 = arith.andi %eq3A_831, %lt3A : vector<16xi1>
        %or3A_833 = arith.ori %gt3A, %and3A_832 : vector<16xi1>
        %select_n3A_834 = arith.select %or3A_833, %select_n3A_830, %scan3A_611 : vector<16xi1>, vector<16xi32>
        %select_n3A_835 = arith.select %or3A_833, %add3A_616, %scan3A_612 : vector<16xi1>, vector<16xi32>
        scf.yield %select_n3A_834, %select_n3A_835 : vector<16xi32>, vector<16xi32>
      }
      %scan3A_585 = arith.constant 256 : i32
      %reduce_max3A = arith.constant true
      %reduce_max3A_586 = vector.broadcast %reduce_max3A : i1 to vector<16xi1>
      %reduce_max3A_587 = arith.constant -2147483648 : i32
      %reduce_max3A_588 = vector.broadcast %reduce_max3A_587 : i32 to vector<16xi32>
      %reduce_max3A_589 = arith.xori %scan3A_584#0, %reduce_max3A_588 : vector<16xi32>
      %reduce_max3A_590 = tpu.scan <max>, %reduce_max3A_589 masked %reduce_max3A_586 : vector<16xi32>, vector<16xi1> -> vector<16xi32>
      %reduce_max3A_591 = arith.xori %reduce_max3A_590, %reduce_max3A_588 : vector<16xi32>
      %reduce_max3A_592 = vector.extract %reduce_max3A_591[15] : i32 from vector<16xi32>
      %eq3A_593 = vector.broadcast %reduce_max3A_592 : i32 to vector<16xi32>
      %eq3A_594 = arith.cmpi eq, %scan3A_584#0, %eq3A_593 : vector<16xi32>
      %jit3A_595 = arith.constant 4096 : i32
      %broadcast_in_dim3A_596 = vector.broadcast %jit3A_595 : i32 to vector<16xi32>
      %select_n3A_597 = arith.select %eq3A_594, %scan3A_584#1, %broadcast_in_dim3A_596 : vector<16xi1>, vector<16xi32>
      %reduce_min3A = arith.constant true
      %reduce_min3A_598 = vector.broadcast %reduce_min3A : i1 to vector<16xi1>
      %reduce_min3A_599 = arith.constant -2147483648 : i32
      %reduce_min3A_600 = vector.broadcast %reduce_min3A_599 : i32 to vector<16xi32>
      %reduce_min3A_601 = arith.xori %select_n3A_597, %reduce_min3A_600 : vector<16xi32>
      %reduce_min3A_602 = tpu.scan <min>, %reduce_min3A_601 masked %reduce_min3A_598 : vector<16xi32>, vector<16xi1> -> vector<16xi32>
      %reduce_min3A_603 = arith.xori %reduce_min3A_602, %reduce_min3A_600 : vector<16xi32>
      %reduce_min3A_604 = vector.extract %reduce_min3A_603[15] : i32 from vector<16xi32>
      %ge3A = arith.constant 0 : i32
      %ge3A_605 = arith.cmpi sge, %reduce_max3A_592, %ge3A : i32
      %jit3A_606 = arith.constant 1073741824 : i32
      %select_n3A_607 = arith.select %ge3A_605, %reduce_min3A_604, %jit3A_606 : i32
      %broadcast_in_dim3A_608 = vector.broadcast %squeeze3A : i32 to vector<16xi32>
      %broadcast_in_dim3A_609 = vector.broadcast %select_n3A_607 : i32 to vector<16xi32>
      tpu.vector_store_idx %arg10[%broadcast_in_dim3A_608], %broadcast_in_dim3A_609 masked %eq3A_38 : memref<128xi32, #tpu.memory_space<vmem>>[vector<16xi32>], vector<16xi32>, vector<16xi1>
    }
    %mul3A_112 = arith.constant 16 : i32
    %mul3A_113 = arith.muli %mul3A_2, %mul3A_112 : i32
    "tpu.region"() ({
      %run_scoped3A = tpu.sem_alloc : memref<!tpu.dma_semaphore, #tpu.memory_space<semaphore_mem>>
      %dma_start3A_568 = tpu.memref_slice %arg3[%mul3A_113] : memref<131072xi32, #tpu.memory_space<hbm>> -> memref<2048xi32, #tpu.memory_space<hbm>>
      %dma_start3A_569 = tpu.memref_slice %arg3[%mul3A_113] : memref<131072xi32, #tpu.memory_space<hbm>> -> memref<2048xi32, #tpu.memory_space<hbm>>
      tpu.enqueue_dma source(%dma_start3A_569 : memref<2048xi32, #tpu.memory_space<hbm>>) target(%arg9 : memref<2048xi32, #tpu.memory_space<vmem>>) target_semaphore(%run_scoped3A : memref<!tpu.dma_semaphore, #tpu.memory_space<semaphore_mem>>)
      %dma_wait3A_570 = tpu.memref_slice %arg3[%mul3A_113] : memref<131072xi32, #tpu.memory_space<hbm>> -> memref<2048xi32, #tpu.memory_space<hbm>>
      %dma_wait3A_571 = tpu.memref_slice %arg3[%mul3A_113] : memref<131072xi32, #tpu.memory_space<hbm>> -> memref<2048xi32, #tpu.memory_space<hbm>>
      tpu.wait_dma2 semaphore(%run_scoped3A : memref<!tpu.dma_semaphore, #tpu.memory_space<semaphore_mem>>) src(%dma_wait3A_571 : memref<2048xi32, #tpu.memory_space<hbm>>) dst(%arg9 : memref<2048xi32, #tpu.memory_space<vmem>>)
      tpu.yield
    }) : () -> ()
    %add3A_114 = arith.constant 0 : i32
    %add3A_115 = vector.broadcast %add3A_114 : i32 to vector<16xi32>
    %add3A_116 = arith.addi %iota3A, %add3A_115 : vector<16xi32>
    %add3A_117 = arith.constant 0 : i32
    %add3A_118 = arith.addi %mul3A_2, %add3A_117 : i32
    %get3A = arith.index_cast %add3A_118 : i32 to index
    %get3A_119 = tpu.vector_load %arg7[%get3A] {strides = array<i32>} : memref<4096xi32, #tpu.memory_space<vmem>>, vector<16xi32>,
    %mul3A_120 = arith.constant 16 : i32
    %mul3A_121 = vector.broadcast %mul3A_120 : i32 to vector<16xi32>
    %mul3A_122 = arith.muli %add3A_116, %mul3A_121 : vector<16xi32>
    %gather3A = tpu.vector_load_idx %arg9[%mul3A_122] : memref<2048xi32, #tpu.memory_space<vmem>>[vector<16xi32>], vector<16xi32>,
    %and3A = arith.constant 65535 : i32
    %and3A_123 = vector.broadcast %and3A : i32 to vector<16xi32>
    %and3A_124 = arith.andi %gather3A, %and3A_123 : vector<16xi32>
    %gather3A_125 = tpu.vector_load_idx %arg7[%and3A_124] : memref<4096xi32, #tpu.memory_space<vmem>>[vector<16xi32>], vector<16xi32>,
    %eq3A_126 = arith.cmpi eq, %gather3A_125, %get3A_119 : vector<16xi32>
    %jit3A = arith.constant 1073741824 : i32
    %broadcast_in_dim3A_127 = vector.broadcast %jit3A : i32 to vector<16xi32>
    %select_n3A = arith.select %eq3A_126, %broadcast_in_dim3A_127, %and3A_124 : vector<16xi1>, vector<16xi32>
    %swap3A_128 = arith.constant 0 : index
    %swap3A_129 = tpu.vector_load %arg11[%swap3A_128] {strides = array<i32>} : memref<128xi32, #tpu.memory_space<vmem>>, vector<16xi32>,
    tpu.vector_store %arg11[%swap3A_128], %select_n3A {strides = array<i32>} : memref<128xi32, #tpu.memory_space<vmem>>, vector<16xi32>,
    %swap3A_130 = arith.constant 0 : i32
    %swap3A_131 = arith.index_cast %swap3A_130 : i32 to index
    %swap3A_132 = tpu.vector_load %arg16[%swap3A_131] masked %eq3A_126 {strides = array<i32>} : memref<128xi32, #tpu.memory_space<vmem>>, vector<16xi32>, vector<16xi1>
    tpu.vector_store %arg16[%swap3A_131], %add3A_116 masked %eq3A_126 {strides = array<i32>} : memref<128xi32, #tpu.memory_space<vmem>>, vector<16xi32>, vector<16xi1>
    %convert_element_type3A = arith.extui %eq3A_126 : vector<16xi1> to vector<16xi32>
    %reduce_sum3A = arith.constant true
    %reduce_sum3A_133 = vector.broadcast %reduce_sum3A : i1 to vector<16xi1>
    %reduce_sum3A_134 = tpu.scan <sum>, %convert_element_type3A masked %reduce_sum3A_133 : vector<16xi32>, vector<16xi1> -> vector<16xi32>
    %reduce_sum3A_135 = vector.extract %reduce_sum3A_134[15] : i32 from vector<16xi32>
    %add3A_136 = arith.constant 0 : i32
    %add3A_137 = arith.addi %add3A_136, %reduce_sum3A_135 : i32
    %add3A_138 = arith.constant 16 : i32
    %add3A_139 = vector.broadcast %add3A_138 : i32 to vector<16xi32>
    %add3A_140 = arith.addi %iota3A, %add3A_139 : vector<16xi32>
    %add3A_141 = arith.constant 16 : i32
    %add3A_142 = arith.addi %mul3A_2, %add3A_141 : i32
    %get3A_143 = arith.index_cast %add3A_142 : i32 to index
    %get3A_144 = tpu.vector_load %arg7[%get3A_143] {strides = array<i32>} : memref<4096xi32, #tpu.memory_space<vmem>>, vector<16xi32>,
    %mul3A_145 = arith.constant 16 : i32
    %mul3A_146 = vector.broadcast %mul3A_145 : i32 to vector<16xi32>
    %mul3A_147 = arith.muli %add3A_140, %mul3A_146 : vector<16xi32>
    %gather3A_148 = tpu.vector_load_idx %arg9[%mul3A_147] : memref<2048xi32, #tpu.memory_space<vmem>>[vector<16xi32>], vector<16xi32>,
    %and3A_149 = arith.constant 65535 : i32
    %and3A_150 = vector.broadcast %and3A_149 : i32 to vector<16xi32>
    %and3A_151 = arith.andi %gather3A_148, %and3A_150 : vector<16xi32>
    %gather3A_152 = tpu.vector_load_idx %arg7[%and3A_151] : memref<4096xi32, #tpu.memory_space<vmem>>[vector<16xi32>], vector<16xi32>,
    %eq3A_153 = arith.cmpi eq, %gather3A_152, %get3A_144 : vector<16xi32>
    %jit3A_154 = arith.constant 1073741824 : i32
    %broadcast_in_dim3A_155 = vector.broadcast %jit3A_154 : i32 to vector<16xi32>
    %select_n3A_156 = arith.select %eq3A_153, %broadcast_in_dim3A_155, %and3A_151 : vector<16xi1>, vector<16xi32>
    %swap3A_157 = arith.constant 16 : index
    %swap3A_158 = tpu.vector_load %arg11[%swap3A_157] {strides = array<i32>} : memref<128xi32, #tpu.memory_space<vmem>>, vector<16xi32>,
    tpu.vector_store %arg11[%swap3A_157], %select_n3A_156 {strides = array<i32>} : memref<128xi32, #tpu.memory_space<vmem>>, vector<16xi32>,
    %swap3A_159 = arith.index_cast %add3A_137 : i32 to index
    %swap3A_160 = tpu.vector_load %arg16[%swap3A_159] masked %eq3A_153 {strides = array<i32>} : memref<128xi32, #tpu.memory_space<vmem>>, vector<16xi32>, vector<16xi1>
    tpu.vector_store %arg16[%swap3A_159], %add3A_140 masked %eq3A_153 {strides = array<i32>} : memref<128xi32, #tpu.memory_space<vmem>>, vector<16xi32>, vector<16xi1>
    %convert_element_type3A_161 = arith.extui %eq3A_153 : vector<16xi1> to vector<16xi32>
    %reduce_sum3A_162 = arith.constant true
    %reduce_sum3A_163 = vector.broadcast %reduce_sum3A_162 : i1 to vector<16xi1>
    %reduce_sum3A_164 = tpu.scan <sum>, %convert_element_type3A_161 masked %reduce_sum3A_163 : vector<16xi32>, vector<16xi1> -> vector<16xi32>
    %reduce_sum3A_165 = vector.extract %reduce_sum3A_164[15] : i32 from vector<16xi32>
    %add3A_166 = arith.addi %add3A_137, %reduce_sum3A_165 : i32
    %add3A_167 = arith.constant 32 : i32
    %add3A_168 = vector.broadcast %add3A_167 : i32 to vector<16xi32>
    %add3A_169 = arith.addi %iota3A, %add3A_168 : vector<16xi32>
    %add3A_170 = arith.constant 32 : i32
    %add3A_171 = arith.addi %mul3A_2, %add3A_170 : i32
    %get3A_172 = arith.index_cast %add3A_171 : i32 to index
    %get3A_173 = tpu.vector_load %arg7[%get3A_172] {strides = array<i32>} : memref<4096xi32, #tpu.memory_space<vmem>>, vector<16xi32>,
    %mul3A_174 = arith.constant 16 : i32
    %mul3A_175 = vector.broadcast %mul3A_174 : i32 to vector<16xi32>
    %mul3A_176 = arith.muli %add3A_169, %mul3A_175 : vector<16xi32>
    %gather3A_177 = tpu.vector_load_idx %arg9[%mul3A_176] : memref<2048xi32, #tpu.memory_space<vmem>>[vector<16xi32>], vector<16xi32>,
    %and3A_178 = arith.constant 65535 : i32
    %and3A_179 = vector.broadcast %and3A_178 : i32 to vector<16xi32>
    %and3A_180 = arith.andi %gather3A_177, %and3A_179 : vector<16xi32>
    %gather3A_181 = tpu.vector_load_idx %arg7[%and3A_180] : memref<4096xi32, #tpu.memory_space<vmem>>[vector<16xi32>], vector<16xi32>,
    %eq3A_182 = arith.cmpi eq, %gather3A_181, %get3A_173 : vector<16xi32>
    %jit3A_183 = arith.constant 1073741824 : i32
    %broadcast_in_dim3A_184 = vector.broadcast %jit3A_183 : i32 to vector<16xi32>
    %select_n3A_185 = arith.select %eq3A_182, %broadcast_in_dim3A_184, %and3A_180 : vector<16xi1>, vector<16xi32>
    %swap3A_186 = arith.constant 32 : index
    %swap3A_187 = tpu.vector_load %arg11[%swap3A_186] {strides = array<i32>} : memref<128xi32, #tpu.memory_space<vmem>>, vector<16xi32>,
    tpu.vector_store %arg11[%swap3A_186], %select_n3A_185 {strides = array<i32>} : memref<128xi32, #tpu.memory_space<vmem>>, vector<16xi32>,
    %swap3A_188 = arith.index_cast %add3A_166 : i32 to index
    %swap3A_189 = tpu.vector_load %arg16[%swap3A_188] masked %eq3A_182 {strides = array<i32>} : memref<128xi32, #tpu.memory_space<vmem>>, vector<16xi32>, vector<16xi1>
    tpu.vector_store %arg16[%swap3A_188], %add3A_169 masked %eq3A_182 {strides = array<i32>} : memref<128xi32, #tpu.memory_space<vmem>>, vector<16xi32>, vector<16xi1>
    %convert_element_type3A_190 = arith.extui %eq3A_182 : vector<16xi1> to vector<16xi32>
    %reduce_sum3A_191 = arith.constant true
    %reduce_sum3A_192 = vector.broadcast %reduce_sum3A_191 : i1 to vector<16xi1>
    %reduce_sum3A_193 = tpu.scan <sum>, %convert_element_type3A_190 masked %reduce_sum3A_192 : vector<16xi32>, vector<16xi1> -> vector<16xi32>
    %reduce_sum3A_194 = vector.extract %reduce_sum3A_193[15] : i32 from vector<16xi32>
    %add3A_195 = arith.addi %add3A_166, %reduce_sum3A_194 : i32
    %add3A_196 = arith.constant 48 : i32
    %add3A_197 = vector.broadcast %add3A_196 : i32 to vector<16xi32>
    %add3A_198 = arith.addi %iota3A, %add3A_197 : vector<16xi32>
    %add3A_199 = arith.constant 48 : i32
    %add3A_200 = arith.addi %mul3A_2, %add3A_199 : i32
    %get3A_201 = arith.index_cast %add3A_200 : i32 to index
    %get3A_202 = tpu.vector_load %arg7[%get3A_201] {strides = array<i32>} : memref<4096xi32, #tpu.memory_space<vmem>>, vector<16xi32>,
    %mul3A_203 = arith.constant 16 : i32
    %mul3A_204 = vector.broadcast %mul3A_203 : i32 to vector<16xi32>
    %mul3A_205 = arith.muli %add3A_198, %mul3A_204 : vector<16xi32>
    %gather3A_206 = tpu.vector_load_idx %arg9[%mul3A_205] : memref<2048xi32, #tpu.memory_space<vmem>>[vector<16xi32>], vector<16xi32>,
    %and3A_207 = arith.constant 65535 : i32
    %and3A_208 = vector.broadcast %and3A_207 : i32 to vector<16xi32>
    %and3A_209 = arith.andi %gather3A_206, %and3A_208 : vector<16xi32>
    %gather3A_210 = tpu.vector_load_idx %arg7[%and3A_209] : memref<4096xi32, #tpu.memory_space<vmem>>[vector<16xi32>], vector<16xi32>,
    %eq3A_211 = arith.cmpi eq, %gather3A_210, %get3A_202 : vector<16xi32>
    %jit3A_212 = arith.constant 1073741824 : i32
    %broadcast_in_dim3A_213 = vector.broadcast %jit3A_212 : i32 to vector<16xi32>
    %select_n3A_214 = arith.select %eq3A_211, %broadcast_in_dim3A_213, %and3A_209 : vector<16xi1>, vector<16xi32>
    %swap3A_215 = arith.constant 48 : index
    %swap3A_216 = tpu.vector_load %arg11[%swap3A_215] {strides = array<i32>} : memref<128xi32, #tpu.memory_space<vmem>>, vector<16xi32>,
    tpu.vector_store %arg11[%swap3A_215], %select_n3A_214 {strides = array<i32>} : memref<128xi32, #tpu.memory_space<vmem>>, vector<16xi32>,
    %swap3A_217 = arith.index_cast %add3A_195 : i32 to index
    %swap3A_218 = tpu.vector_load %arg16[%swap3A_217] masked %eq3A_211 {strides = array<i32>} : memref<128xi32, #tpu.memory_space<vmem>>, vector<16xi32>, vector<16xi1>
    tpu.vector_store %arg16[%swap3A_217], %add3A_198 masked %eq3A_211 {strides = array<i32>} : memref<128xi32, #tpu.memory_space<vmem>>, vector<16xi32>, vector<16xi1>
    %convert_element_type3A_219 = arith.extui %eq3A_211 : vector<16xi1> to vector<16xi32>
    %reduce_sum3A_220 = arith.constant true
    %reduce_sum3A_221 = vector.broadcast %reduce_sum3A_220 : i1 to vector<16xi1>
    %reduce_sum3A_222 = tpu.scan <sum>, %convert_element_type3A_219 masked %reduce_sum3A_221 : vector<16xi32>, vector<16xi1> -> vector<16xi32>
    %reduce_sum3A_223 = vector.extract %reduce_sum3A_222[15] : i32 from vector<16xi32>
    %add3A_224 = arith.addi %add3A_195, %reduce_sum3A_223 : i32
    %add3A_225 = arith.constant 64 : i32
    %add3A_226 = vector.broadcast %add3A_225 : i32 to vector<16xi32>
    %add3A_227 = arith.addi %iota3A, %add3A_226 : vector<16xi32>
    %add3A_228 = arith.constant 64 : i32
    %add3A_229 = arith.addi %mul3A_2, %add3A_228 : i32
    %get3A_230 = arith.index_cast %add3A_229 : i32 to index
    %get3A_231 = tpu.vector_load %arg7[%get3A_230] {strides = array<i32>} : memref<4096xi32, #tpu.memory_space<vmem>>, vector<16xi32>,
    %mul3A_232 = arith.constant 16 : i32
    %mul3A_233 = vector.broadcast %mul3A_232 : i32 to vector<16xi32>
    %mul3A_234 = arith.muli %add3A_227, %mul3A_233 : vector<16xi32>
    %gather3A_235 = tpu.vector_load_idx %arg9[%mul3A_234] : memref<2048xi32, #tpu.memory_space<vmem>>[vector<16xi32>], vector<16xi32>,
    %and3A_236 = arith.constant 65535 : i32
    %and3A_237 = vector.broadcast %and3A_236 : i32 to vector<16xi32>
    %and3A_238 = arith.andi %gather3A_235, %and3A_237 : vector<16xi32>
    %gather3A_239 = tpu.vector_load_idx %arg7[%and3A_238] : memref<4096xi32, #tpu.memory_space<vmem>>[vector<16xi32>], vector<16xi32>,
    %eq3A_240 = arith.cmpi eq, %gather3A_239, %get3A_231 : vector<16xi32>
    %jit3A_241 = arith.constant 1073741824 : i32
    %broadcast_in_dim3A_242 = vector.broadcast %jit3A_241 : i32 to vector<16xi32>
    %select_n3A_243 = arith.select %eq3A_240, %broadcast_in_dim3A_242, %and3A_238 : vector<16xi1>, vector<16xi32>
    %swap3A_244 = arith.constant 64 : index
    %swap3A_245 = tpu.vector_load %arg11[%swap3A_244] {strides = array<i32>} : memref<128xi32, #tpu.memory_space<vmem>>, vector<16xi32>,
    tpu.vector_store %arg11[%swap3A_244], %select_n3A_243 {strides = array<i32>} : memref<128xi32, #tpu.memory_space<vmem>>, vector<16xi32>,
    %swap3A_246 = arith.index_cast %add3A_224 : i32 to index
    %swap3A_247 = tpu.vector_load %arg16[%swap3A_246] masked %eq3A_240 {strides = array<i32>} : memref<128xi32, #tpu.memory_space<vmem>>, vector<16xi32>, vector<16xi1>
    tpu.vector_store %arg16[%swap3A_246], %add3A_227 masked %eq3A_240 {strides = array<i32>} : memref<128xi32, #tpu.memory_space<vmem>>, vector<16xi32>, vector<16xi1>
    %convert_element_type3A_248 = arith.extui %eq3A_240 : vector<16xi1> to vector<16xi32>
    %reduce_sum3A_249 = arith.constant true
    %reduce_sum3A_250 = vector.broadcast %reduce_sum3A_249 : i1 to vector<16xi1>
    %reduce_sum3A_251 = tpu.scan <sum>, %convert_element_type3A_248 masked %reduce_sum3A_250 : vector<16xi32>, vector<16xi1> -> vector<16xi32>
    %reduce_sum3A_252 = vector.extract %reduce_sum3A_251[15] : i32 from vector<16xi32>
    %add3A_253 = arith.addi %add3A_224, %reduce_sum3A_252 : i32
    %add3A_254 = arith.constant 80 : i32
    %add3A_255 = vector.broadcast %add3A_254 : i32 to vector<16xi32>
    %add3A_256 = arith.addi %iota3A, %add3A_255 : vector<16xi32>
    %add3A_257 = arith.constant 80 : i32
    %add3A_258 = arith.addi %mul3A_2, %add3A_257 : i32
    %get3A_259 = arith.index_cast %add3A_258 : i32 to index
    %get3A_260 = tpu.vector_load %arg7[%get3A_259] {strides = array<i32>} : memref<4096xi32, #tpu.memory_space<vmem>>, vector<16xi32>,
    %mul3A_261 = arith.constant 16 : i32
    %mul3A_262 = vector.broadcast %mul3A_261 : i32 to vector<16xi32>
    %mul3A_263 = arith.muli %add3A_256, %mul3A_262 : vector<16xi32>
    %gather3A_264 = tpu.vector_load_idx %arg9[%mul3A_263] : memref<2048xi32, #tpu.memory_space<vmem>>[vector<16xi32>], vector<16xi32>,
    %and3A_265 = arith.constant 65535 : i32
    %and3A_266 = vector.broadcast %and3A_265 : i32 to vector<16xi32>
    %and3A_267 = arith.andi %gather3A_264, %and3A_266 : vector<16xi32>
    %gather3A_268 = tpu.vector_load_idx %arg7[%and3A_267] : memref<4096xi32, #tpu.memory_space<vmem>>[vector<16xi32>], vector<16xi32>,
    %eq3A_269 = arith.cmpi eq, %gather3A_268, %get3A_260 : vector<16xi32>
    %jit3A_270 = arith.constant 1073741824 : i32
    %broadcast_in_dim3A_271 = vector.broadcast %jit3A_270 : i32 to vector<16xi32>
    %select_n3A_272 = arith.select %eq3A_269, %broadcast_in_dim3A_271, %and3A_267 : vector<16xi1>, vector<16xi32>
    %swap3A_273 = arith.constant 80 : index
    %swap3A_274 = tpu.vector_load %arg11[%swap3A_273] {strides = array<i32>} : memref<128xi32, #tpu.memory_space<vmem>>, vector<16xi32>,
    tpu.vector_store %arg11[%swap3A_273], %select_n3A_272 {strides = array<i32>} : memref<128xi32, #tpu.memory_space<vmem>>, vector<16xi32>,
    %swap3A_275 = arith.index_cast %add3A_253 : i32 to index
    %swap3A_276 = tpu.vector_load %arg16[%swap3A_275] masked %eq3A_269 {strides = array<i32>} : memref<128xi32, #tpu.memory_space<vmem>>, vector<16xi32>, vector<16xi1>
    tpu.vector_store %arg16[%swap3A_275], %add3A_256 masked %eq3A_269 {strides = array<i32>} : memref<128xi32, #tpu.memory_space<vmem>>, vector<16xi32>, vector<16xi1>
    %convert_element_type3A_277 = arith.extui %eq3A_269 : vector<16xi1> to vector<16xi32>
    %reduce_sum3A_278 = arith.constant true
    %reduce_sum3A_279 = vector.broadcast %reduce_sum3A_278 : i1 to vector<16xi1>
    %reduce_sum3A_280 = tpu.scan <sum>, %convert_element_type3A_277 masked %reduce_sum3A_279 : vector<16xi32>, vector<16xi1> -> vector<16xi32>
    %reduce_sum3A_281 = vector.extract %reduce_sum3A_280[15] : i32 from vector<16xi32>
    %add3A_282 = arith.addi %add3A_253, %reduce_sum3A_281 : i32
    %add3A_283 = arith.constant 96 : i32
    %add3A_284 = vector.broadcast %add3A_283 : i32 to vector<16xi32>
    %add3A_285 = arith.addi %iota3A, %add3A_284 : vector<16xi32>
    %add3A_286 = arith.constant 96 : i32
    %add3A_287 = arith.addi %mul3A_2, %add3A_286 : i32
    %get3A_288 = arith.index_cast %add3A_287 : i32 to index
    %get3A_289 = tpu.vector_load %arg7[%get3A_288] {strides = array<i32>} : memref<4096xi32, #tpu.memory_space<vmem>>, vector<16xi32>,
    %mul3A_290 = arith.constant 16 : i32
    %mul3A_291 = vector.broadcast %mul3A_290 : i32 to vector<16xi32>
    %mul3A_292 = arith.muli %add3A_285, %mul3A_291 : vector<16xi32>
    %gather3A_293 = tpu.vector_load_idx %arg9[%mul3A_292] : memref<2048xi32, #tpu.memory_space<vmem>>[vector<16xi32>], vector<16xi32>,
    %and3A_294 = arith.constant 65535 : i32
    %and3A_295 = vector.broadcast %and3A_294 : i32 to vector<16xi32>
    %and3A_296 = arith.andi %gather3A_293, %and3A_295 : vector<16xi32>
    %gather3A_297 = tpu.vector_load_idx %arg7[%and3A_296] : memref<4096xi32, #tpu.memory_space<vmem>>[vector<16xi32>], vector<16xi32>,
    %eq3A_298 = arith.cmpi eq, %gather3A_297, %get3A_289 : vector<16xi32>
    %jit3A_299 = arith.constant 1073741824 : i32
    %broadcast_in_dim3A_300 = vector.broadcast %jit3A_299 : i32 to vector<16xi32>
    %select_n3A_301 = arith.select %eq3A_298, %broadcast_in_dim3A_300, %and3A_296 : vector<16xi1>, vector<16xi32>
    %swap3A_302 = arith.constant 96 : index
    %swap3A_303 = tpu.vector_load %arg11[%swap3A_302] {strides = array<i32>} : memref<128xi32, #tpu.memory_space<vmem>>, vector<16xi32>,
    tpu.vector_store %arg11[%swap3A_302], %select_n3A_301 {strides = array<i32>} : memref<128xi32, #tpu.memory_space<vmem>>, vector<16xi32>,
    %swap3A_304 = arith.index_cast %add3A_282 : i32 to index
    %swap3A_305 = tpu.vector_load %arg16[%swap3A_304] masked %eq3A_298 {strides = array<i32>} : memref<128xi32, #tpu.memory_space<vmem>>, vector<16xi32>, vector<16xi1>
    tpu.vector_store %arg16[%swap3A_304], %add3A_285 masked %eq3A_298 {strides = array<i32>} : memref<128xi32, #tpu.memory_space<vmem>>, vector<16xi32>, vector<16xi1>
    %convert_element_type3A_306 = arith.extui %eq3A_298 : vector<16xi1> to vector<16xi32>
    %reduce_sum3A_307 = arith.constant true
    %reduce_sum3A_308 = vector.broadcast %reduce_sum3A_307 : i1 to vector<16xi1>
    %reduce_sum3A_309 = tpu.scan <sum>, %convert_element_type3A_306 masked %reduce_sum3A_308 : vector<16xi32>, vector<16xi1> -> vector<16xi32>
    %reduce_sum3A_310 = vector.extract %reduce_sum3A_309[15] : i32 from vector<16xi32>
    %add3A_311 = arith.addi %add3A_282, %reduce_sum3A_310 : i32
    %add3A_312 = arith.constant 112 : i32
    %add3A_313 = vector.broadcast %add3A_312 : i32 to vector<16xi32>
    %add3A_314 = arith.addi %iota3A, %add3A_313 : vector<16xi32>
    %add3A_315 = arith.constant 112 : i32
    %add3A_316 = arith.addi %mul3A_2, %add3A_315 : i32
    %get3A_317 = arith.index_cast %add3A_316 : i32 to index
    %get3A_318 = tpu.vector_load %arg7[%get3A_317] {strides = array<i32>} : memref<4096xi32, #tpu.memory_space<vmem>>, vector<16xi32>,
    %mul3A_319 = arith.constant 16 : i32
    %mul3A_320 = vector.broadcast %mul3A_319 : i32 to vector<16xi32>
    %mul3A_321 = arith.muli %add3A_314, %mul3A_320 : vector<16xi32>
    %gather3A_322 = tpu.vector_load_idx %arg9[%mul3A_321] : memref<2048xi32, #tpu.memory_space<vmem>>[vector<16xi32>], vector<16xi32>,
    %and3A_323 = arith.constant 65535 : i32
    %and3A_324 = vector.broadcast %and3A_323 : i32 to vector<16xi32>
    %and3A_325 = arith.andi %gather3A_322, %and3A_324 : vector<16xi32>
    %gather3A_326 = tpu.vector_load_idx %arg7[%and3A_325] : memref<4096xi32, #tpu.memory_space<vmem>>[vector<16xi32>], vector<16xi32>,
    %eq3A_327 = arith.cmpi eq, %gather3A_326, %get3A_318 : vector<16xi32>
    %jit3A_328 = arith.constant 1073741824 : i32
    %broadcast_in_dim3A_329 = vector.broadcast %jit3A_328 : i32 to vector<16xi32>
    %select_n3A_330 = arith.select %eq3A_327, %broadcast_in_dim3A_329, %and3A_325 : vector<16xi1>, vector<16xi32>
    %swap3A_331 = arith.constant 112 : index
    %swap3A_332 = tpu.vector_load %arg11[%swap3A_331] {strides = array<i32>} : memref<128xi32, #tpu.memory_space<vmem>>, vector<16xi32>,
    tpu.vector_store %arg11[%swap3A_331], %select_n3A_330 {strides = array<i32>} : memref<128xi32, #tpu.memory_space<vmem>>, vector<16xi32>,
    %swap3A_333 = arith.index_cast %add3A_311 : i32 to index
    %swap3A_334 = tpu.vector_load %arg16[%swap3A_333] masked %eq3A_327 {strides = array<i32>} : memref<128xi32, #tpu.memory_space<vmem>>, vector<16xi32>, vector<16xi1>
    tpu.vector_store %arg16[%swap3A_333], %add3A_314 masked %eq3A_327 {strides = array<i32>} : memref<128xi32, #tpu.memory_space<vmem>>, vector<16xi32>, vector<16xi1>
    %convert_element_type3A_335 = arith.extui %eq3A_327 : vector<16xi1> to vector<16xi32>
    %reduce_sum3A_336 = arith.constant true
    %reduce_sum3A_337 = vector.broadcast %reduce_sum3A_336 : i1 to vector<16xi1>
    %reduce_sum3A_338 = tpu.scan <sum>, %convert_element_type3A_335 masked %reduce_sum3A_337 : vector<16xi32>, vector<16xi1> -> vector<16xi32>
    %reduce_sum3A_339 = vector.extract %reduce_sum3A_338[15] : i32 from vector<16xi32>
    %add3A_340 = arith.addi %add3A_311, %reduce_sum3A_339 : i32
    %scan3A_341 = arith.constant 0 : i32
    %scan3A_342 = arith.constant 2 : i32
    %scan3A_343 = arith.addi %scan3A_341, %scan3A_342 : i32
    %scan3A_344 = arith.constant 1 : i32
    %scan3A_345 = scf.for %scan3A_568 = %scan3A_341 to %scan3A_343 step %scan3A_344 iter_args(%scan3A_569 = %add3A_340) -> (i32)  : i32 {
      %gt3A = arith.constant 0 : i32
      %gt3A_570 = arith.cmpi sgt, %scan3A_569, %gt3A : i32
      %convert_element_type3A_571 = arith.extui %gt3A_570 : i1 to i32
      %cond3A = arith.constant 0 : i32
      %cond3A_572 = arith.cmpi ne, %convert_element_type3A_571, %cond3A : i32
      %cond3A_573 = scf.if %cond3A_572 -> (i32) {
        %mul3A_574 = arith.constant 4096 : i32
        %mul3A_575 = arith.muli %scan3A_568, %mul3A_574 : i32
        %add3A_576 = arith.addi %mul3A_575, %mul3A_2 : i32
        %mul3A_577 = arith.constant 16 : i32
        %mul3A_578 = arith.muli %add3A_576, %mul3A_577 : i32
        "tpu.region"() ({
          %run_scoped3A = tpu.sem_alloc : memref<!tpu.dma_semaphore, #tpu.memory_space<semaphore_mem>>
          %dma_start3A_718 = tpu.memref_slice %arg3[%mul3A_578] : memref<131072xi32, #tpu.memory_space<hbm>> -> memref<2048xi32, #tpu.memory_space<hbm>>
          %dma_start3A_719 = tpu.memref_slice %arg3[%mul3A_578] : memref<131072xi32, #tpu.memory_space<hbm>> -> memref<2048xi32, #tpu.memory_space<hbm>>
          tpu.enqueue_dma source(%dma_start3A_719 : memref<2048xi32, #tpu.memory_space<hbm>>) target(%arg9 : memref<2048xi32, #tpu.memory_space<vmem>>) target_semaphore(%run_scoped3A : memref<!tpu.dma_semaphore, #tpu.memory_space<semaphore_mem>>)
          %dma_wait3A_720 = tpu.memref_slice %arg3[%mul3A_578] : memref<131072xi32, #tpu.memory_space<hbm>> -> memref<2048xi32, #tpu.memory_space<hbm>>
          %dma_wait3A_721 = tpu.memref_slice %arg3[%mul3A_578] : memref<131072xi32, #tpu.memory_space<hbm>> -> memref<2048xi32, #tpu.memory_space<hbm>>
          tpu.wait_dma2 semaphore(%run_scoped3A : memref<!tpu.dma_semaphore, #tpu.memory_space<semaphore_mem>>) src(%dma_wait3A_721 : memref<2048xi32, #tpu.memory_space<hbm>>) dst(%arg9 : memref<2048xi32, #tpu.memory_space<vmem>>)
          tpu.yield
        }) : () -> ()
        %while3A_579 = arith.constant 0 : i32
        %while3A_580 = arith.constant 0 : i32
        %while3A_581 = arith.subi %scan3A_569, %while3A_580 : i32
        %while3A_582 = arith.addi %while3A_580, %while3A_581 : i32
        %while3A_583 = arith.constant 1 : i32
        %while3A_584 = arith.divsi %while3A_581, %while3A_583 : i32
        %while3A_585 = arith.muli %while3A_584, %while3A_583 : i32
        %while3A_586 = arith.addi %while3A_580, %while3A_585 : i32
        %while3A_587 = arith.constant 1 : i32
        scf.for %while3A_718 = %while3A_580 to %while3A_586 step %while3A_587  : i32 {
          %broadcast_in_dim3A_719 = vector.broadcast %while3A_718 : i32 to vector<16xi32>
          %gather3A_720 = tpu.vector_load_idx %arg16[%broadcast_in_dim3A_719] : memref<128xi32, #tpu.memory_space<vmem>>[vector<16xi32>], vector<16xi32>,
          %slice3A = vector.extract_strided_slice %gather3A_720 {offsets = [0], sizes = [1], strides = [1]} : vector<16xi32> to vector<1xi32>
          %squeeze3A = vector.extract %slice3A[0] : i32 from vector<1xi32>
          %add3A_721 = arith.addi %mul3A_2, %squeeze3A : i32
          %broadcast_in_dim3A_722 = vector.broadcast %add3A_721 : i32 to vector<16xi32>
          %gather3A_723 = tpu.vector_load_idx %arg7[%broadcast_in_dim3A_722] : memref<4096xi32, #tpu.memory_space<vmem>>[vector<16xi32>], vector<16xi32>,
          %broadcast_in_dim3A_724 = arith.constant 1073741824 : i32
          %broadcast_in_dim3A_725 = vector.broadcast %broadcast_in_dim3A_724 : i32 to vector<16xi32>
          %mul3A_726 = arith.constant 16 : i32
          %mul3A_727 = arith.muli %squeeze3A, %mul3A_726 : i32
          %add3A_728 = arith.constant 0 : i32
          %add3A_729 = arith.addi %mul3A_727, %add3A_728 : i32
          %get3A_730 = arith.index_cast %add3A_729 : i32 to index
          %get3A_731 = tpu.vector_load %arg9[%get3A_730] {strides = array<i32>} : memref<2048xi32, #tpu.memory_space<vmem>>, vector<16xi32>,
          %and3A_732 = arith.constant 65535 : i32
          %and3A_733 = vector.broadcast %and3A_732 : i32 to vector<16xi32>
          %and3A_734 = arith.andi %get3A_731, %and3A_733 : vector<16xi32>
          %shift_right_logical3A = arith.constant 16 : i32
          %shift_right_logical3A_735 = vector.broadcast %shift_right_logical3A : i32 to vector<16xi32>
          %shift_right_logical3A_736 = arith.shrui %get3A_731, %shift_right_logical3A_735 : vector<16xi32>
          %gather3A_737 = tpu.vector_load_idx %arg7[%and3A_734] : memref<4096xi32, #tpu.memory_space<vmem>>[vector<16xi32>], vector<16xi32>,
          %gather3A_738 = tpu.vector_load_idx %arg7[%shift_right_logical3A_736] : memref<4096xi32, #tpu.memory_space<vmem>>[vector<16xi32>], vector<16xi32>,
          %ne3A = arith.cmpi ne, %gather3A_737, %gather3A_723 : vector<16xi32>
          %ne3A_739 = arith.cmpi ne, %gather3A_738, %gather3A_723 : vector<16xi32>
          %mul3A_740 = arith.constant 2 : i32
          %mul3A_741 = vector.broadcast %mul3A_740 : i32 to vector<16xi32>
          %mul3A_742 = arith.muli %iota3A, %mul3A_741 : vector<16xi32>
          %add3A_743 = arith.constant 0 : i32
          %add3A_744 = vector.broadcast %add3A_743 : i32 to vector<16xi32>
          %add3A_745 = arith.addi %mul3A_742, %add3A_744 : vector<16xi32>
          %jit3A_746 = arith.constant 1073741824 : i32
          %broadcast_in_dim3A_747 = vector.broadcast %jit3A_746 : i32 to vector<16xi32>
          %select_n3A_748 = arith.select %ne3A, %add3A_745, %broadcast_in_dim3A_747 : vector<16xi1>, vector<16xi32>
          %min3A = arith.minsi %broadcast_in_dim3A_725, %select_n3A_748 : vector<16xi32>
          %add3A_749 = arith.constant 1 : i32
          %add3A_750 = vector.broadcast %add3A_749 : i32 to vector<16xi32>
          %add3A_751 = arith.addi %add3A_745, %add3A_750 : vector<16xi32>
          %jit3A_752 = arith.constant 1073741824 : i32
          %broadcast_in_dim3A_753 = vector.broadcast %jit3A_752 : i32 to vector<16xi32>
          %select_n3A_754 = arith.select %ne3A_739, %add3A_751, %broadcast_in_dim3A_753 : vector<16xi1>, vector<16xi32>
          %min3A_755 = arith.minsi %min3A, %select_n3A_754 : vector<16xi32>
          %reduce_min3A = arith.constant true
          %reduce_min3A_756 = vector.broadcast %reduce_min3A : i1 to vector<16xi1>
          %reduce_min3A_757 = arith.constant -2147483648 : i32
          %reduce_min3A_758 = vector.broadcast %reduce_min3A_757 : i32 to vector<16xi32>
          %reduce_min3A_759 = arith.xori %min3A_755, %reduce_min3A_758 : vector<16xi32>
          %reduce_min3A_760 = tpu.scan <min>, %reduce_min3A_759 masked %reduce_min3A_756 : vector<16xi32>, vector<16xi1> -> vector<16xi32>
          %reduce_min3A_761 = arith.xori %reduce_min3A_760, %reduce_min3A_758 : vector<16xi32>
          %reduce_min3A_762 = vector.extract %reduce_min3A_761[15] : i32 from vector<16xi32>
          %min3A_763 = arith.constant 31 : i32
          %min3A_764 = arith.minsi %reduce_min3A_762, %min3A_763 : i32
          %mul3A_765 = arith.constant 16 : i32
          %mul3A_766 = arith.muli %squeeze3A, %mul3A_765 : i32
          %shift_right_arithmetic3A_767 = arith.constant 1 : i32
          %shift_right_arithmetic3A_768 = arith.shrsi %min3A_764, %shift_right_arithmetic3A_767 : i32
          %add3A_769 = arith.addi %mul3A_766, %shift_right_arithmetic3A_768 : i32
          %broadcast_in_dim3A_770 = vector.broadcast %add3A_769 : i32 to vector<16xi32>
          %gather3A_771 = tpu.vector_load_idx %arg9[%broadcast_in_dim3A_770] : memref<2048xi32, #tpu.memory_space<vmem>>[vector<16xi32>], vector<16xi32>,
          %slice3A_772 = vector.extract_strided_slice %gather3A_771 {offsets = [0], sizes = [1], strides = [1]} : vector<16xi32> to vector<1xi32>
          %squeeze3A_773 = vector.extract %slice3A_772[0] : i32 from vector<1xi32>
          %and3A_774 = arith.constant 1 : i32
          %and3A_775 = arith.andi %min3A_764, %and3A_774 : i32
          %eq3A_776 = arith.constant 1 : i32
          %eq3A_777 = arith.cmpi eq, %and3A_775, %eq3A_776 : i32
          %shift_right_logical3A_778 = arith.constant 16 : i32
          %shift_right_logical3A_779 = arith.shrui %squeeze3A_773, %shift_right_logical3A_778 : i32
          %and3A_780 = arith.constant 65535 : i32
          %and3A_781 = arith.andi %squeeze3A_773, %and3A_780 : i32
          %select_n3A_782 = arith.select %eq3A_777, %shift_right_logical3A_779, %and3A_781 : i32
          %lt3A = arith.constant 1073741824 : i32
          %lt3A_783 = arith.cmpi slt, %reduce_min3A_762, %lt3A : i32
          %mul3A_784 = arith.constant 32 : i32
          %mul3A_785 = arith.muli %scan3A_568, %mul3A_784 : i32
          %add3A_786 = arith.addi %mul3A_785, %reduce_min3A_762 : i32
          %shift_left3A = arith.constant 12 : i32
          %shift_left3A_787 = arith.shli %add3A_786, %shift_left3A : i32
          %or3A = arith.ori %shift_left3A_787, %select_n3A_782 : i32
          %jit3A_788 = arith.constant 1073741824 : i32
          %select_n3A_789 = arith.select %lt3A_783, %or3A, %jit3A_788 : i32
          %broadcast_in_dim3A_790 = vector.broadcast %squeeze3A : i32 to vector<16xi32>
          %broadcast_in_dim3A_791 = vector.broadcast %select_n3A_789 : i32 to vector<16xi32>
          tpu.vector_store_idx %arg11[%broadcast_in_dim3A_790], %broadcast_in_dim3A_791 masked %eq3A_38 : memref<128xi32, #tpu.memory_space<vmem>>[vector<16xi32>], vector<16xi32>, vector<16xi1>
        }
        %while3A_588 = arith.constant 1 : i32
        scf.for %while3A_718 = %while3A_586 to %while3A_582 step %while3A_588  : i32 {
          %broadcast_in_dim3A_719 = vector.broadcast %while3A_718 : i32 to vector<16xi32>
          %gather3A_720 = tpu.vector_load_idx %arg16[%broadcast_in_dim3A_719] : memref<128xi32, #tpu.memory_space<vmem>>[vector<16xi32>], vector<16xi32>,
          %slice3A = vector.extract_strided_slice %gather3A_720 {offsets = [0], sizes = [1], strides = [1]} : vector<16xi32> to vector<1xi32>
          %squeeze3A = vector.extract %slice3A[0] : i32 from vector<1xi32>
          %add3A_721 = arith.addi %mul3A_2, %squeeze3A : i32
          %broadcast_in_dim3A_722 = vector.broadcast %add3A_721 : i32 to vector<16xi32>
          %gather3A_723 = tpu.vector_load_idx %arg7[%broadcast_in_dim3A_722] : memref<4096xi32, #tpu.memory_space<vmem>>[vector<16xi32>], vector<16xi32>,
          %broadcast_in_dim3A_724 = arith.constant 1073741824 : i32
          %broadcast_in_dim3A_725 = vector.broadcast %broadcast_in_dim3A_724 : i32 to vector<16xi32>
          %mul3A_726 = arith.constant 16 : i32
          %mul3A_727 = arith.muli %squeeze3A, %mul3A_726 : i32
          %add3A_728 = arith.constant 0 : i32
          %add3A_729 = arith.addi %mul3A_727, %add3A_728 : i32
          %get3A_730 = arith.index_cast %add3A_729 : i32 to index
          %get3A_731 = tpu.vector_load %arg9[%get3A_730] {strides = array<i32>} : memref<2048xi32, #tpu.memory_space<vmem>>, vector<16xi32>,
          %and3A_732 = arith.constant 65535 : i32
          %and3A_733 = vector.broadcast %and3A_732 : i32 to vector<16xi32>
          %and3A_734 = arith.andi %get3A_731, %and3A_733 : vector<16xi32>
          %shift_right_logical3A = arith.constant 16 : i32
          %shift_right_logical3A_735 = vector.broadcast %shift_right_logical3A : i32 to vector<16xi32>
          %shift_right_logical3A_736 = arith.shrui %get3A_731, %shift_right_logical3A_735 : vector<16xi32>
          %gather3A_737 = tpu.vector_load_idx %arg7[%and3A_734] : memref<4096xi32, #tpu.memory_space<vmem>>[vector<16xi32>], vector<16xi32>,
          %gather3A_738 = tpu.vector_load_idx %arg7[%shift_right_logical3A_736] : memref<4096xi32, #tpu.memory_space<vmem>>[vector<16xi32>], vector<16xi32>,
          %ne3A = arith.cmpi ne, %gather3A_737, %gather3A_723 : vector<16xi32>
          %ne3A_739 = arith.cmpi ne, %gather3A_738, %gather3A_723 : vector<16xi32>
          %mul3A_740 = arith.constant 2 : i32
          %mul3A_741 = vector.broadcast %mul3A_740 : i32 to vector<16xi32>
          %mul3A_742 = arith.muli %iota3A, %mul3A_741 : vector<16xi32>
          %add3A_743 = arith.constant 0 : i32
          %add3A_744 = vector.broadcast %add3A_743 : i32 to vector<16xi32>
          %add3A_745 = arith.addi %mul3A_742, %add3A_744 : vector<16xi32>
          %jit3A_746 = arith.constant 1073741824 : i32
          %broadcast_in_dim3A_747 = vector.broadcast %jit3A_746 : i32 to vector<16xi32>
          %select_n3A_748 = arith.select %ne3A, %add3A_745, %broadcast_in_dim3A_747 : vector<16xi1>, vector<16xi32>
          %min3A = arith.minsi %broadcast_in_dim3A_725, %select_n3A_748 : vector<16xi32>
          %add3A_749 = arith.constant 1 : i32
          %add3A_750 = vector.broadcast %add3A_749 : i32 to vector<16xi32>
          %add3A_751 = arith.addi %add3A_745, %add3A_750 : vector<16xi32>
          %jit3A_752 = arith.constant 1073741824 : i32
          %broadcast_in_dim3A_753 = vector.broadcast %jit3A_752 : i32 to vector<16xi32>
          %select_n3A_754 = arith.select %ne3A_739, %add3A_751, %broadcast_in_dim3A_753 : vector<16xi1>, vector<16xi32>
          %min3A_755 = arith.minsi %min3A, %select_n3A_754 : vector<16xi32>
          %reduce_min3A = arith.constant true
          %reduce_min3A_756 = vector.broadcast %reduce_min3A : i1 to vector<16xi1>
          %reduce_min3A_757 = arith.constant -2147483648 : i32
          %reduce_min3A_758 = vector.broadcast %reduce_min3A_757 : i32 to vector<16xi32>
          %reduce_min3A_759 = arith.xori %min3A_755, %reduce_min3A_758 : vector<16xi32>
          %reduce_min3A_760 = tpu.scan <min>, %reduce_min3A_759 masked %reduce_min3A_756 : vector<16xi32>, vector<16xi1> -> vector<16xi32>
          %reduce_min3A_761 = arith.xori %reduce_min3A_760, %reduce_min3A_758 : vector<16xi32>
          %reduce_min3A_762 = vector.extract %reduce_min3A_761[15] : i32 from vector<16xi32>
          %min3A_763 = arith.constant 31 : i32
          %min3A_764 = arith.minsi %reduce_min3A_762, %min3A_763 : i32
          %mul3A_765 = arith.constant 16 : i32
          %mul3A_766 = arith.muli %squeeze3A, %mul3A_765 : i32
          %shift_right_arithmetic3A_767 = arith.constant 1 : i32
          %shift_right_arithmetic3A_768 = arith.shrsi %min3A_764, %shift_right_arithmetic3A_767 : i32
          %add3A_769 = arith.addi %mul3A_766, %shift_right_arithmetic3A_768 : i32
          %broadcast_in_dim3A_770 = vector.broadcast %add3A_769 : i32 to vector<16xi32>
          %gather3A_771 = tpu.vector_load_idx %arg9[%broadcast_in_dim3A_770] : memref<2048xi32, #tpu.memory_space<vmem>>[vector<16xi32>], vector<16xi32>,
          %slice3A_772 = vector.extract_strided_slice %gather3A_771 {offsets = [0], sizes = [1], strides = [1]} : vector<16xi32> to vector<1xi32>
          %squeeze3A_773 = vector.extract %slice3A_772[0] : i32 from vector<1xi32>
          %and3A_774 = arith.constant 1 : i32
          %and3A_775 = arith.andi %min3A_764, %and3A_774 : i32
          %eq3A_776 = arith.constant 1 : i32
          %eq3A_777 = arith.cmpi eq, %and3A_775, %eq3A_776 : i32
          %shift_right_logical3A_778 = arith.constant 16 : i32
          %shift_right_logical3A_779 = arith.shrui %squeeze3A_773, %shift_right_logical3A_778 : i32
          %and3A_780 = arith.constant 65535 : i32
          %and3A_781 = arith.andi %squeeze3A_773, %and3A_780 : i32
          %select_n3A_782 = arith.select %eq3A_777, %shift_right_logical3A_779, %and3A_781 : i32
          %lt3A = arith.constant 1073741824 : i32
          %lt3A_783 = arith.cmpi slt, %reduce_min3A_762, %lt3A : i32
          %mul3A_784 = arith.constant 32 : i32
          %mul3A_785 = arith.muli %scan3A_568, %mul3A_784 : i32
          %add3A_786 = arith.addi %mul3A_785, %reduce_min3A_762 : i32
          %shift_left3A = arith.constant 12 : i32
          %shift_left3A_787 = arith.shli %add3A_786, %shift_left3A : i32
          %or3A = arith.ori %shift_left3A_787, %select_n3A_782 : i32
          %jit3A_788 = arith.constant 1073741824 : i32
          %select_n3A_789 = arith.select %lt3A_783, %or3A, %jit3A_788 : i32
          %broadcast_in_dim3A_790 = vector.broadcast %squeeze3A : i32 to vector<16xi32>
          %broadcast_in_dim3A_791 = vector.broadcast %select_n3A_789 : i32 to vector<16xi32>
          tpu.vector_store_idx %arg11[%broadcast_in_dim3A_790], %broadcast_in_dim3A_791 masked %eq3A_38 : memref<128xi32, #tpu.memory_space<vmem>>[vector<16xi32>], vector<16xi32>, vector<16xi1>
        }
        %get3A_589 = arith.constant 0 : index
        %get3A_590 = tpu.vector_load %arg11[%get3A_589] {strides = array<i32>} : memref<128xi32, #tpu.memory_space<vmem>>, vector<16xi32>,
        %ge3A = arith.constant 1073741824 : i32
        %ge3A_591 = vector.broadcast %ge3A : i32 to vector<16xi32>
        %ge3A_592 = arith.cmpi sge, %get3A_590, %ge3A_591 : vector<16xi32>
        %add3A_593 = arith.constant 0 : i32
        %add3A_594 = vector.broadcast %add3A_593 : i32 to vector<16xi32>
        %add3A_595 = arith.addi %iota3A, %add3A_594 : vector<16xi32>
        %swap3A_596 = arith.constant 0 : i32
        %swap3A_597 = arith.index_cast %swap3A_596 : i32 to index
        %swap3A_598 = tpu.vector_load %arg16[%swap3A_597] masked %ge3A_592 {strides = array<i32>} : memref<128xi32, #tpu.memory_space<vmem>>, vector<16xi32>, vector<16xi1>
        tpu.vector_store %arg16[%swap3A_597], %add3A_595 masked %ge3A_592 {strides = array<i32>} : memref<128xi32, #tpu.memory_space<vmem>>, vector<16xi32>, vector<16xi1>
        %convert_element_type3A_599 = arith.extui %ge3A_592 : vector<16xi1> to vector<16xi32>
        %reduce_sum3A_600 = arith.constant true
        %reduce_sum3A_601 = vector.broadcast %reduce_sum3A_600 : i1 to vector<16xi1>
        %reduce_sum3A_602 = tpu.scan <sum>, %convert_element_type3A_599 masked %reduce_sum3A_601 : vector<16xi32>, vector<16xi1> -> vector<16xi32>
        %reduce_sum3A_603 = vector.extract %reduce_sum3A_602[15] : i32 from vector<16xi32>
        %add3A_604 = arith.constant 0 : i32
        %add3A_605 = arith.addi %add3A_604, %reduce_sum3A_603 : i32
        %get3A_606 = arith.constant 16 : index
        %get3A_607 = tpu.vector_load %arg11[%get3A_606] {strides = array<i32>} : memref<128xi32, #tpu.memory_space<vmem>>, vector<16xi32>,
        %ge3A_608 = arith.constant 1073741824 : i32
        %ge3A_609 = vector.broadcast %ge3A_608 : i32 to vector<16xi32>
        %ge3A_610 = arith.cmpi sge, %get3A_607, %ge3A_609 : vector<16xi32>
        %add3A_611 = arith.constant 16 : i32
        %add3A_612 = vector.broadcast %add3A_611 : i32 to vector<16xi32>
        %add3A_613 = arith.addi %iota3A, %add3A_612 : vector<16xi32>
        %swap3A_614 = arith.index_cast %add3A_605 : i32 to index
        %swap3A_615 = tpu.vector_load %arg16[%swap3A_614] masked %ge3A_610 {strides = array<i32>} : memref<128xi32, #tpu.memory_space<vmem>>, vector<16xi32>, vector<16xi1>
        tpu.vector_store %arg16[%swap3A_614], %add3A_613 masked %ge3A_610 {strides = array<i32>} : memref<128xi32, #tpu.memory_space<vmem>>, vector<16xi32>, vector<16xi1>
        %convert_element_type3A_616 = arith.extui %ge3A_610 : vector<16xi1> to vector<16xi32>
        %reduce_sum3A_617 = arith.constant true
        %reduce_sum3A_618 = vector.broadcast %reduce_sum3A_617 : i1 to vector<16xi1>
        %reduce_sum3A_619 = tpu.scan <sum>, %convert_element_type3A_616 masked %reduce_sum3A_618 : vector<16xi32>, vector<16xi1> -> vector<16xi32>
        %reduce_sum3A_620 = vector.extract %reduce_sum3A_619[15] : i32 from vector<16xi32>
        %add3A_621 = arith.addi %add3A_605, %reduce_sum3A_620 : i32
        %get3A_622 = arith.constant 32 : index
        %get3A_623 = tpu.vector_load %arg11[%get3A_622] {strides = array<i32>} : memref<128xi32, #tpu.memory_space<vmem>>, vector<16xi32>,
        %ge3A_624 = arith.constant 1073741824 : i32
        %ge3A_625 = vector.broadcast %ge3A_624 : i32 to vector<16xi32>
        %ge3A_626 = arith.cmpi sge, %get3A_623, %ge3A_625 : vector<16xi32>
        %add3A_627 = arith.constant 32 : i32
        %add3A_628 = vector.broadcast %add3A_627 : i32 to vector<16xi32>
        %add3A_629 = arith.addi %iota3A, %add3A_628 : vector<16xi32>
        %swap3A_630 = arith.index_cast %add3A_621 : i32 to index
        %swap3A_631 = tpu.vector_load %arg16[%swap3A_630] masked %ge3A_626 {strides = array<i32>} : memref<128xi32, #tpu.memory_space<vmem>>, vector<16xi32>, vector<16xi1>
        tpu.vector_store %arg16[%swap3A_630], %add3A_629 masked %ge3A_626 {strides = array<i32>} : memref<128xi32, #tpu.memory_space<vmem>>, vector<16xi32>, vector<16xi1>
        %convert_element_type3A_632 = arith.extui %ge3A_626 : vector<16xi1> to vector<16xi32>
        %reduce_sum3A_633 = arith.constant true
        %reduce_sum3A_634 = vector.broadcast %reduce_sum3A_633 : i1 to vector<16xi1>
        %reduce_sum3A_635 = tpu.scan <sum>, %convert_element_type3A_632 masked %reduce_sum3A_634 : vector<16xi32>, vector<16xi1> -> vector<16xi32>
        %reduce_sum3A_636 = vector.extract %reduce_sum3A_635[15] : i32 from vector<16xi32>
        %add3A_637 = arith.addi %add3A_621, %reduce_sum3A_636 : i32
        %get3A_638 = arith.constant 48 : index
        %get3A_639 = tpu.vector_load %arg11[%get3A_638] {strides = array<i32>} : memref<128xi32, #tpu.memory_space<vmem>>, vector<16xi32>,
        %ge3A_640 = arith.constant 1073741824 : i32
        %ge3A_641 = vector.broadcast %ge3A_640 : i32 to vector<16xi32>
        %ge3A_642 = arith.cmpi sge, %get3A_639, %ge3A_641 : vector<16xi32>
        %add3A_643 = arith.constant 48 : i32
        %add3A_644 = vector.broadcast %add3A_643 : i32 to vector<16xi32>
        %add3A_645 = arith.addi %iota3A, %add3A_644 : vector<16xi32>
        %swap3A_646 = arith.index_cast %add3A_637 : i32 to index
        %swap3A_647 = tpu.vector_load %arg16[%swap3A_646] masked %ge3A_642 {strides = array<i32>} : memref<128xi32, #tpu.memory_space<vmem>>, vector<16xi32>, vector<16xi1>
        tpu.vector_store %arg16[%swap3A_646], %add3A_645 masked %ge3A_642 {strides = array<i32>} : memref<128xi32, #tpu.memory_space<vmem>>, vector<16xi32>, vector<16xi1>
        %convert_element_type3A_648 = arith.extui %ge3A_642 : vector<16xi1> to vector<16xi32>
        %reduce_sum3A_649 = arith.constant true
        %reduce_sum3A_650 = vector.broadcast %reduce_sum3A_649 : i1 to vector<16xi1>
        %reduce_sum3A_651 = tpu.scan <sum>, %convert_element_type3A_648 masked %reduce_sum3A_650 : vector<16xi32>, vector<16xi1> -> vector<16xi32>
        %reduce_sum3A_652 = vector.extract %reduce_sum3A_651[15] : i32 from vector<16xi32>
        %add3A_653 = arith.addi %add3A_637, %reduce_sum3A_652 : i32
        %get3A_654 = arith.constant 64 : index
        %get3A_655 = tpu.vector_load %arg11[%get3A_654] {strides = array<i32>} : memref<128xi32, #tpu.memory_space<vmem>>, vector<16xi32>,
        %ge3A_656 = arith.constant 1073741824 : i32
        %ge3A_657 = vector.broadcast %ge3A_656 : i32 to vector<16xi32>
        %ge3A_658 = arith.cmpi sge, %get3A_655, %ge3A_657 : vector<16xi32>
        %add3A_659 = arith.constant 64 : i32
        %add3A_660 = vector.broadcast %add3A_659 : i32 to vector<16xi32>
        %add3A_661 = arith.addi %iota3A, %add3A_660 : vector<16xi32>
        %swap3A_662 = arith.index_cast %add3A_653 : i32 to index
        %swap3A_663 = tpu.vector_load %arg16[%swap3A_662] masked %ge3A_658 {strides = array<i32>} : memref<128xi32, #tpu.memory_space<vmem>>, vector<16xi32>, vector<16xi1>
        tpu.vector_store %arg16[%swap3A_662], %add3A_661 masked %ge3A_658 {strides = array<i32>} : memref<128xi32, #tpu.memory_space<vmem>>, vector<16xi32>, vector<16xi1>
        %convert_element_type3A_664 = arith.extui %ge3A_658 : vector<16xi1> to vector<16xi32>
        %reduce_sum3A_665 = arith.constant true
        %reduce_sum3A_666 = vector.broadcast %reduce_sum3A_665 : i1 to vector<16xi1>
        %reduce_sum3A_667 = tpu.scan <sum>, %convert_element_type3A_664 masked %reduce_sum3A_666 : vector<16xi32>, vector<16xi1> -> vector<16xi32>
        %reduce_sum3A_668 = vector.extract %reduce_sum3A_667[15] : i32 from vector<16xi32>
        %add3A_669 = arith.addi %add3A_653, %reduce_sum3A_668 : i32
        %get3A_670 = arith.constant 80 : index
        %get3A_671 = tpu.vector_load %arg11[%get3A_670] {strides = array<i32>} : memref<128xi32, #tpu.memory_space<vmem>>, vector<16xi32>,
        %ge3A_672 = arith.constant 1073741824 : i32
        %ge3A_673 = vector.broadcast %ge3A_672 : i32 to vector<16xi32>
        %ge3A_674 = arith.cmpi sge, %get3A_671, %ge3A_673 : vector<16xi32>
        %add3A_675 = arith.constant 80 : i32
        %add3A_676 = vector.broadcast %add3A_675 : i32 to vector<16xi32>
        %add3A_677 = arith.addi %iota3A, %add3A_676 : vector<16xi32>
        %swap3A_678 = arith.index_cast %add3A_669 : i32 to index
        %swap3A_679 = tpu.vector_load %arg16[%swap3A_678] masked %ge3A_674 {strides = array<i32>} : memref<128xi32, #tpu.memory_space<vmem>>, vector<16xi32>, vector<16xi1>
        tpu.vector_store %arg16[%swap3A_678], %add3A_677 masked %ge3A_674 {strides = array<i32>} : memref<128xi32, #tpu.memory_space<vmem>>, vector<16xi32>, vector<16xi1>
        %convert_element_type3A_680 = arith.extui %ge3A_674 : vector<16xi1> to vector<16xi32>
        %reduce_sum3A_681 = arith.constant true
        %reduce_sum3A_682 = vector.broadcast %reduce_sum3A_681 : i1 to vector<16xi1>
        %reduce_sum3A_683 = tpu.scan <sum>, %convert_element_type3A_680 masked %reduce_sum3A_682 : vector<16xi32>, vector<16xi1> -> vector<16xi32>
        %reduce_sum3A_684 = vector.extract %reduce_sum3A_683[15] : i32 from vector<16xi32>
        %add3A_685 = arith.addi %add3A_669, %reduce_sum3A_684 : i32
        %get3A_686 = arith.constant 96 : index
        %get3A_687 = tpu.vector_load %arg11[%get3A_686] {strides = array<i32>} : memref<128xi32, #tpu.memory_space<vmem>>, vector<16xi32>,
        %ge3A_688 = arith.constant 1073741824 : i32
        %ge3A_689 = vector.broadcast %ge3A_688 : i32 to vector<16xi32>
        %ge3A_690 = arith.cmpi sge, %get3A_687, %ge3A_689 : vector<16xi32>
        %add3A_691 = arith.constant 96 : i32
        %add3A_692 = vector.broadcast %add3A_691 : i32 to vector<16xi32>
        %add3A_693 = arith.addi %iota3A, %add3A_692 : vector<16xi32>
        %swap3A_694 = arith.index_cast %add3A_685 : i32 to index
        %swap3A_695 = tpu.vector_load %arg16[%swap3A_694] masked %ge3A_690 {strides = array<i32>} : memref<128xi32, #tpu.memory_space<vmem>>, vector<16xi32>, vector<16xi1>
        tpu.vector_store %arg16[%swap3A_694], %add3A_693 masked %ge3A_690 {strides = array<i32>} : memref<128xi32, #tpu.memory_space<vmem>>, vector<16xi32>, vector<16xi1>
        %convert_element_type3A_696 = arith.extui %ge3A_690 : vector<16xi1> to vector<16xi32>
        %reduce_sum3A_697 = arith.constant true
        %reduce_sum3A_698 = vector.broadcast %reduce_sum3A_697 : i1 to vector<16xi1>
        %reduce_sum3A_699 = tpu.scan <sum>, %convert_element_type3A_696 masked %reduce_sum3A_698 : vector<16xi32>, vector<16xi1> -> vector<16xi32>
        %reduce_sum3A_700 = vector.extract %reduce_sum3A_699[15] : i32 from vector<16xi32>
        %add3A_701 = arith.addi %add3A_685, %reduce_sum3A_700 : i32
        %get3A_702 = arith.constant 112 : index
        %get3A_703 = tpu.vector_load %arg11[%get3A_702] {strides = array<i32>} : memref<128xi32, #tpu.memory_space<vmem>>, vector<16xi32>,
        %ge3A_704 = arith.constant 1073741824 : i32
        %ge3A_705 = vector.broadcast %ge3A_704 : i32 to vector<16xi32>
        %ge3A_706 = arith.cmpi sge, %get3A_703, %ge3A_705 : vector<16xi32>
        %add3A_707 = arith.constant 112 : i32
        %add3A_708 = vector.broadcast %add3A_707 : i32 to vector<16xi32>
        %add3A_709 = arith.addi %iota3A, %add3A_708 : vector<16xi32>
        %swap3A_710 = arith.index_cast %add3A_701 : i32 to index
        %swap3A_711 = tpu.vector_load %arg16[%swap3A_710] masked %ge3A_706 {strides = array<i32>} : memref<128xi32, #tpu.memory_space<vmem>>, vector<16xi32>, vector<16xi1>
        tpu.vector_store %arg16[%swap3A_710], %add3A_709 masked %ge3A_706 {strides = array<i32>} : memref<128xi32, #tpu.memory_space<vmem>>, vector<16xi32>, vector<16xi1>
        %convert_element_type3A_712 = arith.extui %ge3A_706 : vector<16xi1> to vector<16xi32>
        %reduce_sum3A_713 = arith.constant true
        %reduce_sum3A_714 = vector.broadcast %reduce_sum3A_713 : i1 to vector<16xi1>
        %reduce_sum3A_715 = tpu.scan <sum>, %convert_element_type3A_712 masked %reduce_sum3A_714 : vector<16xi32>, vector<16xi1> -> vector<16xi32>
        %reduce_sum3A_716 = vector.extract %reduce_sum3A_715[15] : i32 from vector<16xi32>
        %add3A_717 = arith.addi %add3A_701, %reduce_sum3A_716 : i32
        scf.yield %add3A_717 : i32
      } else {
        scf.yield %scan3A_569 : i32
      }
      scf.yield %cond3A_573 : i32
    }
    %scan3A_346 = arith.constant 2 : i32
    %add3A_347 = arith.constant 466689009 : i32
    %add3A_348 = arith.constant 1 : i32
    %add3A_349 = arith.addi %add3A_347, %add3A_348 : i32
    %add3A_350 = arith.constant 0 : i32
    %add3A_351 = arith.constant 2 : i32
    %add3A_352 = arith.addi %add3A_350, %add3A_351 : i32
    %add3A_353 = arith.constant 43 : i32
    %add3A_354 = arith.constant 3 : i32
    %add3A_355 = arith.addi %add3A_353, %add3A_354 : i32
    %add3A_356 = arith.constant 466689009 : i32
    %add3A_357 = arith.constant 4 : i32
    %add3A_358 = arith.addi %add3A_356, %add3A_357 : i32
    %add3A_359 = arith.constant 0 : i32
    %add3A_360 = arith.constant 5 : i32
    %add3A_361 = arith.addi %add3A_359, %add3A_360 : i32
    %while3A_362 = arith.constant 0 : i32
    %while3A_363 = arith.constant 0 : i32
    %while3A_364 = arith.constant 43 : i32
    %while3A_365 = arith.constant 466689009 : i32
    %while3A_366 = arith.constant 0 : i32
    %while3A_367 = arith.subi %scan3A_345, %while3A_366 : i32
    %while3A_368 = arith.addi %while3A_366, %while3A_367 : i32
    %while3A_369 = arith.constant 1 : i32
    %while3A_370 = arith.divsi %while3A_367, %while3A_369 : i32
    %while3A_371 = arith.muli %while3A_370, %while3A_369 : i32
    %while3A_372 = arith.addi %while3A_366, %while3A_371 : i32
    %while3A_373 = arith.constant 1 : i32
    scf.for %while3A_568 = %while3A_366 to %while3A_372 step %while3A_373  : i32 {
      %broadcast_in_dim3A_569 = vector.broadcast %while3A_568 : i32 to vector<16xi32>
      %gather3A_570 = tpu.vector_load_idx %arg16[%broadcast_in_dim3A_569] : memref<128xi32, #tpu.memory_space<vmem>>[vector<16xi32>], vector<16xi32>,
      %slice3A = vector.extract_strided_slice %gather3A_570 {offsets = [0], sizes = [1], strides = [1]} : vector<16xi32> to vector<1xi32>
      %squeeze3A = vector.extract %slice3A[0] : i32 from vector<1xi32>
      %add3A_571 = arith.addi %mul3A_2, %squeeze3A : i32
      %broadcast_in_dim3A_572 = vector.broadcast %add3A_571 : i32 to vector<16xi32>
      %gather3A_573 = tpu.vector_load_idx %arg7[%broadcast_in_dim3A_572] : memref<4096xi32, #tpu.memory_space<vmem>>[vector<16xi32>], vector<16xi32>,
      %mul3A_574 = arith.constant 4096 : i32
      %mul3A_575 = arith.muli %add3A_571, %mul3A_574 : i32
      %broadcast_in_dim3A_576 = arith.constant -1 : i32
      %broadcast_in_dim3A_577 = vector.broadcast %broadcast_in_dim3A_576 : i32 to vector<16xi32>
      %broadcast_in_dim3A_578 = arith.constant 4096 : i32
      %broadcast_in_dim3A_579 = vector.broadcast %broadcast_in_dim3A_578 : i32 to vector<16xi32>
      %scan3A_580 = arith.constant 0 : i32
      %scan3A_581 = arith.constant 256 : i32
      %scan3A_582 = arith.addi %scan3A_580, %scan3A_581 : i32
      %scan3A_583 = arith.constant 1 : i32
      %scan3A_584:2 = scf.for %scan3A_610 = %scan3A_580 to %scan3A_582 step %scan3A_583 iter_args(%scan3A_611 = %broadcast_in_dim3A_577, %scan3A_612 = %broadcast_in_dim3A_579) -> (vector<16xi32>, vector<16xi32>)  : i32 {
        %mul3A_613 = arith.constant 16 : i32
        %mul3A_614 = arith.muli %scan3A_610, %mul3A_613 : i32
        %add3A_615 = vector.broadcast %mul3A_614 : i32 to vector<16xi32>
        %add3A_616 = arith.addi %iota3A, %add3A_615 : vector<16xi32>
        %gather3A_617 = tpu.vector_load_idx %arg7[%add3A_616] : memref<4096xi32, #tpu.memory_space<vmem>>[vector<16xi32>], vector<16xi32>,
        %ne3A = arith.cmpi ne, %gather3A_617, %gather3A_573 : vector<16xi32>
        %broadcast_in_dim3A_618 = arith.constant 0 : i32
        %broadcast_in_dim3A_619 = vector.broadcast %broadcast_in_dim3A_618 : i32 to vector<16xi32>
        %add3A_620 = vector.broadcast %while3A_363 : i32 to vector<16xi32>
        %add3A_621 = arith.addi %add3A_620, %broadcast_in_dim3A_619 : vector<16xi32>
        %add3A_622 = arith.addi %while3A_364, %mul3A_575 : i32
        %add3A_623 = vector.broadcast %add3A_622 : i32 to vector<16xi32>
        %add3A_624 = arith.addi %add3A_623, %add3A_616 : vector<16xi32>
        %add3A_625 = arith.addi %add3A_621, %add3A_624 : vector<16xi32>
        %shift_left3A = arith.constant 13 : i32
        %shift_left3A_626 = vector.broadcast %shift_left3A : i32 to vector<16xi32>
        %shift_left3A_627 = arith.shli %add3A_624, %shift_left3A_626 : vector<16xi32>
        %shift_right_logical3A = arith.constant 19 : i32
        %shift_right_logical3A_628 = vector.broadcast %shift_right_logical3A : i32 to vector<16xi32>
        %shift_right_logical3A_629 = arith.shrui %add3A_624, %shift_right_logical3A_628 : vector<16xi32>
        %or3A = arith.ori %shift_left3A_627, %shift_right_logical3A_629 : vector<16xi32>
        %xor3A = arith.xori %or3A, %add3A_625 : vector<16xi32>
        %add3A_630 = arith.addi %add3A_625, %xor3A : vector<16xi32>
        %shift_left3A_631 = arith.constant 15 : i32
        %shift_left3A_632 = vector.broadcast %shift_left3A_631 : i32 to vector<16xi32>
        %shift_left3A_633 = arith.shli %xor3A, %shift_left3A_632 : vector<16xi32>
        %shift_right_logical3A_634 = arith.constant 17 : i32
        %shift_right_logical3A_635 = vector.broadcast %shift_right_logical3A_634 : i32 to vector<16xi32>
        %shift_right_logical3A_636 = arith.shrui %xor3A, %shift_right_logical3A_635 : vector<16xi32>
        %or3A_637 = arith.ori %shift_left3A_633, %shift_right_logical3A_636 : vector<16xi32>
        %xor3A_638 = arith.xori %or3A_637, %add3A_630 : vector<16xi32>
        %add3A_639 = arith.addi %add3A_630, %xor3A_638 : vector<16xi32>
        %shift_left3A_640 = arith.constant 26 : i32
        %shift_left3A_641 = vector.broadcast %shift_left3A_640 : i32 to vector<16xi32>
        %shift_left3A_642 = arith.shli %xor3A_638, %shift_left3A_641 : vector<16xi32>
        %shift_right_logical3A_643 = arith.constant 6 : i32
        %shift_right_logical3A_644 = vector.broadcast %shift_right_logical3A_643 : i32 to vector<16xi32>
        %shift_right_logical3A_645 = arith.shrui %xor3A_638, %shift_right_logical3A_644 : vector<16xi32>
        %or3A_646 = arith.ori %shift_left3A_642, %shift_right_logical3A_645 : vector<16xi32>
        %xor3A_647 = arith.xori %or3A_646, %add3A_639 : vector<16xi32>
        %add3A_648 = arith.addi %add3A_639, %xor3A_647 : vector<16xi32>
        %shift_left3A_649 = arith.constant 6 : i32
        %shift_left3A_650 = vector.broadcast %shift_left3A_649 : i32 to vector<16xi32>
        %shift_left3A_651 = arith.shli %xor3A_647, %shift_left3A_650 : vector<16xi32>
        %shift_right_logical3A_652 = arith.constant 26 : i32
        %shift_right_logical3A_653 = vector.broadcast %shift_right_logical3A_652 : i32 to vector<16xi32>
        %shift_right_logical3A_654 = arith.shrui %xor3A_647, %shift_right_logical3A_653 : vector<16xi32>
        %or3A_655 = arith.ori %shift_left3A_651, %shift_right_logical3A_654 : vector<16xi32>
        %xor3A_656 = arith.xori %or3A_655, %add3A_648 : vector<16xi32>
        %add3A_657 = vector.broadcast %while3A_364 : i32 to vector<16xi32>
        %add3A_658 = arith.addi %add3A_648, %add3A_657 : vector<16xi32>
        %add3A_659 = vector.broadcast %add3A_349 : i32 to vector<16xi32>
        %add3A_660 = arith.addi %xor3A_656, %add3A_659 : vector<16xi32>
        %add3A_661 = arith.addi %add3A_658, %add3A_660 : vector<16xi32>
        %shift_left3A_662 = arith.constant 17 : i32
        %shift_left3A_663 = vector.broadcast %shift_left3A_662 : i32 to vector<16xi32>
        %shift_left3A_664 = arith.shli %add3A_660, %shift_left3A_663 : vector<16xi32>
        %shift_right_logical3A_665 = arith.constant 15 : i32
        %shift_right_logical3A_666 = vector.broadcast %shift_right_logical3A_665 : i32 to vector<16xi32>
        %shift_right_logical3A_667 = arith.shrui %add3A_660, %shift_right_logical3A_666 : vector<16xi32>
        %or3A_668 = arith.ori %shift_left3A_664, %shift_right_logical3A_667 : vector<16xi32>
        %xor3A_669 = arith.xori %or3A_668, %add3A_661 : vector<16xi32>
        %add3A_670 = arith.addi %add3A_661, %xor3A_669 : vector<16xi32>
        %shift_left3A_671 = arith.constant 29 : i32
        %shift_left3A_672 = vector.broadcast %shift_left3A_671 : i32 to vector<16xi32>
        %shift_left3A_673 = arith.shli %xor3A_669, %shift_left3A_672 : vector<16xi32>
        %shift_right_logical3A_674 = arith.constant 3 : i32
        %shift_right_logical3A_675 = vector.broadcast %shift_right_logical3A_674 : i32 to vector<16xi32>
        %shift_right_logical3A_676 = arith.shrui %xor3A_669, %shift_right_logical3A_675 : vector<16xi32>
        %or3A_677 = arith.ori %shift_left3A_673, %shift_right_logical3A_676 : vector<16xi32>
        %xor3A_678 = arith.xori %or3A_677, %add3A_670 : vector<16xi32>
        %add3A_679 = arith.addi %add3A_670, %xor3A_678 : vector<16xi32>
        %shift_left3A_680 = arith.constant 16 : i32
        %shift_left3A_681 = vector.broadcast %shift_left3A_680 : i32 to vector<16xi32>
        %shift_left3A_682 = arith.shli %xor3A_678, %shift_left3A_681 : vector<16xi32>
        %shift_right_logical3A_683 = arith.constant 16 : i32
        %shift_right_logical3A_684 = vector.broadcast %shift_right_logical3A_683 : i32 to vector<16xi32>
        %shift_right_logical3A_685 = arith.shrui %xor3A_678, %shift_right_logical3A_684 : vector<16xi32>
        %or3A_686 = arith.ori %shift_left3A_682, %shift_right_logical3A_685 : vector<16xi32>
        %xor3A_687 = arith.xori %or3A_686, %add3A_679 : vector<16xi32>
        %add3A_688 = arith.addi %add3A_679, %xor3A_687 : vector<16xi32>
        %shift_left3A_689 = arith.constant 24 : i32
        %shift_left3A_690 = vector.broadcast %shift_left3A_689 : i32 to vector<16xi32>
        %shift_left3A_691 = arith.shli %xor3A_687, %shift_left3A_690 : vector<16xi32>
        %shift_right_logical3A_692 = arith.constant 8 : i32
        %shift_right_logical3A_693 = vector.broadcast %shift_right_logical3A_692 : i32 to vector<16xi32>
        %shift_right_logical3A_694 = arith.shrui %xor3A_687, %shift_right_logical3A_693 : vector<16xi32>
        %or3A_695 = arith.ori %shift_left3A_691, %shift_right_logical3A_694 : vector<16xi32>
        %xor3A_696 = arith.xori %or3A_695, %add3A_688 : vector<16xi32>
        %add3A_697 = vector.broadcast %while3A_365 : i32 to vector<16xi32>
        %add3A_698 = arith.addi %add3A_688, %add3A_697 : vector<16xi32>
        %add3A_699 = vector.broadcast %add3A_352 : i32 to vector<16xi32>
        %add3A_700 = arith.addi %xor3A_696, %add3A_699 : vector<16xi32>
        %add3A_701 = arith.addi %add3A_698, %add3A_700 : vector<16xi32>
        %shift_left3A_702 = arith.constant 13 : i32
        %shift_left3A_703 = vector.broadcast %shift_left3A_702 : i32 to vector<16xi32>
        %shift_left3A_704 = arith.shli %add3A_700, %shift_left3A_703 : vector<16xi32>
        %shift_right_logical3A_705 = arith.constant 19 : i32
        %shift_right_logical3A_706 = vector.broadcast %shift_right_logical3A_705 : i32 to vector<16xi32>
        %shift_right_logical3A_707 = arith.shrui %add3A_700, %shift_right_logical3A_706 : vector<16xi32>
        %or3A_708 = arith.ori %shift_left3A_704, %shift_right_logical3A_707 : vector<16xi32>
        %xor3A_709 = arith.xori %or3A_708, %add3A_701 : vector<16xi32>
        %add3A_710 = arith.addi %add3A_701, %xor3A_709 : vector<16xi32>
        %shift_left3A_711 = arith.constant 15 : i32
        %shift_left3A_712 = vector.broadcast %shift_left3A_711 : i32 to vector<16xi32>
        %shift_left3A_713 = arith.shli %xor3A_709, %shift_left3A_712 : vector<16xi32>
        %shift_right_logical3A_714 = arith.constant 17 : i32
        %shift_right_logical3A_715 = vector.broadcast %shift_right_logical3A_714 : i32 to vector<16xi32>
        %shift_right_logical3A_716 = arith.shrui %xor3A_709, %shift_right_logical3A_715 : vector<16xi32>
        %or3A_717 = arith.ori %shift_left3A_713, %shift_right_logical3A_716 : vector<16xi32>
        %xor3A_718 = arith.xori %or3A_717, %add3A_710 : vector<16xi32>
        %add3A_719 = arith.addi %add3A_710, %xor3A_718 : vector<16xi32>
        %shift_left3A_720 = arith.constant 26 : i32
        %shift_left3A_721 = vector.broadcast %shift_left3A_720 : i32 to vector<16xi32>
        %shift_left3A_722 = arith.shli %xor3A_718, %shift_left3A_721 : vector<16xi32>
        %shift_right_logical3A_723 = arith.constant 6 : i32
        %shift_right_logical3A_724 = vector.broadcast %shift_right_logical3A_723 : i32 to vector<16xi32>
        %shift_right_logical3A_725 = arith.shrui %xor3A_718, %shift_right_logical3A_724 : vector<16xi32>
        %or3A_726 = arith.ori %shift_left3A_722, %shift_right_logical3A_725 : vector<16xi32>
        %xor3A_727 = arith.xori %or3A_726, %add3A_719 : vector<16xi32>
        %add3A_728 = arith.addi %add3A_719, %xor3A_727 : vector<16xi32>
        %shift_left3A_729 = arith.constant 6 : i32
        %shift_left3A_730 = vector.broadcast %shift_left3A_729 : i32 to vector<16xi32>
        %shift_left3A_731 = arith.shli %xor3A_727, %shift_left3A_730 : vector<16xi32>
        %shift_right_logical3A_732 = arith.constant 26 : i32
        %shift_right_logical3A_733 = vector.broadcast %shift_right_logical3A_732 : i32 to vector<16xi32>
        %shift_right_logical3A_734 = arith.shrui %xor3A_727, %shift_right_logical3A_733 : vector<16xi32>
        %or3A_735 = arith.ori %shift_left3A_731, %shift_right_logical3A_734 : vector<16xi32>
        %xor3A_736 = arith.xori %or3A_735, %add3A_728 : vector<16xi32>
        %add3A_737 = vector.broadcast %while3A_363 : i32 to vector<16xi32>
        %add3A_738 = arith.addi %add3A_728, %add3A_737 : vector<16xi32>
        %add3A_739 = vector.broadcast %add3A_355 : i32 to vector<16xi32>
        %add3A_740 = arith.addi %xor3A_736, %add3A_739 : vector<16xi32>
        %add3A_741 = arith.addi %add3A_738, %add3A_740 : vector<16xi32>
        %shift_left3A_742 = arith.constant 17 : i32
        %shift_left3A_743 = vector.broadcast %shift_left3A_742 : i32 to vector<16xi32>
        %shift_left3A_744 = arith.shli %add3A_740, %shift_left3A_743 : vector<16xi32>
        %shift_right_logical3A_745 = arith.constant 15 : i32
        %shift_right_logical3A_746 = vector.broadcast %shift_right_logical3A_745 : i32 to vector<16xi32>
        %shift_right_logical3A_747 = arith.shrui %add3A_740, %shift_right_logical3A_746 : vector<16xi32>
        %or3A_748 = arith.ori %shift_left3A_744, %shift_right_logical3A_747 : vector<16xi32>
        %xor3A_749 = arith.xori %or3A_748, %add3A_741 : vector<16xi32>
        %add3A_750 = arith.addi %add3A_741, %xor3A_749 : vector<16xi32>
        %shift_left3A_751 = arith.constant 29 : i32
        %shift_left3A_752 = vector.broadcast %shift_left3A_751 : i32 to vector<16xi32>
        %shift_left3A_753 = arith.shli %xor3A_749, %shift_left3A_752 : vector<16xi32>
        %shift_right_logical3A_754 = arith.constant 3 : i32
        %shift_right_logical3A_755 = vector.broadcast %shift_right_logical3A_754 : i32 to vector<16xi32>
        %shift_right_logical3A_756 = arith.shrui %xor3A_749, %shift_right_logical3A_755 : vector<16xi32>
        %or3A_757 = arith.ori %shift_left3A_753, %shift_right_logical3A_756 : vector<16xi32>
        %xor3A_758 = arith.xori %or3A_757, %add3A_750 : vector<16xi32>
        %add3A_759 = arith.addi %add3A_750, %xor3A_758 : vector<16xi32>
        %shift_left3A_760 = arith.constant 16 : i32
        %shift_left3A_761 = vector.broadcast %shift_left3A_760 : i32 to vector<16xi32>
        %shift_left3A_762 = arith.shli %xor3A_758, %shift_left3A_761 : vector<16xi32>
        %shift_right_logical3A_763 = arith.constant 16 : i32
        %shift_right_logical3A_764 = vector.broadcast %shift_right_logical3A_763 : i32 to vector<16xi32>
        %shift_right_logical3A_765 = arith.shrui %xor3A_758, %shift_right_logical3A_764 : vector<16xi32>
        %or3A_766 = arith.ori %shift_left3A_762, %shift_right_logical3A_765 : vector<16xi32>
        %xor3A_767 = arith.xori %or3A_766, %add3A_759 : vector<16xi32>
        %add3A_768 = arith.addi %add3A_759, %xor3A_767 : vector<16xi32>
        %shift_left3A_769 = arith.constant 24 : i32
        %shift_left3A_770 = vector.broadcast %shift_left3A_769 : i32 to vector<16xi32>
        %shift_left3A_771 = arith.shli %xor3A_767, %shift_left3A_770 : vector<16xi32>
        %shift_right_logical3A_772 = arith.constant 8 : i32
        %shift_right_logical3A_773 = vector.broadcast %shift_right_logical3A_772 : i32 to vector<16xi32>
        %shift_right_logical3A_774 = arith.shrui %xor3A_767, %shift_right_logical3A_773 : vector<16xi32>
        %or3A_775 = arith.ori %shift_left3A_771, %shift_right_logical3A_774 : vector<16xi32>
        %xor3A_776 = arith.xori %or3A_775, %add3A_768 : vector<16xi32>
        %add3A_777 = vector.broadcast %while3A_364 : i32 to vector<16xi32>
        %add3A_778 = arith.addi %add3A_768, %add3A_777 : vector<16xi32>
        %add3A_779 = vector.broadcast %add3A_358 : i32 to vector<16xi32>
        %add3A_780 = arith.addi %xor3A_776, %add3A_779 : vector<16xi32>
        %add3A_781 = arith.addi %add3A_778, %add3A_780 : vector<16xi32>
        %shift_left3A_782 = arith.constant 13 : i32
        %shift_left3A_783 = vector.broadcast %shift_left3A_782 : i32 to vector<16xi32>
        %shift_left3A_784 = arith.shli %add3A_780, %shift_left3A_783 : vector<16xi32>
        %shift_right_logical3A_785 = arith.constant 19 : i32
        %shift_right_logical3A_786 = vector.broadcast %shift_right_logical3A_785 : i32 to vector<16xi32>
        %shift_right_logical3A_787 = arith.shrui %add3A_780, %shift_right_logical3A_786 : vector<16xi32>
        %or3A_788 = arith.ori %shift_left3A_784, %shift_right_logical3A_787 : vector<16xi32>
        %xor3A_789 = arith.xori %or3A_788, %add3A_781 : vector<16xi32>
        %add3A_790 = arith.addi %add3A_781, %xor3A_789 : vector<16xi32>
        %shift_left3A_791 = arith.constant 15 : i32
        %shift_left3A_792 = vector.broadcast %shift_left3A_791 : i32 to vector<16xi32>
        %shift_left3A_793 = arith.shli %xor3A_789, %shift_left3A_792 : vector<16xi32>
        %shift_right_logical3A_794 = arith.constant 17 : i32
        %shift_right_logical3A_795 = vector.broadcast %shift_right_logical3A_794 : i32 to vector<16xi32>
        %shift_right_logical3A_796 = arith.shrui %xor3A_789, %shift_right_logical3A_795 : vector<16xi32>
        %or3A_797 = arith.ori %shift_left3A_793, %shift_right_logical3A_796 : vector<16xi32>
        %xor3A_798 = arith.xori %or3A_797, %add3A_790 : vector<16xi32>
        %add3A_799 = arith.addi %add3A_790, %xor3A_798 : vector<16xi32>
        %shift_left3A_800 = arith.constant 26 : i32
        %shift_left3A_801 = vector.broadcast %shift_left3A_800 : i32 to vector<16xi32>
        %shift_left3A_802 = arith.shli %xor3A_798, %shift_left3A_801 : vector<16xi32>
        %shift_right_logical3A_803 = arith.constant 6 : i32
        %shift_right_logical3A_804 = vector.broadcast %shift_right_logical3A_803 : i32 to vector<16xi32>
        %shift_right_logical3A_805 = arith.shrui %xor3A_798, %shift_right_logical3A_804 : vector<16xi32>
        %or3A_806 = arith.ori %shift_left3A_802, %shift_right_logical3A_805 : vector<16xi32>
        %xor3A_807 = arith.xori %or3A_806, %add3A_799 : vector<16xi32>
        %add3A_808 = arith.addi %add3A_799, %xor3A_807 : vector<16xi32>
        %shift_left3A_809 = arith.constant 6 : i32
        %shift_left3A_810 = vector.broadcast %shift_left3A_809 : i32 to vector<16xi32>
        %shift_left3A_811 = arith.shli %xor3A_807, %shift_left3A_810 : vector<16xi32>
        %shift_right_logical3A_812 = arith.constant 26 : i32
        %shift_right_logical3A_813 = vector.broadcast %shift_right_logical3A_812 : i32 to vector<16xi32>
        %shift_right_logical3A_814 = arith.shrui %xor3A_807, %shift_right_logical3A_813 : vector<16xi32>
        %or3A_815 = arith.ori %shift_left3A_811, %shift_right_logical3A_814 : vector<16xi32>
        %xor3A_816 = arith.xori %or3A_815, %add3A_808 : vector<16xi32>
        %add3A_817 = vector.broadcast %while3A_365 : i32 to vector<16xi32>
        %add3A_818 = arith.addi %add3A_808, %add3A_817 : vector<16xi32>
        %add3A_819 = vector.broadcast %add3A_361 : i32 to vector<16xi32>
        %add3A_820 = arith.addi %xor3A_816, %add3A_819 : vector<16xi32>
        %xor3A_821 = arith.xori %add3A_818, %add3A_820 : vector<16xi32>
        %shift_right_logical3A_822 = arith.constant 9 : i32
        %shift_right_logical3A_823 = vector.broadcast %shift_right_logical3A_822 : i32 to vector<16xi32>
        %shift_right_logical3A_824 = arith.shrui %xor3A_821, %shift_right_logical3A_823 : vector<16xi32>
        %jit3A_825 = arith.constant -1 : i32
        %broadcast_in_dim3A_826 = vector.broadcast %jit3A_825 : i32 to vector<16xi32>
        %select_n3A_827 = arith.select %ne3A, %shift_right_logical3A_824, %broadcast_in_dim3A_826 : vector<16xi1>, vector<16xi32>
        %gt3A = arith.cmpi sgt, %select_n3A_827, %scan3A_611 : vector<16xi32>
        %eq3A_828 = arith.cmpi eq, %select_n3A_827, %scan3A_611 : vector<16xi32>
        %lt3A = arith.cmpi slt, %add3A_616, %scan3A_612 : vector<16xi32>
        %and3A_829 = arith.andi %eq3A_828, %lt3A : vector<16xi1>
        %or3A_830 = arith.ori %gt3A, %and3A_829 : vector<16xi1>
        %select_n3A_831 = arith.select %or3A_830, %select_n3A_827, %scan3A_611 : vector<16xi1>, vector<16xi32>
        %select_n3A_832 = arith.select %or3A_830, %add3A_616, %scan3A_612 : vector<16xi1>, vector<16xi32>
        scf.yield %select_n3A_831, %select_n3A_832 : vector<16xi32>, vector<16xi32>
      }
      %scan3A_585 = arith.constant 256 : i32
      %reduce_max3A = arith.constant true
      %reduce_max3A_586 = vector.broadcast %reduce_max3A : i1 to vector<16xi1>
      %reduce_max3A_587 = arith.constant -2147483648 : i32
      %reduce_max3A_588 = vector.broadcast %reduce_max3A_587 : i32 to vector<16xi32>
      %reduce_max3A_589 = arith.xori %scan3A_584#0, %reduce_max3A_588 : vector<16xi32>
      %reduce_max3A_590 = tpu.scan <max>, %reduce_max3A_589 masked %reduce_max3A_586 : vector<16xi32>, vector<16xi1> -> vector<16xi32>
      %reduce_max3A_591 = arith.xori %reduce_max3A_590, %reduce_max3A_588 : vector<16xi32>
      %reduce_max3A_592 = vector.extract %reduce_max3A_591[15] : i32 from vector<16xi32>
      %eq3A_593 = vector.broadcast %reduce_max3A_592 : i32 to vector<16xi32>
      %eq3A_594 = arith.cmpi eq, %scan3A_584#0, %eq3A_593 : vector<16xi32>
      %jit3A_595 = arith.constant 4096 : i32
      %broadcast_in_dim3A_596 = vector.broadcast %jit3A_595 : i32 to vector<16xi32>
      %select_n3A_597 = arith.select %eq3A_594, %scan3A_584#1, %broadcast_in_dim3A_596 : vector<16xi1>, vector<16xi32>
      %reduce_min3A = arith.constant true
      %reduce_min3A_598 = vector.broadcast %reduce_min3A : i1 to vector<16xi1>
      %reduce_min3A_599 = arith.constant -2147483648 : i32
      %reduce_min3A_600 = vector.broadcast %reduce_min3A_599 : i32 to vector<16xi32>
      %reduce_min3A_601 = arith.xori %select_n3A_597, %reduce_min3A_600 : vector<16xi32>
      %reduce_min3A_602 = tpu.scan <min>, %reduce_min3A_601 masked %reduce_min3A_598 : vector<16xi32>, vector<16xi1> -> vector<16xi32>
      %reduce_min3A_603 = arith.xori %reduce_min3A_602, %reduce_min3A_600 : vector<16xi32>
      %reduce_min3A_604 = vector.extract %reduce_min3A_603[15] : i32 from vector<16xi32>
      %ge3A = arith.constant 0 : i32
      %ge3A_605 = arith.cmpi sge, %reduce_max3A_592, %ge3A : i32
      %jit3A_606 = arith.constant 1073741824 : i32
      %select_n3A_607 = arith.select %ge3A_605, %reduce_min3A_604, %jit3A_606 : i32
      %broadcast_in_dim3A_608 = vector.broadcast %squeeze3A : i32 to vector<16xi32>
      %broadcast_in_dim3A_609 = vector.broadcast %select_n3A_607 : i32 to vector<16xi32>
      tpu.vector_store_idx %arg11[%broadcast_in_dim3A_608], %broadcast_in_dim3A_609 masked %eq3A_38 : memref<128xi32, #tpu.memory_space<vmem>>[vector<16xi32>], vector<16xi32>, vector<16xi1>
    }
    %while3A_374 = arith.constant 1 : i32
    scf.for %while3A_568 = %while3A_372 to %while3A_368 step %while3A_374  : i32 {
      %broadcast_in_dim3A_569 = vector.broadcast %while3A_568 : i32 to vector<16xi32>
      %gather3A_570 = tpu.vector_load_idx %arg16[%broadcast_in_dim3A_569] : memref<128xi32, #tpu.memory_space<vmem>>[vector<16xi32>], vector<16xi32>,
      %slice3A = vector.extract_strided_slice %gather3A_570 {offsets = [0], sizes = [1], strides = [1]} : vector<16xi32> to vector<1xi32>
      %squeeze3A = vector.extract %slice3A[0] : i32 from vector<1xi32>
      %add3A_571 = arith.addi %mul3A_2, %squeeze3A : i32
      %broadcast_in_dim3A_572 = vector.broadcast %add3A_571 : i32 to vector<16xi32>
      %gather3A_573 = tpu.vector_load_idx %arg7[%broadcast_in_dim3A_572] : memref<4096xi32, #tpu.memory_space<vmem>>[vector<16xi32>], vector<16xi32>,
      %mul3A_574 = arith.constant 4096 : i32
      %mul3A_575 = arith.muli %add3A_571, %mul3A_574 : i32
      %broadcast_in_dim3A_576 = arith.constant -1 : i32
      %broadcast_in_dim3A_577 = vector.broadcast %broadcast_in_dim3A_576 : i32 to vector<16xi32>
      %broadcast_in_dim3A_578 = arith.constant 4096 : i32
      %broadcast_in_dim3A_579 = vector.broadcast %broadcast_in_dim3A_578 : i32 to vector<16xi32>
      %scan3A_580 = arith.constant 0 : i32
      %scan3A_581 = arith.constant 256 : i32
      %scan3A_582 = arith.addi %scan3A_580, %scan3A_581 : i32
      %scan3A_583 = arith.constant 1 : i32
      %scan3A_584:2 = scf.for %scan3A_610 = %scan3A_580 to %scan3A_582 step %scan3A_583 iter_args(%scan3A_611 = %broadcast_in_dim3A_577, %scan3A_612 = %broadcast_in_dim3A_579) -> (vector<16xi32>, vector<16xi32>)  : i32 {
        %mul3A_613 = arith.constant 16 : i32
        %mul3A_614 = arith.muli %scan3A_610, %mul3A_613 : i32
        %add3A_615 = vector.broadcast %mul3A_614 : i32 to vector<16xi32>
        %add3A_616 = arith.addi %iota3A, %add3A_615 : vector<16xi32>
        %gather3A_617 = tpu.vector_load_idx %arg7[%add3A_616] : memref<4096xi32, #tpu.memory_space<vmem>>[vector<16xi32>], vector<16xi32>,
        %ne3A = arith.cmpi ne, %gather3A_617, %gather3A_573 : vector<16xi32>
        %broadcast_in_dim3A_618 = arith.constant 0 : i32
        %broadcast_in_dim3A_619 = vector.broadcast %broadcast_in_dim3A_618 : i32 to vector<16xi32>
        %add3A_620 = vector.broadcast %while3A_363 : i32 to vector<16xi32>
        %add3A_621 = arith.addi %add3A_620, %broadcast_in_dim3A_619 : vector<16xi32>
        %add3A_622 = arith.addi %while3A_364, %mul3A_575 : i32
        %add3A_623 = vector.broadcast %add3A_622 : i32 to vector<16xi32>
        %add3A_624 = arith.addi %add3A_623, %add3A_616 : vector<16xi32>
        %add3A_625 = arith.addi %add3A_621, %add3A_624 : vector<16xi32>
        %shift_left3A = arith.constant 13 : i32
        %shift_left3A_626 = vector.broadcast %shift_left3A : i32 to vector<16xi32>
        %shift_left3A_627 = arith.shli %add3A_624, %shift_left3A_626 : vector<16xi32>
        %shift_right_logical3A = arith.constant 19 : i32
        %shift_right_logical3A_628 = vector.broadcast %shift_right_logical3A : i32 to vector<16xi32>
        %shift_right_logical3A_629 = arith.shrui %add3A_624, %shift_right_logical3A_628 : vector<16xi32>
        %or3A = arith.ori %shift_left3A_627, %shift_right_logical3A_629 : vector<16xi32>
        %xor3A = arith.xori %or3A, %add3A_625 : vector<16xi32>
        %add3A_630 = arith.addi %add3A_625, %xor3A : vector<16xi32>
        %shift_left3A_631 = arith.constant 15 : i32
        %shift_left3A_632 = vector.broadcast %shift_left3A_631 : i32 to vector<16xi32>
        %shift_left3A_633 = arith.shli %xor3A, %shift_left3A_632 : vector<16xi32>
        %shift_right_logical3A_634 = arith.constant 17 : i32
        %shift_right_logical3A_635 = vector.broadcast %shift_right_logical3A_634 : i32 to vector<16xi32>
        %shift_right_logical3A_636 = arith.shrui %xor3A, %shift_right_logical3A_635 : vector<16xi32>
        %or3A_637 = arith.ori %shift_left3A_633, %shift_right_logical3A_636 : vector<16xi32>
        %xor3A_638 = arith.xori %or3A_637, %add3A_630 : vector<16xi32>
        %add3A_639 = arith.addi %add3A_630, %xor3A_638 : vector<16xi32>
        %shift_left3A_640 = arith.constant 26 : i32
        %shift_left3A_641 = vector.broadcast %shift_left3A_640 : i32 to vector<16xi32>
        %shift_left3A_642 = arith.shli %xor3A_638, %shift_left3A_641 : vector<16xi32>
        %shift_right_logical3A_643 = arith.constant 6 : i32
        %shift_right_logical3A_644 = vector.broadcast %shift_right_logical3A_643 : i32 to vector<16xi32>
        %shift_right_logical3A_645 = arith.shrui %xor3A_638, %shift_right_logical3A_644 : vector<16xi32>
        %or3A_646 = arith.ori %shift_left3A_642, %shift_right_logical3A_645 : vector<16xi32>
        %xor3A_647 = arith.xori %or3A_646, %add3A_639 : vector<16xi32>
        %add3A_648 = arith.addi %add3A_639, %xor3A_647 : vector<16xi32>
        %shift_left3A_649 = arith.constant 6 : i32
        %shift_left3A_650 = vector.broadcast %shift_left3A_649 : i32 to vector<16xi32>
        %shift_left3A_651 = arith.shli %xor3A_647, %shift_left3A_650 : vector<16xi32>
        %shift_right_logical3A_652 = arith.constant 26 : i32
        %shift_right_logical3A_653 = vector.broadcast %shift_right_logical3A_652 : i32 to vector<16xi32>
        %shift_right_logical3A_654 = arith.shrui %xor3A_647, %shift_right_logical3A_653 : vector<16xi32>
        %or3A_655 = arith.ori %shift_left3A_651, %shift_right_logical3A_654 : vector<16xi32>
        %xor3A_656 = arith.xori %or3A_655, %add3A_648 : vector<16xi32>
        %add3A_657 = vector.broadcast %while3A_364 : i32 to vector<16xi32>
        %add3A_658 = arith.addi %add3A_648, %add3A_657 : vector<16xi32>
        %add3A_659 = vector.broadcast %add3A_349 : i32 to vector<16xi32>
        %add3A_660 = arith.addi %xor3A_656, %add3A_659 : vector<16xi32>
        %add3A_661 = arith.addi %add3A_658, %add3A_660 : vector<16xi32>
        %shift_left3A_662 = arith.constant 17 : i32
        %shift_left3A_663 = vector.broadcast %shift_left3A_662 : i32 to vector<16xi32>
        %shift_left3A_664 = arith.shli %add3A_660, %shift_left3A_663 : vector<16xi32>
        %shift_right_logical3A_665 = arith.constant 15 : i32
        %shift_right_logical3A_666 = vector.broadcast %shift_right_logical3A_665 : i32 to vector<16xi32>
        %shift_right_logical3A_667 = arith.shrui %add3A_660, %shift_right_logical3A_666 : vector<16xi32>
        %or3A_668 = arith.ori %shift_left3A_664, %shift_right_logical3A_667 : vector<16xi32>
        %xor3A_669 = arith.xori %or3A_668, %add3A_661 : vector<16xi32>
        %add3A_670 = arith.addi %add3A_661, %xor3A_669 : vector<16xi32>
        %shift_left3A_671 = arith.constant 29 : i32
        %shift_left3A_672 = vector.broadcast %shift_left3A_671 : i32 to vector<16xi32>
        %shift_left3A_673 = arith.shli %xor3A_669, %shift_left3A_672 : vector<16xi32>
        %shift_right_logical3A_674 = arith.constant 3 : i32
        %shift_right_logical3A_675 = vector.broadcast %shift_right_logical3A_674 : i32 to vector<16xi32>
        %shift_right_logical3A_676 = arith.shrui %xor3A_669, %shift_right_logical3A_675 : vector<16xi32>
        %or3A_677 = arith.ori %shift_left3A_673, %shift_right_logical3A_676 : vector<16xi32>
        %xor3A_678 = arith.xori %or3A_677, %add3A_670 : vector<16xi32>
        %add3A_679 = arith.addi %add3A_670, %xor3A_678 : vector<16xi32>
        %shift_left3A_680 = arith.constant 16 : i32
        %shift_left3A_681 = vector.broadcast %shift_left3A_680 : i32 to vector<16xi32>
        %shift_left3A_682 = arith.shli %xor3A_678, %shift_left3A_681 : vector<16xi32>
        %shift_right_logical3A_683 = arith.constant 16 : i32
        %shift_right_logical3A_684 = vector.broadcast %shift_right_logical3A_683 : i32 to vector<16xi32>
        %shift_right_logical3A_685 = arith.shrui %xor3A_678, %shift_right_logical3A_684 : vector<16xi32>
        %or3A_686 = arith.ori %shift_left3A_682, %shift_right_logical3A_685 : vector<16xi32>
        %xor3A_687 = arith.xori %or3A_686, %add3A_679 : vector<16xi32>
        %add3A_688 = arith.addi %add3A_679, %xor3A_687 : vector<16xi32>
        %shift_left3A_689 = arith.constant 24 : i32
        %shift_left3A_690 = vector.broadcast %shift_left3A_689 : i32 to vector<16xi32>
        %shift_left3A_691 = arith.shli %xor3A_687, %shift_left3A_690 : vector<16xi32>
        %shift_right_logical3A_692 = arith.constant 8 : i32
        %shift_right_logical3A_693 = vector.broadcast %shift_right_logical3A_692 : i32 to vector<16xi32>
        %shift_right_logical3A_694 = arith.shrui %xor3A_687, %shift_right_logical3A_693 : vector<16xi32>
        %or3A_695 = arith.ori %shift_left3A_691, %shift_right_logical3A_694 : vector<16xi32>
        %xor3A_696 = arith.xori %or3A_695, %add3A_688 : vector<16xi32>
        %add3A_697 = vector.broadcast %while3A_365 : i32 to vector<16xi32>
        %add3A_698 = arith.addi %add3A_688, %add3A_697 : vector<16xi32>
        %add3A_699 = vector.broadcast %add3A_352 : i32 to vector<16xi32>
        %add3A_700 = arith.addi %xor3A_696, %add3A_699 : vector<16xi32>
        %add3A_701 = arith.addi %add3A_698, %add3A_700 : vector<16xi32>
        %shift_left3A_702 = arith.constant 13 : i32
        %shift_left3A_703 = vector.broadcast %shift_left3A_702 : i32 to vector<16xi32>
        %shift_left3A_704 = arith.shli %add3A_700, %shift_left3A_703 : vector<16xi32>
        %shift_right_logical3A_705 = arith.constant 19 : i32
        %shift_right_logical3A_706 = vector.broadcast %shift_right_logical3A_705 : i32 to vector<16xi32>
        %shift_right_logical3A_707 = arith.shrui %add3A_700, %shift_right_logical3A_706 : vector<16xi32>
        %or3A_708 = arith.ori %shift_left3A_704, %shift_right_logical3A_707 : vector<16xi32>
        %xor3A_709 = arith.xori %or3A_708, %add3A_701 : vector<16xi32>
        %add3A_710 = arith.addi %add3A_701, %xor3A_709 : vector<16xi32>
        %shift_left3A_711 = arith.constant 15 : i32
        %shift_left3A_712 = vector.broadcast %shift_left3A_711 : i32 to vector<16xi32>
        %shift_left3A_713 = arith.shli %xor3A_709, %shift_left3A_712 : vector<16xi32>
        %shift_right_logical3A_714 = arith.constant 17 : i32
        %shift_right_logical3A_715 = vector.broadcast %shift_right_logical3A_714 : i32 to vector<16xi32>
        %shift_right_logical3A_716 = arith.shrui %xor3A_709, %shift_right_logical3A_715 : vector<16xi32>
        %or3A_717 = arith.ori %shift_left3A_713, %shift_right_logical3A_716 : vector<16xi32>
        %xor3A_718 = arith.xori %or3A_717, %add3A_710 : vector<16xi32>
        %add3A_719 = arith.addi %add3A_710, %xor3A_718 : vector<16xi32>
        %shift_left3A_720 = arith.constant 26 : i32
        %shift_left3A_721 = vector.broadcast %shift_left3A_720 : i32 to vector<16xi32>
        %shift_left3A_722 = arith.shli %xor3A_718, %shift_left3A_721 : vector<16xi32>
        %shift_right_logical3A_723 = arith.constant 6 : i32
        %shift_right_logical3A_724 = vector.broadcast %shift_right_logical3A_723 : i32 to vector<16xi32>
        %shift_right_logical3A_725 = arith.shrui %xor3A_718, %shift_right_logical3A_724 : vector<16xi32>
        %or3A_726 = arith.ori %shift_left3A_722, %shift_right_logical3A_725 : vector<16xi32>
        %xor3A_727 = arith.xori %or3A_726, %add3A_719 : vector<16xi32>
        %add3A_728 = arith.addi %add3A_719, %xor3A_727 : vector<16xi32>
        %shift_left3A_729 = arith.constant 6 : i32
        %shift_left3A_730 = vector.broadcast %shift_left3A_729 : i32 to vector<16xi32>
        %shift_left3A_731 = arith.shli %xor3A_727, %shift_left3A_730 : vector<16xi32>
        %shift_right_logical3A_732 = arith.constant 26 : i32
        %shift_right_logical3A_733 = vector.broadcast %shift_right_logical3A_732 : i32 to vector<16xi32>
        %shift_right_logical3A_734 = arith.shrui %xor3A_727, %shift_right_logical3A_733 : vector<16xi32>
        %or3A_735 = arith.ori %shift_left3A_731, %shift_right_logical3A_734 : vector<16xi32>
        %xor3A_736 = arith.xori %or3A_735, %add3A_728 : vector<16xi32>
        %add3A_737 = vector.broadcast %while3A_363 : i32 to vector<16xi32>
        %add3A_738 = arith.addi %add3A_728, %add3A_737 : vector<16xi32>
        %add3A_739 = vector.broadcast %add3A_355 : i32 to vector<16xi32>
        %add3A_740 = arith.addi %xor3A_736, %add3A_739 : vector<16xi32>
        %add3A_741 = arith.addi %add3A_738, %add3A_740 : vector<16xi32>
        %shift_left3A_742 = arith.constant 17 : i32
        %shift_left3A_743 = vector.broadcast %shift_left3A_742 : i32 to vector<16xi32>
        %shift_left3A_744 = arith.shli %add3A_740, %shift_left3A_743 : vector<16xi32>
        %shift_right_logical3A_745 = arith.constant 15 : i32
        %shift_right_logical3A_746 = vector.broadcast %shift_right_logical3A_745 : i32 to vector<16xi32>
        %shift_right_logical3A_747 = arith.shrui %add3A_740, %shift_right_logical3A_746 : vector<16xi32>
        %or3A_748 = arith.ori %shift_left3A_744, %shift_right_logical3A_747 : vector<16xi32>
        %xor3A_749 = arith.xori %or3A_748, %add3A_741 : vector<16xi32>
        %add3A_750 = arith.addi %add3A_741, %xor3A_749 : vector<16xi32>
        %shift_left3A_751 = arith.constant 29 : i32
        %shift_left3A_752 = vector.broadcast %shift_left3A_751 : i32 to vector<16xi32>
        %shift_left3A_753 = arith.shli %xor3A_749, %shift_left3A_752 : vector<16xi32>
        %shift_right_logical3A_754 = arith.constant 3 : i32
        %shift_right_logical3A_755 = vector.broadcast %shift_right_logical3A_754 : i32 to vector<16xi32>
        %shift_right_logical3A_756 = arith.shrui %xor3A_749, %shift_right_logical3A_755 : vector<16xi32>
        %or3A_757 = arith.ori %shift_left3A_753, %shift_right_logical3A_756 : vector<16xi32>
        %xor3A_758 = arith.xori %or3A_757, %add3A_750 : vector<16xi32>
        %add3A_759 = arith.addi %add3A_750, %xor3A_758 : vector<16xi32>
        %shift_left3A_760 = arith.constant 16 : i32
        %shift_left3A_761 = vector.broadcast %shift_left3A_760 : i32 to vector<16xi32>
        %shift_left3A_762 = arith.shli %xor3A_758, %shift_left3A_761 : vector<16xi32>
        %shift_right_logical3A_763 = arith.constant 16 : i32
        %shift_right_logical3A_764 = vector.broadcast %shift_right_logical3A_763 : i32 to vector<16xi32>
        %shift_right_logical3A_765 = arith.shrui %xor3A_758, %shift_right_logical3A_764 : vector<16xi32>
        %or3A_766 = arith.ori %shift_left3A_762, %shift_right_logical3A_765 : vector<16xi32>
        %xor3A_767 = arith.xori %or3A_766, %add3A_759 : vector<16xi32>
        %add3A_768 = arith.addi %add3A_759, %xor3A_767 : vector<16xi32>
        %shift_left3A_769 = arith.constant 24 : i32
        %shift_left3A_770 = vector.broadcast %shift_left3A_769 : i32 to vector<16xi32>
        %shift_left3A_771 = arith.shli %xor3A_767, %shift_left3A_770 : vector<16xi32>
        %shift_right_logical3A_772 = arith.constant 8 : i32
        %shift_right_logical3A_773 = vector.broadcast %shift_right_logical3A_772 : i32 to vector<16xi32>
        %shift_right_logical3A_774 = arith.shrui %xor3A_767, %shift_right_logical3A_773 : vector<16xi32>
        %or3A_775 = arith.ori %shift_left3A_771, %shift_right_logical3A_774 : vector<16xi32>
        %xor3A_776 = arith.xori %or3A_775, %add3A_768 : vector<16xi32>
        %add3A_777 = vector.broadcast %while3A_364 : i32 to vector<16xi32>
        %add3A_778 = arith.addi %add3A_768, %add3A_777 : vector<16xi32>
        %add3A_779 = vector.broadcast %add3A_358 : i32 to vector<16xi32>
        %add3A_780 = arith.addi %xor3A_776, %add3A_779 : vector<16xi32>
        %add3A_781 = arith.addi %add3A_778, %add3A_780 : vector<16xi32>
        %shift_left3A_782 = arith.constant 13 : i32
        %shift_left3A_783 = vector.broadcast %shift_left3A_782 : i32 to vector<16xi32>
        %shift_left3A_784 = arith.shli %add3A_780, %shift_left3A_783 : vector<16xi32>
        %shift_right_logical3A_785 = arith.constant 19 : i32
        %shift_right_logical3A_786 = vector.broadcast %shift_right_logical3A_785 : i32 to vector<16xi32>
        %shift_right_logical3A_787 = arith.shrui %add3A_780, %shift_right_logical3A_786 : vector<16xi32>
        %or3A_788 = arith.ori %shift_left3A_784, %shift_right_logical3A_787 : vector<16xi32>
        %xor3A_789 = arith.xori %or3A_788, %add3A_781 : vector<16xi32>
        %add3A_790 = arith.addi %add3A_781, %xor3A_789 : vector<16xi32>
        %shift_left3A_791 = arith.constant 15 : i32
        %shift_left3A_792 = vector.broadcast %shift_left3A_791 : i32 to vector<16xi32>
        %shift_left3A_793 = arith.shli %xor3A_789, %shift_left3A_792 : vector<16xi32>
        %shift_right_logical3A_794 = arith.constant 17 : i32
        %shift_right_logical3A_795 = vector.broadcast %shift_right_logical3A_794 : i32 to vector<16xi32>
        %shift_right_logical3A_796 = arith.shrui %xor3A_789, %shift_right_logical3A_795 : vector<16xi32>
        %or3A_797 = arith.ori %shift_left3A_793, %shift_right_logical3A_796 : vector<16xi32>
        %xor3A_798 = arith.xori %or3A_797, %add3A_790 : vector<16xi32>
        %add3A_799 = arith.addi %add3A_790, %xor3A_798 : vector<16xi32>
        %shift_left3A_800 = arith.constant 26 : i32
        %shift_left3A_801 = vector.broadcast %shift_left3A_800 : i32 to vector<16xi32>
        %shift_left3A_802 = arith.shli %xor3A_798, %shift_left3A_801 : vector<16xi32>
        %shift_right_logical3A_803 = arith.constant 6 : i32
        %shift_right_logical3A_804 = vector.broadcast %shift_right_logical3A_803 : i32 to vector<16xi32>
        %shift_right_logical3A_805 = arith.shrui %xor3A_798, %shift_right_logical3A_804 : vector<16xi32>
        %or3A_806 = arith.ori %shift_left3A_802, %shift_right_logical3A_805 : vector<16xi32>
        %xor3A_807 = arith.xori %or3A_806, %add3A_799 : vector<16xi32>
        %add3A_808 = arith.addi %add3A_799, %xor3A_807 : vector<16xi32>
        %shift_left3A_809 = arith.constant 6 : i32
        %shift_left3A_810 = vector.broadcast %shift_left3A_809 : i32 to vector<16xi32>
        %shift_left3A_811 = arith.shli %xor3A_807, %shift_left3A_810 : vector<16xi32>
        %shift_right_logical3A_812 = arith.constant 26 : i32
        %shift_right_logical3A_813 = vector.broadcast %shift_right_logical3A_812 : i32 to vector<16xi32>
        %shift_right_logical3A_814 = arith.shrui %xor3A_807, %shift_right_logical3A_813 : vector<16xi32>
        %or3A_815 = arith.ori %shift_left3A_811, %shift_right_logical3A_814 : vector<16xi32>
        %xor3A_816 = arith.xori %or3A_815, %add3A_808 : vector<16xi32>
        %add3A_817 = vector.broadcast %while3A_365 : i32 to vector<16xi32>
        %add3A_818 = arith.addi %add3A_808, %add3A_817 : vector<16xi32>
        %add3A_819 = vector.broadcast %add3A_361 : i32 to vector<16xi32>
        %add3A_820 = arith.addi %xor3A_816, %add3A_819 : vector<16xi32>
        %xor3A_821 = arith.xori %add3A_818, %add3A_820 : vector<16xi32>
        %shift_right_logical3A_822 = arith.constant 9 : i32
        %shift_right_logical3A_823 = vector.broadcast %shift_right_logical3A_822 : i32 to vector<16xi32>
        %shift_right_logical3A_824 = arith.shrui %xor3A_821, %shift_right_logical3A_823 : vector<16xi32>
        %jit3A_825 = arith.constant -1 : i32
        %broadcast_in_dim3A_826 = vector.broadcast %jit3A_825 : i32 to vector<16xi32>
        %select_n3A_827 = arith.select %ne3A, %shift_right_logical3A_824, %broadcast_in_dim3A_826 : vector<16xi1>, vector<16xi32>
        %gt3A = arith.cmpi sgt, %select_n3A_827, %scan3A_611 : vector<16xi32>
        %eq3A_828 = arith.cmpi eq, %select_n3A_827, %scan3A_611 : vector<16xi32>
        %lt3A = arith.cmpi slt, %add3A_616, %scan3A_612 : vector<16xi32>
        %and3A_829 = arith.andi %eq3A_828, %lt3A : vector<16xi1>
        %or3A_830 = arith.ori %gt3A, %and3A_829 : vector<16xi1>
        %select_n3A_831 = arith.select %or3A_830, %select_n3A_827, %scan3A_611 : vector<16xi1>, vector<16xi32>
        %select_n3A_832 = arith.select %or3A_830, %add3A_616, %scan3A_612 : vector<16xi1>, vector<16xi32>
        scf.yield %select_n3A_831, %select_n3A_832 : vector<16xi32>, vector<16xi32>
      }
      %scan3A_585 = arith.constant 256 : i32
      %reduce_max3A = arith.constant true
      %reduce_max3A_586 = vector.broadcast %reduce_max3A : i1 to vector<16xi1>
      %reduce_max3A_587 = arith.constant -2147483648 : i32
      %reduce_max3A_588 = vector.broadcast %reduce_max3A_587 : i32 to vector<16xi32>
      %reduce_max3A_589 = arith.xori %scan3A_584#0, %reduce_max3A_588 : vector<16xi32>
      %reduce_max3A_590 = tpu.scan <max>, %reduce_max3A_589 masked %reduce_max3A_586 : vector<16xi32>, vector<16xi1> -> vector<16xi32>
      %reduce_max3A_591 = arith.xori %reduce_max3A_590, %reduce_max3A_588 : vector<16xi32>
      %reduce_max3A_592 = vector.extract %reduce_max3A_591[15] : i32 from vector<16xi32>
      %eq3A_593 = vector.broadcast %reduce_max3A_592 : i32 to vector<16xi32>
      %eq3A_594 = arith.cmpi eq, %scan3A_584#0, %eq3A_593 : vector<16xi32>
      %jit3A_595 = arith.constant 4096 : i32
      %broadcast_in_dim3A_596 = vector.broadcast %jit3A_595 : i32 to vector<16xi32>
      %select_n3A_597 = arith.select %eq3A_594, %scan3A_584#1, %broadcast_in_dim3A_596 : vector<16xi1>, vector<16xi32>
      %reduce_min3A = arith.constant true
      %reduce_min3A_598 = vector.broadcast %reduce_min3A : i1 to vector<16xi1>
      %reduce_min3A_599 = arith.constant -2147483648 : i32
      %reduce_min3A_600 = vector.broadcast %reduce_min3A_599 : i32 to vector<16xi32>
      %reduce_min3A_601 = arith.xori %select_n3A_597, %reduce_min3A_600 : vector<16xi32>
      %reduce_min3A_602 = tpu.scan <min>, %reduce_min3A_601 masked %reduce_min3A_598 : vector<16xi32>, vector<16xi1> -> vector<16xi32>
      %reduce_min3A_603 = arith.xori %reduce_min3A_602, %reduce_min3A_600 : vector<16xi32>
      %reduce_min3A_604 = vector.extract %reduce_min3A_603[15] : i32 from vector<16xi32>
      %ge3A = arith.constant 0 : i32
      %ge3A_605 = arith.cmpi sge, %reduce_max3A_592, %ge3A : i32
      %jit3A_606 = arith.constant 1073741824 : i32
      %select_n3A_607 = arith.select %ge3A_605, %reduce_min3A_604, %jit3A_606 : i32
      %broadcast_in_dim3A_608 = vector.broadcast %squeeze3A : i32 to vector<16xi32>
      %broadcast_in_dim3A_609 = vector.broadcast %select_n3A_607 : i32 to vector<16xi32>
      tpu.vector_store_idx %arg11[%broadcast_in_dim3A_608], %broadcast_in_dim3A_609 masked %eq3A_38 : memref<128xi32, #tpu.memory_space<vmem>>[vector<16xi32>], vector<16xi32>, vector<16xi1>
    }
    %get3A_375 = arith.constant 0 : index
    %get3A_376 = tpu.vector_load %arg10[%get3A_375] {strides = array<i32>} : memref<128xi32, #tpu.memory_space<vmem>>, vector<16xi32>,
    %and3A_377 = arith.constant 4095 : i32
    %and3A_378 = vector.broadcast %and3A_377 : i32 to vector<16xi32>
    %and3A_379 = arith.andi %get3A_376, %and3A_378 : vector<16xi32>
    %shift_right_arithmetic3A = arith.constant 2 : i32
    %shift_right_arithmetic3A_380 = vector.broadcast %shift_right_arithmetic3A : i32 to vector<16xi32>
    %shift_right_arithmetic3A_381 = arith.shrsi %and3A_379, %shift_right_arithmetic3A_380 : vector<16xi32>
    %swap3A_382 = arith.constant 0 : index
    %swap3A_383 = tpu.vector_load %arg15[%swap3A_382] {strides = array<i32>} : memref<128xi32, #tpu.memory_space<vmem>>, vector<16xi32>,
    tpu.vector_store %arg15[%swap3A_382], %shift_right_arithmetic3A_381 {strides = array<i32>} : memref<128xi32, #tpu.memory_space<vmem>>, vector<16xi32>,
    %get3A_384 = arith.constant 16 : index
    %get3A_385 = tpu.vector_load %arg10[%get3A_384] {strides = array<i32>} : memref<128xi32, #tpu.memory_space<vmem>>, vector<16xi32>,
    %and3A_386 = arith.constant 4095 : i32
    %and3A_387 = vector.broadcast %and3A_386 : i32 to vector<16xi32>
    %and3A_388 = arith.andi %get3A_385, %and3A_387 : vector<16xi32>
    %shift_right_arithmetic3A_389 = arith.constant 2 : i32
    %shift_right_arithmetic3A_390 = vector.broadcast %shift_right_arithmetic3A_389 : i32 to vector<16xi32>
    %shift_right_arithmetic3A_391 = arith.shrsi %and3A_388, %shift_right_arithmetic3A_390 : vector<16xi32>
    %swap3A_392 = arith.constant 16 : index
    %swap3A_393 = tpu.vector_load %arg15[%swap3A_392] {strides = array<i32>} : memref<128xi32, #tpu.memory_space<vmem>>, vector<16xi32>,
    tpu.vector_store %arg15[%swap3A_392], %shift_right_arithmetic3A_391 {strides = array<i32>} : memref<128xi32, #tpu.memory_space<vmem>>, vector<16xi32>,
    %get3A_394 = arith.constant 32 : index
    %get3A_395 = tpu.vector_load %arg10[%get3A_394] {strides = array<i32>} : memref<128xi32, #tpu.memory_space<vmem>>, vector<16xi32>,
    %and3A_396 = arith.constant 4095 : i32
    %and3A_397 = vector.broadcast %and3A_396 : i32 to vector<16xi32>
    %and3A_398 = arith.andi %get3A_395, %and3A_397 : vector<16xi32>
    %shift_right_arithmetic3A_399 = arith.constant 2 : i32
    %shift_right_arithmetic3A_400 = vector.broadcast %shift_right_arithmetic3A_399 : i32 to vector<16xi32>
    %shift_right_arithmetic3A_401 = arith.shrsi %and3A_398, %shift_right_arithmetic3A_400 : vector<16xi32>
    %swap3A_402 = arith.constant 32 : index
    %swap3A_403 = tpu.vector_load %arg15[%swap3A_402] {strides = array<i32>} : memref<128xi32, #tpu.memory_space<vmem>>, vector<16xi32>,
    tpu.vector_store %arg15[%swap3A_402], %shift_right_arithmetic3A_401 {strides = array<i32>} : memref<128xi32, #tpu.memory_space<vmem>>, vector<16xi32>,
    %get3A_404 = arith.constant 48 : index
    %get3A_405 = tpu.vector_load %arg10[%get3A_404] {strides = array<i32>} : memref<128xi32, #tpu.memory_space<vmem>>, vector<16xi32>,
    %and3A_406 = arith.constant 4095 : i32
    %and3A_407 = vector.broadcast %and3A_406 : i32 to vector<16xi32>
    %and3A_408 = arith.andi %get3A_405, %and3A_407 : vector<16xi32>
    %shift_right_arithmetic3A_409 = arith.constant 2 : i32
    %shift_right_arithmetic3A_410 = vector.broadcast %shift_right_arithmetic3A_409 : i32 to vector<16xi32>
    %shift_right_arithmetic3A_411 = arith.shrsi %and3A_408, %shift_right_arithmetic3A_410 : vector<16xi32>
    %swap3A_412 = arith.constant 48 : index
    %swap3A_413 = tpu.vector_load %arg15[%swap3A_412] {strides = array<i32>} : memref<128xi32, #tpu.memory_space<vmem>>, vector<16xi32>,
    tpu.vector_store %arg15[%swap3A_412], %shift_right_arithmetic3A_411 {strides = array<i32>} : memref<128xi32, #tpu.memory_space<vmem>>, vector<16xi32>,
    %get3A_414 = arith.constant 64 : index
    %get3A_415 = tpu.vector_load %arg10[%get3A_414] {strides = array<i32>} : memref<128xi32, #tpu.memory_space<vmem>>, vector<16xi32>,
    %and3A_416 = arith.constant 4095 : i32
    %and3A_417 = vector.broadcast %and3A_416 : i32 to vector<16xi32>
    %and3A_418 = arith.andi %get3A_415, %and3A_417 : vector<16xi32>
    %shift_right_arithmetic3A_419 = arith.constant 2 : i32
    %shift_right_arithmetic3A_420 = vector.broadcast %shift_right_arithmetic3A_419 : i32 to vector<16xi32>
    %shift_right_arithmetic3A_421 = arith.shrsi %and3A_418, %shift_right_arithmetic3A_420 : vector<16xi32>
    %swap3A_422 = arith.constant 64 : index
    %swap3A_423 = tpu.vector_load %arg15[%swap3A_422] {strides = array<i32>} : memref<128xi32, #tpu.memory_space<vmem>>, vector<16xi32>,
    tpu.vector_store %arg15[%swap3A_422], %shift_right_arithmetic3A_421 {strides = array<i32>} : memref<128xi32, #tpu.memory_space<vmem>>, vector<16xi32>,
    %get3A_424 = arith.constant 80 : index
    %get3A_425 = tpu.vector_load %arg10[%get3A_424] {strides = array<i32>} : memref<128xi32, #tpu.memory_space<vmem>>, vector<16xi32>,
    %and3A_426 = arith.constant 4095 : i32
    %and3A_427 = vector.broadcast %and3A_426 : i32 to vector<16xi32>
    %and3A_428 = arith.andi %get3A_425, %and3A_427 : vector<16xi32>
    %shift_right_arithmetic3A_429 = arith.constant 2 : i32
    %shift_right_arithmetic3A_430 = vector.broadcast %shift_right_arithmetic3A_429 : i32 to vector<16xi32>
    %shift_right_arithmetic3A_431 = arith.shrsi %and3A_428, %shift_right_arithmetic3A_430 : vector<16xi32>
    %swap3A_432 = arith.constant 80 : index
    %swap3A_433 = tpu.vector_load %arg15[%swap3A_432] {strides = array<i32>} : memref<128xi32, #tpu.memory_space<vmem>>, vector<16xi32>,
    tpu.vector_store %arg15[%swap3A_432], %shift_right_arithmetic3A_431 {strides = array<i32>} : memref<128xi32, #tpu.memory_space<vmem>>, vector<16xi32>,
    %get3A_434 = arith.constant 96 : index
    %get3A_435 = tpu.vector_load %arg10[%get3A_434] {strides = array<i32>} : memref<128xi32, #tpu.memory_space<vmem>>, vector<16xi32>,
    %and3A_436 = arith.constant 4095 : i32
    %and3A_437 = vector.broadcast %and3A_436 : i32 to vector<16xi32>
    %and3A_438 = arith.andi %get3A_435, %and3A_437 : vector<16xi32>
    %shift_right_arithmetic3A_439 = arith.constant 2 : i32
    %shift_right_arithmetic3A_440 = vector.broadcast %shift_right_arithmetic3A_439 : i32 to vector<16xi32>
    %shift_right_arithmetic3A_441 = arith.shrsi %and3A_438, %shift_right_arithmetic3A_440 : vector<16xi32>
    %swap3A_442 = arith.constant 96 : index
    %swap3A_443 = tpu.vector_load %arg15[%swap3A_442] {strides = array<i32>} : memref<128xi32, #tpu.memory_space<vmem>>, vector<16xi32>,
    tpu.vector_store %arg15[%swap3A_442], %shift_right_arithmetic3A_441 {strides = array<i32>} : memref<128xi32, #tpu.memory_space<vmem>>, vector<16xi32>,
    %get3A_444 = arith.constant 112 : index
    %get3A_445 = tpu.vector_load %arg10[%get3A_444] {strides = array<i32>} : memref<128xi32, #tpu.memory_space<vmem>>, vector<16xi32>,
    %and3A_446 = arith.constant 4095 : i32
    %and3A_447 = vector.broadcast %and3A_446 : i32 to vector<16xi32>
    %and3A_448 = arith.andi %get3A_445, %and3A_447 : vector<16xi32>
    %shift_right_arithmetic3A_449 = arith.constant 2 : i32
    %shift_right_arithmetic3A_450 = vector.broadcast %shift_right_arithmetic3A_449 : i32 to vector<16xi32>
    %shift_right_arithmetic3A_451 = arith.shrsi %and3A_448, %shift_right_arithmetic3A_450 : vector<16xi32>
    %swap3A_452 = arith.constant 112 : index
    %swap3A_453 = tpu.vector_load %arg15[%swap3A_452] {strides = array<i32>} : memref<128xi32, #tpu.memory_space<vmem>>, vector<16xi32>,
    tpu.vector_store %arg15[%swap3A_452], %shift_right_arithmetic3A_451 {strides = array<i32>} : memref<128xi32, #tpu.memory_space<vmem>>, vector<16xi32>,
    %dma_start3A = arith.constant 0 : i32
    %dma_start3A_454 = arith.constant 0 : i32
    %dma_start3A_455 = tpu.memref_slice %arg4[%dma_start3A, %dma_start3A_454] : memref<1024x128xf32, #tpu.memory_space<hbm>> -> memref<1024x128xf32, #tpu.memory_space<hbm>>
    tpu.enqueue_indirect_dma source(%dma_start3A_455 : memref<1024x128xf32, #tpu.memory_space<hbm>>) target(%arg13 : memref<128x128xf32, #tpu.memory_space<vmem>>) offsets(%arg15 : memref<128xi32, #tpu.memory_space<vmem>>) semaphore(%arg18 : memref<!tpu.dma_semaphore, #tpu.memory_space<semaphore_mem>>)
    %dma_wait3A = arith.constant 0 : i32
    %dma_wait3A_456 = arith.constant 0 : i32
    %dma_wait3A_457 = tpu.memref_slice %arg4[%dma_wait3A, %dma_wait3A_456] : memref<1024x128xf32, #tpu.memory_space<hbm>> -> memref<1024x128xf32, #tpu.memory_space<hbm>>
    tpu.wait_indirect_dma semaphore(%arg18 : memref<!tpu.dma_semaphore, #tpu.memory_space<semaphore_mem>>) src(%dma_wait3A_457 : memref<1024x128xf32, #tpu.memory_space<hbm>>) dst(%arg13 : memref<128x128xf32, #tpu.memory_space<vmem>>)
    %get3A_458 = arith.constant 0 : index
    %get3A_459 = tpu.vector_load %arg11[%get3A_458] {strides = array<i32>} : memref<128xi32, #tpu.memory_space<vmem>>, vector<16xi32>,
    %and3A_460 = arith.constant 4095 : i32
    %and3A_461 = vector.broadcast %and3A_460 : i32 to vector<16xi32>
    %and3A_462 = arith.andi %get3A_459, %and3A_461 : vector<16xi32>
    %shift_right_arithmetic3A_463 = arith.constant 2 : i32
    %shift_right_arithmetic3A_464 = vector.broadcast %shift_right_arithmetic3A_463 : i32 to vector<16xi32>
    %shift_right_arithmetic3A_465 = arith.shrsi %and3A_462, %shift_right_arithmetic3A_464 : vector<16xi32>
    %swap3A_466 = arith.constant 0 : index
    %swap3A_467 = tpu.vector_load %arg15[%swap3A_466] {strides = array<i32>} : memref<128xi32, #tpu.memory_space<vmem>>, vector<16xi32>,
    tpu.vector_store %arg15[%swap3A_466], %shift_right_arithmetic3A_465 {strides = array<i32>} : memref<128xi32, #tpu.memory_space<vmem>>, vector<16xi32>,
    %get3A_468 = arith.constant 16 : index
    %get3A_469 = tpu.vector_load %arg11[%get3A_468] {strides = array<i32>} : memref<128xi32, #tpu.memory_space<vmem>>, vector<16xi32>,
    %and3A_470 = arith.constant 4095 : i32
    %and3A_471 = vector.broadcast %and3A_470 : i32 to vector<16xi32>
    %and3A_472 = arith.andi %get3A_469, %and3A_471 : vector<16xi32>
    %shift_right_arithmetic3A_473 = arith.constant 2 : i32
    %shift_right_arithmetic3A_474 = vector.broadcast %shift_right_arithmetic3A_473 : i32 to vector<16xi32>
    %shift_right_arithmetic3A_475 = arith.shrsi %and3A_472, %shift_right_arithmetic3A_474 : vector<16xi32>
    %swap3A_476 = arith.constant 16 : index
    %swap3A_477 = tpu.vector_load %arg15[%swap3A_476] {strides = array<i32>} : memref<128xi32, #tpu.memory_space<vmem>>, vector<16xi32>,
    tpu.vector_store %arg15[%swap3A_476], %shift_right_arithmetic3A_475 {strides = array<i32>} : memref<128xi32, #tpu.memory_space<vmem>>, vector<16xi32>,
    %get3A_478 = arith.constant 32 : index
    %get3A_479 = tpu.vector_load %arg11[%get3A_478] {strides = array<i32>} : memref<128xi32, #tpu.memory_space<vmem>>, vector<16xi32>,
    %and3A_480 = arith.constant 4095 : i32
    %and3A_481 = vector.broadcast %and3A_480 : i32 to vector<16xi32>
    %and3A_482 = arith.andi %get3A_479, %and3A_481 : vector<16xi32>
    %shift_right_arithmetic3A_483 = arith.constant 2 : i32
    %shift_right_arithmetic3A_484 = vector.broadcast %shift_right_arithmetic3A_483 : i32 to vector<16xi32>
    %shift_right_arithmetic3A_485 = arith.shrsi %and3A_482, %shift_right_arithmetic3A_484 : vector<16xi32>
    %swap3A_486 = arith.constant 32 : index
    %swap3A_487 = tpu.vector_load %arg15[%swap3A_486] {strides = array<i32>} : memref<128xi32, #tpu.memory_space<vmem>>, vector<16xi32>,
    tpu.vector_store %arg15[%swap3A_486], %shift_right_arithmetic3A_485 {strides = array<i32>} : memref<128xi32, #tpu.memory_space<vmem>>, vector<16xi32>,
    %get3A_488 = arith.constant 48 : index
    %get3A_489 = tpu.vector_load %arg11[%get3A_488] {strides = array<i32>} : memref<128xi32, #tpu.memory_space<vmem>>, vector<16xi32>,
    %and3A_490 = arith.constant 4095 : i32
    %and3A_491 = vector.broadcast %and3A_490 : i32 to vector<16xi32>
    %and3A_492 = arith.andi %get3A_489, %and3A_491 : vector<16xi32>
    %shift_right_arithmetic3A_493 = arith.constant 2 : i32
    %shift_right_arithmetic3A_494 = vector.broadcast %shift_right_arithmetic3A_493 : i32 to vector<16xi32>
    %shift_right_arithmetic3A_495 = arith.shrsi %and3A_492, %shift_right_arithmetic3A_494 : vector<16xi32>
    %swap3A_496 = arith.constant 48 : index
    %swap3A_497 = tpu.vector_load %arg15[%swap3A_496] {strides = array<i32>} : memref<128xi32, #tpu.memory_space<vmem>>, vector<16xi32>,
    tpu.vector_store %arg15[%swap3A_496], %shift_right_arithmetic3A_495 {strides = array<i32>} : memref<128xi32, #tpu.memory_space<vmem>>, vector<16xi32>,
    %get3A_498 = arith.constant 64 : index
    %get3A_499 = tpu.vector_load %arg11[%get3A_498] {strides = array<i32>} : memref<128xi32, #tpu.memory_space<vmem>>, vector<16xi32>,
    %and3A_500 = arith.constant 4095 : i32
    %and3A_501 = vector.broadcast %and3A_500 : i32 to vector<16xi32>
    %and3A_502 = arith.andi %get3A_499, %and3A_501 : vector<16xi32>
    %shift_right_arithmetic3A_503 = arith.constant 2 : i32
    %shift_right_arithmetic3A_504 = vector.broadcast %shift_right_arithmetic3A_503 : i32 to vector<16xi32>
    %shift_right_arithmetic3A_505 = arith.shrsi %and3A_502, %shift_right_arithmetic3A_504 : vector<16xi32>
    %swap3A_506 = arith.constant 64 : index
    %swap3A_507 = tpu.vector_load %arg15[%swap3A_506] {strides = array<i32>} : memref<128xi32, #tpu.memory_space<vmem>>, vector<16xi32>,
    tpu.vector_store %arg15[%swap3A_506], %shift_right_arithmetic3A_505 {strides = array<i32>} : memref<128xi32, #tpu.memory_space<vmem>>, vector<16xi32>,
    %get3A_508 = arith.constant 80 : index
    %get3A_509 = tpu.vector_load %arg11[%get3A_508] {strides = array<i32>} : memref<128xi32, #tpu.memory_space<vmem>>, vector<16xi32>,
    %and3A_510 = arith.constant 4095 : i32
    %and3A_511 = vector.broadcast %and3A_510 : i32 to vector<16xi32>
    %and3A_512 = arith.andi %get3A_509, %and3A_511 : vector<16xi32>
    %shift_right_arithmetic3A_513 = arith.constant 2 : i32
    %shift_right_arithmetic3A_514 = vector.broadcast %shift_right_arithmetic3A_513 : i32 to vector<16xi32>
    %shift_right_arithmetic3A_515 = arith.shrsi %and3A_512, %shift_right_arithmetic3A_514 : vector<16xi32>
    %swap3A_516 = arith.constant 80 : index
    %swap3A_517 = tpu.vector_load %arg15[%swap3A_516] {strides = array<i32>} : memref<128xi32, #tpu.memory_space<vmem>>, vector<16xi32>,
    tpu.vector_store %arg15[%swap3A_516], %shift_right_arithmetic3A_515 {strides = array<i32>} : memref<128xi32, #tpu.memory_space<vmem>>, vector<16xi32>,
    %get3A_518 = arith.constant 96 : index
    %get3A_519 = tpu.vector_load %arg11[%get3A_518] {strides = array<i32>} : memref<128xi32, #tpu.memory_space<vmem>>, vector<16xi32>,
    %and3A_520 = arith.constant 4095 : i32
    %and3A_521 = vector.broadcast %and3A_520 : i32 to vector<16xi32>
    %and3A_522 = arith.andi %get3A_519, %and3A_521 : vector<16xi32>
    %shift_right_arithmetic3A_523 = arith.constant 2 : i32
    %shift_right_arithmetic3A_524 = vector.broadcast %shift_right_arithmetic3A_523 : i32 to vector<16xi32>
    %shift_right_arithmetic3A_525 = arith.shrsi %and3A_522, %shift_right_arithmetic3A_524 : vector<16xi32>
    %swap3A_526 = arith.constant 96 : index
    %swap3A_527 = tpu.vector_load %arg15[%swap3A_526] {strides = array<i32>} : memref<128xi32, #tpu.memory_space<vmem>>, vector<16xi32>,
    tpu.vector_store %arg15[%swap3A_526], %shift_right_arithmetic3A_525 {strides = array<i32>} : memref<128xi32, #tpu.memory_space<vmem>>, vector<16xi32>,
    %get3A_528 = arith.constant 112 : index
    %get3A_529 = tpu.vector_load %arg11[%get3A_528] {strides = array<i32>} : memref<128xi32, #tpu.memory_space<vmem>>, vector<16xi32>,
    %and3A_530 = arith.constant 4095 : i32
    %and3A_531 = vector.broadcast %and3A_530 : i32 to vector<16xi32>
    %and3A_532 = arith.andi %get3A_529, %and3A_531 : vector<16xi32>
    %shift_right_arithmetic3A_533 = arith.constant 2 : i32
    %shift_right_arithmetic3A_534 = vector.broadcast %shift_right_arithmetic3A_533 : i32 to vector<16xi32>
    %shift_right_arithmetic3A_535 = arith.shrsi %and3A_532, %shift_right_arithmetic3A_534 : vector<16xi32>
    %swap3A_536 = arith.constant 112 : index
    %swap3A_537 = tpu.vector_load %arg15[%swap3A_536] {strides = array<i32>} : memref<128xi32, #tpu.memory_space<vmem>>, vector<16xi32>,
    tpu.vector_store %arg15[%swap3A_536], %shift_right_arithmetic3A_535 {strides = array<i32>} : memref<128xi32, #tpu.memory_space<vmem>>, vector<16xi32>,
    %dma_start3A_538 = arith.constant 0 : i32
    %dma_start3A_539 = arith.constant 0 : i32
    %dma_start3A_540 = tpu.memref_slice %arg4[%dma_start3A_538, %dma_start3A_539] : memref<1024x128xf32, #tpu.memory_space<hbm>> -> memref<1024x128xf32, #tpu.memory_space<hbm>>
    tpu.enqueue_indirect_dma source(%dma_start3A_540 : memref<1024x128xf32, #tpu.memory_space<hbm>>) target(%arg14 : memref<128x128xf32, #tpu.memory_space<vmem>>) offsets(%arg15 : memref<128xi32, #tpu.memory_space<vmem>>) semaphore(%arg18 : memref<!tpu.dma_semaphore, #tpu.memory_space<semaphore_mem>>)
    %dma_wait3A_541 = arith.constant 0 : i32
    %dma_wait3A_542 = arith.constant 0 : i32
    %dma_wait3A_543 = tpu.memref_slice %arg4[%dma_wait3A_541, %dma_wait3A_542] : memref<1024x128xf32, #tpu.memory_space<hbm>> -> memref<1024x128xf32, #tpu.memory_space<hbm>>
    tpu.wait_indirect_dma semaphore(%arg18 : memref<!tpu.dma_semaphore, #tpu.memory_space<semaphore_mem>>) src(%dma_wait3A_543 : memref<1024x128xf32, #tpu.memory_space<hbm>>) dst(%arg14 : memref<128x128xf32, #tpu.memory_space<vmem>>)
    %scan3A_544 = arith.constant 0.000000e+00 : f32
    %scan3A_545 = arith.constant 0.000000e+00 : f32
    %scan3A_546 = arith.constant 0 : i32
    %scan3A_547 = arith.constant 128 : i32
    %scan3A_548 = arith.addi %scan3A_546, %scan3A_547 : i32
    %scan3A_549 = arith.constant 1 : i32
    %scan3A_550:2 = scf.for %scan3A_568 = %scan3A_546 to %scan3A_548 step %scan3A_549 iter_args(%scan3A_569 = %scan3A_544, %scan3A_570 = %scan3A_545) -> (f32, f32)  : i32 {
      %shift_right_arithmetic3A_571 = arith.constant 2 : i32
      %shift_right_arithmetic3A_572 = arith.shrsi %scan3A_568, %shift_right_arithmetic3A_571 : i32
      %and3A_573 = arith.constant 3 : i32
      %and3A_574 = arith.andi %scan3A_568, %and3A_573 : i32
      %mul3A_575 = arith.constant 32 : i32
      %mul3A_576 = arith.muli %and3A_574, %mul3A_575 : i32
      %get3A_577 = arith.index_cast %shift_right_arithmetic3A_572 : i32 to index
      %get3A_578 = arith.index_cast %mul3A_576 : i32 to index
      %get3A_579 = tpu.vector_load %arg12[%get3A_577, %get3A_578] {strides = array<i32>} : memref<32x128xf32, #tpu.memory_space<vmem>>, vector<16xf32>,
      %shift_right_arithmetic3A_580 = arith.constant 2 : i32
      %shift_right_arithmetic3A_581 = arith.shrsi %scan3A_568, %shift_right_arithmetic3A_580 : i32
      %and3A_582 = arith.constant 3 : i32
      %and3A_583 = arith.andi %scan3A_568, %and3A_582 : i32
      %mul3A_584 = arith.constant 32 : i32
      %mul3A_585 = arith.muli %and3A_583, %mul3A_584 : i32
      %add3A_586 = arith.constant 16 : i32
      %add3A_587 = arith.addi %mul3A_585, %add3A_586 : i32
      %get3A_588 = arith.index_cast %shift_right_arithmetic3A_581 : i32 to index
      %get3A_589 = arith.index_cast %add3A_587 : i32 to index
      %get3A_590 = tpu.vector_load %arg12[%get3A_588, %get3A_589] {strides = array<i32>} : memref<32x128xf32, #tpu.memory_space<vmem>>, vector<16xf32>,
      %broadcast_in_dim3A_591 = vector.broadcast %scan3A_568 : i32 to vector<16xi32>
      %gather3A_592 = tpu.vector_load_idx %arg10[%broadcast_in_dim3A_591] : memref<128xi32, #tpu.memory_space<vmem>>[vector<16xi32>], vector<16xi32>,
      %slice3A = vector.extract_strided_slice %gather3A_592 {offsets = [0], sizes = [1], strides = [1]} : vector<16xi32> to vector<1xi32>
      %squeeze3A = vector.extract %slice3A[0] : i32 from vector<1xi32>
      %broadcast_in_dim3A_593 = vector.broadcast %scan3A_568 : i32 to vector<16xi32>
      %gather3A_594 = tpu.vector_load_idx %arg11[%broadcast_in_dim3A_593] : memref<128xi32, #tpu.memory_space<vmem>>[vector<16xi32>], vector<16xi32>,
      %slice3A_595 = vector.extract_strided_slice %gather3A_594 {offsets = [0], sizes = [1], strides = [1]} : vector<16xi32> to vector<1xi32>
      %squeeze3A_596 = vector.extract %slice3A_595[0] : i32 from vector<1xi32>
      %and3A_597 = arith.constant 3 : i32
      %and3A_598 = arith.andi %squeeze3A, %and3A_597 : i32
      %mul3A_599 = arith.constant 32 : i32
      %mul3A_600 = arith.muli %and3A_598, %mul3A_599 : i32
      %and3A_601 = arith.constant 3 : i32
      %and3A_602 = arith.andi %squeeze3A_596, %and3A_601 : i32
      %mul3A_603 = arith.constant 32 : i32
      %mul3A_604 = arith.muli %and3A_602, %mul3A_603 : i32
      %get3A_605 = arith.index_cast %scan3A_568 : i32 to index
      %get3A_606 = arith.index_cast %mul3A_600 : i32 to index
      %get3A_607 = tpu.vector_load %arg13[%get3A_605, %get3A_606] {strides = array<i32>} : memref<128x128xf32, #tpu.memory_space<vmem>>, vector<16xf32>,
      %add3A_608 = arith.constant 16 : i32
      %add3A_609 = arith.addi %mul3A_600, %add3A_608 : i32
      %get3A_610 = arith.index_cast %scan3A_568 : i32 to index
      %get3A_611 = arith.index_cast %add3A_609 : i32 to index
      %get3A_612 = tpu.vector_load %arg13[%get3A_610, %get3A_611] {strides = array<i32>} : memref<128x128xf32, #tpu.memory_space<vmem>>, vector<16xf32>,
      %get3A_613 = arith.index_cast %scan3A_568 : i32 to index
      %get3A_614 = arith.index_cast %mul3A_604 : i32 to index
      %get3A_615 = tpu.vector_load %arg14[%get3A_613, %get3A_614] {strides = array<i32>} : memref<128x128xf32, #tpu.memory_space<vmem>>, vector<16xf32>,
      %add3A_616 = arith.constant 16 : i32
      %add3A_617 = arith.addi %mul3A_604, %add3A_616 : i32
      %get3A_618 = arith.index_cast %scan3A_568 : i32 to index
      %get3A_619 = arith.index_cast %add3A_617 : i32 to index
      %get3A_620 = tpu.vector_load %arg14[%get3A_618, %get3A_619] {strides = array<i32>} : memref<128x128xf32, #tpu.memory_space<vmem>>, vector<16xf32>,
      %sub3A = arith.subf %get3A_579, %get3A_607 : vector<16xf32>
      %sub3A_621 = arith.subf %get3A_579, %get3A_607 : vector<16xf32>
      %mul3A_622 = arith.mulf %sub3A, %sub3A_621 : vector<16xf32>
      %sub3A_623 = arith.subf %get3A_590, %get3A_612 : vector<16xf32>
      %sub3A_624 = arith.subf %get3A_590, %get3A_612 : vector<16xf32>
      %mul3A_625 = arith.mulf %sub3A_623, %sub3A_624 : vector<16xf32>
      %add3A_626 = arith.addf %mul3A_622, %mul3A_625 : vector<16xf32>
      %sub3A_627 = arith.subf %get3A_579, %get3A_615 : vector<16xf32>
      %sub3A_628 = arith.subf %get3A_579, %get3A_615 : vector<16xf32>
      %mul3A_629 = arith.mulf %sub3A_627, %sub3A_628 : vector<16xf32>
      %sub3A_630 = arith.subf %get3A_590, %get3A_620 : vector<16xf32>
      %sub3A_631 = arith.subf %get3A_590, %get3A_620 : vector<16xf32>
      %mul3A_632 = arith.mulf %sub3A_630, %sub3A_631 : vector<16xf32>
      %add3A_633 = arith.addf %mul3A_629, %mul3A_632 : vector<16xf32>
      %lt3A = arith.constant 1073741824 : i32
      %lt3A_634 = arith.cmpi slt, %squeeze3A, %lt3A : i32
      %reduce_sum3A_635 = arith.constant true
      %reduce_sum3A_636 = vector.broadcast %reduce_sum3A_635 : i1 to vector<16xi1>
      %reduce_sum3A_637 = tpu.scan <sum>, %add3A_626 masked %reduce_sum3A_636 : vector<16xf32>, vector<16xi1> -> vector<16xf32>
      %reduce_sum3A_638 = vector.extract %reduce_sum3A_637[15] : f32 from vector<16xf32>
      %jit3A_639 = arith.constant 0.000000e+00 : f32
      %select_n3A_640 = arith.select %lt3A_634, %reduce_sum3A_638, %jit3A_639 : f32
      %lt3A_641 = arith.constant 1073741824 : i32
      %lt3A_642 = arith.cmpi slt, %squeeze3A_596, %lt3A_641 : i32
      %reduce_sum3A_643 = arith.constant true
      %reduce_sum3A_644 = vector.broadcast %reduce_sum3A_643 : i1 to vector<16xi1>
      %reduce_sum3A_645 = tpu.scan <sum>, %add3A_633 masked %reduce_sum3A_644 : vector<16xf32>, vector<16xi1> -> vector<16xf32>
      %reduce_sum3A_646 = vector.extract %reduce_sum3A_645[15] : f32 from vector<16xf32>
      %jit3A_647 = arith.constant 0.000000e+00 : f32
      %select_n3A_648 = arith.select %lt3A_642, %reduce_sum3A_646, %jit3A_647 : f32
      %sub3A_649 = arith.subf %select_n3A_640, %select_n3A_648 : f32
      %add3A_650 = arith.constant 1.000000e+00 : f32
      %add3A_651 = arith.addf %sub3A_649, %add3A_650 : f32
      %max3A = arith.constant 0.000000e+00 : f32
      %max3A_652 = arith.maximumf %add3A_651, %max3A : f32
      %add3A_653 = arith.addf %scan3A_569, %max3A_652 : f32
      %gt3A = arith.constant 1.000000e-16 : f32
      %gt3A_654 = arith.cmpf ogt, %max3A_652, %gt3A : f32
      %jit3A_655 = arith.constant 1.000000e+00 : f32
      %jit3A_656 = arith.constant 0.000000e+00 : f32
      %select_n3A_657 = arith.select %gt3A_654, %jit3A_655, %jit3A_656 : f32
      %add3A_658 = arith.addf %scan3A_570, %select_n3A_657 : f32
      scf.yield %add3A_653, %add3A_658 : f32, f32
    }
    %scan3A_551 = arith.constant 128 : i32
    %eq3A_552 = arith.constant 0 : i32
    %eq3A_553 = vector.broadcast %eq3A_552 : i32 to vector<16xi32>
    %eq3A_554 = arith.cmpi eq, %iota3A, %eq3A_553 : vector<16xi32>
    %eq3A_555 = arith.constant 1 : i32
    %eq3A_556 = vector.broadcast %eq3A_555 : i32 to vector<16xi32>
    %eq3A_557 = arith.cmpi eq, %iota3A, %eq3A_556 : vector<16xi32>
    %jit3A_558 = arith.constant 0.000000e+00 : f32
    %broadcast_in_dim3A_559 = vector.broadcast %scan3A_550#1 : f32 to vector<16xf32>
    %broadcast_in_dim3A_560 = vector.broadcast %jit3A_558 : f32 to vector<16xf32>
    %select_n3A_561 = arith.select %eq3A_557, %broadcast_in_dim3A_559, %broadcast_in_dim3A_560 : vector<16xi1>, vector<16xf32>
    %broadcast_in_dim3A_562 = vector.broadcast %scan3A_550#0 : f32 to vector<16xf32>
    %select_n3A_563 = arith.select %eq3A_554, %broadcast_in_dim3A_562, %select_n3A_561 : vector<16xi1>, vector<16xf32>
    %swap3A_564 = arith.constant 0 : index
    %swap3A_565 = tpu.vector_load %arg17[%swap3A_564] {strides = array<i32>} : memref<16xf32, #tpu.memory_space<vmem>>, vector<16xf32>,
    tpu.vector_store %arg17[%swap3A_564], %select_n3A_563 {strides = array<i32>} : memref<16xf32, #tpu.memory_space<vmem>>, vector<16xf32>,
    %mul3A_566 = arith.constant 16 : i32
    %mul3A_567 = arith.muli %add3A, %mul3A_566 : i32
    "tpu.region"() ({
      %run_scoped3A = tpu.sem_alloc : memref<!tpu.dma_semaphore, #tpu.memory_space<semaphore_mem>>
      %dma_start3A_568 = tpu.memref_slice %arg6[%mul3A_567] : memref<512xf32, #tpu.memory_space<hbm>> -> memref<16xf32, #tpu.memory_space<hbm>>
      %dma_start3A_569 = tpu.memref_slice %arg6[%mul3A_567] : memref<512xf32, #tpu.memory_space<hbm>> -> memref<16xf32, #tpu.memory_space<hbm>>
      tpu.enqueue_dma source(%arg17 : memref<16xf32, #tpu.memory_space<vmem>>) target(%dma_start3A_569 : memref<16xf32, #tpu.memory_space<hbm>>) target_semaphore(%run_scoped3A : memref<!tpu.dma_semaphore, #tpu.memory_space<semaphore_mem>>)
      %dma_wait3A_570 = tpu.memref_slice %arg6[%mul3A_567] : memref<512xf32, #tpu.memory_space<hbm>> -> memref<16xf32, #tpu.memory_space<hbm>>
      %dma_wait3A_571 = tpu.memref_slice %arg6[%mul3A_567] : memref<512xf32, #tpu.memory_space<hbm>> -> memref<16xf32, #tpu.memory_space<hbm>>
      tpu.wait_dma2 semaphore(%run_scoped3A : memref<!tpu.dma_semaphore, #tpu.memory_space<semaphore_mem>>) src(%arg17 : memref<16xf32, #tpu.memory_space<vmem>>) dst(%dma_wait3A_571 : memref<16xf32, #tpu.memory_space<hbm>>)
      tpu.yield
    }) : () -> ()
    return
  }
}

</mosaic_0001>

<sc_bundles>
// kernel: kernel.3.cloned.1.call-start
scs
__scs_entry_jumppad:
0x0: {  	(pc) =	sbr.rel $0x88, $3  }
0x1: {  	(tag) =	ssettag $0x0;
	lr =	simm.s32 $0x1  }
0x2: {  	[smem:$0x3F9F] =	sst lr;
	_ =	strace $0xD0000000  }
0x3: {  	_ = 	snop  }
0x4: {  	_ = 	snop  }
0x5: {  	_ = 	snop  }
0x6: {  	_ = 	snop  }
0x7: {  	_ = 	snop  }
__scs_overlays_trampoline_lowered:
0x8: {  	[smem:$0x3FAE] =	sst s0  }
0x9: {  	[smem:$0x3FAF] =	sst s1  }
0xa: {  	[smem:$0x3FB0] =	sst s2  }
0xb: {  	[smem:$0x3FB1] =	sst s3  }
0xc: {  	[smem:$0x3FB2] =	sst s4  }
0xd: {  	[smem:$0x3FB3] =	sst s5  }
0xe: {  	[smem:$0x3FB4] =	sst s6  }
0xf: {  	[smem:$0x3FB5] =	sst s7  }
0x10: {  	[smem:$0x3FB6] =	sst s8  }
0x11: {  	[smem:$0x3FB7] =	sst s9;
	s0 =	simm.s32 @!p0 $0x0  }
0x12: {  	s1 =	sld [smem:$0x3F9D];
	s0 =	simm.s32 @p0 $0x1  }
0x13: {  	[smem:$0x3FB8] =	sst s0;
	s0 =	simm.s32 @!p1 $0x0  }
0x14: {  	s2 =	sld [smem:$0x3F9C];
	s0 =	simm.s32 @p1 $0x1  }
0x15: {  	[smem:$0x3FB9] =	sst s0;
	s0 =	simm.s32 @!p2 $0x0  }
0x16: {  	s3 =	sld [smem:$0x3FDB];
	s0 =	simm.s32 @p2 $0x1  }
0x17: {  	s4 =	simm.s32 $0x1BF5;
	[smem:$0x3FBB] =	sst s0  }
0x18: {  	s0 =	sld [smem:$0x3F9E];
	_ =	swait.ge [sflag:s4], $0x0  }
0x19: {  	s7 =	sld [smem:$0x3F9F]  }
0x1a: {  	s8 =	sadd.s32 $0xFFFFE003, lr  }
0x1b: {  	s9 =	sadd.s32 $0xFFFFFEF7, lr;
	s5 =	simm.s32 $0xFFFFFFFF;
	p2 =	slt.u32 s8, $0xFFFFF086  }
0x1c: {  	p1 =	slt.u32 s9, $0xF7A;
	s5 =	simm.s32 @!p2 $0x0  }
0x1d: {  	s5 =	simm.s32 @p1 $0x1;
	p0 =	seq.s32 s7, s2  }
0x1e: {  	s7 =	smul.u32 @!p0 $0xF7A, s2;
	p2 =	seq.s32 @!p0 s5, $0x0  }
0x1f: {  	s9 =	smul.u32 $0xF7A, s1;
	s8 =	simm.s32 @!p0 $0x1BF5;
	p2 =	por !p2, p0  }
0x20: {  	[sflag:s8] =	ssyncset.s32 @!p0 $0xFFFFF086;
	s6 =	sadd.s32 @!p0 s3, s7;
	s7 =	simm.s32 @!p0 $0x108  }
0x21: {  	s3 =	sadd.s32 s3, s9;
	s6 =	sadd.s32 @!p0 $0x88, s6;
	s7 =	simm.s32 @p2 $0x1082  }
0x22: {  	[simem:s7], [sflag:s8] =	dma.local @!p0 [hbm:s6], $0xF7A  }
0x23: {  	s9 =	sor.u32 $0xD0000000, s2;
	s6 =	simm.s32 $0x108;
	_ =	swait.ge @!p0 [sflag:s8], $0x0  }
0x24: {  	s3 =	sadd.s32 $0x88, s3;
	s6 =	simm.s32 @!p1 $0x1082;
	[sflag:s4] =	ssyncset.s32 $0xFFFFF086  }
0x25: {  	[simem:s6], [sflag:s4] =	dma.local [hbm:s3], $0xF7A  }
0x26: {  	[smem:$0x3F9F] =	sst s1;
	(tag) =	ssettag s2;
	_ =	strace s9  }
0x27: {  	s1 =	sld [smem:$0x3FAF]  }
0x28: {  	s2 =	sld [smem:$0x3FB0]  }
0x29: {  	s4 =	sld [smem:$0x3FB2]  }
0x2a: {  	p0 =	seq.s32 s5, $0x0;
	s5 =	sld [smem:$0x3FB3]  }
0x2b: {  	s6 =	sld [smem:$0x3FB4]  }
0x2c: {  	s7 =	sld [smem:$0x3FB5]  }
0x2d: {  	s3 =	simm.s32 $0x108;
	s8 =	sld [smem:$0x3FB6]  }
0x2e: {  	s3 =	simm.s32 @!p0 $0x1082;
	s9 =	sld [smem:$0x3FB7]  }
0x2f: {  	lr =	sadd.s32 s0, s3;
	s0 =	sld [smem:$0x3FAE]  }
0x30: {  	s3 =	sld [smem:$0x3FB1]  }
0x31: {  	[smem:$0x3FBA] =	sst s10  }
0x32: {  	s10 =	sld [smem:$0x3FB8];
	_ =	sdelay $0x3  }
0x33: {  	p0 =	seq.s32 s10, $0x1;
	s10 =	sld [smem:$0x3FBA];
	_ =	sdelay $0x3  }
0x34: {  	[smem:$0x3FBA] =	sst s10  }
0x35: {  	s10 =	sld [smem:$0x3FB9];
	_ =	sdelay $0x3  }
0x36: {  	p1 =	seq.s32 s10, $0x1;
	s10 =	sld [smem:$0x3FBA];
	_ =	sdelay $0x3  }
0x37: {  	[smem:$0x3FBA] =	sst s10  }
0x38: {  	s10 =	sld [smem:$0x3FBB]  }
0x39: {  	_ = 	snop;
	(pc) =	sbr.ind lr, $3  }
0x3a: {  	_ = 	snop  }
0x3b: {  	_ = 	snop  }
0x3c: {  	p2 =	seq.s32 s10, $0x1;
	s10 =	sld [smem:$0x3FBA]  }
0x3d: {  	_ =	shalt  }
0x3e: {  	_ =	shalt  }
0x3f: {  	_ =	shalt  }
0x40: {  	_ =	shalt  }
0x41: {  	_ =	shalt  }
0x42: {  	_ =	shalt  }
0x43: {  	_ =	shalt  }
0x44: {  	_ =	shalt  }
0x45: {  	_ =	shalt  }
0x46: {  	_ =	shalt  }
0x47: {  	_ =	shalt  }
0x48: {  	_ =	shalt  }
0x49: {  	_ =	shalt  }
0x4a: {  	_ =	shalt  }
0x4b: {  	_ =	shalt  }
0x4c: {  	_ =	shalt  }
0x4d: {  	_ =	shalt  }
0x4e: {  	_ =	shalt  }
0x4f: {  	_ =	shalt  }
0x50: {  	_ =	shalt  }
0x51: {  	_ =	shalt  }
0x52: {  	_ =	shalt  }
0x53: {  	_ =	shalt  }
0x54: {  	_ =	shalt  }
0x55: {  	_ =	shalt  }
0x56: {  	_ =	shalt  }
0x57: {  	_ =	shalt  }
0x58: {  	_ =	shalt  }
0x59: {  	_ =	shalt  }
0x5a: {  	_ =	shalt  }
0x5b: {  	_ =	shalt  }
0x5c: {  	_ =	shalt  }
0x5d: {  	_ =	shalt  }
0x5e: {  	_ =	shalt  }
0x5f: {  	_ =	shalt  }
0x60: {  	_ =	shalt  }
0x61: {  	_ =	shalt  }
0x62: {  	_ =	shalt  }
0x63: {  	_ =	shalt  }
0x64: {  	_ =	shalt  }
0x65: {  	_ =	shalt  }
0x66: {  	_ =	shalt  }
0x67: {  	_ =	shalt  }
0x68: {  	_ =	shalt  }
0x69: {  	_ =	shalt  }
0x6a: {  	_ =	shalt  }
0x6b: {  	_ =	shalt  }
0x6c: {  	_ =	shalt  }
0x6d: {  	_ =	shalt  }
0x6e: {  	_ =	shalt  }
0x6f: {  	_ =	shalt  }
0x70: {  	_ =	shalt  }
0x71: {  	_ =	shalt  }
0x72: {  	_ =	shalt  }
0x73: {  	_ =	shalt  }
0x74: {  	_ =	shalt  }
0x75: {  	_ =	shalt  }
0x76: {  	_ =	shalt  }
0x77: {  	_ =	shalt  }
0x78: {  	_ =	shalt  }
0x79: {  	_ =	shalt  }
0x7a: {  	_ =	shalt  }
0x7b: {  	_ =	shalt  }
0x7c: {  	_ =	shalt  }
0x7d: {  	_ =	shalt  }
0x7e: {  	_ =	shalt  }
0x7f: {  	_ =	shalt  }
0x80: {  	_ =	shalt  }
0x81: {  	_ =	shalt  }
0x82: {  	_ =	shalt  }
0x83: {  	_ =	shalt  }
0x84: {  	_ =	shalt  }
0x85: {  	_ =	shalt  }
0x86: {  	_ =	shalt  }
0x87: {  	_ =	shalt  }
.Lfunc_end0:
.L_simem_size_0:
called_computation_lowered:
.L_overlay_start_0:
0x88: {  	s2 =	sld [smem:$0x3FD9]  }
0x89: {  	s3 =	sld [smem:$0x3FFE];
	_ =	sdelay $0x1  }
0x8a: {  	s1 =	srdreg.scid  }
0x8b: {  	s0 =	sand.u32 $0x1, s1  }
0x8c: {  	s17 =	sshll.u32 s0, $0xA;
	s2 =	sadd.s32 s3, s2  }
0x8d: {  	s2 =	sadd.s32 s2, s17  }
0x8e: {  	[smem:$0x3FC6] =	sst s2  }
0x8f: {  	_ = 	snop  }
0x90: {  	s2 =	sld [smem:$0x3FC8];
	(tm) =	ssettm $0x1  }
0x91: {  	s18 =	sld [smem:$0x3FFB];
	_ =	sdelay $0x3  }
0x92: {  	_ =	strace s18  }
0x93: {  	s3 =	sld [smem:$0x3FFC];
	_ =	sdelay $0x3  }
0x94: {  	_ =	strace s3  }
0x95: {  	s3 =	sld [smem:$0x3FFD];
	_ =	sdelay $0x3  }
0x96: {  	_ =	strace s3  }
0x97: {  	_ =	strace $0x8FFFFFFF  }
0x98: {  	s19 =	sld [smem:$0x3FDB];
	_ =	sdelay $0x1  }
0x99: {  	s4 =	simm.s32 $_scs_section_size  }
0x9a: {  	s5 =	simm.s32 $_size__tile_overlayer_lowered;
	s6 =	simm.s32 $_tile_overlayer_lowered  }
0x9b: {  	s22 =	simm.s32 $0x1BFF;
	s21 =	sshll.u32 s6, $0x1;
	s3 =	sadd.s32 s4, s19  }
0x9c: {  	s7 =	simm.s32 $0x0;
	s20 =	sshll.u32 s5, $0x1;
	s5 =	sadd.s32 s21, s3  }
0x9d: {  	[timem:s7], [sflag:s22] =	dma.local [hbm:s5], s20  }
0x9e: {  	_ =	swait.ge [sflag:s22], s20  }
0x9f: {  	s4 =	ssub.s32 $0x0, s20;
	[sflag:s22] =	ssyncset.done $0x0  }
0xa0: {  	[sflag:s22] =	ssyncadd.s32 s4;
	_ =	sdelay $0x1  }
0xa1: {  	s23 =	simm.s32 $0x1B8B  }
0xa2: {  	_ =	swait.ge [sflag:s23], $0x1  }
0xa3: {  	[sflag:s23] =	ssyncset.done $0x0  }
0xa4: {  	s25 =	simm.s32 $0x1B8E;
	s24 =	sld [smem:$0x3FFE];
	[sflag:s23] =	ssyncadd.s32 $0xFFFFFFFF  }
0xa5: {  	s26 =	simm.s32 $execute0_lowered;
	[smem:$0x3FD2] =	sst s25  }
0xa6: {  	s5 =	sshll.u32 s26, $0x1;
	_ =	strace $0x80000046;
	[dreg:$0x1] =	wrdreg $0xFFFFFFFF  }
0xa7: {  	s28 =	simm.s32 $_size_execute0_lowered;
	s3 =	sadd.s32 s3, s5;
	[dreg:$0x0] =	wrdreg $0x0  }
0xa8: {  	s5 =	sshll.u32 s28, $0x1;
	[dreg:$0x2] =	wrdreg s3  }
0xa9: {  	[dreg:$0x3] =	wrdreg s5  }
0xaa: {  	[dreg:$0x4] =	wrdreg $0xC0  }
0xab: {  	_ =	task [dreg:s7], $0x5FFFF  }
0xac: {  	[dreg:$0x1] =	wrdreg $0xFFFFFFFF  }
0xad: {  	[dreg:$0x0] =	wrdreg $0x60  }
0xae: {  	[dreg:$0x2] =	wrdreg s24  }
0xaf: {  	[dreg:$0x3] =	wrdreg s2  }
0xb0: {  	[dreg:$0x4] =	wrdreg $0x9  }
0xb1: {  	_ =	task.clear_ibuf [dreg:s7], $0x5FFFF;
	_ =	strace $0x90000046  }
0xb2: {  	s29 =	simm.s32 $0x9;
	_ =	strace $0x80000048  }
0xb3: {  	_ =	swait.ge [sflag:s29], $0x1  }
0xb4: {  	[sflag:s29] =	ssyncadd.s32 $0xFFFFFFFF  }
0xb5: {  	_ =	strace $0x90000048  }
0xb6: {  	_ =	sfence  }
0xb7: {  	s30 =	sld [smem:$0x0];
	_ =	sdelay $0x2  }
0xb8: {  	s31 =	sshll.u32 s1, $0xD;
	s1 =	sshrl.u32 s1, $0x2  }
0xb9: {  	s3 =	sand.u32 $0x4000, s31;
	s1 =	sadd.s32 s1, s30  }
0xba: {  	s0 =	sor.u32 s3, s0;
	s1 =	sshll.u32 s1, $0x11  }
0xbb: {  	s0 =	sor.u32 s1, s0  }
0xbc: {  	s0 =	sadd.s32 $0x8F2B, s0  }
0xbd: {  	[sflag:s0] =	ssyncadd.remote.s32 $0x1  }
0xbe: {  	_ =	sfence.sel $0xFFFF  }
0xbf: {  	[dreg:$0x0] =	wrdreg $0xFFFFFFFF;
	(pc) =	sbr.abs _section_cstart, $3  }
0xc0: {  	[dreg:$0x1] =	wrdreg $0xFFFFFFFF  }
0xc1: {  	_ =	task.clear_ibuf [dreg:s7], $0x2FFFF;
	_ =	strace $0x9FFFFFFF  }
0xc2: {  	(tm) =	ssettm $0x7FFFFFFF  }
0xc3: {  	_ =	shalt  }
tec
execute0_lowered:
.L_overlay_start_1:
0x0: {  	(tag) =	ssettag $0x1  }
0x1: {  	s2 =	rddreg [dreg:$0x0]  }
0x2: {  	s0 =	srdreg.scid;
	s1 =	stileid.u32  }
0x3: {  	s4 =	simm.s32 $0x0;
	s10 =	simm.s32 $0x1000;
	s11 =	simm.s32 $0xC980  }
0x4: {  	s15 =	simm.s32 $0x2;
	s16 =	simm.s32 $0x3800;
	s17 =	simm.s32 $0x3000  }
0x5: {  	s0 =	sand.u32 $0x1, s0;
	s1 =	sshll.u32 s1, $0x1;
	[smem:$0x7FF] =	sst s4  }
0x6: {  	s18 =	simm.s32 $0x3880;
	s1 =	sor.u32 s0, s1;
	_ =	strace $0x80000047  }
0x7: {  	v0 =	vlaneseq.u32;
	v1 =	vimm.s32 $0x40000000;
	v17 =	vimm.s32 $0x0;
	s0 =	ssub.s32 $0x2, s0;
	s3 =	sshll.u32 s1, $0xA;
	s5 =	sshll.u32 s1, $0x8  }
0x8: {  	vm0 =	vcmask $0x300;
	vm1 =	vcmask $0x704;
	v16 =	vmul.u32 $0x2, v0;
	s6 =	sshll.u32 s1, $0x1;
	s30 =	sshrl.u32 s0, $0x1;
	s3 =	sadd.s32 s3, s2  }
0x9: {  	v2 =	vor.u32 $0x10, v0;
	v3 =	vor.u32 $0x30, v0;
	v4 =	vor.u32 $0x40, v0;
	s7 =	sadd.s32 s5, s2;
	s8 =	sadd.s32 s6, s2;
	s0 =	ssub.s32 s0, s30  }
0xa: {  	v5 =	vor.u32 $0x50, v0;
	v6 =	vor.u32 $0x60, v0;
	v7 =	vor.u32 $0x80000061, v16;
	s5 =	sshll.u32 s1, $0x7;
	s1 =	sshll.u32 s1, $0x9;
	s31 =	sadd.s32 $0x48000, s8  }
0xb: {  	v11 =	vor.u32 $0x20, v0;
	v8 =	vor.u32 $0x80000060, v16;
	v9 =	vor.u32 $0x80000041, v16;
	s6 =	sadd.s32 $0x4000, s7;
	s2 =	sadd.s32 s2, s1;
	[dreg:$0x3] =	wrdreg s31  }
0xc: {  	v14 =	vor.u32 $0x70, v0;
	v10 =	vor.u32 $0x80000040, v16;
	v12 =	vor.u32 $0x80000021, v16;
	s12 =	sadd.s32 $0x8000, s3;
	s0 =	smax.u32 s0, $0x1;
	[dreg:$0x4] =	wrdreg s2  }
0xd: {  	v13 =	vor.u32 $0x80000020, v16;
	v15 =	vor.u32 $0x80000001, v16;
	v16 =	vor.u32 $0x80000000, v16;
	s13 =	sshrl.u32 s1, $0x2;
	s1 =	simm.s32 $0x0;
	[dreg:$0x5] =	wrdreg s0  }
.LBB2_1:
0xe: {  	[dreg:$0x6] =	wrdreg s1  }
0xf: {  	s0 =	rddreg [dreg:$0x1]  }
0x10: {  	[tilespmem:s4], [sflag:$0x2] =	stream.linear.gather [hbm4b:s0+s4], $0x1000, $0x38;
	[tilespmem:$0xCA80] =	vst v63  }
0x11: {  	_ =	swait.ge [sflag:s15], $0x1000  }
0x12: {  	[sflag:s15] =	ssyncset.done $0x0  }
0x13: {  	s30 =	simm.s32 $0x3900;
	s31 =	rddreg [dreg:$0x4];
	[sflag:s15] =	ssyncadd.s32 $0xFFFFF000  }
0x14: {  	[tilespmem:s30], [sflag:$0x2] =	stream.linear.gather [hbm4b:s31+s4], $0x1000, $0x38;
	[tilespmem:$0xCA80] =	vst v63  }
0x15: {  	_ =	swait.ge [sflag:s15], $0x1000  }
0x16: {  	[sflag:s15] =	ssyncset.done $0x0  }
0x17: {  	[sflag:s15] =	ssyncadd.s32 $0xFFFFF000  }
0x18: {  	[tilespmem:$0x3800] =	vst v1  }
0x19: {  	[tilespmem:$0x3880] =	vst v1  }
0x1a: {  	[tilespmem:$0x3810] =	vst v1  }
0x1b: {  	[tilespmem:$0x3890] =	vst v1  }
0x1c: {  	[tilespmem:$0x3820] =	vst v1  }
0x1d: {  	[tilespmem:$0x38A0] =	vst v1  }
0x1e: {  	[tilespmem:$0x3830] =	vst v1  }
0x1f: {  	[tilespmem:$0x38B0] =	vst v1  }
0x20: {  	[tilespmem:$0x3840] =	vst v1  }
0x21: {  	[tilespmem:$0x38C0] =	vst v1  }
0x22: {  	[tilespmem:$0x3850] =	vst v1  }
0x23: {  	[tilespmem:$0x38D0] =	vst v1  }
0x24: {  	[tilespmem:$0x3860] =	vst v1  }
0x25: {  	[tilespmem:$0x38E0] =	vst v1  }
0x26: {  	[tilespmem:$0x3870] =	vst v1  }
0x27: {  	[tilespmem:$0x38F0] =	vst v1  }
0x28: {  	[tilespmem:$0xC980] =	vst v0  }
0x29: {  	[tilespmem:$0xC990] =	vst v2  }
0x2a: {  	[tilespmem:$0xC9A0] =	vst v11  }
.Ltmp0:
0x2b: {  	[tilespmem:$0xC9B0] =	vst v3;
	(pc) =	sbr.rel .LBB2_2-.Ltmp0, $4  }
0x2c: {  	[tilespmem:$0xC9C0] =	vst v4  }
0x2d: {  	[tilespmem:$0xC9D0] =	vst v5  }
0x2e: {  	[tilespmem:$0xC9E0] =	vst v6  }
0x2f: {  	s24 =	simm.s32 $0x80;
	s25 =	simm.s32 $0x0;
	[tilespmem:$0xC9F0] =	vst v14  }
.LBB2_6:
0x30: {  	s25 =	sadd.s32 $0x1, s25  }
0x31: {  	p0 =	seq.s32 s25, $0x8  }
.Ltmp1:
0x32: {  	_ = 	snop;
	(pc) =	sbr.rel @p0 .LBB2_7-.Ltmp1, $1  }
0x33: {  	_ =	sdelay $0x3  }
.LBB2_2:
0x34: {  	p0 =	slt.s32 s24, $0x1  }
.Ltmp2:
0x35: {  	_ = 	snop;
	(pc) =	sbr.rel @p0 .LBB2_6-.Ltmp2, $1  }
0x36: {  	_ =	sdelay $0x3  }
0x37: {  	s0 =	sshll.u32 s25, $0xF  }
0x38: {  	s1 =	sadd.s32 s0, s12;
	s0 =	simm.s32 $0x0  }
0x39: {  	[tilespmem:s10], [sflag:$0x2] =	stream.linear.gather [hbm4b:s1+s0], $0x2000, $0x38;
	[tilespmem:$0xCA80] =	vst v63  }
0x3a: {  	_ =	swait.ge [sflag:s15], $0x2000  }
0x3b: {  	[sflag:s15] =	ssyncset.done $0x0  }
0x3c: {  	s1 =	sshll.u32 s25, $0x13;
	[sflag:s15] =	ssyncadd.s32 $0xFFFFE000  }
.LBB2_4:
0x3d: {  	v18 =	vmov s0;
	_ =	sdelay $0x4  }
0x3e: {  	v18 =	vld.idx.msk [tilespmem:v18+s11+$0x0], $0xffff;
	_ =	sdelay $0x4  }
0x3f: {  	(v2sf) =	vpush v18, $0x0;
	_ =	sdelay $0xe  }
0x40: {  	s7 =	spop (v2sf)  }
0x41: {  	s3 =	sshll.u32 s7, $0x6  }
0x42: {  	v19 =	vld [tilespmem:s3+$0x1000];
	_ =	sdelay $0x1  }
0x43: {  	v20 =	vld [tilespmem:s3+$0x1010]  }
0x44: {  	s7 =	sadd.s32 s5, s7  }
0x45: {  	v21 =	vmov s7;
	v24 =	vld [tilespmem:s3+$0x1030]  }
0x46: {  	v23 =	vand.u32 $0xFFFF, v19  }
0x47: {  	v22 =	vld [tilespmem:s3+$0x1020];
	v19 =	vshrl.u32 v19, $0x10  }
0x48: {  	v25 =	vand.u32 $0xFFFF, v20  }
0x49: {  	v20 =	vshrl.u32 v20, $0x10  }
0x4a: {  	v21 =	vld.idx.msk [tilespmem:v21+s4+$0x0], $0xffff;
	v29 =	vshrl.u32 v24, $0x10  }
0x4b: {  	v24 =	vand.u32 $0xFFFF, v24;
	v27 =	vld.idx.msk [tilespmem:v23+s4+$0x0], $0xffff  }
0x4c: {  	v26 =	vand.u32 $0xFFFF, v22;
	v22 =	vshrl.u32 v22, $0x10;
	v28 =	vld.idx.msk [tilespmem:v19+s4+$0x0], $0xffff  }
0x4d: {  	v30 =	vld.idx.msk [tilespmem:v25+s4+$0x0], $0xffff  }
0x4e: {  	v31 =	vld.idx.msk [tilespmem:v20+s4+$0x0], $0xffff  }
0x4f: {  	v34 =	vld.idx.msk [tilespmem:v29+s4+$0x0], $0xffff  }
0x50: {  	v35 =	vld.idx.msk [tilespmem:v24+s4+$0x0], $0xffff  }
0x51: {  	v33 =	vld.idx.msk [tilespmem:v22+s4+$0x0], $0xffff  }
0x52: {  	vm9 =	vne.s32 v29, s7;
	vm13 =	vne.s32 v24, s7;
	v32 =	vld.idx.msk [tilespmem:v26+s4+$0x0], $0xffff  }
0x53: {  	vm14 =	vne.s32 v22, s7;
	vm15 =	vne.s32 v26, s7;
	vm2 =	veq.s32 v27, v21  }
0x54: {  	vm3 =	veq.s32 v28, v21;
	vm4 =	veq.s32 v30, v21;
	vm8 =	veq.s32 v34, v21  }
0x55: {  	vm5 =	veq.s32 v31, v21;
	vm10 =	veq.s32 v35, v21;
	vm8 =	vmand vm9, vm8  }
0x56: {  	vm7 =	veq.s32 v33, v21;
	vm9 =	vmand vm10, vm13;
	v62 =	vnsel vm8, $0xC0000000, v7  }
0x57: {  	vm6 =	veq.s32 v32, v21;
	vm7 =	vmand vm14, vm7;
	v21 =	vsel vm9, v8, v62  }
0x58: {  	vm12 =	vne.s32 v20, s7;
	vm6 =	vmand vm6, vm15;
	v63 =	vsel vm7, v9, v21  }
0x59: {  	vm13 =	vne.s32 v25, s7;
	vm5 =	vmand vm12, vm5;
	v20 =	vsel vm6, v10, v63  }
0x5a: {  	vm14 =	vne.s32 v19, s7;
	vm4 =	vmand vm4, vm13;
	v19 =	vsel vm5, v12, v20  }
0x5b: {  	vm15 =	vne.s32 v23, s7;
	vm3 =	vmand vm3, vm14;
	v19 =	vsel vm4, v13, v19  }
0x5c: {  	vm2 =	vmand vm2, vm15;
	v19 =	vsel vm3, v15, v19  }
0x5d: {  	v19 =	vsel vm2, v16, v19  }
0x5e: {  	(xrf0) =	vmin.scan.msk.u32 $0xffff, v19;
	_ =	sdelay $0x5  }
0x5f: {  	v19, _, _ =	vpop (xrf0)  }
0x60: {  	(v2sf) =	vpush v19, $0xF;
	_ =	sdelay $0xe  }
0x61: {  	s28 =	spop (v2sf)  }
0x62: {  	s8 =	sxor.u32 $0x80000000, s28  }
0x63: {  	p0 =	slt.s32 s8, $0x7F;
	s9 =	smov.u32 s8  }
0x64: {  	s9 =	simm.s32 @!p0 $0x7F  }
0x65: {  	s19 =	sshra.s32 s9, $0x1  }
0x66: {  	s3 =	sadd.s32 s3, s19  }
0x67: {  	v19 =	vmov s3;
	_ =	sdelay $0x4  }
0x68: {  	v19 =	vld.idx.msk [tilespmem:v19+s10+$0x0], $0xffff;
	_ =	sdelay $0x4  }
0x69: {  	(v2sf) =	vpush v19, $0x0;
	_ =	sdelay $0xe  }
0x6a: {  	s7 =	sshll.u32 s28, $0xC;
	s29 =	sand.u32 $0x1, s9;
	s30 =	spop (v2sf)  }
0x6b: {  	p0 =	seq.s32 s29, $0x1;
	s3 =	sshrl.u32 s30, $0x10;
	s9 =	sand.u32 $0xFFFF, s30  }
0x6c: {  	s31 =	sadd.s32 s1, s7;
	s9 =	smov.u32 @p0 s3  }
0x6d: {  	s0 =	sadd.s32 $0x1, s0;
	v18 =	vbroadcast v18, $0x0;
	p0 =	slt.s32 s8, $0x40000000;
	s3 =	sor.u32 s31, s9  }
0x6e: {  	s3 =	simm.s32 @!p0 $0x40000000;
	p0 =	sne.s32 s24, s0  }
.Ltmp3:
0x6f: {  	_ = 	snop;
	(pc) =	sbr.rel @p0 .LBB2_4-.Ltmp3, $3  }
0x70: {  	_ =	sdelay $0x1  }
0x71: {  	v19 =	vmov s3  }
0x72: {  	[tilespmem:v18+s16+$0x0] =	vst.idx.msk $0x1, v19  }
0x73: {  	v18 =	vld [tilespmem:$0x3800];
	_ =	sdelay $0x4  }
0x74: {  	vm2 =	vgt.s32 v18, $0x3FFFFFFF  }
0x75: {  	[tilespmem:s11+$0x0] =	vst.msk vm2, v0  }
0x76: {  	v18 =	vsel vm2, $0x1, v17;
	v19 =	vld [tilespmem:$0x3810]  }
0x77: {  	(xrf0) =	vadd.scan.msk.s32 $0xffff, v18;
	_ =	sdelay $0x3  }
0x78: {  	vm2 =	vgt.s32 v19, $0x3FFFFFFF  }
0x79: {  	v18 =	vsel vm2, $0x1, v17  }
0x7a: {  	v19, _, _ =	vpop (xrf0);
	(xrf0) =	vadd.scan.msk.s32 $0xffff, v18  }
0x7b: {  	(v2sf) =	vpush v19, $0xF;
	_ =	sdelay $0x4  }
0x7c: {  	v18, _, _ =	vpop (xrf0)  }
0x7d: {  	(v2sf) =	vpush v18, $0xF;
	_ =	sdelay $0x8  }
0x7e: {  	s0 =	spop (v2sf)  }
0x7f: {  	[tilespmem:s0+$0xC980] =	vst.msk vm2, v2  }
0x80: {  	v18 =	vld [tilespmem:$0x3820];
	_ =	sdelay $0x3  }
0x81: {  	s1 =	spop (v2sf)  }
0x82: {  	vm2 =	vgt.s32 v18, $0x3FFFFFFF;
	s0 =	sadd.s32 s0, s1  }
0x83: {  	v18 =	vsel vm2, $0x1, v17;
	[tilespmem:s0+$0xC980] =	vst.msk vm2, v11  }
0x84: {  	(xrf0) =	vadd.scan.msk.s32 $0xffff, v18;
	v18 =	vld [tilespmem:$0x3830];
	_ =	sdelay $0x4  }
0x85: {  	vm2 =	vgt.s32 v18, $0x3FFFFFFF  }
0x86: {  	v18, _, _ =	vpop (xrf0);
	v19 =	vsel vm2, $0x1, v17  }
0x87: {  	(v2sf) =	vpush v18, $0xF;
	(xrf0) =	vadd.scan.msk.s32 $0xffff, v19;
	_ =	sdelay $0x5  }
0x88: {  	v18, _, _ =	vpop (xrf0)  }
0x89: {  	(v2sf) =	vpush v18, $0xF;
	_ =	sdelay $0x7  }
0x8a: {  	s24 =	spop (v2sf)  }
0x8b: {  	s0 =	sadd.s32 s0, s24  }
0x8c: {  	[tilespmem:s0+$0xC980] =	vst.msk vm2, v3  }
0x8d: {  	v18 =	vld [tilespmem:$0x3840];
	_ =	sdelay $0x3  }
0x8e: {  	s26 =	spop (v2sf)  }
0x8f: {  	vm2 =	vgt.s32 v18, $0x3FFFFFFF;
	s0 =	sadd.s32 s0, s26  }
0x90: {  	v18 =	vsel vm2, $0x1, v17;
	[tilespmem:s0+$0xC980] =	vst.msk vm2, v4  }
0x91: {  	(xrf0) =	vadd.scan.msk.s32 $0xffff, v18;
	v18 =	vld [tilespmem:$0x3850];
	_ =	sdelay $0x4  }
0x92: {  	vm2 =	vgt.s32 v18, $0x3FFFFFFF  }
0x93: {  	v18, _, _ =	vpop (xrf0);
	v19 =	vsel vm2, $0x1, v17  }
0x94: {  	(v2sf) =	vpush v18, $0xF;
	(xrf0) =	vadd.scan.msk.s32 $0xffff, v19;
	_ =	sdelay $0x5  }
0x95: {  	v18, _, _ =	vpop (xrf0)  }
0x96: {  	(v2sf) =	vpush v18, $0xF;
	_ =	sdelay $0x7  }
0x97: {  	s28 =	spop (v2sf)  }
0x98: {  	s0 =	sadd.s32 s0, s28  }
0x99: {  	[tilespmem:s0+$0xC980] =	vst.msk vm2, v5  }
0x9a: {  	v18 =	vld [tilespmem:$0x3860];
	_ =	sdelay $0x3  }
0x9b: {  	s29 =	spop (v2sf)  }
0x9c: {  	vm2 =	vgt.s32 v18, $0x3FFFFFFF;
	s0 =	sadd.s32 s0, s29  }
0x9d: {  	[tilespmem:s0+$0xC980] =	vst.msk vm2, v6  }
0x9e: {  	v18 =	vld [tilespmem:$0x3870];
	_ =	sdelay $0x4  }
0x9f: {  	v19 =	vsel vm2, $0x1, v17;
	vm2 =	vgt.s32 v18, $0x3FFFFFFF  }
0xa0: {  	(xrf0) =	vadd.scan.msk.s32 $0xffff, v19;
	v18 =	vsel vm2, $0x1, v17  }
0xa1: {  	(xrf0) =	vadd.scan.msk.s32 $0xffff, v18;
	_ =	sdelay $0x4  }
0xa2: {  	v18, _, _ =	vpop (xrf0)  }
0xa3: {  	(v2sf) =	vpush v18, $0xF;
	v18, _, _ =	vpop (xrf0)  }
0xa4: {  	(v2sf) =	vpush v18, $0xF;
	_ =	sdelay $0xb  }
.Ltmp4:
0xa5: {  	_ = 	snop;
	(pc) =	sbr.rel .LBB2_6-.Ltmp4, $4  }
0xa6: {  	_ = 	snop  }
0xa7: {  	s30 =	spop (v2sf)  }
0xa8: {  	s0 =	sadd.s32 s0, s30;
	s31 =	spop (v2sf)  }
0xa9: {  	[tilespmem:s0+$0xC980] =	vst.msk vm2, v14;
	s24 =	sadd.s32 s0, s31  }
.LBB2_7:
0xaa: {  	p0 =	sgt.s32 s24, $0x0  }
.Ltmp5:
0xab: {  	_ = 	snop;
	(pc) =	sbr.rel @!p0 .LBB2_11-.Ltmp5, $2  }
0xac: {  	_ =	sdelay $0x2  }
0xad: {  	s25 =	simm.s32 $0x0;
	s26 =	simm.s32 $0x0  }
.LBB2_8:
0xae: {  	v18 =	vmov s26;
	_ =	sdelay $0x4  }
0xaf: {  	v18 =	vld.idx.msk [tilespmem:v18+s11+$0x0], $0xffff;
	_ =	sdelay $0x4  }
0xb0: {  	(v2sf) =	vpush v18, $0x0;
	_ =	sdelay $0xe  }
0xb1: {  	s0 =	spop (v2sf)  }
0xb2: {  	s0 =	sadd.s32 s5, s0  }
0xb3: {  	s1 =	sshll.u32 s0, $0xC  }
0xb4: {  	s1 =	sor.u32 $0x2A, s1  }
0xb5: {  	v21 =	vor.u32 s25, v0;
	v22 =	vmov s1  }
0xb6: {  	v19 =	vadd.s32 v22, v21  }
0xb7: {  	v20 =	vshrl.u32 v19, $0x13;
	v23 =	vshll.u32 v19, $0xD  }
0xb8: {  	v20 =	vor.u32 v20, v23  }
0xb9: {  	v20 =	vxor.u32 v19, v20  }
0xba: {  	v23 =	vshrl.u32 v20, $0x11;
	v24 =	vshll.u32 v20, $0xF  }
0xbb: {  	v19 =	vadd.s32 v19, v20;
	v20 =	vor.u32 v23, v24  }
0xbc: {  	v20 =	vxor.u32 v19, v20  }
0xbd: {  	v23 =	vshrl.u32 v20, $0x6;
	v24 =	vshll.u32 v20, $0x1A  }
0xbe: {  	v19 =	vadd.s32 v19, v20;
	v20 =	vor.u32 v23, v24  }
0xbf: {  	v20 =	vxor.u32 v19, v20  }
0xc0: {  	v23 =	vshrl.u32 v20, $0x1A;
	v24 =	vshll.u32 v20, $0x6  }
0xc1: {  	v19 =	vadd.s32 v19, v20;
	v20 =	vor.u32 v23, v24  }
0xc2: {  	v20 =	vxor.u32 v19, v20  }
0xc3: {  	v20 =	vadd.s32 $0x1BD11BF1, v20  }
0xc4: {  	v19 =	vadd.s32 v20, v19;
	v23 =	vshrl.u32 v20, $0xF;
	v20 =	vshll.u32 v20, $0x11  }
0xc5: {  	v19 =	vadd.s32 $0x2A, v19;
	v20 =	vor.u32 v23, v20  }
0xc6: {  	v20 =	vxor.u32 v19, v20  }
0xc7: {  	v23 =	vshrl.u32 v20, $0x3;
	v24 =	vshll.u32 v20, $0x1D  }
0xc8: {  	v19 =	vadd.s32 v19, v20;
	v20 =	vor.u32 v23, v24  }
0xc9: {  	v20 =	vxor.u32 v19, v20  }
0xca: {  	v23 =	vshrl.u32 v20, $0x10;
	v24 =	vshll.u32 v20, $0x10  }
0xcb: {  	v20 =	vadd.s32 v19, v20;
	v19 =	vor.u32 v23, v24  }
0xcc: {  	s30 =	simm.s32 $0x10;
	v23 =	vxor.u32 v20, v19  }
0xcd: {  	v19 =	vor.u32 s30, v0;
	v24 =	vshrl.u32 v23, $0x8  }
0xce: {  	v25 =	vshll.u32 v23, $0x18;
	v23 =	vadd.s32 v20, v23;
	v26 =	vadd.s32 v22, v19  }
0xcf: {  	v20 =	vor.u32 v24, v25;
	v24 =	vshrl.u32 v26, $0x13;
	v25 =	vshll.u32 v26, $0xD  }
0xd0: {  	v27 =	vxor.u32 v23, v20;
	v24 =	vor.u32 v24, v25  }
0xd1: {  	v20 =	vmov s0;
	v25 =	vadd.s32 $0x2, v27;
	v24 =	vxor.u32 v26, v24  }
0xd2: {  	v23 =	vadd.s32 v25, v23;
	v27 =	vshrl.u32 v24, $0x11;
	v28 =	vshll.u32 v24, $0xF  }
0xd3: {  	v29 =	vshrl.u32 v25, $0x13;
	v24 =	vadd.s32 v26, v24;
	v26 =	vor.u32 v27, v28  }
0xd4: {  	v25 =	vshll.u32 v25, $0xD;
	v23 =	vadd.s32 $0x1BD11BF0, v23;
	v26 =	vxor.u32 v24, v26  }
0xd5: {  	v25 =	vor.u32 v29, v25;
	v27 =	vshrl.u32 v26, $0x6;
	v28 =	vshll.u32 v26, $0x1A  }
0xd6: {  	v25 =	vxor.u32 v23, v25;
	v24 =	vadd.s32 v24, v26;
	v26 =	vor.u32 v27, v28  }
0xd7: {  	v27 =	vshrl.u32 v25, $0x11;
	v28 =	vshll.u32 v25, $0xF;
	v26 =	vxor.u32 v24, v26  }
0xd8: {  	v27 =	vor.u32 v27, v28;
	v28 =	vshrl.u32 v26, $0x1A;
	v29 =	vshll.u32 v26, $0x6  }
0xd9: {  	v23 =	vadd.s32 v23, v25;
	v30 =	vadd.s32 v24, v26;
	v26 =	vor.u32 v28, v29  }
0xda: {  	vm5 =	vne.s32 v21, v20;
	v27 =	vxor.u32 v23, v27;
	v26 =	vxor.u32 v30, v26  }
0xdb: {  	v25 =	vimm.s32 $0x1000;
	v29 =	vshrl.u32 v27, $0x6;
	v28 =	vadd.s32 $0x1BD11BF1, v26  }
0xdc: {  	v32 =	vld.idx.msk [tilespmem:v21+s4+$0x0], $0xffff;
	v30 =	vadd.s32 v28, v30;
	v31 =	vshrl.u32 v28, $0xF;
	v28 =	vshll.u32 v28, $0x11  }
0xdd: {  	v26 =	vld.idx.msk [tilespmem:v20+s25+$0x0], $0xffff;
	v30 =	vadd.s32 $0x2A, v30;
	v28 =	vor.u32 v31, v28;
	v31 =	vshll.u32 v27, $0x1A  }
0xde: {  	v23 =	vadd.s32 v23, v27;
	v28 =	vxor.u32 v30, v28;
	v27 =	vor.u32 v29, v31  }
0xdf: {  	v29 =	vadd.s32 v30, v28;
	v30 =	vshrl.u32 v28, $0x3;
	v27 =	vxor.u32 v23, v27  }
0xe0: {  	v28 =	vshll.u32 v28, $0x1D;
	v31 =	vshrl.u32 v27, $0x1A;
	v33 =	vshll.u32 v27, $0x6  }
0xe1: {  	v28 =	vor.u32 v30, v28;
	v23 =	vadd.s32 v23, v27;
	v27 =	vor.u32 v31, v33  }
0xe2: {  	vm2 =	veq.s32 v32, v26;
	v28 =	vxor.u32 v29, v28;
	v27 =	vxor.u32 v23, v27  }
0xe3: {  	v30 =	vshrl.u32 v28, $0x10;
	v31 =	vshll.u32 v28, $0x10;
	v27 =	vadd.s32 $0x2D, v27  }
0xe4: {  	v28 =	vadd.s32 v29, v28;
	v29 =	vshrl.u32 v27, $0xF;
	v52 =	vshll.u32 v27, $0x11  }
0xe5: {  	vm2 =	vmmov vm2;
	v23 =	vadd.s32 v23, v27;
	v27 =	vor.u32 v29, v52  }
0xe6: {  	vm3 =	vmmov vm2;
	v30 =	vor.u32 v30, v31;
	v27 =	vxor.u32 v23, v27  }
0xe7: {  	v29 =	vxor.u32 v28, v30;
	v30 =	vld.idx.msk [tilespmem:v19+s4+$0x0], $0xffff;
	v53 =	vshrl.u32 v27, $0x3;
	v54 =	vshll.u32 v27, $0x1D  }
0xe8: {  	v31 =	vshrl.u32 v29, $0x8;
	v23 =	vadd.s32 v23, v27;
	v27 =	vor.u32 v53, v54  }
0xe9: {  	v34 =	vshll.u32 v29, $0x18;
	v28 =	vadd.s32 v28, v29;
	v27 =	vxor.u32 v23, v27  }
0xea: {  	v29 =	vor.u32 v31, v34;
	v31 =	vshrl.u32 v27, $0x10;
	v55 =	vshll.u32 v27, $0x10  }
0xeb: {  	v29 =	vxor.u32 v28, v29;
	v23 =	vadd.s32 v23, v27;
	v27 =	vor.u32 v31, v55  }
0xec: {  	v29 =	vadd.s32 $0x2, v29;
	vm4 =	veq.s32 v30, v26;
	v27 =	vxor.u32 v23, v27  }
0xed: {  	v28 =	vadd.s32 v29, v28;
	v31 =	vshrl.u32 v27, $0x8;
	v56 =	vshll.u32 v27, $0x18  }
0xee: {  	v30 =	vshrl.u32 v29, $0x13;
	v27 =	vadd.s32 v23, v27;
	v23 =	vor.u32 v31, v56  }
0xef: {  	s31 =	simm.s32 $0x20;
	v29 =	vshll.u32 v29, $0xD;
	v28 =	vadd.s32 $0x1BD11BF0, v28;
	v23 =	vxor.u32 v27, v23  }
0xf0: {  	v29 =	vor.u32 v30, v29;
	v31 =	vadd.s32 $0x1BD11BF4, v23;
	v23 =	vor.u32 s31, v0  }
0xf1: {  	vm2 =	vmmov vm4;
	v29 =	vxor.u32 v28, v29;
	v58 =	vadd.s32 v22, v23  }
0xf2: {  	v60 =	vshrl.u32 v29, $0x11;
	v30 =	vshrl.u32 v58, $0x13;
	v59 =	vshll.u32 v58, $0xD  }
0xf3: {  	v63 =	vshll.u32 v29, $0xF;
	v29 =	vadd.s32 v28, v29;
	v30 =	vor.u32 v30, v59  }
0xf4: {  	v44 =	vor.u32 v60, v63;
	v27 =	vadd.s32 v31, v27;
	v30 =	vxor.u32 v58, v30  }
0xf5: {  	v57 =	vshrl.u32 v31, $0x13;
	v35 =	vshrl.u32 v30, $0x11;
	v36 =	vshll.u32 v30, $0xF  }
0xf6: {  	v31 =	vshll.u32 v31, $0xD;
	v30 =	vadd.s32 v58, v30;
	v62 =	vor.u32 v35, v36  }
0xf7: {  	v27 =	vadd.s32 $0x2A, v27;
	v31 =	vor.u32 v57, v31;
	v33 =	vxor.u32 v30, v62  }
0xf8: {  	v31 =	vxor.u32 v27, v31;
	v37 =	vshrl.u32 v33, $0x6;
	v38 =	vshll.u32 v33, $0x1A  }
0xf9: {  	v42 =	vshrl.u32 v31, $0x11;
	v30 =	vadd.s32 v30, v33;
	v43 =	vor.u32 v37, v38  }
0xfa: {  	v39 =	vshll.u32 v31, $0xF;
	v27 =	vadd.s32 v27, v31;
	v31 =	vxor.u32 v30, v43  }
0xfb: {  	v47 =	vor.u32 v42, v39;
	v45 =	vshrl.u32 v31, $0x1A;
	v46 =	vshll.u32 v31, $0x6  }
0xfc: {  	v32 =	vxor.u32 v27, v47;
	v30 =	vadd.s32 v30, v31;
	v31 =	vor.u32 v45, v46  }
0xfd: {  	v49 =	vshrl.u32 v32, $0x6;
	v28 =	vxor.u32 v30, v31;
	v31 =	vxor.u32 v29, v44  }
0xfe: {  	v50 =	vshll.u32 v32, $0x1A;
	v28 =	vadd.s32 $0x1BD11BF1, v28;
	v33 =	vshrl.u32 v31, $0x6  }
0xff: {  	v51 =	vshll.u32 v31, $0x1A;
	v29 =	vadd.s32 v29, v31;
	v30 =	vadd.s32 v28, v30  }
0x100: {  	v48 =	vshrl.u32 v28, $0xF;
	v28 =	vshll.u32 v28, $0x11;
	v31 =	vor.u32 v33, v51  }
0x101: {  	v30 =	vadd.s32 $0x2A, v30;
	v34 =	vor.u32 v48, v28;
	v31 =	vxor.u32 v29, v31  }
0x102: {  	v34 =	vxor.u32 v30, v34;
	v53 =	vshrl.u32 v31, $0x1A;
	v54 =	vshll.u32 v31, $0x6  }
0x103: {  	v30 =	vadd.s32 v30, v34;
	v52 =	vshrl.u32 v34, $0x3;
	v34 =	vshll.u32 v34, $0x1D  }
0x104: {  	v61 =	vld.idx.msk [tilespmem:v23+s4+$0x0], $0xffff;
	v31 =	vadd.s32 v29, v31;
	v29 =	vor.u32 v53, v54;
	v33 =	vor.u32 v52, v34  }
0x105: {  	v55 =	vxor.u32 v31, v29;
	v29 =	vadd.s32 v27, v32;
	v33 =	vxor.u32 v30, v33  }
0x106: {  	v34 =	vadd.s32 $0x2D, v55;
	v27 =	vshrl.u32 v33, $0x10;
	v56 =	vshll.u32 v33, $0x10  }
0x107: {  	v30 =	vadd.s32 v30, v33;
	v57 =	vshrl.u32 v34, $0xF;
	v58 =	vshll.u32 v34, $0x11  }
0x108: {  	v31 =	vadd.s32 v31, v34;
	v27 =	vor.u32 v27, v56;
	v32 =	vor.u32 v57, v58  }
0x109: {  	vm4 =	veq.s32 v61, v26;
	v27 =	vxor.u32 v30, v27;
	v32 =	vxor.u32 v31, v32  }
0x10a: {  	v59 =	vshrl.u32 v27, $0x8;
	v60 =	vshll.u32 v27, $0x18;
	v27 =	vadd.s32 v30, v27  }
0x10b: {  	v61 =	vshrl.u32 v32, $0x3;
	v62 =	vshll.u32 v32, $0x1D;
	v30 =	vor.u32 v59, v60  }
0x10c: {  	v32 =	vadd.s32 v31, v32;
	v31 =	vor.u32 v61, v62;
	v30 =	vxor.u32 v27, v30  }
0x10d: {  	v24 =	vimm.s32 $0xFFFFFFFF;
	v33 =	vxor.u32 v32, v31;
	v63 =	vadd.s32 $0x2, v30  }
0x10e: {  	v28 =	vor.u32 v49, v50;
	v34 =	vshrl.u32 v33, $0x10;
	v27 =	vadd.s32 v63, v27  }
0x10f: {  	s28 =	simm.s32 $0x30;
	v30 =	vshrl.u32 v63, $0x13;
	v31 =	vshll.u32 v63, $0xD;
	v27 =	vadd.s32 $0x1BD11BF0, v27  }
.LBB2_9:
0x110: {  	v35 =	vshll.u32 v33, $0x10;
	vm5 =	vmand vm5, vm3  }
0x111: {  	p0 =	sne.s32 s28, $0xFF0;
	v28 =	vxor.u32 v29, v28;
	vm3 =	vmmov vm2;
	vm2 =	vmmov vm4;
	s0 =	smov.u32 s28;
	s28 =	sadd.s32 $0x10, s28  }
0x112: {  	v32 =	vadd.s32 v32, v33;
	v33 =	vor.u32 v34, v35;
	v34 =	vshrl.u32 v28, $0x1A  }
0x113: {  	v29 =	vadd.s32 v29, v28;
	v28 =	vshll.u32 v28, $0x6;
	v33 =	vxor.u32 v32, v33  }
0x114: {  	v28 =	vor.u32 v34, v28;
	v35 =	vshrl.u32 v33, $0x8;
	v36 =	vshll.u32 v33, $0x18  }
0x115: {  	v32 =	vadd.s32 v32, v33;
	v28 =	vxor.u32 v29, v28;
	v33 =	vor.u32 v35, v36  }
0x116: {  	v29 =	vadd.s32 $0x1BD11BF0, v29;
	v28 =	vadd.s32 $0x5, v28;
	v33 =	vxor.u32 v32, v33  }
0x117: {  	vm4 =	vlt.s32 v21, v25;
	v28 =	vxor.u32 v29, v28;
	v33 =	vadd.s32 $0x1BD11BF4, v33  }
0x118: {  	v28 =	vshrl.u32 v28, $0x9;
	v29 =	vadd.s32 v33, v32;
	v32 =	vshrl.u32 v33, $0x13  }
0x119: {  	v30 =	vor.u32 v30, v31;
	v28 =	vnsel vm5, $0xFFFFFFFF, v28;
	v29 =	vadd.s32 $0x2A, v29  }
0x11a: {  	v31 =	vor.u32 s0, v0;
	vm5 =	vgt.s32 v28, v24;
	vm6 =	veq.s32 v28, v24  }
0x11b: {  	v34 =	vadd.s32 v22, v31;
	v33 =	vshll.u32 v33, $0xD;
	vm4 =	vmand vm4, vm6  }
0x11c: {  	v35 =	vshrl.u32 v34, $0x13;
	v36 =	vshll.u32 v34, $0xD;
	vm4 =	vmor vm5, vm4  }
0x11d: {  	v30 =	vxor.u32 v27, v30;
	v35 =	vor.u32 v35, v36;
	v25 =	vsel vm4, v21, v25;
	v21 =	vmovc v19  }
0x11e: {  	v36 =	vshrl.u32 v30, $0x11;
	v35 =	vxor.u32 v34, v35;
	v24 =	vsel vm4, v28, v24;
	v19 =	vmovc v23;
	v23 =	vmovc v31  }
0x11f: {  	v37 =	vshll.u32 v35, $0xF;
	v32 =	vor.u32 v32, v33;
	v28 =	vld.idx.msk [tilespmem:v31+s4+$0x0], $0xffff;
	v31 =	vshrl.u32 v35, $0x11  }
0x120: {  	v33 =	vadd.s32 v34, v35;
	v32 =	vxor.u32 v29, v32;
	v31 =	vor.u32 v31, v37  }
0x121: {  	v34 =	vshll.u32 v30, $0xF;
	v35 =	vshrl.u32 v32, $0x11;
	v31 =	vxor.u32 v33, v31  }
0x122: {  	v39 =	vshll.u32 v32, $0xF;
	v37 =	vshrl.u32 v31, $0x6;
	v38 =	vshll.u32 v31, $0x1A  }
0x123: {  	v29 =	vadd.s32 v29, v32;
	v31 =	vadd.s32 v33, v31;
	v33 =	vor.u32 v37, v38  }
0x124: {  	vm5 =	vne.s32 v21, v20;
	v32 =	vxor.u32 v31, v33;
	v33 =	vor.u32 v36, v34  }
0x125: {  	vm4 =	veq.s32 v28, v26;
	v28 =	vshrl.u32 v32, $0x1A;
	v34 =	vshll.u32 v32, $0x6  }
0x126: {  	v27 =	vadd.s32 v27, v30;
	v31 =	vadd.s32 v31, v32;
	v28 =	vor.u32 v28, v34  }
0x127: {  	v30 =	vxor.u32 v27, v33;
	v32 =	vor.u32 v35, v39;
	v28 =	vxor.u32 v31, v28  }
0x128: {  	v33 =	vshrl.u32 v30, $0x6;
	v32 =	vxor.u32 v29, v32;
	v28 =	vadd.s32 $0x1BD11BF1, v28  }
0x129: {  	v35 =	vshrl.u32 v32, $0x6;
	v31 =	vadd.s32 v28, v31;
	v34 =	vshrl.u32 v28, $0xF  }
0x12a: {  	v36 =	vshll.u32 v32, $0x1A;
	v28 =	vshll.u32 v28, $0x11;
	v31 =	vadd.s32 $0x2A, v31  }
0x12b: {  	v37 =	vshll.u32 v30, $0x1A;
	v34 =	vor.u32 v34, v28;
	v28 =	vor.u32 v35, v36  }
0x12c: {  	v27 =	vadd.s32 v27, v30;
	v30 =	vor.u32 v33, v37;
	v34 =	vxor.u32 v31, v34  }
0x12d: {  	v30 =	vxor.u32 v27, v30;
	v31 =	vadd.s32 v31, v34;
	v33 =	vshrl.u32 v34, $0x3  }
0x12e: {  	v35 =	vshrl.u32 v30, $0x1A;
	v36 =	vshll.u32 v30, $0x6;
	v34 =	vshll.u32 v34, $0x1D  }
0x12f: {  	v27 =	vadd.s32 v27, v30;
	v30 =	vor.u32 v35, v36;
	v33 =	vor.u32 v33, v34  }
0x130: {  	v29 =	vadd.s32 v29, v32;
	v30 =	vxor.u32 v27, v30;
	v33 =	vxor.u32 v31, v33  }
0x131: {  	v30 =	vadd.s32 $0x2D, v30;
	v32 =	vshrl.u32 v33, $0x10;
	v34 =	vshll.u32 v33, $0x10  }
0x132: {  	v31 =	vadd.s32 v31, v33;
	v33 =	vshrl.u32 v30, $0xF;
	v32 =	vor.u32 v32, v34  }
0x133: {  	v27 =	vadd.s32 v27, v30;
	v30 =	vshll.u32 v30, $0x11;
	v32 =	vxor.u32 v31, v32  }
0x134: {  	v30 =	vor.u32 v33, v30;
	v34 =	vshrl.u32 v32, $0x8;
	v35 =	vshll.u32 v32, $0x18  }
.Ltmp6:
0x135: {  	v30 =	vxor.u32 v27, v30;
	v31 =	vadd.s32 v31, v32;
	v32 =	vor.u32 v34, v35;
	(pc) =	sbr.rel @p0 .LBB2_9-.Ltmp6, $4  }
0x136: {  	v33 =	vshrl.u32 v30, $0x3;
	v34 =	vshll.u32 v30, $0x1D;
	v32 =	vxor.u32 v31, v32  }
0x137: {  	v35 =	vadd.s32 $0x2, v32;
	v32 =	vadd.s32 v27, v30;
	v27 =	vor.u32 v33, v34  }
0x138: {  	v31 =	vadd.s32 v35, v31;
	v30 =	vshrl.u32 v35, $0x13;
	v33 =	vxor.u32 v32, v27  }
0x139: {  	v27 =	vadd.s32 $0x1BD11BF0, v31;
	v31 =	vshll.u32 v35, $0xD;
	v34 =	vshrl.u32 v33, $0x10  }
0x13a: {  	v22 =	vshll.u32 v33, $0x10;
	vm5 =	vmand vm5, vm3  }
0x13b: {  	v26 =	vxor.u32 v29, v28;
	vm3 =	vmmov vm2;
	vm2 =	vmmov vm4  }
0x13c: {  	v46 =	vadd.s32 v32, v33;
	v30 =	vor.u32 v30, v31;
	vm10 =	vlt.s32 v21, v25  }
0x13d: {  	vm11 =	vne.s32 v19, v20;
	vm14 =	vne.s32 v23, v20;
	v22 =	vor.u32 v34, v22  }
0x13e: {  	v47 =	vshrl.u32 v26, $0x1A;
	v29 =	vadd.s32 v29, v26;
	v26 =	vshll.u32 v26, $0x6  }
0x13f: {  	v50 =	vxor.u32 v27, v30;
	vm3 =	vmand vm11, vm3;
	v22 =	vxor.u32 v46, v22  }
0x140: {  	v26 =	vor.u32 v47, v26;
	v52 =	vshrl.u32 v50, $0x11;
	v53 =	vshll.u32 v50, $0xF  }
0x141: {  	v27 =	vadd.s32 v27, v50;
	v48 =	vshrl.u32 v22, $0x8;
	v31 =	vor.u32 v52, v53  }
0x142: {  	v49 =	vshll.u32 v22, $0x18;
	v22 =	vadd.s32 v46, v22;
	v55 =	vxor.u32 v27, v31  }
0x143: {  	v26 =	vxor.u32 v29, v26;
	v31 =	vshrl.u32 v55, $0x6;
	v56 =	vshll.u32 v55, $0x1A  }
0x144: {  	v29 =	vadd.s32 $0x1BD11BF0, v29;
	v27 =	vadd.s32 v27, v55;
	v57 =	vor.u32 v31, v56  }
0x145: {  	v51 =	vor.u32 v48, v49;
	v26 =	vadd.s32 $0x5, v26;
	v58 =	vxor.u32 v27, v57  }
0x146: {  	v54 =	vxor.u32 v22, v51;
	v30 =	vshrl.u32 v58, $0x1A;
	v59 =	vshll.u32 v58, $0x6  }
0x147: {  	v26 =	vxor.u32 v29, v26;
	v27 =	vadd.s32 v27, v58;
	v60 =	vor.u32 v30, v59  }
0x148: {  	v28 =	vadd.s32 $0x1BD11BF4, v54;
	v26 =	vshrl.u32 v26, $0x9;
	v29 =	vxor.u32 v27, v60  }
0x149: {  	v22 =	vadd.s32 v28, v22;
	v61 =	vshrl.u32 v28, $0x13;
	v29 =	vadd.s32 $0x2D, v29  }
0x14a: {  	v26 =	vnsel vm5, $0xFFFFFFFF, v26;
	v62 =	vshrl.u32 v29, $0xF;
	v63 =	vshll.u32 v29, $0x11  }
0x14b: {  	vm6 =	veq.s32 v26, v24;
	v27 =	vadd.s32 v27, v29;
	v36 =	vor.u32 v62, v63  }
0x14c: {  	vm5 =	vgt.s32 v26, v24;
	vm4 =	vmand vm10, vm6;
	v29 =	vxor.u32 v27, v36  }
0x14d: {  	vm4 =	vmor vm5, vm4;
	v38 =	vshrl.u32 v29, $0x3;
	v39 =	vshll.u32 v29, $0x1D  }
0x14e: {  	v37 =	vsel vm4, v21, v25;
	v27 =	vadd.s32 v27, v29;
	v25 =	vor.u32 v38, v39  }
0x14f: {  	v28 =	vshll.u32 v28, $0xD;
	v22 =	vadd.s32 $0x2A, v22;
	v25 =	vxor.u32 v27, v25  }
0x150: {  	v28 =	vor.u32 v61, v28;
	v42 =	vshrl.u32 v25, $0x10;
	v43 =	vshll.u32 v25, $0x10  }
0x151: {  	v41 =	vxor.u32 v22, v28;
	v25 =	vadd.s32 v27, v25;
	v45 =	vor.u32 v42, v43  }
0x152: {  	v28 =	vshrl.u32 v41, $0x11;
	v44 =	vshll.u32 v41, $0xF;
	v46 =	vxor.u32 v25, v45  }
0x153: {  	v22 =	vadd.s32 v22, v41;
	v48 =	vshrl.u32 v46, $0x8;
	v49 =	vshll.u32 v46, $0x18  }
0x154: {  	v47 =	vor.u32 v28, v44;
	v25 =	vadd.s32 v25, v46;
	v50 =	vor.u32 v48, v49  }
0x155: {  	v40 =	vsel vm4, v26, v24;
	v27 =	vxor.u32 v22, v47;
	v26 =	vxor.u32 v25, v50  }
0x156: {  	vm2 =	vmmov vm2;
	v51 =	vshrl.u32 v27, $0x6;
	v26 =	vadd.s32 $0x1BD11BF4, v26  }
0x157: {  	v25 =	vadd.s32 v26, v25;
	v53 =	vshrl.u32 v26, $0x13;
	v26 =	vshll.u32 v26, $0xD  }
0x158: {  	v52 =	vshll.u32 v27, $0x1A;
	v25 =	vadd.s32 $0x2A, v25;
	v26 =	vor.u32 v53, v26  }
0x159: {  	v22 =	vadd.s32 v22, v27;
	v28 =	vor.u32 v51, v52;
	v26 =	vxor.u32 v25, v26  }
0x15a: {  	v28 =	vxor.u32 v22, v28;
	v55 =	vshrl.u32 v26, $0x11;
	v56 =	vshll.u32 v26, $0xF  }
0x15b: {  	v54 =	vshrl.u32 v28, $0x1A;
	v25 =	vadd.s32 v25, v26;
	v57 =	vor.u32 v55, v56  }
0x15c: {  	v22 =	vadd.s32 v22, v28;
	v28 =	vshll.u32 v28, $0x6;
	v26 =	vxor.u32 v25, v57  }
0x15d: {  	v27 =	vor.u32 v54, v28;
	v58 =	vshrl.u32 v26, $0x6;
	v59 =	vshll.u32 v26, $0x1A  }
0x15e: {  	v27 =	vxor.u32 v22, v27;
	v25 =	vadd.s32 v25, v26;
	v28 =	vor.u32 v58, v59  }
0x15f: {  	v22 =	vadd.s32 $0x1BD11BF0, v22;
	v27 =	vadd.s32 $0x5, v27;
	v26 =	vxor.u32 v25, v28  }
0x160: {  	v22 =	vxor.u32 v22, v27;
	v60 =	vshrl.u32 v26, $0x1A;
	v28 =	vshll.u32 v26, $0x6  }
0x161: {  	v22 =	vshrl.u32 v22, $0x9;
	v25 =	vadd.s32 v25, v26;
	v61 =	vor.u32 v60, v28  }
0x162: {  	v22 =	vnsel vm3, $0xFFFFFFFF, v22;
	vm3 =	vlt.s32 v19, v37;
	v26 =	vxor.u32 v25, v61  }
0x163: {  	vm13 =	veq.s32 v22, v40;
	v25 =	vadd.s32 $0x1BD11BF0, v25;
	v26 =	vadd.s32 $0x5, v26  }
0x164: {  	vm12 =	vgt.s32 v22, v40;
	vm3 =	vmand vm3, vm13;
	v62 =	vxor.u32 v25, v26  }
0x165: {  	vm2 =	vmand vm14, vm2;
	vm3 =	vmor vm12, vm3;
	v20 =	vshrl.u32 v62, $0x9  }
0x166: {  	v19 =	vsel vm3, v19, v37;
	v63 =	vsel vm3, v22, v40;
	v20 =	vnsel vm2, $0xFFFFFFFF, v20  }
0x167: {  	vm2 =	vlt.s32 v23, v19;
	vm3 =	veq.s32 v20, v63  }
0x168: {  	vm15 =	vgt.s32 v20, v63;
	vm2 =	vmand vm2, vm3  }
0x169: {  	vm2 =	vmor vm15, vm2  }
0x16a: {  	v20 =	vsel vm2, v20, v63  }
0x16b: {  	v21 =	vxor.u32 $0x80000000, v20  }
0x16c: {  	(xrf0) =	vmax.scan.msk.u32 $0xffff, v21;
	_ =	sdelay $0x5  }
0x16d: {  	v21, _, _ =	vpop (xrf0)  }
0x16e: {  	(v2sf) =	vpush v21, $0xF;
	_ =	sdelay $0xe  }
0x16f: {  	s0 =	spop (v2sf)  }
0x170: {  	v19 =	vsel vm2, v23, v19;
	s1 =	sxor.u32 $0x80000000, s0  }
0x171: {  	v19 =	vxor.u32 $0x80000000, v19;
	vm2 =	veq.s32 v20, s1  }
0x172: {  	v19 =	vnsel vm2, $0x80001000, v19  }
0x173: {  	(xrf0) =	vmin.scan.msk.u32 $0xffff, v19;
	_ =	sdelay $0x5  }
0x174: {  	v19, _, _ =	vpop (xrf0)  }
0x175: {  	(v2sf) =	vpush v19, $0xF;
	_ =	sdelay $0xe  }
0x176: {  	s31 =	spop (v2sf)  }
0x177: {  	v18 =	vbroadcast v18, $0x0;
	s26 =	sadd.s32 $0x1, s26;
	p0 =	slt.s32 s0, $0x0;
	s1 =	sxor.u32 $0x80000000, s31  }
0x178: {  	s1 =	simm.s32 @!p0 $0x40000000;
	p0 =	sne.s32 s26, s24  }
.Ltmp7:
0x179: {  	_ = 	snop;
	(pc) =	sbr.rel @p0 .LBB2_8-.Ltmp7, $3  }
0x17a: {  	_ =	sdelay $0x1  }
0x17b: {  	v19 =	vmov s1  }
0x17c: {  	[tilespmem:v18+s16+$0x0] =	vst.idx.msk $0x1, v19  }
.LBB2_11:
0x17d: {  	v18 =	vmul.u32 $0x10, v0  }
0x17e: {  	s0 =	simm.s32 $0x0  }
0x17f: {  	[tilespmem:s17], [sflag:$0x2] =	stream.linear.gather [hbm4b:s6+s0], $0x800, $0x38;
	[tilespmem:$0xCA80] =	vst v63  }
0x180: {  	_ =	swait.ge [sflag:s15], $0x800  }
0x181: {  	[sflag:s15] =	ssyncset.done $0x0  }
0x182: {  	[sflag:s15] =	ssyncadd.s32 $0xFFFFF800  }
0x183: {  	v19 =	vld.idx.msk [tilespmem:v18+s17+$0x0], $0xffff;
	_ =	sdelay $0x4  }
0x184: {  	v19 =	vand.u32 $0xFFFF, v19;
	_ =	sdelay $0x3  }
0x185: {  	v20 =	vld [tilespmem:s13+$0x0]  }
0x186: {  	v21 =	vld.idx.msk [tilespmem:v19+s0+$0x0], $0xffff;
	_ =	sdelay $0x3  }
0x187: {  	v22 =	vor.u32 $0x100, v18  }
0x188: {  	vm2 =	veq.s32 v21, v20  }
0x189: {  	v19 =	vsel vm2, $0x40000000, v19  }
0x18a: {  	[tilespmem:$0x3880] =	vst v19;
	v19 =	vsel vm2, $0x1, v17  }
0x18b: {  	[tilespmem:s11+$0x0] =	vst.msk vm2, v0;
	(xrf0) =	vadd.scan.msk.s32 $0xffff, v19  }
0x18c: {  	v19 =	vld.idx.msk [tilespmem:v22+s17+$0x0], $0xffff;
	_ =	sdelay $0x4  }
0x18d: {  	v45, _, _ =	vpop (xrf0);
	v19 =	vand.u32 $0xFFFF, v19  }
0x18e: {  	(v2sf) =	vpush v45, $0xF;
	_ =	sdelay $0x2  }
0x18f: {  	v46 =	vld [tilespmem:s13+$0x10]  }
0x190: {  	v47 =	vld.idx.msk [tilespmem:v19+s0+$0x0], $0xffff;
	_ =	sdelay $0x4  }
0x191: {  	vm2 =	veq.s32 v47, v46  }
0x192: {  	v20 =	vsel vm2, $0x1, v17  }
0x193: {  	(xrf0) =	vadd.scan.msk.s32 $0xffff, v20  }
0x194: {  	v48 =	vor.u32 $0x200, v18;
	_ =	sdelay $0x1  }
0x195: {  	v19 =	vsel vm2, $0x40000000, v19  }
0x196: {  	[tilespmem:$0x3890] =	vst v19;
	s1 =	spop (v2sf)  }
0x197: {  	[tilespmem:s1+$0xC980] =	vst.msk vm2, v2  }
0x198: {  	v19, _, _ =	vpop (xrf0);
	v20 =	vld.idx.msk [tilespmem:v48+s17+$0x0], $0xffff  }
0x199: {  	(v2sf) =	vpush v19, $0xF;
	_ =	sdelay $0x3  }
0x19a: {  	v19 =	vand.u32 $0xFFFF, v20;
	_ =	sdelay $0x3  }
0x19b: {  	v49 =	vld [tilespmem:s13+$0x20]  }
0x19c: {  	v50 =	vld.idx.msk [tilespmem:v19+s0+$0x0], $0xffff;
	_ =	sdelay $0x3  }
0x19d: {  	v51 =	vor.u32 $0x300, v18  }
0x19e: {  	vm2 =	veq.s32 v50, v49  }
0x19f: {  	s3 =	spop (v2sf);
	v19 =	vsel vm2, $0x40000000, v19;
	v20 =	vsel vm2, $0x1, v17  }
0x1a0: {  	s1 =	sadd.s32 s1, s3;
	[tilespmem:$0x38A0] =	vst v19;
	(xrf0) =	vadd.scan.msk.s32 $0xffff, v20  }
0x1a1: {  	[tilespmem:s1+$0xC980] =	vst.msk vm2, v11  }
0x1a2: {  	v19 =	vld.idx.msk [tilespmem:v51+s17+$0x0], $0xffff;
	_ =	sdelay $0x3  }
0x1a3: {  	v20, _, _ =	vpop (xrf0)  }
0x1a4: {  	(v2sf) =	vpush v20, $0xF;
	v19 =	vand.u32 $0xFFFF, v19;
	_ =	sdelay $0x3  }
0x1a5: {  	v52 =	vld [tilespmem:s13+$0x30]  }
0x1a6: {  	v53 =	vld.idx.msk [tilespmem:v19+s0+$0x0], $0xffff;
	_ =	sdelay $0x4  }
0x1a7: {  	vm2 =	veq.s32 v53, v52  }
0x1a8: {  	v20 =	vsel vm2, $0x1, v17  }
0x1a9: {  	(xrf0) =	vadd.scan.msk.s32 $0xffff, v20  }
0x1aa: {  	v54 =	vor.u32 $0x400, v18;
	_ =	sdelay $0x1  }
0x1ab: {  	v19 =	vsel vm2, $0x40000000, v19;
	s25 =	spop (v2sf)  }
0x1ac: {  	[tilespmem:$0x38B0] =	vst v19;
	s1 =	sadd.s32 s1, s25  }
0x1ad: {  	[tilespmem:s1+$0xC980] =	vst.msk vm2, v3  }
0x1ae: {  	v19, _, _ =	vpop (xrf0);
	v20 =	vld.idx.msk [tilespmem:v54+s17+$0x0], $0xffff  }
0x1af: {  	(v2sf) =	vpush v19, $0xF;
	_ =	sdelay $0x3  }
0x1b0: {  	v19 =	vand.u32 $0xFFFF, v20;
	_ =	sdelay $0x3  }
0x1b1: {  	v55 =	vld [tilespmem:s13+$0x40]  }
0x1b2: {  	v56 =	vld.idx.msk [tilespmem:v19+s0+$0x0], $0xffff;
	_ =	sdelay $0x3  }
0x1b3: {  	v57 =	vor.u32 $0x500, v18  }
0x1b4: {  	vm2 =	veq.s32 v56, v55  }
0x1b5: {  	s26 =	spop (v2sf);
	v19 =	vsel vm2, $0x40000000, v19;
	v20 =	vsel vm2, $0x1, v17  }
0x1b6: {  	[tilespmem:$0x38C0] =	vst v19;
	s1 =	sadd.s32 s1, s26;
	(xrf0) =	vadd.scan.msk.s32 $0xffff, v20  }
0x1b7: {  	[tilespmem:s1+$0xC980] =	vst.msk vm2, v4  }
0x1b8: {  	v19 =	vld.idx.msk [tilespmem:v57+s17+$0x0], $0xffff;
	_ =	sdelay $0x3  }
0x1b9: {  	v20, _, _ =	vpop (xrf0)  }
0x1ba: {  	(v2sf) =	vpush v20, $0xF;
	v19 =	vand.u32 $0xFFFF, v19;
	_ =	sdelay $0x3  }
0x1bb: {  	v58 =	vld [tilespmem:s13+$0x50]  }
0x1bc: {  	v59 =	vld.idx.msk [tilespmem:v19+s0+$0x0], $0xffff;
	_ =	sdelay $0x4  }
0x1bd: {  	vm2 =	veq.s32 v59, v58  }
0x1be: {  	v20 =	vsel vm2, $0x1, v17  }
0x1bf: {  	(xrf0) =	vadd.scan.msk.s32 $0xffff, v20  }
0x1c0: {  	v60 =	vor.u32 $0x600, v18;
	_ =	sdelay $0x1  }
0x1c1: {  	v19 =	vsel vm2, $0x40000000, v19;
	s28 =	spop (v2sf)  }
0x1c2: {  	[tilespmem:$0x38D0] =	vst v19;
	s1 =	sadd.s32 s1, s28  }
0x1c3: {  	[tilespmem:s1+$0xC980] =	vst.msk vm2, v5  }
0x1c4: {  	v19, _, _ =	vpop (xrf0);
	v20 =	vld.idx.msk [tilespmem:v60+s17+$0x0], $0xffff  }
0x1c5: {  	(v2sf) =	vpush v19, $0xF;
	_ =	sdelay $0x3  }
0x1c6: {  	v19 =	vand.u32 $0xFFFF, v20;
	_ =	sdelay $0x3  }
0x1c7: {  	v61 =	vld [tilespmem:s13+$0x60]  }
0x1c8: {  	v62 =	vld.idx.msk [tilespmem:v19+s0+$0x0], $0xffff;
	_ =	sdelay $0x3  }
0x1c9: {  	v18 =	vor.u32 $0x700, v18  }
0x1ca: {  	vm2 =	veq.s32 v62, v61  }
0x1cb: {  	s29 =	spop (v2sf);
	v19 =	vsel vm2, $0x40000000, v19  }
0x1cc: {  	s1 =	sadd.s32 s1, s29;
	[tilespmem:$0x38E0] =	vst v19  }
0x1cd: {  	[tilespmem:s1+$0xC980] =	vst.msk vm2, v6  }
0x1ce: {  	v18 =	vld.idx.msk [tilespmem:v18+s17+$0x0], $0xffff;
	_ =	sdelay $0x4  }
0x1cf: {  	v18 =	vand.u32 $0xFFFF, v18;
	_ =	sdelay $0x3  }
0x1d0: {  	v19 =	vld [tilespmem:s13+$0x70]  }
0x1d1: {  	v63 =	vld.idx.msk [tilespmem:v18+s0+$0x0], $0xffff;
	_ =	sdelay $0x4  }
0x1d2: {  	v21 =	vsel vm2, $0x1, v17;
	vm2 =	veq.s32 v63, v19  }
0x1d3: {  	(xrf0) =	vadd.scan.msk.s32 $0xffff, v21;
	v19 =	vsel vm2, $0x1, v17  }
0x1d4: {  	(xrf0) =	vadd.scan.msk.s32 $0xffff, v19;
	_ =	sdelay $0x4  }
0x1d5: {  	v19, _, _ =	vpop (xrf0)  }
0x1d6: {  	(v2sf) =	vpush v19, $0xF;
	v19, _, _ =	vpop (xrf0)  }
0x1d7: {  	(v2sf) =	vpush v19, $0xF;
	_ =	sdelay $0xb  }
.Ltmp8:
0x1d8: {  	_ = 	snop;
	(pc) =	sbr.rel .LBB2_12-.Ltmp8, $4  }
0x1d9: {  	_ = 	snop  }
0x1da: {  	v18 =	vsel vm2, $0x40000000, v18;
	s30 =	spop (v2sf)  }
0x1db: {  	[tilespmem:$0x38F0] =	vst v18;
	s1 =	sadd.s32 s1, s30;
	s31 =	spop (v2sf)  }
0x1dc: {  	p1 =	por $0x1, $0x1;
	[tilespmem:s1+$0xC980] =	vst.msk vm2, v14;
	s24 =	sadd.s32 s1, s31  }
.LBB2_16:
.Ltmp9:
0x1dd: {  	(pc) =	sbr.rel @!p0 .LBB2_17-.Ltmp9, $2  }
0x1de: {  	_ =	sdelay $0x2  }
0x1df: {  	s0 =	simm.s32 $0x1;
	p1 =	por $0x0, $0x0  }
.LBB2_12:
0x1e0: {  	p2 =	slt.s32 s24, $0x1  }
.Ltmp10:
0x1e1: {  	_ = 	snop;
	(pc) =	sbr.rel @p2 .LBB2_16-.Ltmp10, $2  }
0x1e2: {  	_ =	sdelay $0x2  }
0x1e3: {  	p0 =	por p1, p1  }
0x1e4: {  	s1 =	sshll.u32 s0, $0xD  }
0x1e5: {  	s3 =	sadd.s32 s1, s6;
	s1 =	simm.s32 $0x0  }
0x1e6: {  	[tilespmem:s17], [sflag:$0x2] =	stream.linear.gather [hbm4b:s3+s1], $0x800, $0x38;
	[tilespmem:$0xCA80] =	vst v63  }
0x1e7: {  	_ =	swait.ge [sflag:s15], $0x800  }
0x1e8: {  	[sflag:s15] =	ssyncset.done $0x0  }
0x1e9: {  	s0 =	sshll.u32 s0, $0x11;
	[sflag:s15] =	ssyncadd.s32 $0xFFFFF800  }
.LBB2_14:
0x1ea: {  	v18 =	vmov s1;
	_ =	sdelay $0x4  }
0x1eb: {  	v18 =	vld.idx.msk [tilespmem:v18+s11+$0x0], $0xffff;
	_ =	sdelay $0x4  }
0x1ec: {  	(v2sf) =	vpush v18, $0x0;
	_ =	sdelay $0xe  }
0x1ed: {  	s3 =	spop (v2sf)  }
0x1ee: {  	s7 =	sshll.u32 s3, $0x4  }
0x1ef: {  	v19 =	vld [tilespmem:s7+$0x3000];
	_ =	sdelay $0x2  }
0x1f0: {  	s3 =	sadd.s32 s5, s3  }
0x1f1: {  	v20 =	vmov s3  }
0x1f2: {  	v21 =	vshrl.u32 v19, $0x10  }
0x1f3: {  	v19 =	vand.u32 $0xFFFF, v19;
	_ =	sdelay $0x2  }
0x1f4: {  	v20 =	vld.idx.msk [tilespmem:v20+s4+$0x0], $0xffff  }
0x1f5: {  	v21 =	vld.idx.msk [tilespmem:v21+s4+$0x0], $0xffff  }
0x1f6: {  	v19 =	vld.idx.msk [tilespmem:v19+s4+$0x0], $0xffff;
	_ =	sdelay $0x3  }
0x1f7: {  	vm2 =	veq.s32 v21, v20  }
0x1f8: {  	vm3 =	veq.s32 v19, v20;
	v19 =	vsel vm2, $0xC0000000, v15  }
0x1f9: {  	v19 =	vsel vm3, v19, v16  }
0x1fa: {  	(xrf0) =	vmin.scan.msk.u32 $0xffff, v19;
	_ =	sdelay $0x5  }
0x1fb: {  	v19, _, _ =	vpop (xrf0)  }
0x1fc: {  	(v2sf) =	vpush v19, $0xF;
	_ =	sdelay $0xe  }
0x1fd: {  	s29 =	spop (v2sf)  }
0x1fe: {  	s8 =	sxor.u32 $0x80000000, s29  }
0x1ff: {  	p1 =	slt.s32 s8, $0x1F;
	s9 =	smov.u32 s8  }
0x200: {  	s9 =	simm.s32 @!p1 $0x1F  }
0x201: {  	s19 =	sshra.s32 s9, $0x1  }
0x202: {  	s7 =	sadd.s32 s7, s19  }
0x203: {  	v19 =	vmov s7;
	_ =	sdelay $0x4  }
0x204: {  	v19 =	vld.idx.msk [tilespmem:v19+s17+$0x0], $0xffff;
	_ =	sdelay $0x4  }
0x205: {  	(v2sf) =	vpush v19, $0x0;
	_ =	sdelay $0xe  }
0x206: {  	s3 =	sshll.u32 s29, $0xC;
	s30 =	sand.u32 $0x1, s9;
	s31 =	spop (v2sf)  }
0x207: {  	p1 =	seq.s32 s30, $0x1;
	s7 =	sshrl.u32 s31, $0x10;
	s9 =	sand.u32 $0xFFFF, s31  }
0x208: {  	s3 =	sadd.s32 s0, s3;
	s9 =	smov.u32 @p1 s7  }
0x209: {  	s1 =	sadd.s32 $0x1, s1;
	v18 =	vbroadcast v18, $0x0;
	p1 =	slt.s32 s8, $0x40000000;
	s3 =	sor.u32 s3, s9  }
0x20a: {  	s3 =	simm.s32 @!p1 $0x40000000;
	p1 =	sne.s32 s24, s1  }
.Ltmp11:
0x20b: {  	_ = 	snop;
	(pc) =	sbr.rel @p1 .LBB2_14-.Ltmp11, $3  }
0x20c: {  	_ =	sdelay $0x1  }
0x20d: {  	v19 =	vmov s3  }
0x20e: {  	[tilespmem:v18+s18+$0x0] =	vst.idx.msk $0x1, v19  }
0x20f: {  	v18 =	vld [tilespmem:$0x3880];
	_ =	sdelay $0x4  }
0x210: {  	vm2 =	vgt.s32 v18, $0x3FFFFFFF  }
0x211: {  	[tilespmem:s11+$0x0] =	vst.msk vm2, v0  }
0x212: {  	v18 =	vsel vm2, $0x1, v17;
	v19 =	vld [tilespmem:$0x3890]  }
0x213: {  	(xrf0) =	vadd.scan.msk.s32 $0xffff, v18;
	_ =	sdelay $0x3  }
0x214: {  	vm2 =	vgt.s32 v19, $0x3FFFFFFF  }
0x215: {  	v18 =	vsel vm2, $0x1, v17  }
0x216: {  	v19, _, _ =	vpop (xrf0);
	(xrf0) =	vadd.scan.msk.s32 $0xffff, v18  }
0x217: {  	(v2sf) =	vpush v19, $0xF;
	_ =	sdelay $0x4  }
0x218: {  	v18, _, _ =	vpop (xrf0)  }
0x219: {  	(v2sf) =	vpush v18, $0xF;
	_ =	sdelay $0x8  }
0x21a: {  	s0 =	spop (v2sf)  }
0x21b: {  	[tilespmem:s0+$0xC980] =	vst.msk vm2, v2  }
0x21c: {  	v18 =	vld [tilespmem:$0x38A0];
	_ =	sdelay $0x3  }
0x21d: {  	s1 =	spop (v2sf)  }
0x21e: {  	vm2 =	vgt.s32 v18, $0x3FFFFFFF;
	s0 =	sadd.s32 s0, s1  }
0x21f: {  	v18 =	vsel vm2, $0x1, v17;
	[tilespmem:s0+$0xC980] =	vst.msk vm2, v11  }
0x220: {  	(xrf0) =	vadd.scan.msk.s32 $0xffff, v18;
	v18 =	vld [tilespmem:$0x38B0];
	_ =	sdelay $0x4  }
0x221: {  	vm2 =	vgt.s32 v18, $0x3FFFFFFF  }
0x222: {  	v18, _, _ =	vpop (xrf0);
	v19 =	vsel vm2, $0x1, v17  }
0x223: {  	(v2sf) =	vpush v18, $0xF;
	(xrf0) =	vadd.scan.msk.s32 $0xffff, v19;
	_ =	sdelay $0x5  }
0x224: {  	v18, _, _ =	vpop (xrf0)  }
0x225: {  	(v2sf) =	vpush v18, $0xF;
	_ =	sdelay $0x7  }
0x226: {  	s25 =	spop (v2sf)  }
0x227: {  	s0 =	sadd.s32 s0, s25  }
0x228: {  	[tilespmem:s0+$0xC980] =	vst.msk vm2, v3  }
0x229: {  	v18 =	vld [tilespmem:$0x38C0];
	_ =	sdelay $0x3  }
0x22a: {  	s26 =	spop (v2sf)  }
0x22b: {  	vm2 =	vgt.s32 v18, $0x3FFFFFFF;
	s0 =	sadd.s32 s0, s26  }
0x22c: {  	v18 =	vsel vm2, $0x1, v17;
	[tilespmem:s0+$0xC980] =	vst.msk vm2, v4  }
0x22d: {  	(xrf0) =	vadd.scan.msk.s32 $0xffff, v18;
	v18 =	vld [tilespmem:$0x38D0];
	_ =	sdelay $0x4  }
0x22e: {  	vm2 =	vgt.s32 v18, $0x3FFFFFFF  }
0x22f: {  	v18, _, _ =	vpop (xrf0);
	v19 =	vsel vm2, $0x1, v17  }
0x230: {  	(v2sf) =	vpush v18, $0xF;
	(xrf0) =	vadd.scan.msk.s32 $0xffff, v19;
	_ =	sdelay $0x5  }
0x231: {  	v18, _, _ =	vpop (xrf0)  }
0x232: {  	(v2sf) =	vpush v18, $0xF;
	_ =	sdelay $0x7  }
0x233: {  	s28 =	spop (v2sf)  }
0x234: {  	s0 =	sadd.s32 s0, s28  }
0x235: {  	[tilespmem:s0+$0xC980] =	vst.msk vm2, v5  }
0x236: {  	v18 =	vld [tilespmem:$0x38E0];
	_ =	sdelay $0x3  }
0x237: {  	s29 =	spop (v2sf)  }
0x238: {  	vm2 =	vgt.s32 v18, $0x3FFFFFFF;
	s0 =	sadd.s32 s0, s29  }
0x239: {  	[tilespmem:s0+$0xC980] =	vst.msk vm2, v6  }
0x23a: {  	v18 =	vld [tilespmem:$0x38F0];
	_ =	sdelay $0x4  }
0x23b: {  	v19 =	vsel vm2, $0x1, v17;
	vm2 =	vgt.s32 v18, $0x3FFFFFFF  }
0x23c: {  	(xrf0) =	vadd.scan.msk.s32 $0xffff, v19;
	v18 =	vsel vm2, $0x1, v17  }
0x23d: {  	(xrf0) =	vadd.scan.msk.s32 $0xffff, v18;
	_ =	sdelay $0x4  }
0x23e: {  	v18, _, _ =	vpop (xrf0)  }
0x23f: {  	(v2sf) =	vpush v18, $0xF;
	v18, _, _ =	vpop (xrf0)  }
0x240: {  	(v2sf) =	vpush v18, $0xF;
	_ =	sdelay $0xb  }
.Ltmp12:
0x241: {  	_ = 	snop;
	(pc) =	sbr.rel .LBB2_16-.Ltmp12, $4  }
0x242: {  	_ = 	snop  }
0x243: {  	s30 =	spop (v2sf)  }
0x244: {  	s0 =	sadd.s32 s0, s30;
	s31 =	spop (v2sf)  }
0x245: {  	[tilespmem:s0+$0xC980] =	vst.msk vm2, v14;
	s24 =	sadd.s32 s0, s31  }
.LBB2_17:
0x246: {  	p0 =	sgt.s32 s24, $0x0  }
.Ltmp13:
0x247: {  	_ = 	snop;
	(pc) =	sbr.rel @!p0 .LBB2_21-.Ltmp13, $2  }
0x248: {  	_ =	sdelay $0x2  }
0x249: {  	s25 =	simm.s32 $0x0;
	s26 =	simm.s32 $0x0  }
.LBB2_18:
0x24a: {  	v18 =	vmov s26;
	_ =	sdelay $0x4  }
0x24b: {  	v18 =	vld.idx.msk [tilespmem:v18+s11+$0x0], $0xffff;
	_ =	sdelay $0x4  }
0x24c: {  	(v2sf) =	vpush v18, $0x0;
	_ =	sdelay $0xe  }
0x24d: {  	s0 =	spop (v2sf)  }
0x24e: {  	s0 =	sadd.s32 s5, s0  }
0x24f: {  	s1 =	sshll.u32 s0, $0xC  }
0x250: {  	s1 =	sor.u32 $0x2B, s1  }
0x251: {  	v19 =	vor.u32 s25, v0;
	v24 =	vmov s1  }
0x252: {  	v20 =	vadd.s32 v24, v19  }
0x253: {  	v21 =	vshrl.u32 v20, $0x13;
	v22 =	vshll.u32 v20, $0xD  }
0x254: {  	v21 =	vor.u32 v21, v22  }
0x255: {  	v21 =	vxor.u32 v20, v21  }
0x256: {  	v22 =	vshrl.u32 v21, $0x11;
	v23 =	vshll.u32 v21, $0xF  }
0x257: {  	v20 =	vadd.s32 v20, v21;
	v21 =	vor.u32 v22, v23  }
0x258: {  	v21 =	vxor.u32 v20, v21  }
0x259: {  	v22 =	vshrl.u32 v21, $0x6;
	v23 =	vshll.u32 v21, $0x1A  }
0x25a: {  	v20 =	vadd.s32 v20, v21;
	v21 =	vor.u32 v22, v23  }
0x25b: {  	v21 =	vxor.u32 v20, v21  }
0x25c: {  	v22 =	vshrl.u32 v21, $0x1A;
	v23 =	vshll.u32 v21, $0x6  }
0x25d: {  	v20 =	vadd.s32 v20, v21;
	v21 =	vor.u32 v22, v23  }
0x25e: {  	v21 =	vxor.u32 v20, v21  }
0x25f: {  	v21 =	vadd.s32 $0x1BD11BF2, v21  }
0x260: {  	v20 =	vadd.s32 v21, v20;
	v22 =	vshrl.u32 v21, $0xF;
	v21 =	vshll.u32 v21, $0x11  }
0x261: {  	v20 =	vadd.s32 $0x2B, v20;
	v21 =	vor.u32 v22, v21  }
0x262: {  	v21 =	vxor.u32 v20, v21  }
0x263: {  	v22 =	vshrl.u32 v21, $0x3;
	v23 =	vshll.u32 v21, $0x1D  }
0x264: {  	v20 =	vadd.s32 v20, v21;
	v21 =	vor.u32 v22, v23  }
0x265: {  	v21 =	vxor.u32 v20, v21  }
0x266: {  	v22 =	vshrl.u32 v21, $0x10;
	v23 =	vshll.u32 v21, $0x10  }
0x267: {  	v20 =	vadd.s32 v20, v21;
	v21 =	vor.u32 v22, v23  }
0x268: {  	v21 =	vxor.u32 v20, v21  }
0x269: {  	v22 =	vshrl.u32 v21, $0x8;
	v23 =	vshll.u32 v21, $0x18  }
0x26a: {  	v20 =	vadd.s32 v20, v21;
	v21 =	vor.u32 v22, v23  }
0x26b: {  	v21 =	vxor.u32 v20, v21  }
0x26c: {  	v21 =	vadd.s32 $0x2, v21  }
0x26d: {  	s31 =	simm.s32 $0x10;
	v22 =	vadd.s32 v21, v20;
	v23 =	vshrl.u32 v21, $0x13;
	v21 =	vshll.u32 v21, $0xD  }
0x26e: {  	v20 =	vor.u32 s31, v0;
	v22 =	vadd.s32 $0x1BD11BF1, v22;
	v21 =	vor.u32 v23, v21  }
0x26f: {  	v23 =	vmov s0;
	v25 =	vadd.s32 v24, v20;
	v21 =	vxor.u32 v22, v21  }
0x270: {  	v26 =	vshrl.u32 v25, $0x13;
	v27 =	vshrl.u32 v21, $0x11;
	v28 =	vshll.u32 v21, $0xF  }
0x271: {  	v29 =	vshll.u32 v25, $0xD;
	v22 =	vadd.s32 v22, v21;
	v27 =	vor.u32 v27, v28  }
0x272: {  	v21 =	vimm.s32 $0xFFFFFFFF;
	v26 =	vor.u32 v26, v29;
	v27 =	vxor.u32 v22, v27  }
0x273: {  	v26 =	vxor.u32 v25, v26;
	v28 =	vshrl.u32 v27, $0x6;
	v29 =	vshll.u32 v27, $0x1A  }
0x274: {  	v30 =	vadd.s32 v25, v26;
	v22 =	vadd.s32 v22, v27;
	v25 =	vor.u32 v28, v29  }
0x275: {  	v27 =	vshrl.u32 v26, $0x11;
	v26 =	vshll.u32 v26, $0xF;
	v25 =	vxor.u32 v22, v25  }
0x276: {  	v26 =	vor.u32 v27, v26;
	v27 =	vshrl.u32 v25, $0x1A;
	v28 =	vshll.u32 v25, $0x6  }
0x277: {  	v26 =	vxor.u32 v30, v26;
	v25 =	vadd.s32 v22, v25;
	v27 =	vor.u32 v27, v28  }
0x278: {  	v22 =	vimm.s32 $0x1000;
	v29 =	vadd.s32 v30, v26;
	v27 =	vxor.u32 v25, v27  }
0x279: {  	v30 =	vshll.u32 v26, $0x1A;
	v28 =	vshrl.u32 v26, $0x6;
	v26 =	vadd.s32 $0x2E, v27  }
0x27a: {  	s28 =	simm.s32 $0x20;
	v23 =	vld.idx.msk [tilespmem:v23+s25+$0x0], $0xffff;
	v30 =	vor.u32 v28, v30;
	v27 =	vshrl.u32 v26, $0xF;
	v28 =	vshll.u32 v26, $0x11  }
.LBB2_19:
0x27b: {  	p0 =	sne.s32 s28, $0xFF0;
	v30 =	vxor.u32 v29, v30;
	v25 =	vadd.s32 v25, v26;
	v26 =	vor.u32 v27, v28  }
0x27c: {  	v27 =	vadd.s32 v29, v30;
	v28 =	vshrl.u32 v30, $0x1A;
	v26 =	vxor.u32 v25, v26  }
0x27d: {  	v29 =	vshll.u32 v30, $0x6;
	v30 =	vshrl.u32 v26, $0x3;
	v31 =	vshll.u32 v26, $0x1D  }
0x27e: {  	v28 =	vor.u32 v28, v29;
	v25 =	vadd.s32 v25, v26;
	v26 =	vor.u32 v30, v31  }
0x27f: {  	v29 =	vor.u32 s28, v0;
	v28 =	vxor.u32 v27, v28;
	v26 =	vxor.u32 v25, v26  }
0x280: {  	v28 =	vadd.s32 $0x1BD11BF2, v28;
	v30 =	vshrl.u32 v26, $0x10;
	v31 =	vshll.u32 v26, $0x10  }
0x281: {  	v27 =	vadd.s32 v28, v27;
	v25 =	vadd.s32 v25, v26;
	v26 =	vor.u32 v30, v31  }
0x282: {  	v30 =	vshrl.u32 v28, $0xF;
	v28 =	vshll.u32 v28, $0x11;
	v26 =	vxor.u32 v25, v26  }
0x283: {  	v27 =	vadd.s32 $0x2B, v27;
	v31 =	vshrl.u32 v26, $0x8;
	v32 =	vshll.u32 v26, $0x18  }
0x284: {  	v28 =	vor.u32 v30, v28;
	v25 =	vadd.s32 v25, v26;
	v26 =	vor.u32 v31, v32  }
0x285: {  	v30 =	vadd.s32 v24, v29;
	v28 =	vxor.u32 v27, v28;
	v26 =	vxor.u32 v25, v26  }
0x286: {  	v31 =	vshrl.u32 v30, $0x13;
	v32 =	vshrl.u32 v28, $0x3;
	v26 =	vadd.s32 $0x1BD11BF5, v26  }
0x287: {  	v25 =	vadd.s32 v26, v25;
	v33 =	vshrl.u32 v26, $0x13;
	v26 =	vshll.u32 v26, $0xD  }
0x288: {  	v34 =	vshll.u32 v28, $0x1D;
	v25 =	vadd.s32 $0x2B, v25;
	v26 =	vor.u32 v33, v26  }
0x289: {  	v27 =	vadd.s32 v27, v28;
	v28 =	vor.u32 v32, v34;
	v26 =	vxor.u32 v25, v26  }
0x28a: {  	v28 =	vxor.u32 v27, v28;
	v32 =	vshrl.u32 v26, $0x11;
	v33 =	vshll.u32 v26, $0xF  }
0x28b: {  	v27 =	vadd.s32 v27, v28;
	v25 =	vadd.s32 v25, v26;
	v26 =	vor.u32 v32, v33  }
0x28c: {  	v32 =	vshrl.u32 v28, $0x10;
	v28 =	vshll.u32 v28, $0x10;
	v26 =	vxor.u32 v25, v26  }
0x28d: {  	v28 =	vor.u32 v32, v28;
	v32 =	vshrl.u32 v26, $0x6;
	v33 =	vshll.u32 v26, $0x1A  }
0x28e: {  	v28 =	vxor.u32 v27, v28;
	v25 =	vadd.s32 v25, v26;
	v34 =	vld.idx.msk [tilespmem:v19+s4+$0x0], $0xffff;
	v26 =	vor.u32 v32, v33  }
0x28f: {  	v27 =	vadd.s32 v27, v28;
	v32 =	vshrl.u32 v28, $0x8;
	v26 =	vxor.u32 v25, v26  }
0x290: {  	v28 =	vshll.u32 v28, $0x18;
	v33 =	vshrl.u32 v26, $0x1A;
	v35 =	vshll.u32 v26, $0x6  }
0x291: {  	v28 =	vor.u32 v32, v28;
	v25 =	vadd.s32 v25, v26;
	v26 =	vor.u32 v33, v35  }
0x292: {  	v32 =	vshll.u32 v30, $0xD;
	v28 =	vxor.u32 v27, v28;
	v26 =	vxor.u32 v25, v26  }
0x293: {  	v28 =	vadd.s32 $0x2, v28;
	v25 =	vadd.s32 $0x1BD11BF1, v25;
	v26 =	vadd.s32 $0x5, v26  }
0x294: {  	v27 =	vadd.s32 v28, v27;
	vm2 =	veq.s32 v34, v23;
	v25 =	vxor.u32 v25, v26  }
0x295: {  	v26 =	vshrl.u32 v28, $0x13;
	v28 =	vshll.u32 v28, $0xD;
	v25 =	vshrl.u32 v25, $0x9  }
0x296: {  	v27 =	vadd.s32 $0x1BD11BF1, v27;
	v26 =	vor.u32 v26, v28;
	v25 =	vsel vm2, $0xFFFFFFFF, v25  }
0x297: {  	vm3 =	vlt.s32 v19, v22;
	v26 =	vxor.u32 v27, v26;
	vm2 =	veq.s32 v25, v21  }
0x298: {  	v27 =	vadd.s32 v27, v26;
	vm4 =	vgt.s32 v25, v21;
	vm2 =	vmand vm3, vm2  }
0x299: {  	v28 =	vshrl.u32 v26, $0x11;
	v26 =	vshll.u32 v26, $0xF;
	vm2 =	vmor vm4, vm2  }
0x29a: {  	v26 =	vor.u32 v28, v26;
	v21 =	vsel vm2, v25, v21;
	v22 =	vsel vm2, v19, v22;
	v19 =	vmovc v20  }
0x29b: {  	v26 =	vxor.u32 v27, v26;
	v25 =	vor.u32 v31, v32;
	v20 =	vmov v29  }
0x29c: {  	v28 =	vshrl.u32 v26, $0x6;
	v29 =	vshll.u32 v26, $0x1A;
	v25 =	vxor.u32 v30, v25  }
0x29d: {  	v26 =	vadd.s32 v27, v26;
	v27 =	vor.u32 v28, v29;
	v30 =	vadd.s32 v30, v25  }
0x29e: {  	v28 =	vshrl.u32 v25, $0x11;
	v25 =	vshll.u32 v25, $0xF;
	v27 =	vxor.u32 v26, v27  }
.Ltmp14:
0x29f: {  	v25 =	vor.u32 v28, v25;
	v28 =	vshrl.u32 v27, $0x1A;
	v29 =	vshll.u32 v27, $0x6;
	(pc) =	sbr.rel @p0 .LBB2_19-.Ltmp14, $4  }
0x2a0: {  	v31 =	vxor.u32 v30, v25;
	v25 =	vadd.s32 v26, v27;
	v26 =	vor.u32 v28, v29  }
0x2a1: {  	v29 =	vadd.s32 v30, v31;
	v26 =	vxor.u32 v25, v26  }
0x2a2: {  	v27 =	vshrl.u32 v31, $0x6;
	v28 =	vshll.u32 v31, $0x1A;
	v26 =	vadd.s32 $0x2E, v26  }
0x2a3: {  	s28 =	sadd.s32 $0x10, s28;
	v30 =	vor.u32 v27, v28;
	v27 =	vshrl.u32 v26, $0xF;
	v28 =	vshll.u32 v26, $0x11  }
0x2a4: {  	v24 =	vxor.u32 v29, v30  }
0x2a5: {  	v30 =	vshrl.u32 v24, $0x1A;
	v31 =	vshll.u32 v24, $0x6  }
0x2a6: {  	v24 =	vadd.s32 v29, v24;
	v60 =	vor.u32 v30, v31  }
0x2a7: {  	v29 =	vxor.u32 v24, v60  }
0x2a8: {  	v29 =	vadd.s32 $0x1BD11BF2, v29  }
0x2a9: {  	v24 =	vadd.s32 v29, v24;
	v61 =	vshrl.u32 v29, $0xF;
	v29 =	vshll.u32 v29, $0x11  }
0x2aa: {  	v24 =	vadd.s32 $0x2B, v24;
	v29 =	vor.u32 v61, v29  }
0x2ab: {  	v29 =	vxor.u32 v24, v29  }
0x2ac: {  	v62 =	vshrl.u32 v29, $0x3;
	v63 =	vshll.u32 v29, $0x1D  }
0x2ad: {  	v24 =	vadd.s32 v24, v29;
	v32 =	vor.u32 v62, v63  }
0x2ae: {  	v29 =	vxor.u32 v24, v32  }
0x2af: {  	v33 =	vshrl.u32 v29, $0x10;
	v34 =	vshll.u32 v29, $0x10  }
0x2b0: {  	v24 =	vadd.s32 v24, v29;
	v35 =	vor.u32 v33, v34  }
0x2b1: {  	v29 =	vxor.u32 v24, v35  }
0x2b2: {  	v36 =	vshrl.u32 v29, $0x8;
	v37 =	vshll.u32 v29, $0x18  }
0x2b3: {  	v24 =	vadd.s32 v24, v29;
	v38 =	vor.u32 v36, v37  }
0x2b4: {  	v29 =	vxor.u32 v24, v38  }
0x2b5: {  	v25 =	vadd.s32 v25, v26;
	v39 =	vadd.s32 $0x2, v29  }
0x2b6: {  	v24 =	vadd.s32 v39, v24;
	v29 =	vshrl.u32 v39, $0x13;
	v26 =	vshll.u32 v39, $0xD  }
0x2b7: {  	v27 =	vor.u32 v27, v28;
	v24 =	vadd.s32 $0x1BD11BF1, v24;
	v26 =	vor.u32 v29, v26  }
0x2b8: {  	v27 =	vxor.u32 v25, v27;
	v26 =	vxor.u32 v24, v26  }
0x2b9: {  	v40 =	vshrl.u32 v27, $0x3;
	v41 =	vshrl.u32 v26, $0x11;
	v42 =	vshll.u32 v26, $0xF  }
0x2ba: {  	v43 =	vshll.u32 v27, $0x1D;
	v24 =	vadd.s32 v24, v26;
	v44 =	vor.u32 v41, v42  }
0x2bb: {  	v25 =	vadd.s32 v25, v27;
	v45 =	vor.u32 v40, v43;
	v26 =	vxor.u32 v24, v44  }
0x2bc: {  	v27 =	vxor.u32 v25, v45;
	v46 =	vshrl.u32 v26, $0x6;
	v47 =	vshll.u32 v26, $0x1A  }
0x2bd: {  	v48 =	vshrl.u32 v27, $0x10;
	v24 =	vadd.s32 v24, v26;
	v49 =	vor.u32 v46, v47  }
0x2be: {  	v50 =	vshll.u32 v27, $0x10;
	v25 =	vadd.s32 v25, v27;
	v26 =	vxor.u32 v24, v49  }
0x2bf: {  	v51 =	vor.u32 v48, v50;
	v52 =	vshrl.u32 v26, $0x1A;
	v53 =	vshll.u32 v26, $0x6  }
0x2c0: {  	v27 =	vxor.u32 v25, v51;
	v24 =	vadd.s32 v24, v26;
	v54 =	vor.u32 v52, v53  }
0x2c1: {  	v55 =	vshrl.u32 v27, $0x8;
	v56 =	vshll.u32 v27, $0x18;
	v26 =	vxor.u32 v24, v54  }
0x2c2: {  	v25 =	vadd.s32 v25, v27;
	v57 =	vor.u32 v55, v56;
	v26 =	vadd.s32 $0x2E, v26  }
0x2c3: {  	v27 =	vxor.u32 v25, v57;
	v58 =	vshrl.u32 v26, $0xF;
	v59 =	vshll.u32 v26, $0x11  }
0x2c4: {  	v27 =	vadd.s32 $0x1BD11BF5, v27;
	v24 =	vadd.s32 v24, v26;
	v60 =	vor.u32 v58, v59  }
0x2c5: {  	v25 =	vadd.s32 v27, v25;
	v26 =	vxor.u32 v24, v60  }
0x2c6: {  	v61 =	vshrl.u32 v27, $0x13;
	v62 =	vshrl.u32 v26, $0x3;
	v63 =	vshll.u32 v26, $0x1D  }
0x2c7: {  	v27 =	vshll.u32 v27, $0xD;
	v24 =	vadd.s32 v24, v26;
	v33 =	vor.u32 v62, v63  }
0x2c8: {  	v25 =	vadd.s32 $0x2B, v25;
	v27 =	vor.u32 v61, v27;
	v26 =	vxor.u32 v24, v33  }
0x2c9: {  	v27 =	vxor.u32 v25, v27;
	v34 =	vshrl.u32 v26, $0x10;
	v35 =	vshll.u32 v26, $0x10  }
0x2ca: {  	v36 =	vshrl.u32 v27, $0x11;
	v24 =	vadd.s32 v24, v26;
	v37 =	vor.u32 v34, v35  }
0x2cb: {  	v25 =	vadd.s32 v25, v27;
	v38 =	vshll.u32 v27, $0xF;
	v26 =	vxor.u32 v24, v37  }
0x2cc: {  	v39 =	vor.u32 v36, v38;
	v40 =	vshrl.u32 v26, $0x8;
	v41 =	vshll.u32 v26, $0x18  }
0x2cd: {  	v27 =	vxor.u32 v25, v39;
	v24 =	vadd.s32 v24, v26;
	v42 =	vor.u32 v40, v41  }
0x2ce: {  	v43 =	vshrl.u32 v27, $0x6;
	v44 =	vshll.u32 v27, $0x1A;
	v26 =	vxor.u32 v24, v42  }
0x2cf: {  	v25 =	vadd.s32 v25, v27;
	v45 =	vor.u32 v43, v44;
	v26 =	vadd.s32 $0x1BD11BF5, v26  }
0x2d0: {  	v24 =	vadd.s32 v26, v24;
	v46 =	vshrl.u32 v26, $0x13;
	v26 =	vshll.u32 v26, $0xD  }
0x2d1: {  	v27 =	vxor.u32 v25, v45;
	v24 =	vadd.s32 $0x2B, v24;
	v26 =	vor.u32 v46, v26  }
0x2d2: {  	v47 =	vshrl.u32 v27, $0x1A;
	v48 =	vshll.u32 v27, $0x6;
	v26 =	vxor.u32 v24, v26  }
0x2d3: {  	v25 =	vadd.s32 v25, v27;
	v50 =	vshrl.u32 v26, $0x11;
	v51 =	vshll.u32 v26, $0xF  }
0x2d4: {  	v49 =	vld.idx.msk [tilespmem:v19+s4+$0x0], $0xffff;
	v28 =	vor.u32 v47, v48;
	v24 =	vadd.s32 v24, v26;
	v52 =	vor.u32 v50, v51  }
0x2d5: {  	v53 =	vxor.u32 v25, v28;
	v26 =	vxor.u32 v24, v52  }
0x2d6: {  	v25 =	vadd.s32 $0x1BD11BF1, v25;
	v54 =	vshrl.u32 v26, $0x6;
	v55 =	vshll.u32 v26, $0x1A  }
0x2d7: {  	v27 =	vadd.s32 $0x5, v53;
	v24 =	vadd.s32 v24, v26;
	v56 =	vor.u32 v54, v55  }
0x2d8: {  	v25 =	vxor.u32 v25, v27;
	v26 =	vxor.u32 v24, v56  }
0x2d9: {  	v57 =	vld.idx.msk [tilespmem:v20+s4+$0x0], $0xffff;
	vm2 =	veq.s32 v49, v23;
	v58 =	vshrl.u32 v26, $0x1A;
	v59 =	vshll.u32 v26, $0x6  }
0x2da: {  	v25 =	vshrl.u32 v25, $0x9;
	v24 =	vadd.s32 v24, v26;
	v60 =	vor.u32 v58, v59  }
0x2db: {  	vm3 =	vlt.s32 v19, v22;
	v25 =	vsel vm2, $0xFFFFFFFF, v25;
	v26 =	vxor.u32 v24, v60  }
0x2dc: {  	vm2 =	veq.s32 v25, v21;
	v24 =	vadd.s32 $0x1BD11BF1, v24;
	v26 =	vadd.s32 $0x5, v26  }
0x2dd: {  	vm4 =	vgt.s32 v25, v21;
	vm2 =	vmand vm3, vm2;
	v24 =	vxor.u32 v24, v26  }
0x2de: {  	vm3 =	veq.s32 v57, v23;
	vm2 =	vmor vm4, vm2;
	v61 =	vshrl.u32 v24, $0x9  }
0x2df: {  	v62 =	vsel vm2, v25, v21;
	v19 =	vsel vm2, v19, v22;
	v63 =	vsel vm3, $0xFFFFFFFF, v61  }
0x2e0: {  	vm3 =	vlt.s32 v20, v19;
	vm2 =	veq.s32 v63, v62  }
0x2e1: {  	vm15 =	vgt.s32 v63, v62;
	vm2 =	vmand vm3, vm2  }
0x2e2: {  	vm2 =	vmor vm15, vm2  }
0x2e3: {  	v21 =	vsel vm2, v63, v62  }
0x2e4: {  	v22 =	vxor.u32 $0x80000000, v21  }
0x2e5: {  	(xrf0) =	vmax.scan.msk.u32 $0xffff, v22;
	_ =	sdelay $0x5  }
0x2e6: {  	v22, _, _ =	vpop (xrf0)  }
0x2e7: {  	(v2sf) =	vpush v22, $0xF;
	_ =	sdelay $0xe  }
0x2e8: {  	s0 =	spop (v2sf)  }
0x2e9: {  	v19 =	vsel vm2, v20, v19;
	s1 =	sxor.u32 $0x80000000, s0  }
0x2ea: {  	v19 =	vxor.u32 $0x80000000, v19;
	vm2 =	veq.s32 v21, s1  }
0x2eb: {  	v19 =	vnsel vm2, $0x80001000, v19  }
0x2ec: {  	(xrf0) =	vmin.scan.msk.u32 $0xffff, v19;
	_ =	sdelay $0x5  }
0x2ed: {  	v19, _, _ =	vpop (xrf0)  }
0x2ee: {  	(v2sf) =	vpush v19, $0xF;
	_ =	sdelay $0xe  }
0x2ef: {  	s31 =	spop (v2sf)  }
0x2f0: {  	v18 =	vbroadcast v18, $0x0;
	s26 =	sadd.s32 $0x1, s26;
	p0 =	slt.s32 s0, $0x0;
	s1 =	sxor.u32 $0x80000000, s31  }
0x2f1: {  	s1 =	simm.s32 @!p0 $0x40000000;
	p0 =	sne.s32 s26, s24  }
.Ltmp15:
0x2f2: {  	_ = 	snop;
	(pc) =	sbr.rel @p0 .LBB2_18-.Ltmp15, $3  }
0x2f3: {  	_ =	sdelay $0x1  }
0x2f4: {  	v19 =	vmov s1  }
0x2f5: {  	[tilespmem:v18+s18+$0x0] =	vst.idx.msk $0x1, v19  }
.LBB2_21:
0x2f6: {  	v18 =	vld [tilespmem:$0x3800]  }
0x2f7: {  	v19 =	vld [tilespmem:$0x3810]  }
0x2f8: {  	v20 =	vld [tilespmem:$0x3820]  }
0x2f9: {  	v21 =	vld [tilespmem:$0x3830]  }
0x2fa: {  	v22 =	vld [tilespmem:$0x3840]  }
0x2fb: {  	v23 =	vld [tilespmem:$0x3850];
	v18 =	vshrl.u32 v18, $0x2  }
0x2fc: {  	v24 =	vld [tilespmem:$0x3860];
	v19 =	vshrl.u32 v19, $0x2;
	v18 =	vand.u32 $0x3FF, v18  }
0x2fd: {  	[tilespmem:$0xC900] =	vst v18;
	v18 =	vand.u32 $0x3FF, v19;
	v19 =	vshrl.u32 v20, $0x2;
	v20 =	vld [tilespmem:$0x3870]  }
0x2fe: {  	[tilespmem:$0xC910] =	vst v18;
	v18 =	vand.u32 $0x3FF, v19;
	v19 =	vshrl.u32 v21, $0x2  }
0x2ff: {  	[tilespmem:$0xC920] =	vst v18;
	v18 =	vand.u32 $0x3FF, v19;
	v19 =	vshrl.u32 v22, $0x2  }
0x300: {  	[tilespmem:$0xC930] =	vst v18;
	v18 =	vand.u32 $0x3FF, v19;
	v19 =	vshrl.u32 v23, $0x2  }
0x301: {  	[tilespmem:$0xC940] =	vst v18;
	v18 =	vand.u32 $0x3FF, v19;
	v19 =	vshrl.u32 v24, $0x2  }
0x302: {  	[tilespmem:$0xC950] =	vst v18;
	v18 =	vand.u32 $0x3FF, v19;
	v19 =	vshrl.u32 v20, $0x2  }
0x303: {  	s0 =	simm.s32 $0x4900;
	s2 =	rddreg [dreg:$0x0];
	[tilespmem:$0xC960] =	vst v18;
	v18 =	vand.u32 $0x3FF, v19  }
0x304: {  	s3 =	simm.s32 $0x80;
	s7 =	simm.s32 $0xC900;
	s8 =	simm.s32 $0x1;
	[tilespmem:$0xC970] =	vst v18  }
0x305: {  	[tilespmem:s0], [sflag:$0x1] =	stream.indirect.gather [hbm4b:s2+s3], $0x80, s7, s3, $0xb8;
	[tilespmem:$0xCA80] =	vst v63  }
0x306: {  	_ =	swait.ge [sflag:s8], $0x4000  }
0x307: {  	[sflag:s8] =	ssyncset.done $0x0  }
0x308: {  	[sflag:s8] =	ssyncadd.s32 $0xFFFFC000  }
0x309: {  	v18 =	vld [tilespmem:$0x3880]  }
0x30a: {  	v19 =	vld [tilespmem:$0x3890]  }
0x30b: {  	v20 =	vld [tilespmem:$0x38A0]  }
0x30c: {  	v21 =	vld [tilespmem:$0x38B0]  }
0x30d: {  	v22 =	vld [tilespmem:$0x38C0]  }
0x30e: {  	v23 =	vld [tilespmem:$0x38D0];
	v18 =	vshrl.u32 v18, $0x2  }
0x30f: {  	v24 =	vld [tilespmem:$0x38E0];
	v19 =	vshrl.u32 v19, $0x2;
	v18 =	vand.u32 $0x3FF, v18  }
0x310: {  	[tilespmem:$0xC900] =	vst v18;
	v18 =	vand.u32 $0x3FF, v19;
	v19 =	vshrl.u32 v20, $0x2;
	v20 =	vld [tilespmem:$0x38F0]  }
0x311: {  	[tilespmem:$0xC910] =	vst v18;
	v18 =	vand.u32 $0x3FF, v19;
	v19 =	vshrl.u32 v21, $0x2  }
0x312: {  	[tilespmem:$0xC920] =	vst v18;
	v18 =	vand.u32 $0x3FF, v19;
	v19 =	vshrl.u32 v22, $0x2  }
0x313: {  	[tilespmem:$0xC930] =	vst v18;
	v18 =	vand.u32 $0x3FF, v19;
	v19 =	vshrl.u32 v23, $0x2  }
0x314: {  	[tilespmem:$0xC940] =	vst v18;
	v18 =	vand.u32 $0x3FF, v19;
	v19 =	vshrl.u32 v24, $0x2  }
0x315: {  	[tilespmem:$0xC950] =	vst v18;
	v18 =	vand.u32 $0x3FF, v19;
	v19 =	vshrl.u32 v20, $0x2  }
0x316: {  	s22 =	simm.s32 $0x0;
	[tilespmem:$0xC960] =	vst v18;
	v18 =	vand.u32 $0x3FF, v19  }
0x317: {  	s1 =	simm.s32 $0x8900;
	[tilespmem:$0xC970] =	vst v18;
	v18 =	vmov s22  }
0x318: {  	[tilespmem:s1], [sflag:$0x1] =	stream.indirect.gather [hbm4b:s2+s3], $0x80, s7, s3, $0xb8;
	[tilespmem:$0xCA80] =	vst v63  }
0x319: {  	_ =	swait.ge [sflag:s8], $0x4000  }
0x31a: {  	[sflag:s8] =	ssyncset.done $0x0  }
0x31b: {  	[sflag:s8] =	ssyncadd.s32 $0xFFFFC000  }
0x31c: {  	v19 =	vld.idx.msk [tilespmem:v18+s16+$0x0], $0xffff;
	_ =	sdelay $0x1  }
0x31d: {  	v18 =	vld.idx.msk [tilespmem:v18+s18+$0x0], $0xffff;
	_ =	sdelay $0x2  }
0x31e: {  	(v2sf) =	vpush v19, $0x0;
	_ =	sdelay $0x1  }
0x31f: {  	s23 =	simm.s32 $0x1;
	(v2sf) =	vpush v18, $0x0  }
0x320: {  	v19 =	vmov s23;
	_ =	sdelay $0x4  }
0x321: {  	v18 =	vld.idx.msk [tilespmem:v19+s16+$0x0], $0xffff  }
0x322: {  	s24 =	simm.s32 $0x2  }
0x323: {  	v20 =	vmov s24  }
0x324: {  	v19 =	vld.idx.msk [tilespmem:v19+s18+$0x0], $0xffff;
	_ =	sdelay $0x1  }
0x325: {  	(v2sf) =	vpush v18, $0x0;
	_ =	sdelay $0x1  }
0x326: {  	s25 =	sand.u32 $0xFE0, s22;
	v18 =	vld.idx.msk [tilespmem:v20+s16+$0x0], $0xffff;
	s29 =	spop (v2sf)  }
0x327: {  	v21 =	vld [tilespmem:s25+$0x3900];
	(v2sf) =	vpush v19, $0x0;
	s26 =	sand.u32 $0x3, s29  }
0x328: {  	v19 =	vld.idx.msk [tilespmem:v20+s18+$0x0], $0xffff;
	s0 =	spop (v2sf);
	s3 =	sshll.u32 s26, $0x5  }
0x329: {  	v20 =	vld [tilespmem:s25+$0x3910];
	s31 =	sand.u32 $0x3, s0;
	s2 =	sadd.s32 $0x4900, s3  }
0x32a: {  	s7 =	sshll.u32 s31, $0x5;
	v22 =	vld [tilespmem:s2+$0x0]  }
0x32b: {  	(v2sf) =	vpush v18, $0x0;
	s3 =	sadd.s32 $0x8900, s7;
	v18 =	vld [tilespmem:s2+$0x10]  }
0x32c: {  	s8 =	simm.s32 $0x3;
	v24 =	vld [tilespmem:s3+$0x0]  }
0x32d: {  	v23 =	vmov s8;
	(v2sf) =	vpush v19, $0x0;
	v19 =	vld [tilespmem:s3+$0x10];
	_ =	sdelay $0x3  }
0x32e: {  	v22 =	vsub.f32 v21, v22;
	v18 =	vsub.f32 v20, v18  }
0x32f: {  	s14 =	simm.s32 $0x4;
	v25 =	vld.idx.msk [tilespmem:v23+s16+$0x0], $0xffff;
	v21 =	vsub.f32 v21, v24;
	v19 =	vsub.f32 v20, v19  }
0x330: {  	s9 =	simm.s32 $0x20;
	s1 =	spop (v2sf);
	v24 =	vmov s14;
	v22 =	vmul.f32 v22, v22;
	v18 =	vmul.f32 v18, v18  }
0x331: {  	s19 =	sand.u32 $0xFE0, s9;
	v20 =	vld.idx.msk [tilespmem:v23+s18+$0x0], $0xffff;
	s9 =	sand.u32 $0x3, s1;
	v21 =	vmul.f32 v21, v21;
	v19 =	vmul.f32 v19, v19  }
0x332: {  	v26 =	vld [tilespmem:s19+$0x3900];
	s9 =	sshll.u32 s9, $0x5;
	v18 =	vadd.f32 v18, v22  }
0x333: {  	v23 =	vld [tilespmem:s19+$0x3910];
	s3 =	spop (v2sf);
	s21 =	sadd.s32 $0x4980, s9;
	v19 =	vadd.f32 v19, v21  }
0x334: {  	(v2sf) =	vpush v25, $0x0;
	s20 =	sand.u32 $0x3, s3;
	v22 =	vld [tilespmem:s21+$0x0];
	(xrf2) =	vadd.scan.msk.f32 $0xffff, v18  }
0x335: {  	s7 =	sshll.u32 s20, $0x5;
	(xrf2) =	vadd.scan.msk.f32 $0xffff, v19;
	v19 =	vld.idx.msk [tilespmem:v24+s16+$0x0], $0xffff  }
0x336: {  	s7 =	sadd.s32 $0x8980, s7;
	v21 =	vld [tilespmem:s21+$0x10];
	(v2sf) =	vpush v20, $0x0  }
0x337: {  	v18 =	vld [tilespmem:s7+$0x0]  }
0x338: {  	s22 =	simm.s32 $0x40;
	v20 =	vld [tilespmem:s7+$0x10];
	s24 =	spop (v2sf)  }
0x339: {  	s23 =	sand.u32 $0xFE0, s22;
	v24 =	vld.idx.msk [tilespmem:v24+s18+$0x0], $0xffff;
	s25 =	sand.u32 $0x3, s24  }
0x33a: {  	v27 =	vld [tilespmem:s23+$0x3900];
	s26 =	spop (v2sf);
	s9 =	sshll.u32 s25, $0x5;
	(v2sf) =	vpush v19, $0x0  }
0x33b: {  	v25 =	vld [tilespmem:s23+$0x3910];
	s19 =	simm.s32 $0x5;
	s20 =	sand.u32 $0x3, s26;
	s2 =	sadd.s32 $0x4A00, s9  }
0x33c: {  	v28 =	vmov s19;
	s14 =	sshll.u32 s20, $0x5;
	v21 =	vsub.f32 v23, v21;
	v29 =	vld [tilespmem:s2+$0x0];
	v19 =	vsub.f32 v26, v22  }
0x33d: {  	s9 =	sadd.s32 $0x8A00, s14;
	v18 =	vsub.f32 v26, v18;
	v20 =	vsub.f32 v23, v20;
	v22 =	vld [tilespmem:s2+$0x10]  }
0x33e: {  	v26 =	vld [tilespmem:s9+$0x0];
	v21 =	vmul.f32 v21, v21;
	(v2sf) =	vpush v24, $0x0;
	v19 =	vmul.f32 v19, v19  }
0x33f: {  	v24 =	vld [tilespmem:s9+$0x10];
	v18 =	vmul.f32 v18, v18;
	v23, _, _ =	vpop (xrf2)  }
0x340: {  	v20 =	vmul.f32 v20, v20;
	v19 =	vadd.f32 v21, v19;
	(v2sf) =	vpush v23, $0xF;
	v23, _, _ =	vpop (xrf2)  }
0x341: {  	(v2sf) =	vpush v23, $0xF;
	v23 =	vld.idx.msk [tilespmem:v28+s16+$0x0], $0xffff  }
0x342: {  	v18 =	vadd.f32 v20, v18;
	(xrf2) =	vadd.scan.msk.f32 $0xffff, v19  }
0x343: {  	s19 =	simm.s32 $0x60;
	s25 =	spop (v2sf);
	v21 =	vsub.f32 v27, v29;
	v22 =	vsub.f32 v25, v22  }
0x344: {  	s8 =	sand.u32 $0xFE0, s19;
	s20 =	sand.u32 $0x3, s25;
	v20 =	vld.idx.msk [tilespmem:v28+s18+$0x0], $0xffff;
	v26 =	vsub.f32 v27, v26;
	v24 =	vsub.f32 v25, v24  }
0x345: {  	s9 =	sshll.u32 s20, $0x5;
	v21 =	vmul.f32 v21, v21;
	v25 =	vld [tilespmem:s8+$0x3910];
	v19 =	vmul.f32 v22, v22;
	(xrf2) =	vadd.scan.msk.f32 $0xffff, v18;
	s23 =	spop (v2sf)  }
0x346: {  	s31 =	sadd.s32 $0x4A80, s9;
	v22 =	vmul.f32 v26, v26;
	v26 =	vld [tilespmem:s8+$0x3900];
	v24 =	vmul.f32 v24, v24;
	s22 =	sand.u32 $0x3, s23;
	(v2sf) =	vpush v23, $0x0  }
0x347: {  	s21 =	simm.s32 $0x6;
	v19 =	vadd.f32 v19, v21;
	s2 =	sshll.u32 s22, $0x5;
	v23 =	vld [tilespmem:s31+$0x0]  }
0x348: {  	p0 =	slt.s32 s0, $0x40000000;
	v18 =	vmov s21;
	v21 =	vld [tilespmem:s31+$0x10];
	v22 =	vadd.f32 v24, v22;
	s0 =	sadd.s32 $0x8A80, s2  }
0x349: {  	p2 =	slt.s32 s26, $0x40000000;
	(xrf2) =	vadd.scan.msk.f32 $0xffff, v19;
	v24 =	vld [tilespmem:s0+$0x0];
	s26 =	spop (v2sf);
	(v2sf) =	vpush v20, $0x0  }
0x34a: {  	s14 =	simm.s32 $0x80;
	(xrf2) =	vadd.scan.msk.f32 $0xffff, v22;
	v27 =	vld [tilespmem:s0+$0x10]  }
0x34b: {  	s28 =	simm.f32 $0.0e+00;
	p1 =	slt.s32 s3, $0x40000000;
	s3 =	sand.u32 $0xFE0, s14  }
0x34c: {  	s30 =	simm.f32 $0.0e+00;
	p0 =	por p0, p0;
	v19 =	vld [tilespmem:s3+$0x3900];
	s19 =	sand.u32 $0x3, s26;
	v20 =	vsub.f32 v26, v23;
	v23, _, _ =	vpop (xrf2)  }
0x34d: {  	p1 =	por p1, p1;
	v22 =	vld.idx.msk [tilespmem:v18+s16+$0x0], $0xffff;
	s20 =	spop (v2sf);
	s7 =	sshll.u32 s19, $0x5;
	(v2sf) =	vpush v23, $0xF  }
0x34e: {  	p0 =	por p0, p0;
	p3 =	por p1, p1;
	v62 =	vld.idx.msk [tilespmem:v18+s18+$0x0], $0xffff;
	v21 =	vsub.f32 v25, v21;
	s21 =	sadd.s32 $0x4B00, s7  }
0x34f: {  	p4 =	por p0, p0;
	p3 =	por p3, p3;
	v23, _, _ =	vpop (xrf2);
	v24 =	vsub.f32 v26, v24;
	v25 =	vsub.f32 v25, v27;
	v27 =	vld [tilespmem:s21+$0x0];
	s9 =	spop (v2sf)  }
0x350: {  	p3 =	por p3, p3;
	s8 =	simm.s32 $0x7;
	v18 =	vld [tilespmem:s3+$0x3910];
	v21 =	vmul.f32 v21, v21;
	v20 =	vmul.f32 v20, v20;
	s3 =	spop (v2sf);
	(v2sf) =	vpush v23, $0xF  }
0x351: {  	p5 =	por p2, p2;
	p2 =	por p4, p4;
	s22 =	sand.u32 $0x3, s20;
	v26 =	vmov s8;
	v23 =	vmul.f32 v24, v24;
	v24 =	vmul.f32 v25, v25  }
0x352: {  	p4 =	slt.s32 s29, $0x40000000;
	p6 =	slt.s32 s23, $0x40000000;
	s23 =	sshll.u32 s22, $0x5;
	v63 =	vld [tilespmem:s21+$0x10];
	v25 =	vadd.f32 v21, v20;
	(v2sf) =	vpush v22, $0x0  }
0x353: {  	s7 =	sadd.s32 $0x8B00, s23;
	s9 =	simm.s32 @!p4 $0x0;
	s3 =	simm.s32 @!p2 $0x0;
	v22, _, _ =	vpop (xrf2);
	(v2sf) =	vpush v62, $0x0;
	v23 =	vadd.f32 v24, v23  }
0x354: {  	p1 =	por p5, p5;
	p0 =	por p6, p6;
	v20 =	vld [tilespmem:s7+$0x0];
	s31 =	ssub.f32 s9, s3;
	(v2sf) =	vpush v22, $0xF;
	v24 =	vsub.f32 v19, v27;
	v27, _, _ =	vpop (xrf2)  }
0x355: {  	s0 =	simm.s32 $0x8;
	s22 =	simm.s32 $0xA0;
	v21 =	vld [tilespmem:s7+$0x10];
	s29 =	spop (v2sf);
	(v2sf) =	vpush v27, $0xF  }
0x356: {  	p4 =	slt.s32 s1, $0x40000000;
	s7 =	sand.u32 $0xFE0, s22;
	(xrf2) =	vadd.scan.msk.f32 $0xffff, v25;
	v22 =	vld.idx.msk [tilespmem:v26+s16+$0x0], $0xffff;
	s8 =	sadd.f32 $1.000000000e+00, s31  }
0x357: {  	s1 =	simm.s32 $0x8B80;
	p2 =	slt.s32 s20, $0x40000000;
	s3 =	simm.s32 $0x4B80;
	v25 =	vsub.f32 v18, v63;
	(xrf2) =	vadd.scan.msk.f32 $0xffff, v23;
	v23 =	vld.idx.msk [tilespmem:v26+s18+$0x0], $0xffff  }
.LBB2_22:
0x358: {  	s9 =	sand.u32 $0x3, s29;
	s19 =	spop (v2sf);
	s8 =	smax.f32 s8, $0.0e+00  }
0x359: {  	s20 =	smov.u32 s0;
	p5 =	por p1, p1;
	p1 =	por p0, p0  }
0x35a: {  	p0 =	por p2, p2;
	s14 =	sadd.s32 $0x1, s0;
	p6 =	sne.s32 s0, $0x7F  }
0x35b: {  	v24 =	vmul.f32 v24, v24;
	v20 =	vsub.f32 v19, v20;
	s20 =	smov.u32 s26;
	s26 =	smov.u32 s29;
	s9 =	sshll.u32 s9, $0x5  }
0x35c: {  	s29 =	sand.u32 $0x3, s19;
	v25 =	vmul.f32 v25, v25;
	v21 =	vsub.f32 v18, v21;
	p2 =	sgt.f32 s8, $1.000000020e-16;
	v18 =	vld [tilespmem:s7+$0x3910];
	s31 =	spop (v2sf)  }
0x35d: {  	s28 =	sadd.f32 s8, s28;
	v26 =	vmul.f32 v20, v20;
	v19 =	vld [tilespmem:s7+$0x3900];
	s7 =	sadd.s32 s9, s3;
	s9 =	sshll.u32 s29, $0x5  }
0x35e: {  	v27 =	vmov s0;
	s8 =	simm.f32 $1.000000000e+00;
	v24 =	vadd.f32 v25, v24;
	v21 =	vmul.f32 v21, v21;
	s31 =	simm.s32 @!p4 $0x0;
	v28 =	vld [tilespmem:s7+$0x0];
	s9 =	sadd.s32 s9, s1  }
0x35f: {  	s8 =	simm.s32 @!p2 $0x0;
	p2 =	slt.s32 s19, $0x40000000;
	(v2sf) =	vpush v22, $0x0;
	v25 =	vld [tilespmem:s7+$0x10];
	s7 =	spop (v2sf)  }
.Ltmp16:
0x360: {  	s30 =	sadd.f32 s8, s30;
	(v2sf) =	vpush v23, $0x0;
	v20 =	vld [tilespmem:s9+$0x0];
	v23 =	vadd.f32 v21, v26;
	(xrf2) =	vadd.scan.msk.f32 $0xffff, v24;
	v22, _, _ =	vpop (xrf2);
	s7 =	simm.s32 @!p3 $0x0;
	(pc) =	sbr.rel @p6 .LBB2_22-.Ltmp16, $4  }
0x361: {  	s22 =	sadd.s32 $0x20, s22;
	p3 =	por p5, p5;
	v21 =	vld [tilespmem:s9+$0x10];
	(v2sf) =	vpush v22, $0xF;
	s0 =	ssub.f32 s31, s7  }
0x362: {  	p4 =	slt.s32 s24, $0x40000000;
	s24 =	smov.u32 s25;
	s25 =	smov.u32 s20  }
0x363: {  	s3 =	sadd.s32 $0x80, s3;
	s1 =	sadd.s32 $0x80, s1;
	v22 =	vld.idx.msk [tilespmem:v27+s16+$0x0], $0xffff;
	v24 =	vsub.f32 v19, v28;
	(xrf2) =	vadd.scan.msk.f32 $0xffff, v23;
	v26, _, _ =	vpop (xrf2);
	s8 =	sadd.f32 $1.000000000e+00, s0  }
0x364: {  	s7 =	sand.u32 $0xFE0, s22;
	s0 =	smov.u32 s14;
	v23 =	vld.idx.msk [tilespmem:v27+s18+$0x0], $0xffff;
	s29 =	spop (v2sf);
	v25 =	vsub.f32 v18, v25;
	(v2sf) =	vpush v26, $0xF  }
0x365: {  	_ =	sdelay $0x2  }
0x366: {  	(v2sf) =	vpush v22, $0x0;
	_ =	sdelay $0x1  }
0x367: {  	(v2sf) =	vpush v23, $0x0;
	_ =	sdelay $0x1  }
0x368: {  	s9 =	sand.u32 $0x3, s29;
	s0 =	spop (v2sf)  }
0x369: {  	v37 =	vld [tilespmem:s7+$0x3910];
	s9 =	sshll.u32 s9, $0x5;
	s14 =	sand.u32 $0x3, s0  }
0x36a: {  	v38 =	vld [tilespmem:s7+$0x3900];
	s2 =	sadd.s32 s9, s3;
	s19 =	sshll.u32 s14, $0x5  }
0x36b: {  	s20 =	spop (v2sf);
	v26 =	vld [tilespmem:s2+$0x0];
	s9 =	sadd.s32 s19, s1  }
0x36c: {  	v24 =	vmul.f32 v24, v24;
	v39 =	vmul.f32 v25, v25;
	s7 =	spop (v2sf);
	v40 =	vld [tilespmem:s9+$0x0]  }
0x36d: {  	v19 =	vsub.f32 v19, v20;
	v18 =	vsub.f32 v18, v21;
	s14 =	sadd.s32 $0x20, s22;
	v41 =	vld [tilespmem:s9+$0x10];
	s31 =	spop (v2sf)  }
0x36e: {  	v27 =	vld [tilespmem:s2+$0x10];
	s21 =	sand.u32 $0xFE0, s14;
	v20 =	vadd.f32 v39, v24;
	s19 =	sand.u32 $0x3, s31  }
0x36f: {  	v19 =	vmul.f32 v19, v19;
	s22 =	sadd.s32 $0x80, s3;
	v18 =	vmul.f32 v18, v18;
	v42 =	vld [tilespmem:s21+$0x3910];
	s3 =	spop (v2sf);
	s19 =	sshll.u32 s19, $0x5  }
0x370: {  	v28 =	vld [tilespmem:s21+$0x3900];
	(xrf2) =	vadd.scan.msk.f32 $0xffff, v20;
	s2 =	sand.u32 $0x3, s3;
	s23 =	sadd.s32 s19, s22  }
0x371: {  	s21 =	sadd.s32 $0x80, s1;
	v18 =	vadd.f32 v18, v19;
	s19 =	spop (v2sf);
	s2 =	sshll.u32 s2, $0x5;
	v19 =	vld [tilespmem:s23+$0x0]  }
0x372: {  	v21 =	vsub.f32 v38, v40;
	v22 =	vsub.f32 v37, v41;
	s2 =	sadd.s32 s2, s21;
	v45 =	vld [tilespmem:s23+$0x10];
	s9 =	spop (v2sf)  }
0x373: {  	s14 =	sadd.s32 $0x20, s14;
	v43 =	vsub.f32 v38, v26;
	v44 =	vsub.f32 v37, v27;
	v46 =	vld [tilespmem:s2+$0x0];
	s1 =	spop (v2sf)  }
0x374: {  	v29, _, _ =	vpop (xrf2);
	(xrf2) =	vadd.scan.msk.f32 $0xffff, v18;
	v18 =	vmul.f32 v21, v21;
	v49 =	vmul.f32 v22, v22;
	v48 =	vld [tilespmem:s2+$0x10];
	s2 =	sand.u32 $0xFE0, s14;
	s14 =	sand.u32 $0x3, s1  }
0x375: {  	v20 =	vmul.f32 v43, v43;
	v47 =	vmul.f32 v44, v44;
	s23 =	sadd.s32 $0x80, s22;
	v50 =	vld [tilespmem:s2+$0x3910];
	s22 =	spop (v2sf);
	s14 =	sshll.u32 s14, $0x5  }
0x376: {  	v18 =	vadd.f32 v49, v18;
	v30 =	vld [tilespmem:s2+$0x3900];
	s2 =	sadd.s32 s14, s23;
	s23 =	sand.u32 $0x3, s22  }
0x377: {  	(v2sf) =	vpush v29, $0xF;
	v20 =	vadd.f32 v47, v20;
	s21 =	sadd.s32 $0x80, s21;
	s14 =	sshll.u32 s23, $0x5;
	v51 =	vld [tilespmem:s2+$0x0]  }
0x378: {  	v53, _, _ =	vpop (xrf2);
	v19 =	vsub.f32 v28, v19;
	v27 =	vsub.f32 v42, v45;
	v52 =	vld [tilespmem:s2+$0x10];
	s14 =	sadd.s32 s14, s21  }
0x379: {  	(v2sf) =	vpush v53, $0xF;
	(xrf2) =	vadd.scan.msk.f32 $0xffff, v20;
	v23 =	vsub.f32 v28, v46;
	v54 =	vld [tilespmem:s14+$0x0]  }
0x37a: {  	(xrf2) =	vadd.scan.msk.f32 $0xffff, v18;
	v18, _, _ =	vpop (xrf2);
	v24 =	vsub.f32 v42, v48;
	v19 =	vmul.f32 v19, v19;
	v56 =	vmul.f32 v27, v27;
	v55 =	vld [tilespmem:s14+$0x10]  }
0x37b: {  	(v2sf) =	vpush v18, $0xF  }
0x37c: {  	v23 =	vmul.f32 v23, v23;
	v24 =	vmul.f32 v24, v24;
	v18 =	vadd.f32 v56, v19  }
0x37d: {  	v57 =	vsub.f32 v30, v51;
	v58 =	vsub.f32 v50, v52  }
0x37e: {  	s20 =	simm.s32 @!p4 $0x0;
	s7 =	simm.s32 @!p3 $0x0;
	v19 =	vadd.f32 v24, v23;
	v60 =	vsub.f32 v30, v54  }
0x37f: {  	s7 =	ssub.f32 s20, s7;
	v59, _, _ =	vpop (xrf2);
	(xrf2) =	vadd.scan.msk.f32 $0xffff, v18;
	v22 =	vsub.f32 v50, v55;
	v18 =	vmul.f32 v57, v57;
	v61 =	vmul.f32 v58, v58  }
0x380: {  	(v2sf) =	vpush v59, $0xF;
	s23 =	smax.f32 s8, $0.0e+00  }
0x381: {  	p1 =	por p1, p1;
	s7 =	sadd.f32 $1.000000000e+00, s7;
	p3 =	sgt.f32 s23, $1.000000020e-16;
	(xrf2) =	vadd.scan.msk.f32 $0xffff, v19;
	v19 =	vmul.f32 v60, v60;
	v62 =	vmul.f32 v22, v22;
	v18 =	vadd.f32 v61, v18  }
0x382: {  	p1 =	por p1, p1;
	s8 =	simm.f32 $1.000000000e+00;
	s2 =	sadd.f32 s23, s28  }
0x383: {  	s7 =	smax.f32 s7, $0.0e+00;
	s8 =	simm.s32 @!p3 $0x0;
	p3 =	slt.s32 s24, $0x40000000;
	v19 =	vadd.f32 v62, v19  }
0x384: {  	s9 =	simm.s32 @!p1 $0x0;
	v63, _, _ =	vpop (xrf2);
	s2 =	sadd.f32 s7, s2;
	s19 =	simm.s32 @!p3 $0x0;
	(xrf2) =	vadd.scan.msk.f32 $0xffff, v18  }
0x385: {  	p5 =	por p2, p2;
	(v2sf) =	vpush v63, $0xF;
	p3 =	sgt.f32 s7, $1.000000020e-16;
	s9 =	ssub.f32 s19, s9;
	v18, _, _ =	vpop (xrf2);
	(xrf2) =	vadd.scan.msk.f32 $0xffff, v19  }
0x386: {  	p2 =	slt.s32 s25, $0x40000000;
	s8 =	sadd.f32 s8, s30;
	s7 =	simm.f32 $1.000000000e+00;
	(v2sf) =	vpush v18, $0xF  }
0x387: {  	p4 =	por p0, p0;
	s7 =	simm.s32 @!p3 $0x0;
	s9 =	sadd.f32 $1.000000000e+00, s9  }
0x388: {  	p1 =	por p4, p4;
	s7 =	sadd.f32 s7, s8;
	s8 =	spop (v2sf)  }
0x389: {  	p6 =	slt.s32 s0, $0x40000000;
	p1 =	por p1, p1;
	s14 =	spop (v2sf)  }
0x38a: {  	s8 =	simm.s32 @!p2 $0x0;
	s9 =	smax.f32 s9, $0.0e+00;
	s14 =	simm.s32 @!p1 $0x0;
	v18, _, _ =	vpop (xrf2)  }
0x38b: {  	p4 =	por p5, p5;
	p2 =	sgt.f32 s9, $1.000000020e-16;
	s24 =	ssub.f32 s8, s14;
	(v2sf) =	vpush v18, $0xF;
	v18, _, _ =	vpop (xrf2)  }
0x38c: {  	p5 =	por p6, p6;
	s2 =	sadd.f32 s9, s2;
	s8 =	simm.f32 $1.000000000e+00;
	(v2sf) =	vpush v18, $0xF  }
0x38d: {  	p6 =	slt.s32 s3, $0x40000000;
	s8 =	simm.s32 @!p2 $0x0;
	s0 =	sadd.f32 $1.000000000e+00, s24  }
0x38e: {  	p1 =	por p4, p4;
	s7 =	sadd.f32 s8, s7;
	s8 =	spop (v2sf);
	v18, _, _ =	vpop (xrf2)  }
0x38f: {  	p1 =	por p1, p1;
	p2 =	slt.s32 s26, $0x40000000;
	s9 =	spop (v2sf);
	(v2sf) =	vpush v18, $0xF;
	v18, _, _ =	vpop (xrf2)  }
0x390: {  	s0 =	smax.f32 s0, $0.0e+00;
	s8 =	simm.s32 @!p2 $0x0;
	s9 =	simm.s32 @!p1 $0x0;
	(v2sf) =	vpush v18, $0xF  }
0x391: {  	p0 =	por p5, p5;
	p2 =	sgt.f32 s0, $1.000000020e-16;
	s25 =	ssub.f32 s8, s9  }
0x392: {  	p3 =	por p6, p6;
	s0 =	sadd.f32 s0, s2;
	s2 =	simm.f32 $1.000000000e+00  }
0x393: {  	p4 =	slt.s32 s22, $0x40000000;
	s2 =	simm.s32 @!p2 $0x0;
	s3 =	sadd.f32 $1.000000000e+00, s25  }
0x394: {  	p1 =	por p0, p0;
	s2 =	sadd.f32 s2, s7;
	s7 =	spop (v2sf)  }
0x395: {  	p1 =	por p1, p1;
	p2 =	slt.s32 s29, $0x40000000;
	s8 =	spop (v2sf)  }
0x396: {  	s7 =	simm.s32 @!p2 $0x0;
	s3 =	smax.f32 s3, $0.0e+00;
	s8 =	simm.s32 @!p1 $0x0  }
0x397: {  	p5 =	por p4, p4;
	p1 =	sgt.f32 s3, $1.000000020e-16;
	s7 =	ssub.f32 s7, s8  }
0x398: {  	p0 =	por p3, p3;
	s0 =	sadd.f32 s3, s0;
	s3 =	simm.f32 $1.000000000e+00  }
0x399: {  	p0 =	por p0, p0;
	s3 =	simm.s32 @!p1 $0x0;
	s7 =	sadd.f32 $1.000000000e+00, s7  }
0x39a: {  	p0 =	por p0, p0;
	s2 =	sadd.f32 s3, s2;
	s3 =	spop (v2sf)  }
0x39b: {  	p2 =	por p5, p5;
	p1 =	slt.s32 s31, $0x40000000;
	s8 =	spop (v2sf)  }
0x39c: {  	s3 =	simm.s32 @!p1 $0x0;
	s7 =	smax.f32 s7, $0.0e+00;
	s8 =	simm.s32 @!p0 $0x0  }
0x39d: {  	p6 =	por p2, p2;
	p1 =	sgt.f32 s7, $1.000000020e-16;
	s3 =	ssub.f32 s3, s8  }
0x39e: {  	p2 =	slt.s32 s1, $0x40000000;
	s0 =	sadd.f32 s7, s0;
	s7 =	spop (v2sf)  }
0x39f: {  	p0 =	por p6, p6;
	s26 =	sadd.f32 $1.000000000e+00, s3;
	s3 =	spop (v2sf)  }
0x3a0: {  	s8 =	simm.f32 $1.000000000e+00;
	s7 =	simm.s32 @!p2 $0x0;
	s3 =	simm.s32 @!p0 $0x0  }
0x3a1: {  	s8 =	simm.s32 @!p1 $0x0;
	s3 =	ssub.f32 s7, s3  }
0x3a2: {  	s2 =	sadd.f32 s8, s2;
	s1 =	smax.f32 s26, $0.0e+00  }
0x3a3: {  	p0 =	sgt.f32 s1, $1.000000020e-16;
	s3 =	sadd.f32 $1.000000000e+00, s3  }
0x3a4: {  	s0 =	sadd.f32 s1, s0;
	s1 =	simm.f32 $1.000000000e+00  }
0x3a5: {  	s1 =	simm.s32 @!p0 $0x0;
	s3 =	smax.f32 s3, $0.0e+00  }
0x3a6: {  	s1 =	sadd.f32 s1, s2;
	p0 =	sgt.f32 s3, $1.000000020e-16  }
0x3a7: {  	s2 =	simm.f32 $1.000000000e+00;
	s0 =	sadd.f32 s3, s0  }
0x3a8: {  	s2 =	simm.s32 @!p0 $0x0  }
0x3a9: {  	v18 =	vmov s0;
	s1 =	sadd.f32 s2, s1  }
0x3aa: {  	v18 =	vnsel vm0, $0x0, v18  }
0x3ab: {  	v18 =	vsel vm1, s1, v18  }
0x3ac: {  	s28 =	rddreg [dreg:$0x3];
	s29 =	simm.s32 $0xCA00;
	[tilespmem:$0xCA00] =	vst v18  }
0x3ad: {  	[hbm4b:s28+s4] =	stream.linear.scatter [tilespmem:s29], [sflag:$0x2], $0x10, $0x38;
	[tilespmem:$0xCA80] =	vst v63  }
0x3ae: {  	_ =	swait.ge [sflag:s15], $0x10  }
0x3af: {  	s30 =	rddreg [dreg:$0x6]  }
0x3b0: {  	s31 =	rddreg [dreg:$0x5];
	s1 =	sadd.s32 $0x1, s30  }
0x3b1: {  	p0 =	sne.s32 s1, s31  }
.Ltmp17:
0x3b2: {  	_ = 	snop;
	(pc) =	sbr.rel @p0 .LBB2_1-.Ltmp17, $3  }
0x3b3: {  	_ =	sdelay $0x1  }
0x3b4: {  	[sflag:s15] =	ssyncset.done $0x0  }
0x3b5: {  	[sflag:s15] =	ssyncadd.s32 $0xFFFFFFF0  }
0x3b6: {  	_ =	sfence.sel $0x180000  }
0x3b7: {  	[bflag:$0x0] =	sbarrier.arrive $0xFFFF  }
0x3b8: {  	_ =	strace $0x90000047  }
0x3b9: {  	s0 =	stileid.u32;
	[bflag:$0x2] =	sbarrier.arrive $0xFFFF  }
0x3ba: {  	p0 =	sne.s32 s0, $0x0;
	s0 =	rddreg [dreg:$0x2]  }
0x3bb: {  	s0 =	sadd.s32 @!p0 $0x100000, s0  }
0x3bc: {  	[sflag:s0] =	ssyncadd.tile.s32 @!p0 $0x1;
	_ =	shalt  }
.Lfunc_end2:
_tile_overlayer_lowered:
.L_overlay_start_2:
0x3bd: {  	(tag) =	ssettag $0x2  }
0x3be: {  	s0 =	rddreg [dreg:$0x0];
	s2 =	stileid.u32  }
0x3bf: {  	s1 =	rddreg [dreg:$0x1];
	p0 =	sne.s32 s2, $0x0  }
0x3c0: {  	s3 =	rddreg [dreg:$0x2];
	[bflag:$0x3] =	sbarrier.arrive $0xFFFF;
	s2 =	simm.s32 @!p0 $0x1C02  }
0x3c1: {  	[timem:s3], [sflag:s2] =	dma.local @!p0 [hbm:s0], s1  }
0x3c2: {  	s0 =	simm.s32 @!p0 $0x2  }
0x3c3: {  	_ =	swait.ge @!p0 [sflag:s0], s1  }
0x3c4: {  	s1 =	ssub.s32 @!p0 $0x0, s1;
	[sflag:s0] =	ssyncset.done @!p0 $0x0  }
0x3c5: {  	[sflag:s0] =	ssyncadd.s32 @!p0 s1  }
0x3c6: {  	[bflag:$0x3] =	sbarrier.arrive $0xFFFF  }
0x3c7: {  	_ =	shalt  }

</sc_bundles>
